<compile_context>
chip_gen: v7x
topology: tpu7x:2x2x1
jax: 0.10.2.dev20260603
libtpu: 0.0.44.dev20260713+nightly
codegen_flags: <defaults>
</compile_context>

<pallas_src>
import jax
import jax.numpy as jnp
from jax import lax
from jax.experimental import pallas as pl
from jax.experimental.pallas import tpu as pltpu
from jax.experimental.pallas import tpu_sc as plsc

NQ = 23
DIM = 1 << NQ
HALF = DIM // 2
QTR = DIM // 4
NC, NS = 2, 16
NW = NC * NS
BLEND_W = QTR // NW
COPY_W = HALF // NW
CB = 8192
NCHUNK = BLEND_W // CB


def _sc_body(state_hbm, ub_hbm, out_hbm, ubv, a0, a1, o0, o1,
             csem, isem0, isem1, osem0, osem1):
    w = lax.axis_index("s") * NC + lax.axis_index("c")

    @pl.when(w == 0)
    def _start_copy():
        pltpu.async_copy(
            state_hbm.at[pl.ds(0, HALF)], out_hbm.at[pl.ds(0, HALF)], csem)

    pltpu.sync_copy(ub_hbm, ubv)
    u00 = ubv[0, :]
    u01 = ubv[1, :]
    u10 = ubv[2, :]
    u11 = ubv[3, :]
    q2base = HALF + w * BLEND_W
    q3base = HALF + QTR + w * BLEND_W
    isems = (isem0, isem1)
    osems = (osem0, osem1)

    def start_in(c):
        s = c % 2
        h0 = pltpu.async_copy(
            state_hbm.at[pl.ds(q2base + c * CB, CB)], a0.at[s], isems[s])
        h1 = pltpu.async_copy(
            state_hbm.at[pl.ds(q3base + c * CB, CB)], a1.at[s], isems[s])
        return h0, h1

    def start_out(c):
        s = c % 2
        h0 = pltpu.async_copy(
            o0.at[s], out_hbm.at[pl.ds(q2base + c * CB, CB)], osems[s])
        h1 = pltpu.async_copy(
            o1.at[s], out_hbm.at[pl.ds(q3base + c * CB, CB)], osems[s])
        return h0, h1

    in_h = {0: start_in(0)}
    out_h = {}
    for c in range(NCHUNK):
        s = c % 2
        if c + 1 < NCHUNK:
            in_h[c + 1] = start_in(c + 1)
        in_h[c][0].wait()
        in_h[c][1].wait()
        if c - 2 >= 0:
            out_h[c - 2][0].wait()
            out_h[c - 2][1].wait()

        def body(j, carry):
            sl = pl.ds(j * 16, 16)
            x = a0[s, sl]
            y = a1[s, sl]
            o0[s, sl] = u00 * x + u01 * y
            o1[s, sl] = u10 * x + u11 * y
            return carry

        lax.fori_loop(0, CB // 16, body, 0, unroll=8)
        out_h[c] = start_out(c)
    out_h[NCHUNK - 2][0].wait()
    out_h[NCHUNK - 2][1].wait()
    out_h[NCHUNK - 1][0].wait()
    out_h[NCHUNK - 1][1].wait()

    @pl.when(w == 0)
    def _wait_copy():
        pltpu.make_async_copy(
            state_hbm.at[pl.ds(0, HALF)], out_hbm.at[pl.ds(0, HALF)], csem,
        ).wait()


def kernel(state, U):
    ub = jnp.broadcast_to(U.astype(jnp.float32).reshape(4, 1), (4, 16))
    f = pl.kernel(
        _sc_body,
        out_type=jax.ShapeDtypeStruct((DIM,), jnp.float32),
        mesh=plsc.VectorSubcoreMesh(core_axis_name="c", subcore_axis_name="s"),
        scratch_types=[
            pltpu.VMEM((4, 16), jnp.float32),
            pltpu.VMEM((2, CB), jnp.float32),
            pltpu.VMEM((2, CB), jnp.float32),
            pltpu.VMEM((2, CB), jnp.float32),
            pltpu.VMEM((2, CB), jnp.float32),
            pltpu.SemaphoreType.DMA,
            pltpu.SemaphoreType.DMA,
            pltpu.SemaphoreType.DMA,
            pltpu.SemaphoreType.DMA,
            pltpu.SemaphoreType.DMA,
        ],
    )
    return f(state, ub)

# --- scband reference (transcript-rebuilt; emitter-appended) ---
"""Pipeline reference for scband-built-controlled-31662498906409 (READ-ONLY COPY).

The authoritative reference and input builder live on the scoring server;
editing this copy changes nothing except your own understanding.
"""

import jax, jax.numpy as jnp
import numpy as np

NUM_QUBITS = 23
CONTROL = 0
TARGET = 1
DIM = 2 ** NUM_QUBITS


def _insert_zero_bit(x, pos):
    low = x & ((1 << pos) - 1)
    high = (x >> pos) << (pos + 1)
    return high | low


def setup_inputs(seed: int = 0) -> dict:
    key = jax.random.key(seed)
    k1, k2 = jax.random.split(key)
    state = jax.random.normal(k1, (DIM,), dtype=jnp.float32)
    U = jax.random.normal(k2, (2, 2), dtype=jnp.float32)
    return {"state": state, "U": U}


def reference(state, U):
    # Controlled single-qubit gate applied to a 2^n statevector.
    # Bit convention from the torch module: qubit q maps to bit (n - q - 1).
    n = NUM_QUBITS
    cbit = n - CONTROL - 1
    tbit = n - TARGET - 1
    base = jnp.arange(DIM // 4, dtype=jnp.int32)
    # insert zero bits at the target and control positions (tbit < cbit)
    idx = _insert_zero_bit(_insert_zero_bit(base, tbit), cbit)
    idx0 = idx | (1 << cbit)          # control bit = 1, target bit = 0
    idx1 = idx0 | (1 << tbit)         # control bit = 1, target bit = 1
    a0 = jnp.take(state, idx0)
    a1 = jnp.take(state, idx1)
    new0 = U[0, 0] * a0 + U[0, 1] * a1
    new1 = U[1, 0] * a0 + U[1, 1] * a1
    out = state.at[idx0].set(new0).at[idx1].set(new1)
    return out

if __name__ == "__main__":
    import jax
    _d = setup_inputs()
    print(jax.jit(kernel)(*tuple(_d.values())))

</pallas_src>

<mosaic_0001>
#map = affine_map<(d0, d1) -> (0)>
#map1 = affine_map<(d0, d1) -> (0, 0)>
module attributes {stable_mosaic.version = 14 : i64} {
  func.func @_sc_body(%arg0: i32, %arg1: i32, %arg2: memref<8388608xf32, #tpu.memory_space<hbm>>, %arg3: memref<4x16xf32, #tpu.memory_space<hbm>>, %arg4: memref<8388608xf32, #tpu.memory_space<hbm>>, %arg5: memref<4x16xf32, #tpu.memory_space<vmem>>, %arg6: memref<2x8192xf32, #tpu.memory_space<vmem>>, %arg7: memref<2x8192xf32, #tpu.memory_space<vmem>>, %arg8: memref<2x8192xf32, #tpu.memory_space<vmem>>, %arg9: memref<2x8192xf32, #tpu.memory_space<vmem>>, %arg10: memref<!tpu.dma_semaphore, #tpu.memory_space<semaphore_mem>>, %arg11: memref<!tpu.dma_semaphore, #tpu.memory_space<semaphore_mem>>, %arg12: memref<!tpu.dma_semaphore, #tpu.memory_space<semaphore_mem>>, %arg13: memref<!tpu.dma_semaphore, #tpu.memory_space<semaphore_mem>>, %arg14: memref<!tpu.dma_semaphore, #tpu.memory_space<semaphore_mem>>) attributes {dimension_semantics = [#tpu.dimension_semantics<core_parallel>, #tpu.dimension_semantics<subcore_parallel>], iteration_bounds = array<i64: 2, 16>, scalar_prefetch = 0 : i64, scratch_operands = 10 : i64, tpu.core_type = #tpu.core_type<sc_vector_subcore>, window_params = [{transform_indices = #map}, {transform_indices = #map1}, {transform_indices = #map}]} {
    %mul3A = arith.constant 2 : i32
    %mul3A_0 = arith.muli %arg1, %mul3A : i32
    %add3A = arith.addi %mul3A_0, %arg0 : i32
    %eq3A = arith.constant 0 : i32
    %eq3A_1 = arith.cmpi eq, %add3A, %eq3A : i32
    %convert_element_type3A = arith.extui %eq3A_1 : i1 to i32
    %cond3A = arith.constant 0 : i32
    %cond3A_2 = arith.cmpi ne, %convert_element_type3A, %cond3A : i32
    scf.if %cond3A_2 {
      %dma_start3A_720 = arith.constant 0 : i32
      %dma_start3A_721 = tpu.memref_slice %arg4[%dma_start3A_720] : memref<8388608xf32, #tpu.memory_space<hbm>> -> memref<4194304xf32, #tpu.memory_space<hbm>>
      %dma_start3A_722 = arith.constant 0 : i32
      %dma_start3A_723 = tpu.memref_slice %arg2[%dma_start3A_722] : memref<8388608xf32, #tpu.memory_space<hbm>> -> memref<4194304xf32, #tpu.memory_space<hbm>>
      tpu.enqueue_dma source(%dma_start3A_723 : memref<4194304xf32, #tpu.memory_space<hbm>>) target(%dma_start3A_721 : memref<4194304xf32, #tpu.memory_space<hbm>>) target_semaphore(%arg10 : memref<!tpu.dma_semaphore, #tpu.memory_space<semaphore_mem>>)
    } else {
    }
    "tpu.region"() ({
      %run_scoped3A = tpu.sem_alloc : memref<!tpu.dma_semaphore, #tpu.memory_space<semaphore_mem>>
      tpu.enqueue_dma source(%arg3 : memref<4x16xf32, #tpu.memory_space<hbm>>) target(%arg5 : memref<4x16xf32, #tpu.memory_space<vmem>>) target_semaphore(%run_scoped3A : memref<!tpu.dma_semaphore, #tpu.memory_space<semaphore_mem>>)
      tpu.wait_dma2 semaphore(%run_scoped3A : memref<!tpu.dma_semaphore, #tpu.memory_space<semaphore_mem>>) src(%arg3 : memref<4x16xf32, #tpu.memory_space<hbm>>) dst(%arg5 : memref<4x16xf32, #tpu.memory_space<vmem>>)
      tpu.yield
    }) : () -> ()
    %get3A = arith.constant 0 : i32
    %get3A_3 = arith.index_cast %get3A : i32 to index
    %get3A_4 = arith.constant 0 : index
    %get3A_5 = tpu.vector_load %arg5[%get3A_3, %get3A_4] {strides = array<i32>} : memref<4x16xf32, #tpu.memory_space<vmem>>, vector<1x16xf32>,
    %get3A_6 = vector.shape_cast %get3A_5 : vector<1x16xf32> to vector<16xf32>
    %get3A_7 = arith.constant 1 : i32
    %get3A_8 = arith.index_cast %get3A_7 : i32 to index
    %get3A_9 = arith.constant 0 : index
    %get3A_10 = tpu.vector_load %arg5[%get3A_8, %get3A_9] {strides = array<i32>} : memref<4x16xf32, #tpu.memory_space<vmem>>, vector<1x16xf32>,
    %get3A_11 = vector.shape_cast %get3A_10 : vector<1x16xf32> to vector<16xf32>
    %get3A_12 = arith.constant 2 : i32
    %get3A_13 = arith.index_cast %get3A_12 : i32 to index
    %get3A_14 = arith.constant 0 : index
    %get3A_15 = tpu.vector_load %arg5[%get3A_13, %get3A_14] {strides = array<i32>} : memref<4x16xf32, #tpu.memory_space<vmem>>, vector<1x16xf32>,
    %get3A_16 = vector.shape_cast %get3A_15 : vector<1x16xf32> to vector<16xf32>
    %get3A_17 = arith.constant 3 : i32
    %get3A_18 = arith.index_cast %get3A_17 : i32 to index
    %get3A_19 = arith.constant 0 : index
    %get3A_20 = tpu.vector_load %arg5[%get3A_18, %get3A_19] {strides = array<i32>} : memref<4x16xf32, #tpu.memory_space<vmem>>, vector<1x16xf32>,
    %get3A_21 = vector.shape_cast %get3A_20 : vector<1x16xf32> to vector<16xf32>
    %mul3A_22 = arith.constant 65536 : i32
    %mul3A_23 = arith.muli %add3A, %mul3A_22 : i32
    %add3A_24 = arith.constant 4194304 : i32
    %add3A_25 = arith.addi %add3A_24, %mul3A_23 : i32
    %mul3A_26 = arith.constant 65536 : i32
    %mul3A_27 = arith.muli %add3A, %mul3A_26 : i32
    %add3A_28 = arith.constant 6291456 : i32
    %add3A_29 = arith.addi %add3A_28, %mul3A_27 : i32
    %add3A_30 = arith.constant 0 : i32
    %add3A_31 = arith.addi %add3A_25, %add3A_30 : i32
    %dma_start3A = arith.constant 0 : i32
    %dma_start3A_32 = arith.constant 0 : i32
    %dma_start3A_33 = tpu.memref_slice %arg6[%dma_start3A, %dma_start3A_32] : memref<2x8192xf32, #tpu.memory_space<vmem>> -> memref<1x8192xf32, #tpu.memory_space<vmem>>
    %dma_start3A_34 = tpu.memref_squeeze %dma_start3A_33 : memref<1x8192xf32, #tpu.memory_space<vmem>> -> memref<8192xf32, #tpu.memory_space<vmem>>
    %dma_start3A_35 = tpu.memref_slice %arg2[%add3A_31] : memref<8388608xf32, #tpu.memory_space<hbm>> -> memref<8192xf32, #tpu.memory_space<hbm>>
    %dma_start3A_36 = arith.constant 0 : i32
    %dma_start3A_37 = tpu.memref_slice %arg6[%dma_start3A, %dma_start3A_36] : memref<2x8192xf32, #tpu.memory_space<vmem>> -> memref<1x8192xf32, #tpu.memory_space<vmem>>
    %dma_start3A_38 = tpu.memref_squeeze %dma_start3A_37 : memref<1x8192xf32, #tpu.memory_space<vmem>> -> memref<8192xf32, #tpu.memory_space<vmem>>
    %dma_start3A_39 = tpu.memref_slice %arg2[%add3A_31] : memref<8388608xf32, #tpu.memory_space<hbm>> -> memref<8192xf32, #tpu.memory_space<hbm>>
    tpu.enqueue_dma source(%dma_start3A_39 : memref<8192xf32, #tpu.memory_space<hbm>>) target(%dma_start3A_38 : memref<8192xf32, #tpu.memory_space<vmem>>) target_semaphore(%arg11 : memref<!tpu.dma_semaphore, #tpu.memory_space<semaphore_mem>>)
    %add3A_40 = arith.constant 0 : i32
    %add3A_41 = arith.addi %add3A_29, %add3A_40 : i32
    %dma_start3A_42 = arith.constant 0 : i32
    %dma_start3A_43 = arith.constant 0 : i32
    %dma_start3A_44 = tpu.memref_slice %arg7[%dma_start3A_42, %dma_start3A_43] : memref<2x8192xf32, #tpu.memory_space<vmem>> -> memref<1x8192xf32, #tpu.memory_space<vmem>>
    %dma_start3A_45 = tpu.memref_squeeze %dma_start3A_44 : memref<1x8192xf32, #tpu.memory_space<vmem>> -> memref<8192xf32, #tpu.memory_space<vmem>>
    %dma_start3A_46 = tpu.memref_slice %arg2[%add3A_41] : memref<8388608xf32, #tpu.memory_space<hbm>> -> memref<8192xf32, #tpu.memory_space<hbm>>
    %dma_start3A_47 = arith.constant 0 : i32
    %dma_start3A_48 = tpu.memref_slice %arg7[%dma_start3A_42, %dma_start3A_47] : memref<2x8192xf32, #tpu.memory_space<vmem>> -> memref<1x8192xf32, #tpu.memory_space<vmem>>
    %dma_start3A_49 = tpu.memref_squeeze %dma_start3A_48 : memref<1x8192xf32, #tpu.memory_space<vmem>> -> memref<8192xf32, #tpu.memory_space<vmem>>
    %dma_start3A_50 = tpu.memref_slice %arg2[%add3A_41] : memref<8388608xf32, #tpu.memory_space<hbm>> -> memref<8192xf32, #tpu.memory_space<hbm>>
    tpu.enqueue_dma source(%dma_start3A_50 : memref<8192xf32, #tpu.memory_space<hbm>>) target(%dma_start3A_49 : memref<8192xf32, #tpu.memory_space<vmem>>) target_semaphore(%arg11 : memref<!tpu.dma_semaphore, #tpu.memory_space<semaphore_mem>>)
    %add3A_51 = arith.constant 8192 : i32
    %add3A_52 = arith.addi %add3A_25, %add3A_51 : i32
    %dma_start3A_53 = arith.constant 1 : i32
    %dma_start3A_54 = arith.constant 0 : i32
    %dma_start3A_55 = tpu.memref_slice %arg6[%dma_start3A_53, %dma_start3A_54] : memref<2x8192xf32, #tpu.memory_space<vmem>> -> memref<1x8192xf32, #tpu.memory_space<vmem>>
    %dma_start3A_56 = tpu.memref_squeeze %dma_start3A_55 : memref<1x8192xf32, #tpu.memory_space<vmem>> -> memref<8192xf32, #tpu.memory_space<vmem>>
    %dma_start3A_57 = tpu.memref_slice %arg2[%add3A_52] : memref<8388608xf32, #tpu.memory_space<hbm>> -> memref<8192xf32, #tpu.memory_space<hbm>>
    %dma_start3A_58 = arith.constant 0 : i32
    %dma_start3A_59 = tpu.memref_slice %arg6[%dma_start3A_53, %dma_start3A_58] : memref<2x8192xf32, #tpu.memory_space<vmem>> -> memref<1x8192xf32, #tpu.memory_space<vmem>>
    %dma_start3A_60 = tpu.memref_squeeze %dma_start3A_59 : memref<1x8192xf32, #tpu.memory_space<vmem>> -> memref<8192xf32, #tpu.memory_space<vmem>>
    %dma_start3A_61 = tpu.memref_slice %arg2[%add3A_52] : memref<8388608xf32, #tpu.memory_space<hbm>> -> memref<8192xf32, #tpu.memory_space<hbm>>
    tpu.enqueue_dma source(%dma_start3A_61 : memref<8192xf32, #tpu.memory_space<hbm>>) target(%dma_start3A_60 : memref<8192xf32, #tpu.memory_space<vmem>>) target_semaphore(%arg12 : memref<!tpu.dma_semaphore, #tpu.memory_space<semaphore_mem>>)
    %add3A_62 = arith.constant 8192 : i32
    %add3A_63 = arith.addi %add3A_29, %add3A_62 : i32
    %dma_start3A_64 = arith.constant 1 : i32
    %dma_start3A_65 = arith.constant 0 : i32
    %dma_start3A_66 = tpu.memref_slice %arg7[%dma_start3A_64, %dma_start3A_65] : memref<2x8192xf32, #tpu.memory_space<vmem>> -> memref<1x8192xf32, #tpu.memory_space<vmem>>
    %dma_start3A_67 = tpu.memref_squeeze %dma_start3A_66 : memref<1x8192xf32, #tpu.memory_space<vmem>> -> memref<8192xf32, #tpu.memory_space<vmem>>
    %dma_start3A_68 = tpu.memref_slice %arg2[%add3A_63] : memref<8388608xf32, #tpu.memory_space<hbm>> -> memref<8192xf32, #tpu.memory_space<hbm>>
    %dma_start3A_69 = arith.constant 0 : i32
    %dma_start3A_70 = tpu.memref_slice %arg7[%dma_start3A_64, %dma_start3A_69] : memref<2x8192xf32, #tpu.memory_space<vmem>> -> memref<1x8192xf32, #tpu.memory_space<vmem>>
    %dma_start3A_71 = tpu.memref_squeeze %dma_start3A_70 : memref<1x8192xf32, #tpu.memory_space<vmem>> -> memref<8192xf32, #tpu.memory_space<vmem>>
    %dma_start3A_72 = tpu.memref_slice %arg2[%add3A_63] : memref<8388608xf32, #tpu.memory_space<hbm>> -> memref<8192xf32, #tpu.memory_space<hbm>>
    tpu.enqueue_dma source(%dma_start3A_72 : memref<8192xf32, #tpu.memory_space<hbm>>) target(%dma_start3A_71 : memref<8192xf32, #tpu.memory_space<vmem>>) target_semaphore(%arg12 : memref<!tpu.dma_semaphore, #tpu.memory_space<semaphore_mem>>)
    %dma_wait3A = arith.constant 0 : i32
    %dma_wait3A_73 = arith.constant 0 : i32
    %dma_wait3A_74 = tpu.memref_slice %arg6[%dma_wait3A, %dma_wait3A_73] : memref<2x8192xf32, #tpu.memory_space<vmem>> -> memref<1x8192xf32, #tpu.memory_space<vmem>>
    %dma_wait3A_75 = tpu.memref_squeeze %dma_wait3A_74 : memref<1x8192xf32, #tpu.memory_space<vmem>> -> memref<8192xf32, #tpu.memory_space<vmem>>
    %dma_wait3A_76 = tpu.memref_slice %arg2[%add3A_31] : memref<8388608xf32, #tpu.memory_space<hbm>> -> memref<8192xf32, #tpu.memory_space<hbm>>
    %dma_wait3A_77 = arith.constant 0 : i32
    %dma_wait3A_78 = tpu.memref_slice %arg6[%dma_wait3A, %dma_wait3A_77] : memref<2x8192xf32, #tpu.memory_space<vmem>> -> memref<1x8192xf32, #tpu.memory_space<vmem>>
    %dma_wait3A_79 = tpu.memref_squeeze %dma_wait3A_78 : memref<1x8192xf32, #tpu.memory_space<vmem>> -> memref<8192xf32, #tpu.memory_space<vmem>>
    %dma_wait3A_80 = tpu.memref_slice %arg2[%add3A_31] : memref<8388608xf32, #tpu.memory_space<hbm>> -> memref<8192xf32, #tpu.memory_space<hbm>>
    tpu.wait_dma2 semaphore(%arg11 : memref<!tpu.dma_semaphore, #tpu.memory_space<semaphore_mem>>) src(%dma_wait3A_80 : memref<8192xf32, #tpu.memory_space<hbm>>) dst(%dma_wait3A_79 : memref<8192xf32, #tpu.memory_space<vmem>>)
    %dma_wait3A_81 = arith.constant 0 : i32
    %dma_wait3A_82 = arith.constant 0 : i32
    %dma_wait3A_83 = tpu.memref_slice %arg7[%dma_wait3A_81, %dma_wait3A_82] : memref<2x8192xf32, #tpu.memory_space<vmem>> -> memref<1x8192xf32, #tpu.memory_space<vmem>>
    %dma_wait3A_84 = tpu.memref_squeeze %dma_wait3A_83 : memref<1x8192xf32, #tpu.memory_space<vmem>> -> memref<8192xf32, #tpu.memory_space<vmem>>
    %dma_wait3A_85 = tpu.memref_slice %arg2[%add3A_41] : memref<8388608xf32, #tpu.memory_space<hbm>> -> memref<8192xf32, #tpu.memory_space<hbm>>
    %dma_wait3A_86 = arith.constant 0 : i32
    %dma_wait3A_87 = tpu.memref_slice %arg7[%dma_wait3A_81, %dma_wait3A_86] : memref<2x8192xf32, #tpu.memory_space<vmem>> -> memref<1x8192xf32, #tpu.memory_space<vmem>>
    %dma_wait3A_88 = tpu.memref_squeeze %dma_wait3A_87 : memref<1x8192xf32, #tpu.memory_space<vmem>> -> memref<8192xf32, #tpu.memory_space<vmem>>
    %dma_wait3A_89 = tpu.memref_slice %arg2[%add3A_41] : memref<8388608xf32, #tpu.memory_space<hbm>> -> memref<8192xf32, #tpu.memory_space<hbm>>
    tpu.wait_dma2 semaphore(%arg11 : memref<!tpu.dma_semaphore, #tpu.memory_space<semaphore_mem>>) src(%dma_wait3A_89 : memref<8192xf32, #tpu.memory_space<hbm>>) dst(%dma_wait3A_88 : memref<8192xf32, #tpu.memory_space<vmem>>)
    %scan3A = arith.constant 0 : i32
    %scan3A_90 = arith.constant 0 : i32
    %scan3A_91 = arith.constant 512 : i32
    %scan3A_92 = arith.addi %scan3A_90, %scan3A_91 : i32
    %scan3A_93 = arith.constant 8 : i32
    scf.for %scan3A_720 = %scan3A_90 to %scan3A_92 step %scan3A_93  : i32 {
      %mul3A_721 = arith.constant 16 : i32
      %mul3A_722 = arith.muli %scan3A_720, %mul3A_721 : i32
      %get3A_723 = arith.constant 0 : i32
      %get3A_724 = arith.index_cast %get3A_723 : i32 to index
      %get3A_725 = arith.index_cast %mul3A_722 : i32 to index
      %get3A_726 = tpu.vector_load %arg6[%get3A_724, %get3A_725] {strides = array<i32>} : memref<2x8192xf32, #tpu.memory_space<vmem>>, vector<1x16xf32>,
      %get3A_727 = vector.shape_cast %get3A_726 : vector<1x16xf32> to vector<16xf32>
      %get3A_728 = arith.constant 0 : i32
      %get3A_729 = arith.index_cast %get3A_728 : i32 to index
      %get3A_730 = arith.index_cast %mul3A_722 : i32 to index
      %get3A_731 = tpu.vector_load %arg7[%get3A_729, %get3A_730] {strides = array<i32>} : memref<2x8192xf32, #tpu.memory_space<vmem>>, vector<1x16xf32>,
      %get3A_732 = vector.shape_cast %get3A_731 : vector<1x16xf32> to vector<16xf32>
      %mul3A_733 = arith.mulf %get3A_6, %get3A_727 : vector<16xf32>
      %mul3A_734 = arith.mulf %get3A_11, %get3A_732 : vector<16xf32>
      %add3A_735 = arith.addf %mul3A_733, %mul3A_734 : vector<16xf32>
      %swap3A = arith.constant 0 : i32
      %swap3A_736 = arith.index_cast %swap3A : i32 to index
      %swap3A_737 = arith.index_cast %mul3A_722 : i32 to index
      %swap3A_738 = tpu.vector_load %arg8[%swap3A_736, %swap3A_737] {strides = array<i32>} : memref<2x8192xf32, #tpu.memory_space<vmem>>, vector<1x16xf32>,
      %swap3A_739 = vector.shape_cast %swap3A_738 : vector<1x16xf32> to vector<16xf32>
      %swap3A_740 = vector.shape_cast %add3A_735 : vector<16xf32> to vector<1x16xf32>
      tpu.vector_store %arg8[%swap3A_736, %swap3A_737], %swap3A_740 {strides = array<i32>} : memref<2x8192xf32, #tpu.memory_space<vmem>>, vector<1x16xf32>,
      %mul3A_741 = arith.mulf %get3A_16, %get3A_727 : vector<16xf32>
      %mul3A_742 = arith.mulf %get3A_21, %get3A_732 : vector<16xf32>
      %add3A_743 = arith.addf %mul3A_741, %mul3A_742 : vector<16xf32>
      %swap3A_744 = arith.constant 0 : i32
      %swap3A_745 = arith.index_cast %swap3A_744 : i32 to index
      %swap3A_746 = arith.index_cast %mul3A_722 : i32 to index
      %swap3A_747 = tpu.vector_load %arg9[%swap3A_745, %swap3A_746] {strides = array<i32>} : memref<2x8192xf32, #tpu.memory_space<vmem>>, vector<1x16xf32>,
      %swap3A_748 = vector.shape_cast %swap3A_747 : vector<1x16xf32> to vector<16xf32>
      %swap3A_749 = vector.shape_cast %add3A_743 : vector<16xf32> to vector<1x16xf32>
      tpu.vector_store %arg9[%swap3A_745, %swap3A_746], %swap3A_749 {strides = array<i32>} : memref<2x8192xf32, #tpu.memory_space<vmem>>, vector<1x16xf32>,
      %scan3A_750 = arith.constant 1 : i32
      %scan3A_751 = arith.addi %scan3A_720, %scan3A_750 : i32
      %mul3A_752 = arith.constant 16 : i32
      %mul3A_753 = arith.muli %scan3A_751, %mul3A_752 : i32
      %get3A_754 = arith.constant 0 : i32
      %get3A_755 = arith.index_cast %get3A_754 : i32 to index
      %get3A_756 = arith.index_cast %mul3A_753 : i32 to index
      %get3A_757 = tpu.vector_load %arg6[%get3A_755, %get3A_756] {strides = array<i32>} : memref<2x8192xf32, #tpu.memory_space<vmem>>, vector<1x16xf32>,
      %get3A_758 = vector.shape_cast %get3A_757 : vector<1x16xf32> to vector<16xf32>
      %get3A_759 = arith.constant 0 : i32
      %get3A_760 = arith.index_cast %get3A_759 : i32 to index
      %get3A_761 = arith.index_cast %mul3A_753 : i32 to index
      %get3A_762 = tpu.vector_load %arg7[%get3A_760, %get3A_761] {strides = array<i32>} : memref<2x8192xf32, #tpu.memory_space<vmem>>, vector<1x16xf32>,
      %get3A_763 = vector.shape_cast %get3A_762 : vector<1x16xf32> to vector<16xf32>
      %mul3A_764 = arith.mulf %get3A_6, %get3A_758 : vector<16xf32>
      %mul3A_765 = arith.mulf %get3A_11, %get3A_763 : vector<16xf32>
      %add3A_766 = arith.addf %mul3A_764, %mul3A_765 : vector<16xf32>
      %swap3A_767 = arith.constant 0 : i32
      %swap3A_768 = arith.index_cast %swap3A_767 : i32 to index
      %swap3A_769 = arith.index_cast %mul3A_753 : i32 to index
      %swap3A_770 = tpu.vector_load %arg8[%swap3A_768, %swap3A_769] {strides = array<i32>} : memref<2x8192xf32, #tpu.memory_space<vmem>>, vector<1x16xf32>,
      %swap3A_771 = vector.shape_cast %swap3A_770 : vector<1x16xf32> to vector<16xf32>
      %swap3A_772 = vector.shape_cast %add3A_766 : vector<16xf32> to vector<1x16xf32>
      tpu.vector_store %arg8[%swap3A_768, %swap3A_769], %swap3A_772 {strides = array<i32>} : memref<2x8192xf32, #tpu.memory_space<vmem>>, vector<1x16xf32>,
      %mul3A_773 = arith.mulf %get3A_16, %get3A_758 : vector<16xf32>
      %mul3A_774 = arith.mulf %get3A_21, %get3A_763 : vector<16xf32>
      %add3A_775 = arith.addf %mul3A_773, %mul3A_774 : vector<16xf32>
      %swap3A_776 = arith.constant 0 : i32
      %swap3A_777 = arith.index_cast %swap3A_776 : i32 to index
      %swap3A_778 = arith.index_cast %mul3A_753 : i32 to index
      %swap3A_779 = tpu.vector_load %arg9[%swap3A_777, %swap3A_778] {strides = array<i32>} : memref<2x8192xf32, #tpu.memory_space<vmem>>, vector<1x16xf32>,
      %swap3A_780 = vector.shape_cast %swap3A_779 : vector<1x16xf32> to vector<16xf32>
      %swap3A_781 = vector.shape_cast %add3A_775 : vector<16xf32> to vector<1x16xf32>
      tpu.vector_store %arg9[%swap3A_777, %swap3A_778], %swap3A_781 {strides = array<i32>} : memref<2x8192xf32, #tpu.memory_space<vmem>>, vector<1x16xf32>,
      %scan3A_782 = arith.constant 2 : i32
      %scan3A_783 = arith.addi %scan3A_720, %scan3A_782 : i32
      %mul3A_784 = arith.constant 16 : i32
      %mul3A_785 = arith.muli %scan3A_783, %mul3A_784 : i32
      %get3A_786 = arith.constant 0 : i32
      %get3A_787 = arith.index_cast %get3A_786 : i32 to index
      %get3A_788 = arith.index_cast %mul3A_785 : i32 to index
      %get3A_789 = tpu.vector_load %arg6[%get3A_787, %get3A_788] {strides = array<i32>} : memref<2x8192xf32, #tpu.memory_space<vmem>>, vector<1x16xf32>,
      %get3A_790 = vector.shape_cast %get3A_789 : vector<1x16xf32> to vector<16xf32>
      %get3A_791 = arith.constant 0 : i32
      %get3A_792 = arith.index_cast %get3A_791 : i32 to index
      %get3A_793 = arith.index_cast %mul3A_785 : i32 to index
      %get3A_794 = tpu.vector_load %arg7[%get3A_792, %get3A_793] {strides = array<i32>} : memref<2x8192xf32, #tpu.memory_space<vmem>>, vector<1x16xf32>,
      %get3A_795 = vector.shape_cast %get3A_794 : vector<1x16xf32> to vector<16xf32>
      %mul3A_796 = arith.mulf %get3A_6, %get3A_790 : vector<16xf32>
      %mul3A_797 = arith.mulf %get3A_11, %get3A_795 : vector<16xf32>
      %add3A_798 = arith.addf %mul3A_796, %mul3A_797 : vector<16xf32>
      %swap3A_799 = arith.constant 0 : i32
      %swap3A_800 = arith.index_cast %swap3A_799 : i32 to index
      %swap3A_801 = arith.index_cast %mul3A_785 : i32 to index
      %swap3A_802 = tpu.vector_load %arg8[%swap3A_800, %swap3A_801] {strides = array<i32>} : memref<2x8192xf32, #tpu.memory_space<vmem>>, vector<1x16xf32>,
      %swap3A_803 = vector.shape_cast %swap3A_802 : vector<1x16xf32> to vector<16xf32>
      %swap3A_804 = vector.shape_cast %add3A_798 : vector<16xf32> to vector<1x16xf32>
      tpu.vector_store %arg8[%swap3A_800, %swap3A_801], %swap3A_804 {strides = array<i32>} : memref<2x8192xf32, #tpu.memory_space<vmem>>, vector<1x16xf32>,
      %mul3A_805 = arith.mulf %get3A_16, %get3A_790 : vector<16xf32>
      %mul3A_806 = arith.mulf %get3A_21, %get3A_795 : vector<16xf32>
      %add3A_807 = arith.addf %mul3A_805, %mul3A_806 : vector<16xf32>
      %swap3A_808 = arith.constant 0 : i32
      %swap3A_809 = arith.index_cast %swap3A_808 : i32 to index
      %swap3A_810 = arith.index_cast %mul3A_785 : i32 to index
      %swap3A_811 = tpu.vector_load %arg9[%swap3A_809, %swap3A_810] {strides = array<i32>} : memref<2x8192xf32, #tpu.memory_space<vmem>>, vector<1x16xf32>,
      %swap3A_812 = vector.shape_cast %swap3A_811 : vector<1x16xf32> to vector<16xf32>
      %swap3A_813 = vector.shape_cast %add3A_807 : vector<16xf32> to vector<1x16xf32>
      tpu.vector_store %arg9[%swap3A_809, %swap3A_810], %swap3A_813 {strides = array<i32>} : memref<2x8192xf32, #tpu.memory_space<vmem>>, vector<1x16xf32>,
      %scan3A_814 = arith.constant 3 : i32
      %scan3A_815 = arith.addi %scan3A_720, %scan3A_814 : i32
      %mul3A_816 = arith.constant 16 : i32
      %mul3A_817 = arith.muli %scan3A_815, %mul3A_816 : i32
      %get3A_818 = arith.constant 0 : i32
      %get3A_819 = arith.index_cast %get3A_818 : i32 to index
      %get3A_820 = arith.index_cast %mul3A_817 : i32 to index
      %get3A_821 = tpu.vector_load %arg6[%get3A_819, %get3A_820] {strides = array<i32>} : memref<2x8192xf32, #tpu.memory_space<vmem>>, vector<1x16xf32>,
      %get3A_822 = vector.shape_cast %get3A_821 : vector<1x16xf32> to vector<16xf32>
      %get3A_823 = arith.constant 0 : i32
      %get3A_824 = arith.index_cast %get3A_823 : i32 to index
      %get3A_825 = arith.index_cast %mul3A_817 : i32 to index
      %get3A_826 = tpu.vector_load %arg7[%get3A_824, %get3A_825] {strides = array<i32>} : memref<2x8192xf32, #tpu.memory_space<vmem>>, vector<1x16xf32>,
      %get3A_827 = vector.shape_cast %get3A_826 : vector<1x16xf32> to vector<16xf32>
      %mul3A_828 = arith.mulf %get3A_6, %get3A_822 : vector<16xf32>
      %mul3A_829 = arith.mulf %get3A_11, %get3A_827 : vector<16xf32>
      %add3A_830 = arith.addf %mul3A_828, %mul3A_829 : vector<16xf32>
      %swap3A_831 = arith.constant 0 : i32
      %swap3A_832 = arith.index_cast %swap3A_831 : i32 to index
      %swap3A_833 = arith.index_cast %mul3A_817 : i32 to index
      %swap3A_834 = tpu.vector_load %arg8[%swap3A_832, %swap3A_833] {strides = array<i32>} : memref<2x8192xf32, #tpu.memory_space<vmem>>, vector<1x16xf32>,
      %swap3A_835 = vector.shape_cast %swap3A_834 : vector<1x16xf32> to vector<16xf32>
      %swap3A_836 = vector.shape_cast %add3A_830 : vector<16xf32> to vector<1x16xf32>
      tpu.vector_store %arg8[%swap3A_832, %swap3A_833], %swap3A_836 {strides = array<i32>} : memref<2x8192xf32, #tpu.memory_space<vmem>>, vector<1x16xf32>,
      %mul3A_837 = arith.mulf %get3A_16, %get3A_822 : vector<16xf32>
      %mul3A_838 = arith.mulf %get3A_21, %get3A_827 : vector<16xf32>
      %add3A_839 = arith.addf %mul3A_837, %mul3A_838 : vector<16xf32>
      %swap3A_840 = arith.constant 0 : i32
      %swap3A_841 = arith.index_cast %swap3A_840 : i32 to index
      %swap3A_842 = arith.index_cast %mul3A_817 : i32 to index
      %swap3A_843 = tpu.vector_load %arg9[%swap3A_841, %swap3A_842] {strides = array<i32>} : memref<2x8192xf32, #tpu.memory_space<vmem>>, vector<1x16xf32>,
      %swap3A_844 = vector.shape_cast %swap3A_843 : vector<1x16xf32> to vector<16xf32>
      %swap3A_845 = vector.shape_cast %add3A_839 : vector<16xf32> to vector<1x16xf32>
      tpu.vector_store %arg9[%swap3A_841, %swap3A_842], %swap3A_845 {strides = array<i32>} : memref<2x8192xf32, #tpu.memory_space<vmem>>, vector<1x16xf32>,
      %scan3A_846 = arith.constant 4 : i32
      %scan3A_847 = arith.addi %scan3A_720, %scan3A_846 : i32
      %mul3A_848 = arith.constant 16 : i32
      %mul3A_849 = arith.muli %scan3A_847, %mul3A_848 : i32
      %get3A_850 = arith.constant 0 : i32
      %get3A_851 = arith.index_cast %get3A_850 : i32 to index
      %get3A_852 = arith.index_cast %mul3A_849 : i32 to index
      %get3A_853 = tpu.vector_load %arg6[%get3A_851, %get3A_852] {strides = array<i32>} : memref<2x8192xf32, #tpu.memory_space<vmem>>, vector<1x16xf32>,
      %get3A_854 = vector.shape_cast %get3A_853 : vector<1x16xf32> to vector<16xf32>
      %get3A_855 = arith.constant 0 : i32
      %get3A_856 = arith.index_cast %get3A_855 : i32 to index
      %get3A_857 = arith.index_cast %mul3A_849 : i32 to index
      %get3A_858 = tpu.vector_load %arg7[%get3A_856, %get3A_857] {strides = array<i32>} : memref<2x8192xf32, #tpu.memory_space<vmem>>, vector<1x16xf32>,
      %get3A_859 = vector.shape_cast %get3A_858 : vector<1x16xf32> to vector<16xf32>
      %mul3A_860 = arith.mulf %get3A_6, %get3A_854 : vector<16xf32>
      %mul3A_861 = arith.mulf %get3A_11, %get3A_859 : vector<16xf32>
      %add3A_862 = arith.addf %mul3A_860, %mul3A_861 : vector<16xf32>
      %swap3A_863 = arith.constant 0 : i32
      %swap3A_864 = arith.index_cast %swap3A_863 : i32 to index
      %swap3A_865 = arith.index_cast %mul3A_849 : i32 to index
      %swap3A_866 = tpu.vector_load %arg8[%swap3A_864, %swap3A_865] {strides = array<i32>} : memref<2x8192xf32, #tpu.memory_space<vmem>>, vector<1x16xf32>,
      %swap3A_867 = vector.shape_cast %swap3A_866 : vector<1x16xf32> to vector<16xf32>
      %swap3A_868 = vector.shape_cast %add3A_862 : vector<16xf32> to vector<1x16xf32>
      tpu.vector_store %arg8[%swap3A_864, %swap3A_865], %swap3A_868 {strides = array<i32>} : memref<2x8192xf32, #tpu.memory_space<vmem>>, vector<1x16xf32>,
      %mul3A_869 = arith.mulf %get3A_16, %get3A_854 : vector<16xf32>
      %mul3A_870 = arith.mulf %get3A_21, %get3A_859 : vector<16xf32>
      %add3A_871 = arith.addf %mul3A_869, %mul3A_870 : vector<16xf32>
      %swap3A_872 = arith.constant 0 : i32
      %swap3A_873 = arith.index_cast %swap3A_872 : i32 to index
      %swap3A_874 = arith.index_cast %mul3A_849 : i32 to index
      %swap3A_875 = tpu.vector_load %arg9[%swap3A_873, %swap3A_874] {strides = array<i32>} : memref<2x8192xf32, #tpu.memory_space<vmem>>, vector<1x16xf32>,
      %swap3A_876 = vector.shape_cast %swap3A_875 : vector<1x16xf32> to vector<16xf32>
      %swap3A_877 = vector.shape_cast %add3A_871 : vector<16xf32> to vector<1x16xf32>
      tpu.vector_store %arg9[%swap3A_873, %swap3A_874], %swap3A_877 {strides = array<i32>} : memref<2x8192xf32, #tpu.memory_space<vmem>>, vector<1x16xf32>,
      %scan3A_878 = arith.constant 5 : i32
      %scan3A_879 = arith.addi %scan3A_720, %scan3A_878 : i32
      %mul3A_880 = arith.constant 16 : i32
      %mul3A_881 = arith.muli %scan3A_879, %mul3A_880 : i32
      %get3A_882 = arith.constant 0 : i32
      %get3A_883 = arith.index_cast %get3A_882 : i32 to index
      %get3A_884 = arith.index_cast %mul3A_881 : i32 to index
      %get3A_885 = tpu.vector_load %arg6[%get3A_883, %get3A_884] {strides = array<i32>} : memref<2x8192xf32, #tpu.memory_space<vmem>>, vector<1x16xf32>,
      %get3A_886 = vector.shape_cast %get3A_885 : vector<1x16xf32> to vector<16xf32>
      %get3A_887 = arith.constant 0 : i32
      %get3A_888 = arith.index_cast %get3A_887 : i32 to index
      %get3A_889 = arith.index_cast %mul3A_881 : i32 to index
      %get3A_890 = tpu.vector_load %arg7[%get3A_888, %get3A_889] {strides = array<i32>} : memref<2x8192xf32, #tpu.memory_space<vmem>>, vector<1x16xf32>,
      %get3A_891 = vector.shape_cast %get3A_890 : vector<1x16xf32> to vector<16xf32>
      %mul3A_892 = arith.mulf %get3A_6, %get3A_886 : vector<16xf32>
      %mul3A_893 = arith.mulf %get3A_11, %get3A_891 : vector<16xf32>
      %add3A_894 = arith.addf %mul3A_892, %mul3A_893 : vector<16xf32>
      %swap3A_895 = arith.constant 0 : i32
      %swap3A_896 = arith.index_cast %swap3A_895 : i32 to index
      %swap3A_897 = arith.index_cast %mul3A_881 : i32 to index
      %swap3A_898 = tpu.vector_load %arg8[%swap3A_896, %swap3A_897] {strides = array<i32>} : memref<2x8192xf32, #tpu.memory_space<vmem>>, vector<1x16xf32>,
      %swap3A_899 = vector.shape_cast %swap3A_898 : vector<1x16xf32> to vector<16xf32>
      %swap3A_900 = vector.shape_cast %add3A_894 : vector<16xf32> to vector<1x16xf32>
      tpu.vector_store %arg8[%swap3A_896, %swap3A_897], %swap3A_900 {strides = array<i32>} : memref<2x8192xf32, #tpu.memory_space<vmem>>, vector<1x16xf32>,
      %mul3A_901 = arith.mulf %get3A_16, %get3A_886 : vector<16xf32>
      %mul3A_902 = arith.mulf %get3A_21, %get3A_891 : vector<16xf32>
      %add3A_903 = arith.addf %mul3A_901, %mul3A_902 : vector<16xf32>
      %swap3A_904 = arith.constant 0 : i32
      %swap3A_905 = arith.index_cast %swap3A_904 : i32 to index
      %swap3A_906 = arith.index_cast %mul3A_881 : i32 to index
      %swap3A_907 = tpu.vector_load %arg9[%swap3A_905, %swap3A_906] {strides = array<i32>} : memref<2x8192xf32, #tpu.memory_space<vmem>>, vector<1x16xf32>,
      %swap3A_908 = vector.shape_cast %swap3A_907 : vector<1x16xf32> to vector<16xf32>
      %swap3A_909 = vector.shape_cast %add3A_903 : vector<16xf32> to vector<1x16xf32>
      tpu.vector_store %arg9[%swap3A_905, %swap3A_906], %swap3A_909 {strides = array<i32>} : memref<2x8192xf32, #tpu.memory_space<vmem>>, vector<1x16xf32>,
      %scan3A_910 = arith.constant 6 : i32
      %scan3A_911 = arith.addi %scan3A_720, %scan3A_910 : i32
      %mul3A_912 = arith.constant 16 : i32
      %mul3A_913 = arith.muli %scan3A_911, %mul3A_912 : i32
      %get3A_914 = arith.constant 0 : i32
      %get3A_915 = arith.index_cast %get3A_914 : i32 to index
      %get3A_916 = arith.index_cast %mul3A_913 : i32 to index
      %get3A_917 = tpu.vector_load %arg6[%get3A_915, %get3A_916] {strides = array<i32>} : memref<2x8192xf32, #tpu.memory_space<vmem>>, vector<1x16xf32>,
      %get3A_918 = vector.shape_cast %get3A_917 : vector<1x16xf32> to vector<16xf32>
      %get3A_919 = arith.constant 0 : i32
      %get3A_920 = arith.index_cast %get3A_919 : i32 to index
      %get3A_921 = arith.index_cast %mul3A_913 : i32 to index
      %get3A_922 = tpu.vector_load %arg7[%get3A_920, %get3A_921] {strides = array<i32>} : memref<2x8192xf32, #tpu.memory_space<vmem>>, vector<1x16xf32>,
      %get3A_923 = vector.shape_cast %get3A_922 : vector<1x16xf32> to vector<16xf32>
      %mul3A_924 = arith.mulf %get3A_6, %get3A_918 : vector<16xf32>
      %mul3A_925 = arith.mulf %get3A_11, %get3A_923 : vector<16xf32>
      %add3A_926 = arith.addf %mul3A_924, %mul3A_925 : vector<16xf32>
      %swap3A_927 = arith.constant 0 : i32
      %swap3A_928 = arith.index_cast %swap3A_927 : i32 to index
      %swap3A_929 = arith.index_cast %mul3A_913 : i32 to index
      %swap3A_930 = tpu.vector_load %arg8[%swap3A_928, %swap3A_929] {strides = array<i32>} : memref<2x8192xf32, #tpu.memory_space<vmem>>, vector<1x16xf32>,
      %swap3A_931 = vector.shape_cast %swap3A_930 : vector<1x16xf32> to vector<16xf32>
      %swap3A_932 = vector.shape_cast %add3A_926 : vector<16xf32> to vector<1x16xf32>
      tpu.vector_store %arg8[%swap3A_928, %swap3A_929], %swap3A_932 {strides = array<i32>} : memref<2x8192xf32, #tpu.memory_space<vmem>>, vector<1x16xf32>,
      %mul3A_933 = arith.mulf %get3A_16, %get3A_918 : vector<16xf32>
      %mul3A_934 = arith.mulf %get3A_21, %get3A_923 : vector<16xf32>
      %add3A_935 = arith.addf %mul3A_933, %mul3A_934 : vector<16xf32>
      %swap3A_936 = arith.constant 0 : i32
      %swap3A_937 = arith.index_cast %swap3A_936 : i32 to index
      %swap3A_938 = arith.index_cast %mul3A_913 : i32 to index
      %swap3A_939 = tpu.vector_load %arg9[%swap3A_937, %swap3A_938] {strides = array<i32>} : memref<2x8192xf32, #tpu.memory_space<vmem>>, vector<1x16xf32>,
      %swap3A_940 = vector.shape_cast %swap3A_939 : vector<1x16xf32> to vector<16xf32>
      %swap3A_941 = vector.shape_cast %add3A_935 : vector<16xf32> to vector<1x16xf32>
      tpu.vector_store %arg9[%swap3A_937, %swap3A_938], %swap3A_941 {strides = array<i32>} : memref<2x8192xf32, #tpu.memory_space<vmem>>, vector<1x16xf32>,
      %scan3A_942 = arith.constant 7 : i32
      %scan3A_943 = arith.addi %scan3A_720, %scan3A_942 : i32
      %mul3A_944 = arith.constant 16 : i32
      %mul3A_945 = arith.muli %scan3A_943, %mul3A_944 : i32
      %get3A_946 = arith.constant 0 : i32
      %get3A_947 = arith.index_cast %get3A_946 : i32 to index
      %get3A_948 = arith.index_cast %mul3A_945 : i32 to index
      %get3A_949 = tpu.vector_load %arg6[%get3A_947, %get3A_948] {strides = array<i32>} : memref<2x8192xf32, #tpu.memory_space<vmem>>, vector<1x16xf32>,
      %get3A_950 = vector.shape_cast %get3A_949 : vector<1x16xf32> to vector<16xf32>
      %get3A_951 = arith.constant 0 : i32
      %get3A_952 = arith.index_cast %get3A_951 : i32 to index
      %get3A_953 = arith.index_cast %mul3A_945 : i32 to index
      %get3A_954 = tpu.vector_load %arg7[%get3A_952, %get3A_953] {strides = array<i32>} : memref<2x8192xf32, #tpu.memory_space<vmem>>, vector<1x16xf32>,
      %get3A_955 = vector.shape_cast %get3A_954 : vector<1x16xf32> to vector<16xf32>
      %mul3A_956 = arith.mulf %get3A_6, %get3A_950 : vector<16xf32>
      %mul3A_957 = arith.mulf %get3A_11, %get3A_955 : vector<16xf32>
      %add3A_958 = arith.addf %mul3A_956, %mul3A_957 : vector<16xf32>
      %swap3A_959 = arith.constant 0 : i32
      %swap3A_960 = arith.index_cast %swap3A_959 : i32 to index
      %swap3A_961 = arith.index_cast %mul3A_945 : i32 to index
      %swap3A_962 = tpu.vector_load %arg8[%swap3A_960, %swap3A_961] {strides = array<i32>} : memref<2x8192xf32, #tpu.memory_space<vmem>>, vector<1x16xf32>,
      %swap3A_963 = vector.shape_cast %swap3A_962 : vector<1x16xf32> to vector<16xf32>
      %swap3A_964 = vector.shape_cast %add3A_958 : vector<16xf32> to vector<1x16xf32>
      tpu.vector_store %arg8[%swap3A_960, %swap3A_961], %swap3A_964 {strides = array<i32>} : memref<2x8192xf32, #tpu.memory_space<vmem>>, vector<1x16xf32>,
      %mul3A_965 = arith.mulf %get3A_16, %get3A_950 : vector<16xf32>
      %mul3A_966 = arith.mulf %get3A_21, %get3A_955 : vector<16xf32>
      %add3A_967 = arith.addf %mul3A_965, %mul3A_966 : vector<16xf32>
      %swap3A_968 = arith.constant 0 : i32
      %swap3A_969 = arith.index_cast %swap3A_968 : i32 to index
      %swap3A_970 = arith.index_cast %mul3A_945 : i32 to index
      %swap3A_971 = tpu.vector_load %arg9[%swap3A_969, %swap3A_970] {strides = array<i32>} : memref<2x8192xf32, #tpu.memory_space<vmem>>, vector<1x16xf32>,
      %swap3A_972 = vector.shape_cast %swap3A_971 : vector<1x16xf32> to vector<16xf32>
      %swap3A_973 = vector.shape_cast %add3A_967 : vector<16xf32> to vector<1x16xf32>
      tpu.vector_store %arg9[%swap3A_969, %swap3A_970], %swap3A_973 {strides = array<i32>} : memref<2x8192xf32, #tpu.memory_space<vmem>>, vector<1x16xf32>,
    }
    %scan3A_94 = arith.constant 512 : i32
    %add3A_95 = arith.constant 0 : i32
    %add3A_96 = arith.addi %add3A_25, %add3A_95 : i32
    %dma_start3A_97 = arith.constant 0 : i32
    %dma_start3A_98 = arith.constant 0 : i32
    %dma_start3A_99 = tpu.memref_slice %arg8[%dma_start3A_97, %dma_start3A_98] : memref<2x8192xf32, #tpu.memory_space<vmem>> -> memref<1x8192xf32, #tpu.memory_space<vmem>>
    %dma_start3A_100 = tpu.memref_squeeze %dma_start3A_99 : memref<1x8192xf32, #tpu.memory_space<vmem>> -> memref<8192xf32, #tpu.memory_space<vmem>>
    %dma_start3A_101 = tpu.memref_slice %arg4[%add3A_96] : memref<8388608xf32, #tpu.memory_space<hbm>> -> memref<8192xf32, #tpu.memory_space<hbm>>
    %dma_start3A_102 = tpu.memref_slice %arg4[%add3A_96] : memref<8388608xf32, #tpu.memory_space<hbm>> -> memref<8192xf32, #tpu.memory_space<hbm>>
    %dma_start3A_103 = arith.constant 0 : i32
    %dma_start3A_104 = tpu.memref_slice %arg8[%dma_start3A_97, %dma_start3A_103] : memref<2x8192xf32, #tpu.memory_space<vmem>> -> memref<1x8192xf32, #tpu.memory_space<vmem>>
    %dma_start3A_105 = tpu.memref_squeeze %dma_start3A_104 : memref<1x8192xf32, #tpu.memory_space<vmem>> -> memref<8192xf32, #tpu.memory_space<vmem>>
    tpu.enqueue_dma source(%dma_start3A_105 : memref<8192xf32, #tpu.memory_space<vmem>>) target(%dma_start3A_102 : memref<8192xf32, #tpu.memory_space<hbm>>) target_semaphore(%arg13 : memref<!tpu.dma_semaphore, #tpu.memory_space<semaphore_mem>>)
    %add3A_106 = arith.constant 0 : i32
    %add3A_107 = arith.addi %add3A_29, %add3A_106 : i32
    %dma_start3A_108 = arith.constant 0 : i32
    %dma_start3A_109 = arith.constant 0 : i32
    %dma_start3A_110 = tpu.memref_slice %arg9[%dma_start3A_108, %dma_start3A_109] : memref<2x8192xf32, #tpu.memory_space<vmem>> -> memref<1x8192xf32, #tpu.memory_space<vmem>>
    %dma_start3A_111 = tpu.memref_squeeze %dma_start3A_110 : memref<1x8192xf32, #tpu.memory_space<vmem>> -> memref<8192xf32, #tpu.memory_space<vmem>>
    %dma_start3A_112 = tpu.memref_slice %arg4[%add3A_107] : memref<8388608xf32, #tpu.memory_space<hbm>> -> memref<8192xf32, #tpu.memory_space<hbm>>
    %dma_start3A_113 = tpu.memref_slice %arg4[%add3A_107] : memref<8388608xf32, #tpu.memory_space<hbm>> -> memref<8192xf32, #tpu.memory_space<hbm>>
    %dma_start3A_114 = arith.constant 0 : i32
    %dma_start3A_115 = tpu.memref_slice %arg9[%dma_start3A_108, %dma_start3A_114] : memref<2x8192xf32, #tpu.memory_space<vmem>> -> memref<1x8192xf32, #tpu.memory_space<vmem>>
    %dma_start3A_116 = tpu.memref_squeeze %dma_start3A_115 : memref<1x8192xf32, #tpu.memory_space<vmem>> -> memref<8192xf32, #tpu.memory_space<vmem>>
    tpu.enqueue_dma source(%dma_start3A_116 : memref<8192xf32, #tpu.memory_space<vmem>>) target(%dma_start3A_113 : memref<8192xf32, #tpu.memory_space<hbm>>) target_semaphore(%arg13 : memref<!tpu.dma_semaphore, #tpu.memory_space<semaphore_mem>>)
    %add3A_117 = arith.constant 16384 : i32
    %add3A_118 = arith.addi %add3A_25, %add3A_117 : i32
    %dma_start3A_119 = arith.constant 0 : i32
    %dma_start3A_120 = arith.constant 0 : i32
    %dma_start3A_121 = tpu.memref_slice %arg6[%dma_start3A_119, %dma_start3A_120] : memref<2x8192xf32, #tpu.memory_space<vmem>> -> memref<1x8192xf32, #tpu.memory_space<vmem>>
    %dma_start3A_122 = tpu.memref_squeeze %dma_start3A_121 : memref<1x8192xf32, #tpu.memory_space<vmem>> -> memref<8192xf32, #tpu.memory_space<vmem>>
    %dma_start3A_123 = tpu.memref_slice %arg2[%add3A_118] : memref<8388608xf32, #tpu.memory_space<hbm>> -> memref<8192xf32, #tpu.memory_space<hbm>>
    %dma_start3A_124 = arith.constant 0 : i32
    %dma_start3A_125 = tpu.memref_slice %arg6[%dma_start3A_119, %dma_start3A_124] : memref<2x8192xf32, #tpu.memory_space<vmem>> -> memref<1x8192xf32, #tpu.memory_space<vmem>>
    %dma_start3A_126 = tpu.memref_squeeze %dma_start3A_125 : memref<1x8192xf32, #tpu.memory_space<vmem>> -> memref<8192xf32, #tpu.memory_space<vmem>>
    %dma_start3A_127 = tpu.memref_slice %arg2[%add3A_118] : memref<8388608xf32, #tpu.memory_space<hbm>> -> memref<8192xf32, #tpu.memory_space<hbm>>
    tpu.enqueue_dma source(%dma_start3A_127 : memref<8192xf32, #tpu.memory_space<hbm>>) target(%dma_start3A_126 : memref<8192xf32, #tpu.memory_space<vmem>>) target_semaphore(%arg11 : memref<!tpu.dma_semaphore, #tpu.memory_space<semaphore_mem>>)
    %add3A_128 = arith.constant 16384 : i32
    %add3A_129 = arith.addi %add3A_29, %add3A_128 : i32
    %dma_start3A_130 = arith.constant 0 : i32
    %dma_start3A_131 = arith.constant 0 : i32
    %dma_start3A_132 = tpu.memref_slice %arg7[%dma_start3A_130, %dma_start3A_131] : memref<2x8192xf32, #tpu.memory_space<vmem>> -> memref<1x8192xf32, #tpu.memory_space<vmem>>
    %dma_start3A_133 = tpu.memref_squeeze %dma_start3A_132 : memref<1x8192xf32, #tpu.memory_space<vmem>> -> memref<8192xf32, #tpu.memory_space<vmem>>
    %dma_start3A_134 = tpu.memref_slice %arg2[%add3A_129] : memref<8388608xf32, #tpu.memory_space<hbm>> -> memref<8192xf32, #tpu.memory_space<hbm>>
    %dma_start3A_135 = arith.constant 0 : i32
    %dma_start3A_136 = tpu.memref_slice %arg7[%dma_start3A_130, %dma_start3A_135] : memref<2x8192xf32, #tpu.memory_space<vmem>> -> memref<1x8192xf32, #tpu.memory_space<vmem>>
    %dma_start3A_137 = tpu.memref_squeeze %dma_start3A_136 : memref<1x8192xf32, #tpu.memory_space<vmem>> -> memref<8192xf32, #tpu.memory_space<vmem>>
    %dma_start3A_138 = tpu.memref_slice %arg2[%add3A_129] : memref<8388608xf32, #tpu.memory_space<hbm>> -> memref<8192xf32, #tpu.memory_space<hbm>>
    tpu.enqueue_dma source(%dma_start3A_138 : memref<8192xf32, #tpu.memory_space<hbm>>) target(%dma_start3A_137 : memref<8192xf32, #tpu.memory_space<vmem>>) target_semaphore(%arg11 : memref<!tpu.dma_semaphore, #tpu.memory_space<semaphore_mem>>)
    %dma_wait3A_139 = arith.constant 1 : i32
    %dma_wait3A_140 = arith.constant 0 : i32
    %dma_wait3A_141 = tpu.memref_slice %arg6[%dma_wait3A_139, %dma_wait3A_140] : memref<2x8192xf32, #tpu.memory_space<vmem>> -> memref<1x8192xf32, #tpu.memory_space<vmem>>
    %dma_wait3A_142 = tpu.memref_squeeze %dma_wait3A_141 : memref<1x8192xf32, #tpu.memory_space<vmem>> -> memref<8192xf32, #tpu.memory_space<vmem>>
    %dma_wait3A_143 = tpu.memref_slice %arg2[%add3A_52] : memref<8388608xf32, #tpu.memory_space<hbm>> -> memref<8192xf32, #tpu.memory_space<hbm>>
    %dma_wait3A_144 = arith.constant 0 : i32
    %dma_wait3A_145 = tpu.memref_slice %arg6[%dma_wait3A_139, %dma_wait3A_144] : memref<2x8192xf32, #tpu.memory_space<vmem>> -> memref<1x8192xf32, #tpu.memory_space<vmem>>
    %dma_wait3A_146 = tpu.memref_squeeze %dma_wait3A_145 : memref<1x8192xf32, #tpu.memory_space<vmem>> -> memref<8192xf32, #tpu.memory_space<vmem>>
    %dma_wait3A_147 = tpu.memref_slice %arg2[%add3A_52] : memref<8388608xf32, #tpu.memory_space<hbm>> -> memref<8192xf32, #tpu.memory_space<hbm>>
    tpu.wait_dma2 semaphore(%arg12 : memref<!tpu.dma_semaphore, #tpu.memory_space<semaphore_mem>>) src(%dma_wait3A_147 : memref<8192xf32, #tpu.memory_space<hbm>>) dst(%dma_wait3A_146 : memref<8192xf32, #tpu.memory_space<vmem>>)
    %dma_wait3A_148 = arith.constant 1 : i32
    %dma_wait3A_149 = arith.constant 0 : i32
    %dma_wait3A_150 = tpu.memref_slice %arg7[%dma_wait3A_148, %dma_wait3A_149] : memref<2x8192xf32, #tpu.memory_space<vmem>> -> memref<1x8192xf32, #tpu.memory_space<vmem>>
    %dma_wait3A_151 = tpu.memref_squeeze %dma_wait3A_150 : memref<1x8192xf32, #tpu.memory_space<vmem>> -> memref<8192xf32, #tpu.memory_space<vmem>>
    %dma_wait3A_152 = tpu.memref_slice %arg2[%add3A_63] : memref<8388608xf32, #tpu.memory_space<hbm>> -> memref<8192xf32, #tpu.memory_space<hbm>>
    %dma_wait3A_153 = arith.constant 0 : i32
    %dma_wait3A_154 = tpu.memref_slice %arg7[%dma_wait3A_148, %dma_wait3A_153] : memref<2x8192xf32, #tpu.memory_space<vmem>> -> memref<1x8192xf32, #tpu.memory_space<vmem>>
    %dma_wait3A_155 = tpu.memref_squeeze %dma_wait3A_154 : memref<1x8192xf32, #tpu.memory_space<vmem>> -> memref<8192xf32, #tpu.memory_space<vmem>>
    %dma_wait3A_156 = tpu.memref_slice %arg2[%add3A_63] : memref<8388608xf32, #tpu.memory_space<hbm>> -> memref<8192xf32, #tpu.memory_space<hbm>>
    tpu.wait_dma2 semaphore(%arg12 : memref<!tpu.dma_semaphore, #tpu.memory_space<semaphore_mem>>) src(%dma_wait3A_156 : memref<8192xf32, #tpu.memory_space<hbm>>) dst(%dma_wait3A_155 : memref<8192xf32, #tpu.memory_space<vmem>>)
    %scan3A_157 = arith.constant 0 : i32
    %scan3A_158 = arith.constant 0 : i32
    %scan3A_159 = arith.constant 512 : i32
    %scan3A_160 = arith.addi %scan3A_158, %scan3A_159 : i32
    %scan3A_161 = arith.constant 8 : i32
    scf.for %scan3A_720 = %scan3A_158 to %scan3A_160 step %scan3A_161  : i32 {
      %mul3A_721 = arith.constant 16 : i32
      %mul3A_722 = arith.muli %scan3A_720, %mul3A_721 : i32
      %get3A_723 = arith.constant 1 : i32
      %get3A_724 = arith.index_cast %get3A_723 : i32 to index
      %get3A_725 = arith.index_cast %mul3A_722 : i32 to index
      %get3A_726 = tpu.vector_load %arg6[%get3A_724, %get3A_725] {strides = array<i32>} : memref<2x8192xf32, #tpu.memory_space<vmem>>, vector<1x16xf32>,
      %get3A_727 = vector.shape_cast %get3A_726 : vector<1x16xf32> to vector<16xf32>
      %get3A_728 = arith.constant 1 : i32
      %get3A_729 = arith.index_cast %get3A_728 : i32 to index
      %get3A_730 = arith.index_cast %mul3A_722 : i32 to index
      %get3A_731 = tpu.vector_load %arg7[%get3A_729, %get3A_730] {strides = array<i32>} : memref<2x8192xf32, #tpu.memory_space<vmem>>, vector<1x16xf32>,
      %get3A_732 = vector.shape_cast %get3A_731 : vector<1x16xf32> to vector<16xf32>
      %mul3A_733 = arith.mulf %get3A_6, %get3A_727 : vector<16xf32>
      %mul3A_734 = arith.mulf %get3A_11, %get3A_732 : vector<16xf32>
      %add3A_735 = arith.addf %mul3A_733, %mul3A_734 : vector<16xf32>
      %swap3A = arith.constant 1 : i32
      %swap3A_736 = arith.index_cast %swap3A : i32 to index
      %swap3A_737 = arith.index_cast %mul3A_722 : i32 to index
      %swap3A_738 = tpu.vector_load %arg8[%swap3A_736, %swap3A_737] {strides = array<i32>} : memref<2x8192xf32, #tpu.memory_space<vmem>>, vector<1x16xf32>,
      %swap3A_739 = vector.shape_cast %swap3A_738 : vector<1x16xf32> to vector<16xf32>
      %swap3A_740 = vector.shape_cast %add3A_735 : vector<16xf32> to vector<1x16xf32>
      tpu.vector_store %arg8[%swap3A_736, %swap3A_737], %swap3A_740 {strides = array<i32>} : memref<2x8192xf32, #tpu.memory_space<vmem>>, vector<1x16xf32>,
      %mul3A_741 = arith.mulf %get3A_16, %get3A_727 : vector<16xf32>
      %mul3A_742 = arith.mulf %get3A_21, %get3A_732 : vector<16xf32>
      %add3A_743 = arith.addf %mul3A_741, %mul3A_742 : vector<16xf32>
      %swap3A_744 = arith.constant 1 : i32
      %swap3A_745 = arith.index_cast %swap3A_744 : i32 to index
      %swap3A_746 = arith.index_cast %mul3A_722 : i32 to index
      %swap3A_747 = tpu.vector_load %arg9[%swap3A_745, %swap3A_746] {strides = array<i32>} : memref<2x8192xf32, #tpu.memory_space<vmem>>, vector<1x16xf32>,
      %swap3A_748 = vector.shape_cast %swap3A_747 : vector<1x16xf32> to vector<16xf32>
      %swap3A_749 = vector.shape_cast %add3A_743 : vector<16xf32> to vector<1x16xf32>
      tpu.vector_store %arg9[%swap3A_745, %swap3A_746], %swap3A_749 {strides = array<i32>} : memref<2x8192xf32, #tpu.memory_space<vmem>>, vector<1x16xf32>,
      %scan3A_750 = arith.constant 1 : i32
      %scan3A_751 = arith.addi %scan3A_720, %scan3A_750 : i32
      %mul3A_752 = arith.constant 16 : i32
      %mul3A_753 = arith.muli %scan3A_751, %mul3A_752 : i32
      %get3A_754 = arith.constant 1 : i32
      %get3A_755 = arith.index_cast %get3A_754 : i32 to index
      %get3A_756 = arith.index_cast %mul3A_753 : i32 to index
      %get3A_757 = tpu.vector_load %arg6[%get3A_755, %get3A_756] {strides = array<i32>} : memref<2x8192xf32, #tpu.memory_space<vmem>>, vector<1x16xf32>,
      %get3A_758 = vector.shape_cast %get3A_757 : vector<1x16xf32> to vector<16xf32>
      %get3A_759 = arith.constant 1 : i32
      %get3A_760 = arith.index_cast %get3A_759 : i32 to index
      %get3A_761 = arith.index_cast %mul3A_753 : i32 to index
      %get3A_762 = tpu.vector_load %arg7[%get3A_760, %get3A_761] {strides = array<i32>} : memref<2x8192xf32, #tpu.memory_space<vmem>>, vector<1x16xf32>,
      %get3A_763 = vector.shape_cast %get3A_762 : vector<1x16xf32> to vector<16xf32>
      %mul3A_764 = arith.mulf %get3A_6, %get3A_758 : vector<16xf32>
      %mul3A_765 = arith.mulf %get3A_11, %get3A_763 : vector<16xf32>
      %add3A_766 = arith.addf %mul3A_764, %mul3A_765 : vector<16xf32>
      %swap3A_767 = arith.constant 1 : i32
      %swap3A_768 = arith.index_cast %swap3A_767 : i32 to index
      %swap3A_769 = arith.index_cast %mul3A_753 : i32 to index
      %swap3A_770 = tpu.vector_load %arg8[%swap3A_768, %swap3A_769] {strides = array<i32>} : memref<2x8192xf32, #tpu.memory_space<vmem>>, vector<1x16xf32>,
      %swap3A_771 = vector.shape_cast %swap3A_770 : vector<1x16xf32> to vector<16xf32>
      %swap3A_772 = vector.shape_cast %add3A_766 : vector<16xf32> to vector<1x16xf32>
      tpu.vector_store %arg8[%swap3A_768, %swap3A_769], %swap3A_772 {strides = array<i32>} : memref<2x8192xf32, #tpu.memory_space<vmem>>, vector<1x16xf32>,
      %mul3A_773 = arith.mulf %get3A_16, %get3A_758 : vector<16xf32>
      %mul3A_774 = arith.mulf %get3A_21, %get3A_763 : vector<16xf32>
      %add3A_775 = arith.addf %mul3A_773, %mul3A_774 : vector<16xf32>
      %swap3A_776 = arith.constant 1 : i32
      %swap3A_777 = arith.index_cast %swap3A_776 : i32 to index
      %swap3A_778 = arith.index_cast %mul3A_753 : i32 to index
      %swap3A_779 = tpu.vector_load %arg9[%swap3A_777, %swap3A_778] {strides = array<i32>} : memref<2x8192xf32, #tpu.memory_space<vmem>>, vector<1x16xf32>,
      %swap3A_780 = vector.shape_cast %swap3A_779 : vector<1x16xf32> to vector<16xf32>
      %swap3A_781 = vector.shape_cast %add3A_775 : vector<16xf32> to vector<1x16xf32>
      tpu.vector_store %arg9[%swap3A_777, %swap3A_778], %swap3A_781 {strides = array<i32>} : memref<2x8192xf32, #tpu.memory_space<vmem>>, vector<1x16xf32>,
      %scan3A_782 = arith.constant 2 : i32
      %scan3A_783 = arith.addi %scan3A_720, %scan3A_782 : i32
      %mul3A_784 = arith.constant 16 : i32
      %mul3A_785 = arith.muli %scan3A_783, %mul3A_784 : i32
      %get3A_786 = arith.constant 1 : i32
      %get3A_787 = arith.index_cast %get3A_786 : i32 to index
      %get3A_788 = arith.index_cast %mul3A_785 : i32 to index
      %get3A_789 = tpu.vector_load %arg6[%get3A_787, %get3A_788] {strides = array<i32>} : memref<2x8192xf32, #tpu.memory_space<vmem>>, vector<1x16xf32>,
      %get3A_790 = vector.shape_cast %get3A_789 : vector<1x16xf32> to vector<16xf32>
      %get3A_791 = arith.constant 1 : i32
      %get3A_792 = arith.index_cast %get3A_791 : i32 to index
      %get3A_793 = arith.index_cast %mul3A_785 : i32 to index
      %get3A_794 = tpu.vector_load %arg7[%get3A_792, %get3A_793] {strides = array<i32>} : memref<2x8192xf32, #tpu.memory_space<vmem>>, vector<1x16xf32>,
      %get3A_795 = vector.shape_cast %get3A_794 : vector<1x16xf32> to vector<16xf32>
      %mul3A_796 = arith.mulf %get3A_6, %get3A_790 : vector<16xf32>
      %mul3A_797 = arith.mulf %get3A_11, %get3A_795 : vector<16xf32>
      %add3A_798 = arith.addf %mul3A_796, %mul3A_797 : vector<16xf32>
      %swap3A_799 = arith.constant 1 : i32
      %swap3A_800 = arith.index_cast %swap3A_799 : i32 to index
      %swap3A_801 = arith.index_cast %mul3A_785 : i32 to index
      %swap3A_802 = tpu.vector_load %arg8[%swap3A_800, %swap3A_801] {strides = array<i32>} : memref<2x8192xf32, #tpu.memory_space<vmem>>, vector<1x16xf32>,
      %swap3A_803 = vector.shape_cast %swap3A_802 : vector<1x16xf32> to vector<16xf32>
      %swap3A_804 = vector.shape_cast %add3A_798 : vector<16xf32> to vector<1x16xf32>
      tpu.vector_store %arg8[%swap3A_800, %swap3A_801], %swap3A_804 {strides = array<i32>} : memref<2x8192xf32, #tpu.memory_space<vmem>>, vector<1x16xf32>,
      %mul3A_805 = arith.mulf %get3A_16, %get3A_790 : vector<16xf32>
      %mul3A_806 = arith.mulf %get3A_21, %get3A_795 : vector<16xf32>
      %add3A_807 = arith.addf %mul3A_805, %mul3A_806 : vector<16xf32>
      %swap3A_808 = arith.constant 1 : i32
      %swap3A_809 = arith.index_cast %swap3A_808 : i32 to index
      %swap3A_810 = arith.index_cast %mul3A_785 : i32 to index
      %swap3A_811 = tpu.vector_load %arg9[%swap3A_809, %swap3A_810] {strides = array<i32>} : memref<2x8192xf32, #tpu.memory_space<vmem>>, vector<1x16xf32>,
      %swap3A_812 = vector.shape_cast %swap3A_811 : vector<1x16xf32> to vector<16xf32>
      %swap3A_813 = vector.shape_cast %add3A_807 : vector<16xf32> to vector<1x16xf32>
      tpu.vector_store %arg9[%swap3A_809, %swap3A_810], %swap3A_813 {strides = array<i32>} : memref<2x8192xf32, #tpu.memory_space<vmem>>, vector<1x16xf32>,
      %scan3A_814 = arith.constant 3 : i32
      %scan3A_815 = arith.addi %scan3A_720, %scan3A_814 : i32
      %mul3A_816 = arith.constant 16 : i32
      %mul3A_817 = arith.muli %scan3A_815, %mul3A_816 : i32
      %get3A_818 = arith.constant 1 : i32
      %get3A_819 = arith.index_cast %get3A_818 : i32 to index
      %get3A_820 = arith.index_cast %mul3A_817 : i32 to index
      %get3A_821 = tpu.vector_load %arg6[%get3A_819, %get3A_820] {strides = array<i32>} : memref<2x8192xf32, #tpu.memory_space<vmem>>, vector<1x16xf32>,
      %get3A_822 = vector.shape_cast %get3A_821 : vector<1x16xf32> to vector<16xf32>
      %get3A_823 = arith.constant 1 : i32
      %get3A_824 = arith.index_cast %get3A_823 : i32 to index
      %get3A_825 = arith.index_cast %mul3A_817 : i32 to index
      %get3A_826 = tpu.vector_load %arg7[%get3A_824, %get3A_825] {strides = array<i32>} : memref<2x8192xf32, #tpu.memory_space<vmem>>, vector<1x16xf32>,
      %get3A_827 = vector.shape_cast %get3A_826 : vector<1x16xf32> to vector<16xf32>
      %mul3A_828 = arith.mulf %get3A_6, %get3A_822 : vector<16xf32>
      %mul3A_829 = arith.mulf %get3A_11, %get3A_827 : vector<16xf32>
      %add3A_830 = arith.addf %mul3A_828, %mul3A_829 : vector<16xf32>
      %swap3A_831 = arith.constant 1 : i32
      %swap3A_832 = arith.index_cast %swap3A_831 : i32 to index
      %swap3A_833 = arith.index_cast %mul3A_817 : i32 to index
      %swap3A_834 = tpu.vector_load %arg8[%swap3A_832, %swap3A_833] {strides = array<i32>} : memref<2x8192xf32, #tpu.memory_space<vmem>>, vector<1x16xf32>,
      %swap3A_835 = vector.shape_cast %swap3A_834 : vector<1x16xf32> to vector<16xf32>
      %swap3A_836 = vector.shape_cast %add3A_830 : vector<16xf32> to vector<1x16xf32>
      tpu.vector_store %arg8[%swap3A_832, %swap3A_833], %swap3A_836 {strides = array<i32>} : memref<2x8192xf32, #tpu.memory_space<vmem>>, vector<1x16xf32>,
      %mul3A_837 = arith.mulf %get3A_16, %get3A_822 : vector<16xf32>
      %mul3A_838 = arith.mulf %get3A_21, %get3A_827 : vector<16xf32>
      %add3A_839 = arith.addf %mul3A_837, %mul3A_838 : vector<16xf32>
      %swap3A_840 = arith.constant 1 : i32
      %swap3A_841 = arith.index_cast %swap3A_840 : i32 to index
      %swap3A_842 = arith.index_cast %mul3A_817 : i32 to index
      %swap3A_843 = tpu.vector_load %arg9[%swap3A_841, %swap3A_842] {strides = array<i32>} : memref<2x8192xf32, #tpu.memory_space<vmem>>, vector<1x16xf32>,
      %swap3A_844 = vector.shape_cast %swap3A_843 : vector<1x16xf32> to vector<16xf32>
      %swap3A_845 = vector.shape_cast %add3A_839 : vector<16xf32> to vector<1x16xf32>
      tpu.vector_store %arg9[%swap3A_841, %swap3A_842], %swap3A_845 {strides = array<i32>} : memref<2x8192xf32, #tpu.memory_space<vmem>>, vector<1x16xf32>,
      %scan3A_846 = arith.constant 4 : i32
      %scan3A_847 = arith.addi %scan3A_720, %scan3A_846 : i32
      %mul3A_848 = arith.constant 16 : i32
      %mul3A_849 = arith.muli %scan3A_847, %mul3A_848 : i32
      %get3A_850 = arith.constant 1 : i32
      %get3A_851 = arith.index_cast %get3A_850 : i32 to index
      %get3A_852 = arith.index_cast %mul3A_849 : i32 to index
      %get3A_853 = tpu.vector_load %arg6[%get3A_851, %get3A_852] {strides = array<i32>} : memref<2x8192xf32, #tpu.memory_space<vmem>>, vector<1x16xf32>,
      %get3A_854 = vector.shape_cast %get3A_853 : vector<1x16xf32> to vector<16xf32>
      %get3A_855 = arith.constant 1 : i32
      %get3A_856 = arith.index_cast %get3A_855 : i32 to index
      %get3A_857 = arith.index_cast %mul3A_849 : i32 to index
      %get3A_858 = tpu.vector_load %arg7[%get3A_856, %get3A_857] {strides = array<i32>} : memref<2x8192xf32, #tpu.memory_space<vmem>>, vector<1x16xf32>,
      %get3A_859 = vector.shape_cast %get3A_858 : vector<1x16xf32> to vector<16xf32>
      %mul3A_860 = arith.mulf %get3A_6, %get3A_854 : vector<16xf32>
      %mul3A_861 = arith.mulf %get3A_11, %get3A_859 : vector<16xf32>
      %add3A_862 = arith.addf %mul3A_860, %mul3A_861 : vector<16xf32>
      %swap3A_863 = arith.constant 1 : i32
      %swap3A_864 = arith.index_cast %swap3A_863 : i32 to index
      %swap3A_865 = arith.index_cast %mul3A_849 : i32 to index
      %swap3A_866 = tpu.vector_load %arg8[%swap3A_864, %swap3A_865] {strides = array<i32>} : memref<2x8192xf32, #tpu.memory_space<vmem>>, vector<1x16xf32>,
      %swap3A_867 = vector.shape_cast %swap3A_866 : vector<1x16xf32> to vector<16xf32>
      %swap3A_868 = vector.shape_cast %add3A_862 : vector<16xf32> to vector<1x16xf32>
      tpu.vector_store %arg8[%swap3A_864, %swap3A_865], %swap3A_868 {strides = array<i32>} : memref<2x8192xf32, #tpu.memory_space<vmem>>, vector<1x16xf32>,
      %mul3A_869 = arith.mulf %get3A_16, %get3A_854 : vector<16xf32>
      %mul3A_870 = arith.mulf %get3A_21, %get3A_859 : vector<16xf32>
      %add3A_871 = arith.addf %mul3A_869, %mul3A_870 : vector<16xf32>
      %swap3A_872 = arith.constant 1 : i32
      %swap3A_873 = arith.index_cast %swap3A_872 : i32 to index
      %swap3A_874 = arith.index_cast %mul3A_849 : i32 to index
      %swap3A_875 = tpu.vector_load %arg9[%swap3A_873, %swap3A_874] {strides = array<i32>} : memref<2x8192xf32, #tpu.memory_space<vmem>>, vector<1x16xf32>,
      %swap3A_876 = vector.shape_cast %swap3A_875 : vector<1x16xf32> to vector<16xf32>
      %swap3A_877 = vector.shape_cast %add3A_871 : vector<16xf32> to vector<1x16xf32>
      tpu.vector_store %arg9[%swap3A_873, %swap3A_874], %swap3A_877 {strides = array<i32>} : memref<2x8192xf32, #tpu.memory_space<vmem>>, vector<1x16xf32>,
      %scan3A_878 = arith.constant 5 : i32
      %scan3A_879 = arith.addi %scan3A_720, %scan3A_878 : i32
      %mul3A_880 = arith.constant 16 : i32
      %mul3A_881 = arith.muli %scan3A_879, %mul3A_880 : i32
      %get3A_882 = arith.constant 1 : i32
      %get3A_883 = arith.index_cast %get3A_882 : i32 to index
      %get3A_884 = arith.index_cast %mul3A_881 : i32 to index
      %get3A_885 = tpu.vector_load %arg6[%get3A_883, %get3A_884] {strides = array<i32>} : memref<2x8192xf32, #tpu.memory_space<vmem>>, vector<1x16xf32>,
      %get3A_886 = vector.shape_cast %get3A_885 : vector<1x16xf32> to vector<16xf32>
      %get3A_887 = arith.constant 1 : i32
      %get3A_888 = arith.index_cast %get3A_887 : i32 to index
      %get3A_889 = arith.index_cast %mul3A_881 : i32 to index
      %get3A_890 = tpu.vector_load %arg7[%get3A_888, %get3A_889] {strides = array<i32>} : memref<2x8192xf32, #tpu.memory_space<vmem>>, vector<1x16xf32>,
      %get3A_891 = vector.shape_cast %get3A_890 : vector<1x16xf32> to vector<16xf32>
      %mul3A_892 = arith.mulf %get3A_6, %get3A_886 : vector<16xf32>
      %mul3A_893 = arith.mulf %get3A_11, %get3A_891 : vector<16xf32>
      %add3A_894 = arith.addf %mul3A_892, %mul3A_893 : vector<16xf32>
      %swap3A_895 = arith.constant 1 : i32
      %swap3A_896 = arith.index_cast %swap3A_895 : i32 to index
      %swap3A_897 = arith.index_cast %mul3A_881 : i32 to index
      %swap3A_898 = tpu.vector_load %arg8[%swap3A_896, %swap3A_897] {strides = array<i32>} : memref<2x8192xf32, #tpu.memory_space<vmem>>, vector<1x16xf32>,
      %swap3A_899 = vector.shape_cast %swap3A_898 : vector<1x16xf32> to vector<16xf32>
      %swap3A_900 = vector.shape_cast %add3A_894 : vector<16xf32> to vector<1x16xf32>
      tpu.vector_store %arg8[%swap3A_896, %swap3A_897], %swap3A_900 {strides = array<i32>} : memref<2x8192xf32, #tpu.memory_space<vmem>>, vector<1x16xf32>,
      %mul3A_901 = arith.mulf %get3A_16, %get3A_886 : vector<16xf32>
      %mul3A_902 = arith.mulf %get3A_21, %get3A_891 : vector<16xf32>
      %add3A_903 = arith.addf %mul3A_901, %mul3A_902 : vector<16xf32>
      %swap3A_904 = arith.constant 1 : i32
      %swap3A_905 = arith.index_cast %swap3A_904 : i32 to index
      %swap3A_906 = arith.index_cast %mul3A_881 : i32 to index
      %swap3A_907 = tpu.vector_load %arg9[%swap3A_905, %swap3A_906] {strides = array<i32>} : memref<2x8192xf32, #tpu.memory_space<vmem>>, vector<1x16xf32>,
      %swap3A_908 = vector.shape_cast %swap3A_907 : vector<1x16xf32> to vector<16xf32>
      %swap3A_909 = vector.shape_cast %add3A_903 : vector<16xf32> to vector<1x16xf32>
      tpu.vector_store %arg9[%swap3A_905, %swap3A_906], %swap3A_909 {strides = array<i32>} : memref<2x8192xf32, #tpu.memory_space<vmem>>, vector<1x16xf32>,
      %scan3A_910 = arith.constant 6 : i32
      %scan3A_911 = arith.addi %scan3A_720, %scan3A_910 : i32
      %mul3A_912 = arith.constant 16 : i32
      %mul3A_913 = arith.muli %scan3A_911, %mul3A_912 : i32
      %get3A_914 = arith.constant 1 : i32
      %get3A_915 = arith.index_cast %get3A_914 : i32 to index
      %get3A_916 = arith.index_cast %mul3A_913 : i32 to index
      %get3A_917 = tpu.vector_load %arg6[%get3A_915, %get3A_916] {strides = array<i32>} : memref<2x8192xf32, #tpu.memory_space<vmem>>, vector<1x16xf32>,
      %get3A_918 = vector.shape_cast %get3A_917 : vector<1x16xf32> to vector<16xf32>
      %get3A_919 = arith.constant 1 : i32
      %get3A_920 = arith.index_cast %get3A_919 : i32 to index
      %get3A_921 = arith.index_cast %mul3A_913 : i32 to index
      %get3A_922 = tpu.vector_load %arg7[%get3A_920, %get3A_921] {strides = array<i32>} : memref<2x8192xf32, #tpu.memory_space<vmem>>, vector<1x16xf32>,
      %get3A_923 = vector.shape_cast %get3A_922 : vector<1x16xf32> to vector<16xf32>
      %mul3A_924 = arith.mulf %get3A_6, %get3A_918 : vector<16xf32>
      %mul3A_925 = arith.mulf %get3A_11, %get3A_923 : vector<16xf32>
      %add3A_926 = arith.addf %mul3A_924, %mul3A_925 : vector<16xf32>
      %swap3A_927 = arith.constant 1 : i32
      %swap3A_928 = arith.index_cast %swap3A_927 : i32 to index
      %swap3A_929 = arith.index_cast %mul3A_913 : i32 to index
      %swap3A_930 = tpu.vector_load %arg8[%swap3A_928, %swap3A_929] {strides = array<i32>} : memref<2x8192xf32, #tpu.memory_space<vmem>>, vector<1x16xf32>,
      %swap3A_931 = vector.shape_cast %swap3A_930 : vector<1x16xf32> to vector<16xf32>
      %swap3A_932 = vector.shape_cast %add3A_926 : vector<16xf32> to vector<1x16xf32>
      tpu.vector_store %arg8[%swap3A_928, %swap3A_929], %swap3A_932 {strides = array<i32>} : memref<2x8192xf32, #tpu.memory_space<vmem>>, vector<1x16xf32>,
      %mul3A_933 = arith.mulf %get3A_16, %get3A_918 : vector<16xf32>
      %mul3A_934 = arith.mulf %get3A_21, %get3A_923 : vector<16xf32>
      %add3A_935 = arith.addf %mul3A_933, %mul3A_934 : vector<16xf32>
      %swap3A_936 = arith.constant 1 : i32
      %swap3A_937 = arith.index_cast %swap3A_936 : i32 to index
      %swap3A_938 = arith.index_cast %mul3A_913 : i32 to index
      %swap3A_939 = tpu.vector_load %arg9[%swap3A_937, %swap3A_938] {strides = array<i32>} : memref<2x8192xf32, #tpu.memory_space<vmem>>, vector<1x16xf32>,
      %swap3A_940 = vector.shape_cast %swap3A_939 : vector<1x16xf32> to vector<16xf32>
      %swap3A_941 = vector.shape_cast %add3A_935 : vector<16xf32> to vector<1x16xf32>
      tpu.vector_store %arg9[%swap3A_937, %swap3A_938], %swap3A_941 {strides = array<i32>} : memref<2x8192xf32, #tpu.memory_space<vmem>>, vector<1x16xf32>,
      %scan3A_942 = arith.constant 7 : i32
      %scan3A_943 = arith.addi %scan3A_720, %scan3A_942 : i32
      %mul3A_944 = arith.constant 16 : i32
      %mul3A_945 = arith.muli %scan3A_943, %mul3A_944 : i32
      %get3A_946 = arith.constant 1 : i32
      %get3A_947 = arith.index_cast %get3A_946 : i32 to index
      %get3A_948 = arith.index_cast %mul3A_945 : i32 to index
      %get3A_949 = tpu.vector_load %arg6[%get3A_947, %get3A_948] {strides = array<i32>} : memref<2x8192xf32, #tpu.memory_space<vmem>>, vector<1x16xf32>,
      %get3A_950 = vector.shape_cast %get3A_949 : vector<1x16xf32> to vector<16xf32>
      %get3A_951 = arith.constant 1 : i32
      %get3A_952 = arith.index_cast %get3A_951 : i32 to index
      %get3A_953 = arith.index_cast %mul3A_945 : i32 to index
      %get3A_954 = tpu.vector_load %arg7[%get3A_952, %get3A_953] {strides = array<i32>} : memref<2x8192xf32, #tpu.memory_space<vmem>>, vector<1x16xf32>,
      %get3A_955 = vector.shape_cast %get3A_954 : vector<1x16xf32> to vector<16xf32>
      %mul3A_956 = arith.mulf %get3A_6, %get3A_950 : vector<16xf32>
      %mul3A_957 = arith.mulf %get3A_11, %get3A_955 : vector<16xf32>
      %add3A_958 = arith.addf %mul3A_956, %mul3A_957 : vector<16xf32>
      %swap3A_959 = arith.constant 1 : i32
      %swap3A_960 = arith.index_cast %swap3A_959 : i32 to index
      %swap3A_961 = arith.index_cast %mul3A_945 : i32 to index
      %swap3A_962 = tpu.vector_load %arg8[%swap3A_960, %swap3A_961] {strides = array<i32>} : memref<2x8192xf32, #tpu.memory_space<vmem>>, vector<1x16xf32>,
      %swap3A_963 = vector.shape_cast %swap3A_962 : vector<1x16xf32> to vector<16xf32>
      %swap3A_964 = vector.shape_cast %add3A_958 : vector<16xf32> to vector<1x16xf32>
      tpu.vector_store %arg8[%swap3A_960, %swap3A_961], %swap3A_964 {strides = array<i32>} : memref<2x8192xf32, #tpu.memory_space<vmem>>, vector<1x16xf32>,
      %mul3A_965 = arith.mulf %get3A_16, %get3A_950 : vector<16xf32>
      %mul3A_966 = arith.mulf %get3A_21, %get3A_955 : vector<16xf32>
      %add3A_967 = arith.addf %mul3A_965, %mul3A_966 : vector<16xf32>
      %swap3A_968 = arith.constant 1 : i32
      %swap3A_969 = arith.index_cast %swap3A_968 : i32 to index
      %swap3A_970 = arith.index_cast %mul3A_945 : i32 to index
      %swap3A_971 = tpu.vector_load %arg9[%swap3A_969, %swap3A_970] {strides = array<i32>} : memref<2x8192xf32, #tpu.memory_space<vmem>>, vector<1x16xf32>,
      %swap3A_972 = vector.shape_cast %swap3A_971 : vector<1x16xf32> to vector<16xf32>
      %swap3A_973 = vector.shape_cast %add3A_967 : vector<16xf32> to vector<1x16xf32>
      tpu.vector_store %arg9[%swap3A_969, %swap3A_970], %swap3A_973 {strides = array<i32>} : memref<2x8192xf32, #tpu.memory_space<vmem>>, vector<1x16xf32>,
    }
    %scan3A_162 = arith.constant 512 : i32
    %add3A_163 = arith.constant 8192 : i32
    %add3A_164 = arith.addi %add3A_25, %add3A_163 : i32
    %dma_start3A_165 = arith.constant 1 : i32
    %dma_start3A_166 = arith.constant 0 : i32
    %dma_start3A_167 = tpu.memref_slice %arg8[%dma_start3A_165, %dma_start3A_166] : memref<2x8192xf32, #tpu.memory_space<vmem>> -> memref<1x8192xf32, #tpu.memory_space<vmem>>
    %dma_start3A_168 = tpu.memref_squeeze %dma_start3A_167 : memref<1x8192xf32, #tpu.memory_space<vmem>> -> memref<8192xf32, #tpu.memory_space<vmem>>
    %dma_start3A_169 = tpu.memref_slice %arg4[%add3A_164] : memref<8388608xf32, #tpu.memory_space<hbm>> -> memref<8192xf32, #tpu.memory_space<hbm>>
    %dma_start3A_170 = tpu.memref_slice %arg4[%add3A_164] : memref<8388608xf32, #tpu.memory_space<hbm>> -> memref<8192xf32, #tpu.memory_space<hbm>>
    %dma_start3A_171 = arith.constant 0 : i32
    %dma_start3A_172 = tpu.memref_slice %arg8[%dma_start3A_165, %dma_start3A_171] : memref<2x8192xf32, #tpu.memory_space<vmem>> -> memref<1x8192xf32, #tpu.memory_space<vmem>>
    %dma_start3A_173 = tpu.memref_squeeze %dma_start3A_172 : memref<1x8192xf32, #tpu.memory_space<vmem>> -> memref<8192xf32, #tpu.memory_space<vmem>>
    tpu.enqueue_dma source(%dma_start3A_173 : memref<8192xf32, #tpu.memory_space<vmem>>) target(%dma_start3A_170 : memref<8192xf32, #tpu.memory_space<hbm>>) target_semaphore(%arg14 : memref<!tpu.dma_semaphore, #tpu.memory_space<semaphore_mem>>)
    %add3A_174 = arith.constant 8192 : i32
    %add3A_175 = arith.addi %add3A_29, %add3A_174 : i32
    %dma_start3A_176 = arith.constant 1 : i32
    %dma_start3A_177 = arith.constant 0 : i32
    %dma_start3A_178 = tpu.memref_slice %arg9[%dma_start3A_176, %dma_start3A_177] : memref<2x8192xf32, #tpu.memory_space<vmem>> -> memref<1x8192xf32, #tpu.memory_space<vmem>>
    %dma_start3A_179 = tpu.memref_squeeze %dma_start3A_178 : memref<1x8192xf32, #tpu.memory_space<vmem>> -> memref<8192xf32, #tpu.memory_space<vmem>>
    %dma_start3A_180 = tpu.memref_slice %arg4[%add3A_175] : memref<8388608xf32, #tpu.memory_space<hbm>> -> memref<8192xf32, #tpu.memory_space<hbm>>
    %dma_start3A_181 = tpu.memref_slice %arg4[%add3A_175] : memref<8388608xf32, #tpu.memory_space<hbm>> -> memref<8192xf32, #tpu.memory_space<hbm>>
    %dma_start3A_182 = arith.constant 0 : i32
    %dma_start3A_183 = tpu.memref_slice %arg9[%dma_start3A_176, %dma_start3A_182] : memref<2x8192xf32, #tpu.memory_space<vmem>> -> memref<1x8192xf32, #tpu.memory_space<vmem>>
    %dma_start3A_184 = tpu.memref_squeeze %dma_start3A_183 : memref<1x8192xf32, #tpu.memory_space<vmem>> -> memref<8192xf32, #tpu.memory_space<vmem>>
    tpu.enqueue_dma source(%dma_start3A_184 : memref<8192xf32, #tpu.memory_space<vmem>>) target(%dma_start3A_181 : memref<8192xf32, #tpu.memory_space<hbm>>) target_semaphore(%arg14 : memref<!tpu.dma_semaphore, #tpu.memory_space<semaphore_mem>>)
    %add3A_185 = arith.constant 24576 : i32
    %add3A_186 = arith.addi %add3A_25, %add3A_185 : i32
    %dma_start3A_187 = arith.constant 1 : i32
    %dma_start3A_188 = arith.constant 0 : i32
    %dma_start3A_189 = tpu.memref_slice %arg6[%dma_start3A_187, %dma_start3A_188] : memref<2x8192xf32, #tpu.memory_space<vmem>> -> memref<1x8192xf32, #tpu.memory_space<vmem>>
    %dma_start3A_190 = tpu.memref_squeeze %dma_start3A_189 : memref<1x8192xf32, #tpu.memory_space<vmem>> -> memref<8192xf32, #tpu.memory_space<vmem>>
    %dma_start3A_191 = tpu.memref_slice %arg2[%add3A_186] : memref<8388608xf32, #tpu.memory_space<hbm>> -> memref<8192xf32, #tpu.memory_space<hbm>>
    %dma_start3A_192 = arith.constant 0 : i32
    %dma_start3A_193 = tpu.memref_slice %arg6[%dma_start3A_187, %dma_start3A_192] : memref<2x8192xf32, #tpu.memory_space<vmem>> -> memref<1x8192xf32, #tpu.memory_space<vmem>>
    %dma_start3A_194 = tpu.memref_squeeze %dma_start3A_193 : memref<1x8192xf32, #tpu.memory_space<vmem>> -> memref<8192xf32, #tpu.memory_space<vmem>>
    %dma_start3A_195 = tpu.memref_slice %arg2[%add3A_186] : memref<8388608xf32, #tpu.memory_space<hbm>> -> memref<8192xf32, #tpu.memory_space<hbm>>
    tpu.enqueue_dma source(%dma_start3A_195 : memref<8192xf32, #tpu.memory_space<hbm>>) target(%dma_start3A_194 : memref<8192xf32, #tpu.memory_space<vmem>>) target_semaphore(%arg12 : memref<!tpu.dma_semaphore, #tpu.memory_space<semaphore_mem>>)
    %add3A_196 = arith.constant 24576 : i32
    %add3A_197 = arith.addi %add3A_29, %add3A_196 : i32
    %dma_start3A_198 = arith.constant 1 : i32
    %dma_start3A_199 = arith.constant 0 : i32
    %dma_start3A_200 = tpu.memref_slice %arg7[%dma_start3A_198, %dma_start3A_199] : memref<2x8192xf32, #tpu.memory_space<vmem>> -> memref<1x8192xf32, #tpu.memory_space<vmem>>
    %dma_start3A_201 = tpu.memref_squeeze %dma_start3A_200 : memref<1x8192xf32, #tpu.memory_space<vmem>> -> memref<8192xf32, #tpu.memory_space<vmem>>
    %dma_start3A_202 = tpu.memref_slice %arg2[%add3A_197] : memref<8388608xf32, #tpu.memory_space<hbm>> -> memref<8192xf32, #tpu.memory_space<hbm>>
    %dma_start3A_203 = arith.constant 0 : i32
    %dma_start3A_204 = tpu.memref_slice %arg7[%dma_start3A_198, %dma_start3A_203] : memref<2x8192xf32, #tpu.memory_space<vmem>> -> memref<1x8192xf32, #tpu.memory_space<vmem>>
    %dma_start3A_205 = tpu.memref_squeeze %dma_start3A_204 : memref<1x8192xf32, #tpu.memory_space<vmem>> -> memref<8192xf32, #tpu.memory_space<vmem>>
    %dma_start3A_206 = tpu.memref_slice %arg2[%add3A_197] : memref<8388608xf32, #tpu.memory_space<hbm>> -> memref<8192xf32, #tpu.memory_space<hbm>>
    tpu.enqueue_dma source(%dma_start3A_206 : memref<8192xf32, #tpu.memory_space<hbm>>) target(%dma_start3A_205 : memref<8192xf32, #tpu.memory_space<vmem>>) target_semaphore(%arg12 : memref<!tpu.dma_semaphore, #tpu.memory_space<semaphore_mem>>)
    %dma_wait3A_207 = arith.constant 0 : i32
    %dma_wait3A_208 = arith.constant 0 : i32
    %dma_wait3A_209 = tpu.memref_slice %arg6[%dma_wait3A_207, %dma_wait3A_208] : memref<2x8192xf32, #tpu.memory_space<vmem>> -> memref<1x8192xf32, #tpu.memory_space<vmem>>
    %dma_wait3A_210 = tpu.memref_squeeze %dma_wait3A_209 : memref<1x8192xf32, #tpu.memory_space<vmem>> -> memref<8192xf32, #tpu.memory_space<vmem>>
    %dma_wait3A_211 = tpu.memref_slice %arg2[%add3A_118] : memref<8388608xf32, #tpu.memory_space<hbm>> -> memref<8192xf32, #tpu.memory_space<hbm>>
    %dma_wait3A_212 = arith.constant 0 : i32
    %dma_wait3A_213 = tpu.memref_slice %arg6[%dma_wait3A_207, %dma_wait3A_212] : memref<2x8192xf32, #tpu.memory_space<vmem>> -> memref<1x8192xf32, #tpu.memory_space<vmem>>
    %dma_wait3A_214 = tpu.memref_squeeze %dma_wait3A_213 : memref<1x8192xf32, #tpu.memory_space<vmem>> -> memref<8192xf32, #tpu.memory_space<vmem>>
    %dma_wait3A_215 = tpu.memref_slice %arg2[%add3A_118] : memref<8388608xf32, #tpu.memory_space<hbm>> -> memref<8192xf32, #tpu.memory_space<hbm>>
    tpu.wait_dma2 semaphore(%arg11 : memref<!tpu.dma_semaphore, #tpu.memory_space<semaphore_mem>>) src(%dma_wait3A_215 : memref<8192xf32, #tpu.memory_space<hbm>>) dst(%dma_wait3A_214 : memref<8192xf32, #tpu.memory_space<vmem>>)
    %dma_wait3A_216 = arith.constant 0 : i32
    %dma_wait3A_217 = arith.constant 0 : i32
    %dma_wait3A_218 = tpu.memref_slice %arg7[%dma_wait3A_216, %dma_wait3A_217] : memref<2x8192xf32, #tpu.memory_space<vmem>> -> memref<1x8192xf32, #tpu.memory_space<vmem>>
    %dma_wait3A_219 = tpu.memref_squeeze %dma_wait3A_218 : memref<1x8192xf32, #tpu.memory_space<vmem>> -> memref<8192xf32, #tpu.memory_space<vmem>>
    %dma_wait3A_220 = tpu.memref_slice %arg2[%add3A_129] : memref<8388608xf32, #tpu.memory_space<hbm>> -> memref<8192xf32, #tpu.memory_space<hbm>>
    %dma_wait3A_221 = arith.constant 0 : i32
    %dma_wait3A_222 = tpu.memref_slice %arg7[%dma_wait3A_216, %dma_wait3A_221] : memref<2x8192xf32, #tpu.memory_space<vmem>> -> memref<1x8192xf32, #tpu.memory_space<vmem>>
    %dma_wait3A_223 = tpu.memref_squeeze %dma_wait3A_222 : memref<1x8192xf32, #tpu.memory_space<vmem>> -> memref<8192xf32, #tpu.memory_space<vmem>>
    %dma_wait3A_224 = tpu.memref_slice %arg2[%add3A_129] : memref<8388608xf32, #tpu.memory_space<hbm>> -> memref<8192xf32, #tpu.memory_space<hbm>>
    tpu.wait_dma2 semaphore(%arg11 : memref<!tpu.dma_semaphore, #tpu.memory_space<semaphore_mem>>) src(%dma_wait3A_224 : memref<8192xf32, #tpu.memory_space<hbm>>) dst(%dma_wait3A_223 : memref<8192xf32, #tpu.memory_space<vmem>>)
    %dma_wait3A_225 = arith.constant 0 : i32
    %dma_wait3A_226 = arith.constant 0 : i32
    %dma_wait3A_227 = tpu.memref_slice %arg8[%dma_wait3A_225, %dma_wait3A_226] : memref<2x8192xf32, #tpu.memory_space<vmem>> -> memref<1x8192xf32, #tpu.memory_space<vmem>>
    %dma_wait3A_228 = tpu.memref_squeeze %dma_wait3A_227 : memref<1x8192xf32, #tpu.memory_space<vmem>> -> memref<8192xf32, #tpu.memory_space<vmem>>
    %dma_wait3A_229 = tpu.memref_slice %arg4[%add3A_96] : memref<8388608xf32, #tpu.memory_space<hbm>> -> memref<8192xf32, #tpu.memory_space<hbm>>
    %dma_wait3A_230 = tpu.memref_slice %arg4[%add3A_96] : memref<8388608xf32, #tpu.memory_space<hbm>> -> memref<8192xf32, #tpu.memory_space<hbm>>
    %dma_wait3A_231 = arith.constant 0 : i32
    %dma_wait3A_232 = tpu.memref_slice %arg8[%dma_wait3A_225, %dma_wait3A_231] : memref<2x8192xf32, #tpu.memory_space<vmem>> -> memref<1x8192xf32, #tpu.memory_space<vmem>>
    %dma_wait3A_233 = tpu.memref_squeeze %dma_wait3A_232 : memref<1x8192xf32, #tpu.memory_space<vmem>> -> memref<8192xf32, #tpu.memory_space<vmem>>
    tpu.wait_dma2 semaphore(%arg13 : memref<!tpu.dma_semaphore, #tpu.memory_space<semaphore_mem>>) src(%dma_wait3A_233 : memref<8192xf32, #tpu.memory_space<vmem>>) dst(%dma_wait3A_230 : memref<8192xf32, #tpu.memory_space<hbm>>)
    %dma_wait3A_234 = arith.constant 0 : i32
    %dma_wait3A_235 = arith.constant 0 : i32
    %dma_wait3A_236 = tpu.memref_slice %arg9[%dma_wait3A_234, %dma_wait3A_235] : memref<2x8192xf32, #tpu.memory_space<vmem>> -> memref<1x8192xf32, #tpu.memory_space<vmem>>
    %dma_wait3A_237 = tpu.memref_squeeze %dma_wait3A_236 : memref<1x8192xf32, #tpu.memory_space<vmem>> -> memref<8192xf32, #tpu.memory_space<vmem>>
    %dma_wait3A_238 = tpu.memref_slice %arg4[%add3A_107] : memref<8388608xf32, #tpu.memory_space<hbm>> -> memref<8192xf32, #tpu.memory_space<hbm>>
    %dma_wait3A_239 = tpu.memref_slice %arg4[%add3A_107] : memref<8388608xf32, #tpu.memory_space<hbm>> -> memref<8192xf32, #tpu.memory_space<hbm>>
    %dma_wait3A_240 = arith.constant 0 : i32
    %dma_wait3A_241 = tpu.memref_slice %arg9[%dma_wait3A_234, %dma_wait3A_240] : memref<2x8192xf32, #tpu.memory_space<vmem>> -> memref<1x8192xf32, #tpu.memory_space<vmem>>
    %dma_wait3A_242 = tpu.memref_squeeze %dma_wait3A_241 : memref<1x8192xf32, #tpu.memory_space<vmem>> -> memref<8192xf32, #tpu.memory_space<vmem>>
    tpu.wait_dma2 semaphore(%arg13 : memref<!tpu.dma_semaphore, #tpu.memory_space<semaphore_mem>>) src(%dma_wait3A_242 : memref<8192xf32, #tpu.memory_space<vmem>>) dst(%dma_wait3A_239 : memref<8192xf32, #tpu.memory_space<hbm>>)
    %scan3A_243 = arith.constant 0 : i32
    %scan3A_244 = arith.constant 0 : i32
    %scan3A_245 = arith.constant 512 : i32
    %scan3A_246 = arith.addi %scan3A_244, %scan3A_245 : i32
    %scan3A_247 = arith.constant 8 : i32
    scf.for %scan3A_720 = %scan3A_244 to %scan3A_246 step %scan3A_247  : i32 {
      %mul3A_721 = arith.constant 16 : i32
      %mul3A_722 = arith.muli %scan3A_720, %mul3A_721 : i32
      %get3A_723 = arith.constant 0 : i32
      %get3A_724 = arith.index_cast %get3A_723 : i32 to index
      %get3A_725 = arith.index_cast %mul3A_722 : i32 to index
      %get3A_726 = tpu.vector_load %arg6[%get3A_724, %get3A_725] {strides = array<i32>} : memref<2x8192xf32, #tpu.memory_space<vmem>>, vector<1x16xf32>,
      %get3A_727 = vector.shape_cast %get3A_726 : vector<1x16xf32> to vector<16xf32>
      %get3A_728 = arith.constant 0 : i32
      %get3A_729 = arith.index_cast %get3A_728 : i32 to index
      %get3A_730 = arith.index_cast %mul3A_722 : i32 to index
      %get3A_731 = tpu.vector_load %arg7[%get3A_729, %get3A_730] {strides = array<i32>} : memref<2x8192xf32, #tpu.memory_space<vmem>>, vector<1x16xf32>,
      %get3A_732 = vector.shape_cast %get3A_731 : vector<1x16xf32> to vector<16xf32>
      %mul3A_733 = arith.mulf %get3A_6, %get3A_727 : vector<16xf32>
      %mul3A_734 = arith.mulf %get3A_11, %get3A_732 : vector<16xf32>
      %add3A_735 = arith.addf %mul3A_733, %mul3A_734 : vector<16xf32>
      %swap3A = arith.constant 0 : i32
      %swap3A_736 = arith.index_cast %swap3A : i32 to index
      %swap3A_737 = arith.index_cast %mul3A_722 : i32 to index
      %swap3A_738 = tpu.vector_load %arg8[%swap3A_736, %swap3A_737] {strides = array<i32>} : memref<2x8192xf32, #tpu.memory_space<vmem>>, vector<1x16xf32>,
      %swap3A_739 = vector.shape_cast %swap3A_738 : vector<1x16xf32> to vector<16xf32>
      %swap3A_740 = vector.shape_cast %add3A_735 : vector<16xf32> to vector<1x16xf32>
      tpu.vector_store %arg8[%swap3A_736, %swap3A_737], %swap3A_740 {strides = array<i32>} : memref<2x8192xf32, #tpu.memory_space<vmem>>, vector<1x16xf32>,
      %mul3A_741 = arith.mulf %get3A_16, %get3A_727 : vector<16xf32>
      %mul3A_742 = arith.mulf %get3A_21, %get3A_732 : vector<16xf32>
      %add3A_743 = arith.addf %mul3A_741, %mul3A_742 : vector<16xf32>
      %swap3A_744 = arith.constant 0 : i32
      %swap3A_745 = arith.index_cast %swap3A_744 : i32 to index
      %swap3A_746 = arith.index_cast %mul3A_722 : i32 to index
      %swap3A_747 = tpu.vector_load %arg9[%swap3A_745, %swap3A_746] {strides = array<i32>} : memref<2x8192xf32, #tpu.memory_space<vmem>>, vector<1x16xf32>,
      %swap3A_748 = vector.shape_cast %swap3A_747 : vector<1x16xf32> to vector<16xf32>
      %swap3A_749 = vector.shape_cast %add3A_743 : vector<16xf32> to vector<1x16xf32>
      tpu.vector_store %arg9[%swap3A_745, %swap3A_746], %swap3A_749 {strides = array<i32>} : memref<2x8192xf32, #tpu.memory_space<vmem>>, vector<1x16xf32>,
      %scan3A_750 = arith.constant 1 : i32
      %scan3A_751 = arith.addi %scan3A_720, %scan3A_750 : i32
      %mul3A_752 = arith.constant 16 : i32
      %mul3A_753 = arith.muli %scan3A_751, %mul3A_752 : i32
      %get3A_754 = arith.constant 0 : i32
      %get3A_755 = arith.index_cast %get3A_754 : i32 to index
      %get3A_756 = arith.index_cast %mul3A_753 : i32 to index
      %get3A_757 = tpu.vector_load %arg6[%get3A_755, %get3A_756] {strides = array<i32>} : memref<2x8192xf32, #tpu.memory_space<vmem>>, vector<1x16xf32>,
      %get3A_758 = vector.shape_cast %get3A_757 : vector<1x16xf32> to vector<16xf32>
      %get3A_759 = arith.constant 0 : i32
      %get3A_760 = arith.index_cast %get3A_759 : i32 to index
      %get3A_761 = arith.index_cast %mul3A_753 : i32 to index
      %get3A_762 = tpu.vector_load %arg7[%get3A_760, %get3A_761] {strides = array<i32>} : memref<2x8192xf32, #tpu.memory_space<vmem>>, vector<1x16xf32>,
      %get3A_763 = vector.shape_cast %get3A_762 : vector<1x16xf32> to vector<16xf32>
      %mul3A_764 = arith.mulf %get3A_6, %get3A_758 : vector<16xf32>
      %mul3A_765 = arith.mulf %get3A_11, %get3A_763 : vector<16xf32>
      %add3A_766 = arith.addf %mul3A_764, %mul3A_765 : vector<16xf32>
      %swap3A_767 = arith.constant 0 : i32
      %swap3A_768 = arith.index_cast %swap3A_767 : i32 to index
      %swap3A_769 = arith.index_cast %mul3A_753 : i32 to index
      %swap3A_770 = tpu.vector_load %arg8[%swap3A_768, %swap3A_769] {strides = array<i32>} : memref<2x8192xf32, #tpu.memory_space<vmem>>, vector<1x16xf32>,
      %swap3A_771 = vector.shape_cast %swap3A_770 : vector<1x16xf32> to vector<16xf32>
      %swap3A_772 = vector.shape_cast %add3A_766 : vector<16xf32> to vector<1x16xf32>
      tpu.vector_store %arg8[%swap3A_768, %swap3A_769], %swap3A_772 {strides = array<i32>} : memref<2x8192xf32, #tpu.memory_space<vmem>>, vector<1x16xf32>,
      %mul3A_773 = arith.mulf %get3A_16, %get3A_758 : vector<16xf32>
      %mul3A_774 = arith.mulf %get3A_21, %get3A_763 : vector<16xf32>
      %add3A_775 = arith.addf %mul3A_773, %mul3A_774 : vector<16xf32>
      %swap3A_776 = arith.constant 0 : i32
      %swap3A_777 = arith.index_cast %swap3A_776 : i32 to index
      %swap3A_778 = arith.index_cast %mul3A_753 : i32 to index
      %swap3A_779 = tpu.vector_load %arg9[%swap3A_777, %swap3A_778] {strides = array<i32>} : memref<2x8192xf32, #tpu.memory_space<vmem>>, vector<1x16xf32>,
      %swap3A_780 = vector.shape_cast %swap3A_779 : vector<1x16xf32> to vector<16xf32>
      %swap3A_781 = vector.shape_cast %add3A_775 : vector<16xf32> to vector<1x16xf32>
      tpu.vector_store %arg9[%swap3A_777, %swap3A_778], %swap3A_781 {strides = array<i32>} : memref<2x8192xf32, #tpu.memory_space<vmem>>, vector<1x16xf32>,
      %scan3A_782 = arith.constant 2 : i32
      %scan3A_783 = arith.addi %scan3A_720, %scan3A_782 : i32
      %mul3A_784 = arith.constant 16 : i32
      %mul3A_785 = arith.muli %scan3A_783, %mul3A_784 : i32
      %get3A_786 = arith.constant 0 : i32
      %get3A_787 = arith.index_cast %get3A_786 : i32 to index
      %get3A_788 = arith.index_cast %mul3A_785 : i32 to index
      %get3A_789 = tpu.vector_load %arg6[%get3A_787, %get3A_788] {strides = array<i32>} : memref<2x8192xf32, #tpu.memory_space<vmem>>, vector<1x16xf32>,
      %get3A_790 = vector.shape_cast %get3A_789 : vector<1x16xf32> to vector<16xf32>
      %get3A_791 = arith.constant 0 : i32
      %get3A_792 = arith.index_cast %get3A_791 : i32 to index
      %get3A_793 = arith.index_cast %mul3A_785 : i32 to index
      %get3A_794 = tpu.vector_load %arg7[%get3A_792, %get3A_793] {strides = array<i32>} : memref<2x8192xf32, #tpu.memory_space<vmem>>, vector<1x16xf32>,
      %get3A_795 = vector.shape_cast %get3A_794 : vector<1x16xf32> to vector<16xf32>
      %mul3A_796 = arith.mulf %get3A_6, %get3A_790 : vector<16xf32>
      %mul3A_797 = arith.mulf %get3A_11, %get3A_795 : vector<16xf32>
      %add3A_798 = arith.addf %mul3A_796, %mul3A_797 : vector<16xf32>
      %swap3A_799 = arith.constant 0 : i32
      %swap3A_800 = arith.index_cast %swap3A_799 : i32 to index
      %swap3A_801 = arith.index_cast %mul3A_785 : i32 to index
      %swap3A_802 = tpu.vector_load %arg8[%swap3A_800, %swap3A_801] {strides = array<i32>} : memref<2x8192xf32, #tpu.memory_space<vmem>>, vector<1x16xf32>,
      %swap3A_803 = vector.shape_cast %swap3A_802 : vector<1x16xf32> to vector<16xf32>
      %swap3A_804 = vector.shape_cast %add3A_798 : vector<16xf32> to vector<1x16xf32>
      tpu.vector_store %arg8[%swap3A_800, %swap3A_801], %swap3A_804 {strides = array<i32>} : memref<2x8192xf32, #tpu.memory_space<vmem>>, vector<1x16xf32>,
      %mul3A_805 = arith.mulf %get3A_16, %get3A_790 : vector<16xf32>
      %mul3A_806 = arith.mulf %get3A_21, %get3A_795 : vector<16xf32>
      %add3A_807 = arith.addf %mul3A_805, %mul3A_806 : vector<16xf32>
      %swap3A_808 = arith.constant 0 : i32
      %swap3A_809 = arith.index_cast %swap3A_808 : i32 to index
      %swap3A_810 = arith.index_cast %mul3A_785 : i32 to index
      %swap3A_811 = tpu.vector_load %arg9[%swap3A_809, %swap3A_810] {strides = array<i32>} : memref<2x8192xf32, #tpu.memory_space<vmem>>, vector<1x16xf32>,
      %swap3A_812 = vector.shape_cast %swap3A_811 : vector<1x16xf32> to vector<16xf32>
      %swap3A_813 = vector.shape_cast %add3A_807 : vector<16xf32> to vector<1x16xf32>
      tpu.vector_store %arg9[%swap3A_809, %swap3A_810], %swap3A_813 {strides = array<i32>} : memref<2x8192xf32, #tpu.memory_space<vmem>>, vector<1x16xf32>,
      %scan3A_814 = arith.constant 3 : i32
      %scan3A_815 = arith.addi %scan3A_720, %scan3A_814 : i32
      %mul3A_816 = arith.constant 16 : i32
      %mul3A_817 = arith.muli %scan3A_815, %mul3A_816 : i32
      %get3A_818 = arith.constant 0 : i32
      %get3A_819 = arith.index_cast %get3A_818 : i32 to index
      %get3A_820 = arith.index_cast %mul3A_817 : i32 to index
      %get3A_821 = tpu.vector_load %arg6[%get3A_819, %get3A_820] {strides = array<i32>} : memref<2x8192xf32, #tpu.memory_space<vmem>>, vector<1x16xf32>,
      %get3A_822 = vector.shape_cast %get3A_821 : vector<1x16xf32> to vector<16xf32>
      %get3A_823 = arith.constant 0 : i32
      %get3A_824 = arith.index_cast %get3A_823 : i32 to index
      %get3A_825 = arith.index_cast %mul3A_817 : i32 to index
      %get3A_826 = tpu.vector_load %arg7[%get3A_824, %get3A_825] {strides = array<i32>} : memref<2x8192xf32, #tpu.memory_space<vmem>>, vector<1x16xf32>,
      %get3A_827 = vector.shape_cast %get3A_826 : vector<1x16xf32> to vector<16xf32>
      %mul3A_828 = arith.mulf %get3A_6, %get3A_822 : vector<16xf32>
      %mul3A_829 = arith.mulf %get3A_11, %get3A_827 : vector<16xf32>
      %add3A_830 = arith.addf %mul3A_828, %mul3A_829 : vector<16xf32>
      %swap3A_831 = arith.constant 0 : i32
      %swap3A_832 = arith.index_cast %swap3A_831 : i32 to index
      %swap3A_833 = arith.index_cast %mul3A_817 : i32 to index
      %swap3A_834 = tpu.vector_load %arg8[%swap3A_832, %swap3A_833] {strides = array<i32>} : memref<2x8192xf32, #tpu.memory_space<vmem>>, vector<1x16xf32>,
      %swap3A_835 = vector.shape_cast %swap3A_834 : vector<1x16xf32> to vector<16xf32>
      %swap3A_836 = vector.shape_cast %add3A_830 : vector<16xf32> to vector<1x16xf32>
      tpu.vector_store %arg8[%swap3A_832, %swap3A_833], %swap3A_836 {strides = array<i32>} : memref<2x8192xf32, #tpu.memory_space<vmem>>, vector<1x16xf32>,
      %mul3A_837 = arith.mulf %get3A_16, %get3A_822 : vector<16xf32>
      %mul3A_838 = arith.mulf %get3A_21, %get3A_827 : vector<16xf32>
      %add3A_839 = arith.addf %mul3A_837, %mul3A_838 : vector<16xf32>
      %swap3A_840 = arith.constant 0 : i32
      %swap3A_841 = arith.index_cast %swap3A_840 : i32 to index
      %swap3A_842 = arith.index_cast %mul3A_817 : i32 to index
      %swap3A_843 = tpu.vector_load %arg9[%swap3A_841, %swap3A_842] {strides = array<i32>} : memref<2x8192xf32, #tpu.memory_space<vmem>>, vector<1x16xf32>,
      %swap3A_844 = vector.shape_cast %swap3A_843 : vector<1x16xf32> to vector<16xf32>
      %swap3A_845 = vector.shape_cast %add3A_839 : vector<16xf32> to vector<1x16xf32>
      tpu.vector_store %arg9[%swap3A_841, %swap3A_842], %swap3A_845 {strides = array<i32>} : memref<2x8192xf32, #tpu.memory_space<vmem>>, vector<1x16xf32>,
      %scan3A_846 = arith.constant 4 : i32
      %scan3A_847 = arith.addi %scan3A_720, %scan3A_846 : i32
      %mul3A_848 = arith.constant 16 : i32
      %mul3A_849 = arith.muli %scan3A_847, %mul3A_848 : i32
      %get3A_850 = arith.constant 0 : i32
      %get3A_851 = arith.index_cast %get3A_850 : i32 to index
      %get3A_852 = arith.index_cast %mul3A_849 : i32 to index
      %get3A_853 = tpu.vector_load %arg6[%get3A_851, %get3A_852] {strides = array<i32>} : memref<2x8192xf32, #tpu.memory_space<vmem>>, vector<1x16xf32>,
      %get3A_854 = vector.shape_cast %get3A_853 : vector<1x16xf32> to vector<16xf32>
      %get3A_855 = arith.constant 0 : i32
      %get3A_856 = arith.index_cast %get3A_855 : i32 to index
      %get3A_857 = arith.index_cast %mul3A_849 : i32 to index
      %get3A_858 = tpu.vector_load %arg7[%get3A_856, %get3A_857] {strides = array<i32>} : memref<2x8192xf32, #tpu.memory_space<vmem>>, vector<1x16xf32>,
      %get3A_859 = vector.shape_cast %get3A_858 : vector<1x16xf32> to vector<16xf32>
      %mul3A_860 = arith.mulf %get3A_6, %get3A_854 : vector<16xf32>
      %mul3A_861 = arith.mulf %get3A_11, %get3A_859 : vector<16xf32>
      %add3A_862 = arith.addf %mul3A_860, %mul3A_861 : vector<16xf32>
      %swap3A_863 = arith.constant 0 : i32
      %swap3A_864 = arith.index_cast %swap3A_863 : i32 to index
      %swap3A_865 = arith.index_cast %mul3A_849 : i32 to index
      %swap3A_866 = tpu.vector_load %arg8[%swap3A_864, %swap3A_865] {strides = array<i32>} : memref<2x8192xf32, #tpu.memory_space<vmem>>, vector<1x16xf32>,
      %swap3A_867 = vector.shape_cast %swap3A_866 : vector<1x16xf32> to vector<16xf32>
      %swap3A_868 = vector.shape_cast %add3A_862 : vector<16xf32> to vector<1x16xf32>
      tpu.vector_store %arg8[%swap3A_864, %swap3A_865], %swap3A_868 {strides = array<i32>} : memref<2x8192xf32, #tpu.memory_space<vmem>>, vector<1x16xf32>,
      %mul3A_869 = arith.mulf %get3A_16, %get3A_854 : vector<16xf32>
      %mul3A_870 = arith.mulf %get3A_21, %get3A_859 : vector<16xf32>
      %add3A_871 = arith.addf %mul3A_869, %mul3A_870 : vector<16xf32>
      %swap3A_872 = arith.constant 0 : i32
      %swap3A_873 = arith.index_cast %swap3A_872 : i32 to index
      %swap3A_874 = arith.index_cast %mul3A_849 : i32 to index
      %swap3A_875 = tpu.vector_load %arg9[%swap3A_873, %swap3A_874] {strides = array<i32>} : memref<2x8192xf32, #tpu.memory_space<vmem>>, vector<1x16xf32>,
      %swap3A_876 = vector.shape_cast %swap3A_875 : vector<1x16xf32> to vector<16xf32>
      %swap3A_877 = vector.shape_cast %add3A_871 : vector<16xf32> to vector<1x16xf32>
      tpu.vector_store %arg9[%swap3A_873, %swap3A_874], %swap3A_877 {strides = array<i32>} : memref<2x8192xf32, #tpu.memory_space<vmem>>, vector<1x16xf32>,
      %scan3A_878 = arith.constant 5 : i32
      %scan3A_879 = arith.addi %scan3A_720, %scan3A_878 : i32
      %mul3A_880 = arith.constant 16 : i32
      %mul3A_881 = arith.muli %scan3A_879, %mul3A_880 : i32
      %get3A_882 = arith.constant 0 : i32
      %get3A_883 = arith.index_cast %get3A_882 : i32 to index
      %get3A_884 = arith.index_cast %mul3A_881 : i32 to index
      %get3A_885 = tpu.vector_load %arg6[%get3A_883, %get3A_884] {strides = array<i32>} : memref<2x8192xf32, #tpu.memory_space<vmem>>, vector<1x16xf32>,
      %get3A_886 = vector.shape_cast %get3A_885 : vector<1x16xf32> to vector<16xf32>
      %get3A_887 = arith.constant 0 : i32
      %get3A_888 = arith.index_cast %get3A_887 : i32 to index
      %get3A_889 = arith.index_cast %mul3A_881 : i32 to index
      %get3A_890 = tpu.vector_load %arg7[%get3A_888, %get3A_889] {strides = array<i32>} : memref<2x8192xf32, #tpu.memory_space<vmem>>, vector<1x16xf32>,
      %get3A_891 = vector.shape_cast %get3A_890 : vector<1x16xf32> to vector<16xf32>
      %mul3A_892 = arith.mulf %get3A_6, %get3A_886 : vector<16xf32>
      %mul3A_893 = arith.mulf %get3A_11, %get3A_891 : vector<16xf32>
      %add3A_894 = arith.addf %mul3A_892, %mul3A_893 : vector<16xf32>
      %swap3A_895 = arith.constant 0 : i32
      %swap3A_896 = arith.index_cast %swap3A_895 : i32 to index
      %swap3A_897 = arith.index_cast %mul3A_881 : i32 to index
      %swap3A_898 = tpu.vector_load %arg8[%swap3A_896, %swap3A_897] {strides = array<i32>} : memref<2x8192xf32, #tpu.memory_space<vmem>>, vector<1x16xf32>,
      %swap3A_899 = vector.shape_cast %swap3A_898 : vector<1x16xf32> to vector<16xf32>
      %swap3A_900 = vector.shape_cast %add3A_894 : vector<16xf32> to vector<1x16xf32>
      tpu.vector_store %arg8[%swap3A_896, %swap3A_897], %swap3A_900 {strides = array<i32>} : memref<2x8192xf32, #tpu.memory_space<vmem>>, vector<1x16xf32>,
      %mul3A_901 = arith.mulf %get3A_16, %get3A_886 : vector<16xf32>
      %mul3A_902 = arith.mulf %get3A_21, %get3A_891 : vector<16xf32>
      %add3A_903 = arith.addf %mul3A_901, %mul3A_902 : vector<16xf32>
      %swap3A_904 = arith.constant 0 : i32
      %swap3A_905 = arith.index_cast %swap3A_904 : i32 to index
      %swap3A_906 = arith.index_cast %mul3A_881 : i32 to index
      %swap3A_907 = tpu.vector_load %arg9[%swap3A_905, %swap3A_906] {strides = array<i32>} : memref<2x8192xf32, #tpu.memory_space<vmem>>, vector<1x16xf32>,
      %swap3A_908 = vector.shape_cast %swap3A_907 : vector<1x16xf32> to vector<16xf32>
      %swap3A_909 = vector.shape_cast %add3A_903 : vector<16xf32> to vector<1x16xf32>
      tpu.vector_store %arg9[%swap3A_905, %swap3A_906], %swap3A_909 {strides = array<i32>} : memref<2x8192xf32, #tpu.memory_space<vmem>>, vector<1x16xf32>,
      %scan3A_910 = arith.constant 6 : i32
      %scan3A_911 = arith.addi %scan3A_720, %scan3A_910 : i32
      %mul3A_912 = arith.constant 16 : i32
      %mul3A_913 = arith.muli %scan3A_911, %mul3A_912 : i32
      %get3A_914 = arith.constant 0 : i32
      %get3A_915 = arith.index_cast %get3A_914 : i32 to index
      %get3A_916 = arith.index_cast %mul3A_913 : i32 to index
      %get3A_917 = tpu.vector_load %arg6[%get3A_915, %get3A_916] {strides = array<i32>} : memref<2x8192xf32, #tpu.memory_space<vmem>>, vector<1x16xf32>,
      %get3A_918 = vector.shape_cast %get3A_917 : vector<1x16xf32> to vector<16xf32>
      %get3A_919 = arith.constant 0 : i32
      %get3A_920 = arith.index_cast %get3A_919 : i32 to index
      %get3A_921 = arith.index_cast %mul3A_913 : i32 to index
      %get3A_922 = tpu.vector_load %arg7[%get3A_920, %get3A_921] {strides = array<i32>} : memref<2x8192xf32, #tpu.memory_space<vmem>>, vector<1x16xf32>,
      %get3A_923 = vector.shape_cast %get3A_922 : vector<1x16xf32> to vector<16xf32>
      %mul3A_924 = arith.mulf %get3A_6, %get3A_918 : vector<16xf32>
      %mul3A_925 = arith.mulf %get3A_11, %get3A_923 : vector<16xf32>
      %add3A_926 = arith.addf %mul3A_924, %mul3A_925 : vector<16xf32>
      %swap3A_927 = arith.constant 0 : i32
      %swap3A_928 = arith.index_cast %swap3A_927 : i32 to index
      %swap3A_929 = arith.index_cast %mul3A_913 : i32 to index
      %swap3A_930 = tpu.vector_load %arg8[%swap3A_928, %swap3A_929] {strides = array<i32>} : memref<2x8192xf32, #tpu.memory_space<vmem>>, vector<1x16xf32>,
      %swap3A_931 = vector.shape_cast %swap3A_930 : vector<1x16xf32> to vector<16xf32>
      %swap3A_932 = vector.shape_cast %add3A_926 : vector<16xf32> to vector<1x16xf32>
      tpu.vector_store %arg8[%swap3A_928, %swap3A_929], %swap3A_932 {strides = array<i32>} : memref<2x8192xf32, #tpu.memory_space<vmem>>, vector<1x16xf32>,
      %mul3A_933 = arith.mulf %get3A_16, %get3A_918 : vector<16xf32>
      %mul3A_934 = arith.mulf %get3A_21, %get3A_923 : vector<16xf32>
      %add3A_935 = arith.addf %mul3A_933, %mul3A_934 : vector<16xf32>
      %swap3A_936 = arith.constant 0 : i32
      %swap3A_937 = arith.index_cast %swap3A_936 : i32 to index
      %swap3A_938 = arith.index_cast %mul3A_913 : i32 to index
      %swap3A_939 = tpu.vector_load %arg9[%swap3A_937, %swap3A_938] {strides = array<i32>} : memref<2x8192xf32, #tpu.memory_space<vmem>>, vector<1x16xf32>,
      %swap3A_940 = vector.shape_cast %swap3A_939 : vector<1x16xf32> to vector<16xf32>
      %swap3A_941 = vector.shape_cast %add3A_935 : vector<16xf32> to vector<1x16xf32>
      tpu.vector_store %arg9[%swap3A_937, %swap3A_938], %swap3A_941 {strides = array<i32>} : memref<2x8192xf32, #tpu.memory_space<vmem>>, vector<1x16xf32>,
      %scan3A_942 = arith.constant 7 : i32
      %scan3A_943 = arith.addi %scan3A_720, %scan3A_942 : i32
      %mul3A_944 = arith.constant 16 : i32
      %mul3A_945 = arith.muli %scan3A_943, %mul3A_944 : i32
      %get3A_946 = arith.constant 0 : i32
      %get3A_947 = arith.index_cast %get3A_946 : i32 to index
      %get3A_948 = arith.index_cast %mul3A_945 : i32 to index
      %get3A_949 = tpu.vector_load %arg6[%get3A_947, %get3A_948] {strides = array<i32>} : memref<2x8192xf32, #tpu.memory_space<vmem>>, vector<1x16xf32>,
      %get3A_950 = vector.shape_cast %get3A_949 : vector<1x16xf32> to vector<16xf32>
      %get3A_951 = arith.constant 0 : i32
      %get3A_952 = arith.index_cast %get3A_951 : i32 to index
      %get3A_953 = arith.index_cast %mul3A_945 : i32 to index
      %get3A_954 = tpu.vector_load %arg7[%get3A_952, %get3A_953] {strides = array<i32>} : memref<2x8192xf32, #tpu.memory_space<vmem>>, vector<1x16xf32>,
      %get3A_955 = vector.shape_cast %get3A_954 : vector<1x16xf32> to vector<16xf32>
      %mul3A_956 = arith.mulf %get3A_6, %get3A_950 : vector<16xf32>
      %mul3A_957 = arith.mulf %get3A_11, %get3A_955 : vector<16xf32>
      %add3A_958 = arith.addf %mul3A_956, %mul3A_957 : vector<16xf32>
      %swap3A_959 = arith.constant 0 : i32
      %swap3A_960 = arith.index_cast %swap3A_959 : i32 to index
      %swap3A_961 = arith.index_cast %mul3A_945 : i32 to index
      %swap3A_962 = tpu.vector_load %arg8[%swap3A_960, %swap3A_961] {strides = array<i32>} : memref<2x8192xf32, #tpu.memory_space<vmem>>, vector<1x16xf32>,
      %swap3A_963 = vector.shape_cast %swap3A_962 : vector<1x16xf32> to vector<16xf32>
      %swap3A_964 = vector.shape_cast %add3A_958 : vector<16xf32> to vector<1x16xf32>
      tpu.vector_store %arg8[%swap3A_960, %swap3A_961], %swap3A_964 {strides = array<i32>} : memref<2x8192xf32, #tpu.memory_space<vmem>>, vector<1x16xf32>,
      %mul3A_965 = arith.mulf %get3A_16, %get3A_950 : vector<16xf32>
      %mul3A_966 = arith.mulf %get3A_21, %get3A_955 : vector<16xf32>
      %add3A_967 = arith.addf %mul3A_965, %mul3A_966 : vector<16xf32>
      %swap3A_968 = arith.constant 0 : i32
      %swap3A_969 = arith.index_cast %swap3A_968 : i32 to index
      %swap3A_970 = arith.index_cast %mul3A_945 : i32 to index
      %swap3A_971 = tpu.vector_load %arg9[%swap3A_969, %swap3A_970] {strides = array<i32>} : memref<2x8192xf32, #tpu.memory_space<vmem>>, vector<1x16xf32>,
      %swap3A_972 = vector.shape_cast %swap3A_971 : vector<1x16xf32> to vector<16xf32>
      %swap3A_973 = vector.shape_cast %add3A_967 : vector<16xf32> to vector<1x16xf32>
      tpu.vector_store %arg9[%swap3A_969, %swap3A_970], %swap3A_973 {strides = array<i32>} : memref<2x8192xf32, #tpu.memory_space<vmem>>, vector<1x16xf32>,
    }
    %scan3A_248 = arith.constant 512 : i32
    %add3A_249 = arith.constant 16384 : i32
    %add3A_250 = arith.addi %add3A_25, %add3A_249 : i32
    %dma_start3A_251 = arith.constant 0 : i32
    %dma_start3A_252 = arith.constant 0 : i32
    %dma_start3A_253 = tpu.memref_slice %arg8[%dma_start3A_251, %dma_start3A_252] : memref<2x8192xf32, #tpu.memory_space<vmem>> -> memref<1x8192xf32, #tpu.memory_space<vmem>>
    %dma_start3A_254 = tpu.memref_squeeze %dma_start3A_253 : memref<1x8192xf32, #tpu.memory_space<vmem>> -> memref<8192xf32, #tpu.memory_space<vmem>>
    %dma_start3A_255 = tpu.memref_slice %arg4[%add3A_250] : memref<8388608xf32, #tpu.memory_space<hbm>> -> memref<8192xf32, #tpu.memory_space<hbm>>
    %dma_start3A_256 = tpu.memref_slice %arg4[%add3A_250] : memref<8388608xf32, #tpu.memory_space<hbm>> -> memref<8192xf32, #tpu.memory_space<hbm>>
    %dma_start3A_257 = arith.constant 0 : i32
    %dma_start3A_258 = tpu.memref_slice %arg8[%dma_start3A_251, %dma_start3A_257] : memref<2x8192xf32, #tpu.memory_space<vmem>> -> memref<1x8192xf32, #tpu.memory_space<vmem>>
    %dma_start3A_259 = tpu.memref_squeeze %dma_start3A_258 : memref<1x8192xf32, #tpu.memory_space<vmem>> -> memref<8192xf32, #tpu.memory_space<vmem>>
    tpu.enqueue_dma source(%dma_start3A_259 : memref<8192xf32, #tpu.memory_space<vmem>>) target(%dma_start3A_256 : memref<8192xf32, #tpu.memory_space<hbm>>) target_semaphore(%arg13 : memref<!tpu.dma_semaphore, #tpu.memory_space<semaphore_mem>>)
    %add3A_260 = arith.constant 16384 : i32
    %add3A_261 = arith.addi %add3A_29, %add3A_260 : i32
    %dma_start3A_262 = arith.constant 0 : i32
    %dma_start3A_263 = arith.constant 0 : i32
    %dma_start3A_264 = tpu.memref_slice %arg9[%dma_start3A_262, %dma_start3A_263] : memref<2x8192xf32, #tpu.memory_space<vmem>> -> memref<1x8192xf32, #tpu.memory_space<vmem>>
    %dma_start3A_265 = tpu.memref_squeeze %dma_start3A_264 : memref<1x8192xf32, #tpu.memory_space<vmem>> -> memref<8192xf32, #tpu.memory_space<vmem>>
    %dma_start3A_266 = tpu.memref_slice %arg4[%add3A_261] : memref<8388608xf32, #tpu.memory_space<hbm>> -> memref<8192xf32, #tpu.memory_space<hbm>>
    %dma_start3A_267 = tpu.memref_slice %arg4[%add3A_261] : memref<8388608xf32, #tpu.memory_space<hbm>> -> memref<8192xf32, #tpu.memory_space<hbm>>
    %dma_start3A_268 = arith.constant 0 : i32
    %dma_start3A_269 = tpu.memref_slice %arg9[%dma_start3A_262, %dma_start3A_268] : memref<2x8192xf32, #tpu.memory_space<vmem>> -> memref<1x8192xf32, #tpu.memory_space<vmem>>
    %dma_start3A_270 = tpu.memref_squeeze %dma_start3A_269 : memref<1x8192xf32, #tpu.memory_space<vmem>> -> memref<8192xf32, #tpu.memory_space<vmem>>
    tpu.enqueue_dma source(%dma_start3A_270 : memref<8192xf32, #tpu.memory_space<vmem>>) target(%dma_start3A_267 : memref<8192xf32, #tpu.memory_space<hbm>>) target_semaphore(%arg13 : memref<!tpu.dma_semaphore, #tpu.memory_space<semaphore_mem>>)
    %add3A_271 = arith.constant 32768 : i32
    %add3A_272 = arith.addi %add3A_25, %add3A_271 : i32
    %dma_start3A_273 = arith.constant 0 : i32
    %dma_start3A_274 = arith.constant 0 : i32
    %dma_start3A_275 = tpu.memref_slice %arg6[%dma_start3A_273, %dma_start3A_274] : memref<2x8192xf32, #tpu.memory_space<vmem>> -> memref<1x8192xf32, #tpu.memory_space<vmem>>
    %dma_start3A_276 = tpu.memref_squeeze %dma_start3A_275 : memref<1x8192xf32, #tpu.memory_space<vmem>> -> memref<8192xf32, #tpu.memory_space<vmem>>
    %dma_start3A_277 = tpu.memref_slice %arg2[%add3A_272] : memref<8388608xf32, #tpu.memory_space<hbm>> -> memref<8192xf32, #tpu.memory_space<hbm>>
    %dma_start3A_278 = arith.constant 0 : i32
    %dma_start3A_279 = tpu.memref_slice %arg6[%dma_start3A_273, %dma_start3A_278] : memref<2x8192xf32, #tpu.memory_space<vmem>> -> memref<1x8192xf32, #tpu.memory_space<vmem>>
    %dma_start3A_280 = tpu.memref_squeeze %dma_start3A_279 : memref<1x8192xf32, #tpu.memory_space<vmem>> -> memref<8192xf32, #tpu.memory_space<vmem>>
    %dma_start3A_281 = tpu.memref_slice %arg2[%add3A_272] : memref<8388608xf32, #tpu.memory_space<hbm>> -> memref<8192xf32, #tpu.memory_space<hbm>>
    tpu.enqueue_dma source(%dma_start3A_281 : memref<8192xf32, #tpu.memory_space<hbm>>) target(%dma_start3A_280 : memref<8192xf32, #tpu.memory_space<vmem>>) target_semaphore(%arg11 : memref<!tpu.dma_semaphore, #tpu.memory_space<semaphore_mem>>)
    %add3A_282 = arith.constant 32768 : i32
    %add3A_283 = arith.addi %add3A_29, %add3A_282 : i32
    %dma_start3A_284 = arith.constant 0 : i32
    %dma_start3A_285 = arith.constant 0 : i32
    %dma_start3A_286 = tpu.memref_slice %arg7[%dma_start3A_284, %dma_start3A_285] : memref<2x8192xf32, #tpu.memory_space<vmem>> -> memref<1x8192xf32, #tpu.memory_space<vmem>>
    %dma_start3A_287 = tpu.memref_squeeze %dma_start3A_286 : memref<1x8192xf32, #tpu.memory_space<vmem>> -> memref<8192xf32, #tpu.memory_space<vmem>>
    %dma_start3A_288 = tpu.memref_slice %arg2[%add3A_283] : memref<8388608xf32, #tpu.memory_space<hbm>> -> memref<8192xf32, #tpu.memory_space<hbm>>
    %dma_start3A_289 = arith.constant 0 : i32
    %dma_start3A_290 = tpu.memref_slice %arg7[%dma_start3A_284, %dma_start3A_289] : memref<2x8192xf32, #tpu.memory_space<vmem>> -> memref<1x8192xf32, #tpu.memory_space<vmem>>
    %dma_start3A_291 = tpu.memref_squeeze %dma_start3A_290 : memref<1x8192xf32, #tpu.memory_space<vmem>> -> memref<8192xf32, #tpu.memory_space<vmem>>
    %dma_start3A_292 = tpu.memref_slice %arg2[%add3A_283] : memref<8388608xf32, #tpu.memory_space<hbm>> -> memref<8192xf32, #tpu.memory_space<hbm>>
    tpu.enqueue_dma source(%dma_start3A_292 : memref<8192xf32, #tpu.memory_space<hbm>>) target(%dma_start3A_291 : memref<8192xf32, #tpu.memory_space<vmem>>) target_semaphore(%arg11 : memref<!tpu.dma_semaphore, #tpu.memory_space<semaphore_mem>>)
    %dma_wait3A_293 = arith.constant 1 : i32
    %dma_wait3A_294 = arith.constant 0 : i32
    %dma_wait3A_295 = tpu.memref_slice %arg6[%dma_wait3A_293, %dma_wait3A_294] : memref<2x8192xf32, #tpu.memory_space<vmem>> -> memref<1x8192xf32, #tpu.memory_space<vmem>>
    %dma_wait3A_296 = tpu.memref_squeeze %dma_wait3A_295 : memref<1x8192xf32, #tpu.memory_space<vmem>> -> memref<8192xf32, #tpu.memory_space<vmem>>
    %dma_wait3A_297 = tpu.memref_slice %arg2[%add3A_186] : memref<8388608xf32, #tpu.memory_space<hbm>> -> memref<8192xf32, #tpu.memory_space<hbm>>
    %dma_wait3A_298 = arith.constant 0 : i32
    %dma_wait3A_299 = tpu.memref_slice %arg6[%dma_wait3A_293, %dma_wait3A_298] : memref<2x8192xf32, #tpu.memory_space<vmem>> -> memref<1x8192xf32, #tpu.memory_space<vmem>>
    %dma_wait3A_300 = tpu.memref_squeeze %dma_wait3A_299 : memref<1x8192xf32, #tpu.memory_space<vmem>> -> memref<8192xf32, #tpu.memory_space<vmem>>
    %dma_wait3A_301 = tpu.memref_slice %arg2[%add3A_186] : memref<8388608xf32, #tpu.memory_space<hbm>> -> memref<8192xf32, #tpu.memory_space<hbm>>
    tpu.wait_dma2 semaphore(%arg12 : memref<!tpu.dma_semaphore, #tpu.memory_space<semaphore_mem>>) src(%dma_wait3A_301 : memref<8192xf32, #tpu.memory_space<hbm>>) dst(%dma_wait3A_300 : memref<8192xf32, #tpu.memory_space<vmem>>)
    %dma_wait3A_302 = arith.constant 1 : i32
    %dma_wait3A_303 = arith.constant 0 : i32
    %dma_wait3A_304 = tpu.memref_slice %arg7[%dma_wait3A_302, %dma_wait3A_303] : memref<2x8192xf32, #tpu.memory_space<vmem>> -> memref<1x8192xf32, #tpu.memory_space<vmem>>
    %dma_wait3A_305 = tpu.memref_squeeze %dma_wait3A_304 : memref<1x8192xf32, #tpu.memory_space<vmem>> -> memref<8192xf32, #tpu.memory_space<vmem>>
    %dma_wait3A_306 = tpu.memref_slice %arg2[%add3A_197] : memref<8388608xf32, #tpu.memory_space<hbm>> -> memref<8192xf32, #tpu.memory_space<hbm>>
    %dma_wait3A_307 = arith.constant 0 : i32
    %dma_wait3A_308 = tpu.memref_slice %arg7[%dma_wait3A_302, %dma_wait3A_307] : memref<2x8192xf32, #tpu.memory_space<vmem>> -> memref<1x8192xf32, #tpu.memory_space<vmem>>
    %dma_wait3A_309 = tpu.memref_squeeze %dma_wait3A_308 : memref<1x8192xf32, #tpu.memory_space<vmem>> -> memref<8192xf32, #tpu.memory_space<vmem>>
    %dma_wait3A_310 = tpu.memref_slice %arg2[%add3A_197] : memref<8388608xf32, #tpu.memory_space<hbm>> -> memref<8192xf32, #tpu.memory_space<hbm>>
    tpu.wait_dma2 semaphore(%arg12 : memref<!tpu.dma_semaphore, #tpu.memory_space<semaphore_mem>>) src(%dma_wait3A_310 : memref<8192xf32, #tpu.memory_space<hbm>>) dst(%dma_wait3A_309 : memref<8192xf32, #tpu.memory_space<vmem>>)
    %dma_wait3A_311 = arith.constant 1 : i32
    %dma_wait3A_312 = arith.constant 0 : i32
    %dma_wait3A_313 = tpu.memref_slice %arg8[%dma_wait3A_311, %dma_wait3A_312] : memref<2x8192xf32, #tpu.memory_space<vmem>> -> memref<1x8192xf32, #tpu.memory_space<vmem>>
    %dma_wait3A_314 = tpu.memref_squeeze %dma_wait3A_313 : memref<1x8192xf32, #tpu.memory_space<vmem>> -> memref<8192xf32, #tpu.memory_space<vmem>>
    %dma_wait3A_315 = tpu.memref_slice %arg4[%add3A_164] : memref<8388608xf32, #tpu.memory_space<hbm>> -> memref<8192xf32, #tpu.memory_space<hbm>>
    %dma_wait3A_316 = tpu.memref_slice %arg4[%add3A_164] : memref<8388608xf32, #tpu.memory_space<hbm>> -> memref<8192xf32, #tpu.memory_space<hbm>>
    %dma_wait3A_317 = arith.constant 0 : i32
    %dma_wait3A_318 = tpu.memref_slice %arg8[%dma_wait3A_311, %dma_wait3A_317] : memref<2x8192xf32, #tpu.memory_space<vmem>> -> memref<1x8192xf32, #tpu.memory_space<vmem>>
    %dma_wait3A_319 = tpu.memref_squeeze %dma_wait3A_318 : memref<1x8192xf32, #tpu.memory_space<vmem>> -> memref<8192xf32, #tpu.memory_space<vmem>>
    tpu.wait_dma2 semaphore(%arg14 : memref<!tpu.dma_semaphore, #tpu.memory_space<semaphore_mem>>) src(%dma_wait3A_319 : memref<8192xf32, #tpu.memory_space<vmem>>) dst(%dma_wait3A_316 : memref<8192xf32, #tpu.memory_space<hbm>>)
    %dma_wait3A_320 = arith.constant 1 : i32
    %dma_wait3A_321 = arith.constant 0 : i32
    %dma_wait3A_322 = tpu.memref_slice %arg9[%dma_wait3A_320, %dma_wait3A_321] : memref<2x8192xf32, #tpu.memory_space<vmem>> -> memref<1x8192xf32, #tpu.memory_space<vmem>>
    %dma_wait3A_323 = tpu.memref_squeeze %dma_wait3A_322 : memref<1x8192xf32, #tpu.memory_space<vmem>> -> memref<8192xf32, #tpu.memory_space<vmem>>
    %dma_wait3A_324 = tpu.memref_slice %arg4[%add3A_175] : memref<8388608xf32, #tpu.memory_space<hbm>> -> memref<8192xf32, #tpu.memory_space<hbm>>
    %dma_wait3A_325 = tpu.memref_slice %arg4[%add3A_175] : memref<8388608xf32, #tpu.memory_space<hbm>> -> memref<8192xf32, #tpu.memory_space<hbm>>
    %dma_wait3A_326 = arith.constant 0 : i32
    %dma_wait3A_327 = tpu.memref_slice %arg9[%dma_wait3A_320, %dma_wait3A_326] : memref<2x8192xf32, #tpu.memory_space<vmem>> -> memref<1x8192xf32, #tpu.memory_space<vmem>>
    %dma_wait3A_328 = tpu.memref_squeeze %dma_wait3A_327 : memref<1x8192xf32, #tpu.memory_space<vmem>> -> memref<8192xf32, #tpu.memory_space<vmem>>
    tpu.wait_dma2 semaphore(%arg14 : memref<!tpu.dma_semaphore, #tpu.memory_space<semaphore_mem>>) src(%dma_wait3A_328 : memref<8192xf32, #tpu.memory_space<vmem>>) dst(%dma_wait3A_325 : memref<8192xf32, #tpu.memory_space<hbm>>)
    %scan3A_329 = arith.constant 0 : i32
    %scan3A_330 = arith.constant 0 : i32
    %scan3A_331 = arith.constant 512 : i32
    %scan3A_332 = arith.addi %scan3A_330, %scan3A_331 : i32
    %scan3A_333 = arith.constant 8 : i32
    scf.for %scan3A_720 = %scan3A_330 to %scan3A_332 step %scan3A_333  : i32 {
      %mul3A_721 = arith.constant 16 : i32
      %mul3A_722 = arith.muli %scan3A_720, %mul3A_721 : i32
      %get3A_723 = arith.constant 1 : i32
      %get3A_724 = arith.index_cast %get3A_723 : i32 to index
      %get3A_725 = arith.index_cast %mul3A_722 : i32 to index
      %get3A_726 = tpu.vector_load %arg6[%get3A_724, %get3A_725] {strides = array<i32>} : memref<2x8192xf32, #tpu.memory_space<vmem>>, vector<1x16xf32>,
      %get3A_727 = vector.shape_cast %get3A_726 : vector<1x16xf32> to vector<16xf32>
      %get3A_728 = arith.constant 1 : i32
      %get3A_729 = arith.index_cast %get3A_728 : i32 to index
      %get3A_730 = arith.index_cast %mul3A_722 : i32 to index
      %get3A_731 = tpu.vector_load %arg7[%get3A_729, %get3A_730] {strides = array<i32>} : memref<2x8192xf32, #tpu.memory_space<vmem>>, vector<1x16xf32>,
      %get3A_732 = vector.shape_cast %get3A_731 : vector<1x16xf32> to vector<16xf32>
      %mul3A_733 = arith.mulf %get3A_6, %get3A_727 : vector<16xf32>
      %mul3A_734 = arith.mulf %get3A_11, %get3A_732 : vector<16xf32>
      %add3A_735 = arith.addf %mul3A_733, %mul3A_734 : vector<16xf32>
      %swap3A = arith.constant 1 : i32
      %swap3A_736 = arith.index_cast %swap3A : i32 to index
      %swap3A_737 = arith.index_cast %mul3A_722 : i32 to index
      %swap3A_738 = tpu.vector_load %arg8[%swap3A_736, %swap3A_737] {strides = array<i32>} : memref<2x8192xf32, #tpu.memory_space<vmem>>, vector<1x16xf32>,
      %swap3A_739 = vector.shape_cast %swap3A_738 : vector<1x16xf32> to vector<16xf32>
      %swap3A_740 = vector.shape_cast %add3A_735 : vector<16xf32> to vector<1x16xf32>
      tpu.vector_store %arg8[%swap3A_736, %swap3A_737], %swap3A_740 {strides = array<i32>} : memref<2x8192xf32, #tpu.memory_space<vmem>>, vector<1x16xf32>,
      %mul3A_741 = arith.mulf %get3A_16, %get3A_727 : vector<16xf32>
      %mul3A_742 = arith.mulf %get3A_21, %get3A_732 : vector<16xf32>
      %add3A_743 = arith.addf %mul3A_741, %mul3A_742 : vector<16xf32>
      %swap3A_744 = arith.constant 1 : i32
      %swap3A_745 = arith.index_cast %swap3A_744 : i32 to index
      %swap3A_746 = arith.index_cast %mul3A_722 : i32 to index
      %swap3A_747 = tpu.vector_load %arg9[%swap3A_745, %swap3A_746] {strides = array<i32>} : memref<2x8192xf32, #tpu.memory_space<vmem>>, vector<1x16xf32>,
      %swap3A_748 = vector.shape_cast %swap3A_747 : vector<1x16xf32> to vector<16xf32>
      %swap3A_749 = vector.shape_cast %add3A_743 : vector<16xf32> to vector<1x16xf32>
      tpu.vector_store %arg9[%swap3A_745, %swap3A_746], %swap3A_749 {strides = array<i32>} : memref<2x8192xf32, #tpu.memory_space<vmem>>, vector<1x16xf32>,
      %scan3A_750 = arith.constant 1 : i32
      %scan3A_751 = arith.addi %scan3A_720, %scan3A_750 : i32
      %mul3A_752 = arith.constant 16 : i32
      %mul3A_753 = arith.muli %scan3A_751, %mul3A_752 : i32
      %get3A_754 = arith.constant 1 : i32
      %get3A_755 = arith.index_cast %get3A_754 : i32 to index
      %get3A_756 = arith.index_cast %mul3A_753 : i32 to index
      %get3A_757 = tpu.vector_load %arg6[%get3A_755, %get3A_756] {strides = array<i32>} : memref<2x8192xf32, #tpu.memory_space<vmem>>, vector<1x16xf32>,
      %get3A_758 = vector.shape_cast %get3A_757 : vector<1x16xf32> to vector<16xf32>
      %get3A_759 = arith.constant 1 : i32
      %get3A_760 = arith.index_cast %get3A_759 : i32 to index
      %get3A_761 = arith.index_cast %mul3A_753 : i32 to index
      %get3A_762 = tpu.vector_load %arg7[%get3A_760, %get3A_761] {strides = array<i32>} : memref<2x8192xf32, #tpu.memory_space<vmem>>, vector<1x16xf32>,
      %get3A_763 = vector.shape_cast %get3A_762 : vector<1x16xf32> to vector<16xf32>
      %mul3A_764 = arith.mulf %get3A_6, %get3A_758 : vector<16xf32>
      %mul3A_765 = arith.mulf %get3A_11, %get3A_763 : vector<16xf32>
      %add3A_766 = arith.addf %mul3A_764, %mul3A_765 : vector<16xf32>
      %swap3A_767 = arith.constant 1 : i32
      %swap3A_768 = arith.index_cast %swap3A_767 : i32 to index
      %swap3A_769 = arith.index_cast %mul3A_753 : i32 to index
      %swap3A_770 = tpu.vector_load %arg8[%swap3A_768, %swap3A_769] {strides = array<i32>} : memref<2x8192xf32, #tpu.memory_space<vmem>>, vector<1x16xf32>,
      %swap3A_771 = vector.shape_cast %swap3A_770 : vector<1x16xf32> to vector<16xf32>
      %swap3A_772 = vector.shape_cast %add3A_766 : vector<16xf32> to vector<1x16xf32>
      tpu.vector_store %arg8[%swap3A_768, %swap3A_769], %swap3A_772 {strides = array<i32>} : memref<2x8192xf32, #tpu.memory_space<vmem>>, vector<1x16xf32>,
      %mul3A_773 = arith.mulf %get3A_16, %get3A_758 : vector<16xf32>
      %mul3A_774 = arith.mulf %get3A_21, %get3A_763 : vector<16xf32>
      %add3A_775 = arith.addf %mul3A_773, %mul3A_774 : vector<16xf32>
      %swap3A_776 = arith.constant 1 : i32
      %swap3A_777 = arith.index_cast %swap3A_776 : i32 to index
      %swap3A_778 = arith.index_cast %mul3A_753 : i32 to index
      %swap3A_779 = tpu.vector_load %arg9[%swap3A_777, %swap3A_778] {strides = array<i32>} : memref<2x8192xf32, #tpu.memory_space<vmem>>, vector<1x16xf32>,
      %swap3A_780 = vector.shape_cast %swap3A_779 : vector<1x16xf32> to vector<16xf32>
      %swap3A_781 = vector.shape_cast %add3A_775 : vector<16xf32> to vector<1x16xf32>
      tpu.vector_store %arg9[%swap3A_777, %swap3A_778], %swap3A_781 {strides = array<i32>} : memref<2x8192xf32, #tpu.memory_space<vmem>>, vector<1x16xf32>,
      %scan3A_782 = arith.constant 2 : i32
      %scan3A_783 = arith.addi %scan3A_720, %scan3A_782 : i32
      %mul3A_784 = arith.constant 16 : i32
      %mul3A_785 = arith.muli %scan3A_783, %mul3A_784 : i32
      %get3A_786 = arith.constant 1 : i32
      %get3A_787 = arith.index_cast %get3A_786 : i32 to index
      %get3A_788 = arith.index_cast %mul3A_785 : i32 to index
      %get3A_789 = tpu.vector_load %arg6[%get3A_787, %get3A_788] {strides = array<i32>} : memref<2x8192xf32, #tpu.memory_space<vmem>>, vector<1x16xf32>,
      %get3A_790 = vector.shape_cast %get3A_789 : vector<1x16xf32> to vector<16xf32>
      %get3A_791 = arith.constant 1 : i32
      %get3A_792 = arith.index_cast %get3A_791 : i32 to index
      %get3A_793 = arith.index_cast %mul3A_785 : i32 to index
      %get3A_794 = tpu.vector_load %arg7[%get3A_792, %get3A_793] {strides = array<i32>} : memref<2x8192xf32, #tpu.memory_space<vmem>>, vector<1x16xf32>,
      %get3A_795 = vector.shape_cast %get3A_794 : vector<1x16xf32> to vector<16xf32>
      %mul3A_796 = arith.mulf %get3A_6, %get3A_790 : vector<16xf32>
      %mul3A_797 = arith.mulf %get3A_11, %get3A_795 : vector<16xf32>
      %add3A_798 = arith.addf %mul3A_796, %mul3A_797 : vector<16xf32>
      %swap3A_799 = arith.constant 1 : i32
      %swap3A_800 = arith.index_cast %swap3A_799 : i32 to index
      %swap3A_801 = arith.index_cast %mul3A_785 : i32 to index
      %swap3A_802 = tpu.vector_load %arg8[%swap3A_800, %swap3A_801] {strides = array<i32>} : memref<2x8192xf32, #tpu.memory_space<vmem>>, vector<1x16xf32>,
      %swap3A_803 = vector.shape_cast %swap3A_802 : vector<1x16xf32> to vector<16xf32>
      %swap3A_804 = vector.shape_cast %add3A_798 : vector<16xf32> to vector<1x16xf32>
      tpu.vector_store %arg8[%swap3A_800, %swap3A_801], %swap3A_804 {strides = array<i32>} : memref<2x8192xf32, #tpu.memory_space<vmem>>, vector<1x16xf32>,
      %mul3A_805 = arith.mulf %get3A_16, %get3A_790 : vector<16xf32>
      %mul3A_806 = arith.mulf %get3A_21, %get3A_795 : vector<16xf32>
      %add3A_807 = arith.addf %mul3A_805, %mul3A_806 : vector<16xf32>
      %swap3A_808 = arith.constant 1 : i32
      %swap3A_809 = arith.index_cast %swap3A_808 : i32 to index
      %swap3A_810 = arith.index_cast %mul3A_785 : i32 to index
      %swap3A_811 = tpu.vector_load %arg9[%swap3A_809, %swap3A_810] {strides = array<i32>} : memref<2x8192xf32, #tpu.memory_space<vmem>>, vector<1x16xf32>,
      %swap3A_812 = vector.shape_cast %swap3A_811 : vector<1x16xf32> to vector<16xf32>
      %swap3A_813 = vector.shape_cast %add3A_807 : vector<16xf32> to vector<1x16xf32>
      tpu.vector_store %arg9[%swap3A_809, %swap3A_810], %swap3A_813 {strides = array<i32>} : memref<2x8192xf32, #tpu.memory_space<vmem>>, vector<1x16xf32>,
      %scan3A_814 = arith.constant 3 : i32
      %scan3A_815 = arith.addi %scan3A_720, %scan3A_814 : i32
      %mul3A_816 = arith.constant 16 : i32
      %mul3A_817 = arith.muli %scan3A_815, %mul3A_816 : i32
      %get3A_818 = arith.constant 1 : i32
      %get3A_819 = arith.index_cast %get3A_818 : i32 to index
      %get3A_820 = arith.index_cast %mul3A_817 : i32 to index
      %get3A_821 = tpu.vector_load %arg6[%get3A_819, %get3A_820] {strides = array<i32>} : memref<2x8192xf32, #tpu.memory_space<vmem>>, vector<1x16xf32>,
      %get3A_822 = vector.shape_cast %get3A_821 : vector<1x16xf32> to vector<16xf32>
      %get3A_823 = arith.constant 1 : i32
      %get3A_824 = arith.index_cast %get3A_823 : i32 to index
      %get3A_825 = arith.index_cast %mul3A_817 : i32 to index
      %get3A_826 = tpu.vector_load %arg7[%get3A_824, %get3A_825] {strides = array<i32>} : memref<2x8192xf32, #tpu.memory_space<vmem>>, vector<1x16xf32>,
      %get3A_827 = vector.shape_cast %get3A_826 : vector<1x16xf32> to vector<16xf32>
      %mul3A_828 = arith.mulf %get3A_6, %get3A_822 : vector<16xf32>
      %mul3A_829 = arith.mulf %get3A_11, %get3A_827 : vector<16xf32>
      %add3A_830 = arith.addf %mul3A_828, %mul3A_829 : vector<16xf32>
      %swap3A_831 = arith.constant 1 : i32
      %swap3A_832 = arith.index_cast %swap3A_831 : i32 to index
      %swap3A_833 = arith.index_cast %mul3A_817 : i32 to index
      %swap3A_834 = tpu.vector_load %arg8[%swap3A_832, %swap3A_833] {strides = array<i32>} : memref<2x8192xf32, #tpu.memory_space<vmem>>, vector<1x16xf32>,
      %swap3A_835 = vector.shape_cast %swap3A_834 : vector<1x16xf32> to vector<16xf32>
      %swap3A_836 = vector.shape_cast %add3A_830 : vector<16xf32> to vector<1x16xf32>
      tpu.vector_store %arg8[%swap3A_832, %swap3A_833], %swap3A_836 {strides = array<i32>} : memref<2x8192xf32, #tpu.memory_space<vmem>>, vector<1x16xf32>,
      %mul3A_837 = arith.mulf %get3A_16, %get3A_822 : vector<16xf32>
      %mul3A_838 = arith.mulf %get3A_21, %get3A_827 : vector<16xf32>
      %add3A_839 = arith.addf %mul3A_837, %mul3A_838 : vector<16xf32>
      %swap3A_840 = arith.constant 1 : i32
      %swap3A_841 = arith.index_cast %swap3A_840 : i32 to index
      %swap3A_842 = arith.index_cast %mul3A_817 : i32 to index
      %swap3A_843 = tpu.vector_load %arg9[%swap3A_841, %swap3A_842] {strides = array<i32>} : memref<2x8192xf32, #tpu.memory_space<vmem>>, vector<1x16xf32>,
      %swap3A_844 = vector.shape_cast %swap3A_843 : vector<1x16xf32> to vector<16xf32>
      %swap3A_845 = vector.shape_cast %add3A_839 : vector<16xf32> to vector<1x16xf32>
      tpu.vector_store %arg9[%swap3A_841, %swap3A_842], %swap3A_845 {strides = array<i32>} : memref<2x8192xf32, #tpu.memory_space<vmem>>, vector<1x16xf32>,
      %scan3A_846 = arith.constant 4 : i32
      %scan3A_847 = arith.addi %scan3A_720, %scan3A_846 : i32
      %mul3A_848 = arith.constant 16 : i32
      %mul3A_849 = arith.muli %scan3A_847, %mul3A_848 : i32
      %get3A_850 = arith.constant 1 : i32
      %get3A_851 = arith.index_cast %get3A_850 : i32 to index
      %get3A_852 = arith.index_cast %mul3A_849 : i32 to index
      %get3A_853 = tpu.vector_load %arg6[%get3A_851, %get3A_852] {strides = array<i32>} : memref<2x8192xf32, #tpu.memory_space<vmem>>, vector<1x16xf32>,
      %get3A_854 = vector.shape_cast %get3A_853 : vector<1x16xf32> to vector<16xf32>
      %get3A_855 = arith.constant 1 : i32
      %get3A_856 = arith.index_cast %get3A_855 : i32 to index
      %get3A_857 = arith.index_cast %mul3A_849 : i32 to index
      %get3A_858 = tpu.vector_load %arg7[%get3A_856, %get3A_857] {strides = array<i32>} : memref<2x8192xf32, #tpu.memory_space<vmem>>, vector<1x16xf32>,
      %get3A_859 = vector.shape_cast %get3A_858 : vector<1x16xf32> to vector<16xf32>
      %mul3A_860 = arith.mulf %get3A_6, %get3A_854 : vector<16xf32>
      %mul3A_861 = arith.mulf %get3A_11, %get3A_859 : vector<16xf32>
      %add3A_862 = arith.addf %mul3A_860, %mul3A_861 : vector<16xf32>
      %swap3A_863 = arith.constant 1 : i32
      %swap3A_864 = arith.index_cast %swap3A_863 : i32 to index
      %swap3A_865 = arith.index_cast %mul3A_849 : i32 to index
      %swap3A_866 = tpu.vector_load %arg8[%swap3A_864, %swap3A_865] {strides = array<i32>} : memref<2x8192xf32, #tpu.memory_space<vmem>>, vector<1x16xf32>,
      %swap3A_867 = vector.shape_cast %swap3A_866 : vector<1x16xf32> to vector<16xf32>
      %swap3A_868 = vector.shape_cast %add3A_862 : vector<16xf32> to vector<1x16xf32>
      tpu.vector_store %arg8[%swap3A_864, %swap3A_865], %swap3A_868 {strides = array<i32>} : memref<2x8192xf32, #tpu.memory_space<vmem>>, vector<1x16xf32>,
      %mul3A_869 = arith.mulf %get3A_16, %get3A_854 : vector<16xf32>
      %mul3A_870 = arith.mulf %get3A_21, %get3A_859 : vector<16xf32>
      %add3A_871 = arith.addf %mul3A_869, %mul3A_870 : vector<16xf32>
      %swap3A_872 = arith.constant 1 : i32
      %swap3A_873 = arith.index_cast %swap3A_872 : i32 to index
      %swap3A_874 = arith.index_cast %mul3A_849 : i32 to index
      %swap3A_875 = tpu.vector_load %arg9[%swap3A_873, %swap3A_874] {strides = array<i32>} : memref<2x8192xf32, #tpu.memory_space<vmem>>, vector<1x16xf32>,
      %swap3A_876 = vector.shape_cast %swap3A_875 : vector<1x16xf32> to vector<16xf32>
      %swap3A_877 = vector.shape_cast %add3A_871 : vector<16xf32> to vector<1x16xf32>
      tpu.vector_store %arg9[%swap3A_873, %swap3A_874], %swap3A_877 {strides = array<i32>} : memref<2x8192xf32, #tpu.memory_space<vmem>>, vector<1x16xf32>,
      %scan3A_878 = arith.constant 5 : i32
      %scan3A_879 = arith.addi %scan3A_720, %scan3A_878 : i32
      %mul3A_880 = arith.constant 16 : i32
      %mul3A_881 = arith.muli %scan3A_879, %mul3A_880 : i32
      %get3A_882 = arith.constant 1 : i32
      %get3A_883 = arith.index_cast %get3A_882 : i32 to index
      %get3A_884 = arith.index_cast %mul3A_881 : i32 to index
      %get3A_885 = tpu.vector_load %arg6[%get3A_883, %get3A_884] {strides = array<i32>} : memref<2x8192xf32, #tpu.memory_space<vmem>>, vector<1x16xf32>,
      %get3A_886 = vector.shape_cast %get3A_885 : vector<1x16xf32> to vector<16xf32>
      %get3A_887 = arith.constant 1 : i32
      %get3A_888 = arith.index_cast %get3A_887 : i32 to index
      %get3A_889 = arith.index_cast %mul3A_881 : i32 to index
      %get3A_890 = tpu.vector_load %arg7[%get3A_888, %get3A_889] {strides = array<i32>} : memref<2x8192xf32, #tpu.memory_space<vmem>>, vector<1x16xf32>,
      %get3A_891 = vector.shape_cast %get3A_890 : vector<1x16xf32> to vector<16xf32>
      %mul3A_892 = arith.mulf %get3A_6, %get3A_886 : vector<16xf32>
      %mul3A_893 = arith.mulf %get3A_11, %get3A_891 : vector<16xf32>
      %add3A_894 = arith.addf %mul3A_892, %mul3A_893 : vector<16xf32>
      %swap3A_895 = arith.constant 1 : i32
      %swap3A_896 = arith.index_cast %swap3A_895 : i32 to index
      %swap3A_897 = arith.index_cast %mul3A_881 : i32 to index
      %swap3A_898 = tpu.vector_load %arg8[%swap3A_896, %swap3A_897] {strides = array<i32>} : memref<2x8192xf32, #tpu.memory_space<vmem>>, vector<1x16xf32>,
      %swap3A_899 = vector.shape_cast %swap3A_898 : vector<1x16xf32> to vector<16xf32>
      %swap3A_900 = vector.shape_cast %add3A_894 : vector<16xf32> to vector<1x16xf32>
      tpu.vector_store %arg8[%swap3A_896, %swap3A_897], %swap3A_900 {strides = array<i32>} : memref<2x8192xf32, #tpu.memory_space<vmem>>, vector<1x16xf32>,
      %mul3A_901 = arith.mulf %get3A_16, %get3A_886 : vector<16xf32>
      %mul3A_902 = arith.mulf %get3A_21, %get3A_891 : vector<16xf32>
      %add3A_903 = arith.addf %mul3A_901, %mul3A_902 : vector<16xf32>
      %swap3A_904 = arith.constant 1 : i32
      %swap3A_905 = arith.index_cast %swap3A_904 : i32 to index
      %swap3A_906 = arith.index_cast %mul3A_881 : i32 to index
      %swap3A_907 = tpu.vector_load %arg9[%swap3A_905, %swap3A_906] {strides = array<i32>} : memref<2x8192xf32, #tpu.memory_space<vmem>>, vector<1x16xf32>,
      %swap3A_908 = vector.shape_cast %swap3A_907 : vector<1x16xf32> to vector<16xf32>
      %swap3A_909 = vector.shape_cast %add3A_903 : vector<16xf32> to vector<1x16xf32>
      tpu.vector_store %arg9[%swap3A_905, %swap3A_906], %swap3A_909 {strides = array<i32>} : memref<2x8192xf32, #tpu.memory_space<vmem>>, vector<1x16xf32>,
      %scan3A_910 = arith.constant 6 : i32
      %scan3A_911 = arith.addi %scan3A_720, %scan3A_910 : i32
      %mul3A_912 = arith.constant 16 : i32
      %mul3A_913 = arith.muli %scan3A_911, %mul3A_912 : i32
      %get3A_914 = arith.constant 1 : i32
      %get3A_915 = arith.index_cast %get3A_914 : i32 to index
      %get3A_916 = arith.index_cast %mul3A_913 : i32 to index
      %get3A_917 = tpu.vector_load %arg6[%get3A_915, %get3A_916] {strides = array<i32>} : memref<2x8192xf32, #tpu.memory_space<vmem>>, vector<1x16xf32>,
      %get3A_918 = vector.shape_cast %get3A_917 : vector<1x16xf32> to vector<16xf32>
      %get3A_919 = arith.constant 1 : i32
      %get3A_920 = arith.index_cast %get3A_919 : i32 to index
      %get3A_921 = arith.index_cast %mul3A_913 : i32 to index
      %get3A_922 = tpu.vector_load %arg7[%get3A_920, %get3A_921] {strides = array<i32>} : memref<2x8192xf32, #tpu.memory_space<vmem>>, vector<1x16xf32>,
      %get3A_923 = vector.shape_cast %get3A_922 : vector<1x16xf32> to vector<16xf32>
      %mul3A_924 = arith.mulf %get3A_6, %get3A_918 : vector<16xf32>
      %mul3A_925 = arith.mulf %get3A_11, %get3A_923 : vector<16xf32>
      %add3A_926 = arith.addf %mul3A_924, %mul3A_925 : vector<16xf32>
      %swap3A_927 = arith.constant 1 : i32
      %swap3A_928 = arith.index_cast %swap3A_927 : i32 to index
      %swap3A_929 = arith.index_cast %mul3A_913 : i32 to index
      %swap3A_930 = tpu.vector_load %arg8[%swap3A_928, %swap3A_929] {strides = array<i32>} : memref<2x8192xf32, #tpu.memory_space<vmem>>, vector<1x16xf32>,
      %swap3A_931 = vector.shape_cast %swap3A_930 : vector<1x16xf32> to vector<16xf32>
      %swap3A_932 = vector.shape_cast %add3A_926 : vector<16xf32> to vector<1x16xf32>
      tpu.vector_store %arg8[%swap3A_928, %swap3A_929], %swap3A_932 {strides = array<i32>} : memref<2x8192xf32, #tpu.memory_space<vmem>>, vector<1x16xf32>,
      %mul3A_933 = arith.mulf %get3A_16, %get3A_918 : vector<16xf32>
      %mul3A_934 = arith.mulf %get3A_21, %get3A_923 : vector<16xf32>
      %add3A_935 = arith.addf %mul3A_933, %mul3A_934 : vector<16xf32>
      %swap3A_936 = arith.constant 1 : i32
      %swap3A_937 = arith.index_cast %swap3A_936 : i32 to index
      %swap3A_938 = arith.index_cast %mul3A_913 : i32 to index
      %swap3A_939 = tpu.vector_load %arg9[%swap3A_937, %swap3A_938] {strides = array<i32>} : memref<2x8192xf32, #tpu.memory_space<vmem>>, vector<1x16xf32>,
      %swap3A_940 = vector.shape_cast %swap3A_939 : vector<1x16xf32> to vector<16xf32>
      %swap3A_941 = vector.shape_cast %add3A_935 : vector<16xf32> to vector<1x16xf32>
      tpu.vector_store %arg9[%swap3A_937, %swap3A_938], %swap3A_941 {strides = array<i32>} : memref<2x8192xf32, #tpu.memory_space<vmem>>, vector<1x16xf32>,
      %scan3A_942 = arith.constant 7 : i32
      %scan3A_943 = arith.addi %scan3A_720, %scan3A_942 : i32
      %mul3A_944 = arith.constant 16 : i32
      %mul3A_945 = arith.muli %scan3A_943, %mul3A_944 : i32
      %get3A_946 = arith.constant 1 : i32
      %get3A_947 = arith.index_cast %get3A_946 : i32 to index
      %get3A_948 = arith.index_cast %mul3A_945 : i32 to index
      %get3A_949 = tpu.vector_load %arg6[%get3A_947, %get3A_948] {strides = array<i32>} : memref<2x8192xf32, #tpu.memory_space<vmem>>, vector<1x16xf32>,
      %get3A_950 = vector.shape_cast %get3A_949 : vector<1x16xf32> to vector<16xf32>
      %get3A_951 = arith.constant 1 : i32
      %get3A_952 = arith.index_cast %get3A_951 : i32 to index
      %get3A_953 = arith.index_cast %mul3A_945 : i32 to index
      %get3A_954 = tpu.vector_load %arg7[%get3A_952, %get3A_953] {strides = array<i32>} : memref<2x8192xf32, #tpu.memory_space<vmem>>, vector<1x16xf32>,
      %get3A_955 = vector.shape_cast %get3A_954 : vector<1x16xf32> to vector<16xf32>
      %mul3A_956 = arith.mulf %get3A_6, %get3A_950 : vector<16xf32>
      %mul3A_957 = arith.mulf %get3A_11, %get3A_955 : vector<16xf32>
      %add3A_958 = arith.addf %mul3A_956, %mul3A_957 : vector<16xf32>
      %swap3A_959 = arith.constant 1 : i32
      %swap3A_960 = arith.index_cast %swap3A_959 : i32 to index
      %swap3A_961 = arith.index_cast %mul3A_945 : i32 to index
      %swap3A_962 = tpu.vector_load %arg8[%swap3A_960, %swap3A_961] {strides = array<i32>} : memref<2x8192xf32, #tpu.memory_space<vmem>>, vector<1x16xf32>,
      %swap3A_963 = vector.shape_cast %swap3A_962 : vector<1x16xf32> to vector<16xf32>
      %swap3A_964 = vector.shape_cast %add3A_958 : vector<16xf32> to vector<1x16xf32>
      tpu.vector_store %arg8[%swap3A_960, %swap3A_961], %swap3A_964 {strides = array<i32>} : memref<2x8192xf32, #tpu.memory_space<vmem>>, vector<1x16xf32>,
      %mul3A_965 = arith.mulf %get3A_16, %get3A_950 : vector<16xf32>
      %mul3A_966 = arith.mulf %get3A_21, %get3A_955 : vector<16xf32>
      %add3A_967 = arith.addf %mul3A_965, %mul3A_966 : vector<16xf32>
      %swap3A_968 = arith.constant 1 : i32
      %swap3A_969 = arith.index_cast %swap3A_968 : i32 to index
      %swap3A_970 = arith.index_cast %mul3A_945 : i32 to index
      %swap3A_971 = tpu.vector_load %arg9[%swap3A_969, %swap3A_970] {strides = array<i32>} : memref<2x8192xf32, #tpu.memory_space<vmem>>, vector<1x16xf32>,
      %swap3A_972 = vector.shape_cast %swap3A_971 : vector<1x16xf32> to vector<16xf32>
      %swap3A_973 = vector.shape_cast %add3A_967 : vector<16xf32> to vector<1x16xf32>
      tpu.vector_store %arg9[%swap3A_969, %swap3A_970], %swap3A_973 {strides = array<i32>} : memref<2x8192xf32, #tpu.memory_space<vmem>>, vector<1x16xf32>,
    }
    %scan3A_334 = arith.constant 512 : i32
    %add3A_335 = arith.constant 24576 : i32
    %add3A_336 = arith.addi %add3A_25, %add3A_335 : i32
    %dma_start3A_337 = arith.constant 1 : i32
    %dma_start3A_338 = arith.constant 0 : i32
    %dma_start3A_339 = tpu.memref_slice %arg8[%dma_start3A_337, %dma_start3A_338] : memref<2x8192xf32, #tpu.memory_space<vmem>> -> memref<1x8192xf32, #tpu.memory_space<vmem>>
    %dma_start3A_340 = tpu.memref_squeeze %dma_start3A_339 : memref<1x8192xf32, #tpu.memory_space<vmem>> -> memref<8192xf32, #tpu.memory_space<vmem>>
    %dma_start3A_341 = tpu.memref_slice %arg4[%add3A_336] : memref<8388608xf32, #tpu.memory_space<hbm>> -> memref<8192xf32, #tpu.memory_space<hbm>>
    %dma_start3A_342 = tpu.memref_slice %arg4[%add3A_336] : memref<8388608xf32, #tpu.memory_space<hbm>> -> memref<8192xf32, #tpu.memory_space<hbm>>
    %dma_start3A_343 = arith.constant 0 : i32
    %dma_start3A_344 = tpu.memref_slice %arg8[%dma_start3A_337, %dma_start3A_343] : memref<2x8192xf32, #tpu.memory_space<vmem>> -> memref<1x8192xf32, #tpu.memory_space<vmem>>
    %dma_start3A_345 = tpu.memref_squeeze %dma_start3A_344 : memref<1x8192xf32, #tpu.memory_space<vmem>> -> memref<8192xf32, #tpu.memory_space<vmem>>
    tpu.enqueue_dma source(%dma_start3A_345 : memref<8192xf32, #tpu.memory_space<vmem>>) target(%dma_start3A_342 : memref<8192xf32, #tpu.memory_space<hbm>>) target_semaphore(%arg14 : memref<!tpu.dma_semaphore, #tpu.memory_space<semaphore_mem>>)
    %add3A_346 = arith.constant 24576 : i32
    %add3A_347 = arith.addi %add3A_29, %add3A_346 : i32
    %dma_start3A_348 = arith.constant 1 : i32
    %dma_start3A_349 = arith.constant 0 : i32
    %dma_start3A_350 = tpu.memref_slice %arg9[%dma_start3A_348, %dma_start3A_349] : memref<2x8192xf32, #tpu.memory_space<vmem>> -> memref<1x8192xf32, #tpu.memory_space<vmem>>
    %dma_start3A_351 = tpu.memref_squeeze %dma_start3A_350 : memref<1x8192xf32, #tpu.memory_space<vmem>> -> memref<8192xf32, #tpu.memory_space<vmem>>
    %dma_start3A_352 = tpu.memref_slice %arg4[%add3A_347] : memref<8388608xf32, #tpu.memory_space<hbm>> -> memref<8192xf32, #tpu.memory_space<hbm>>
    %dma_start3A_353 = tpu.memref_slice %arg4[%add3A_347] : memref<8388608xf32, #tpu.memory_space<hbm>> -> memref<8192xf32, #tpu.memory_space<hbm>>
    %dma_start3A_354 = arith.constant 0 : i32
    %dma_start3A_355 = tpu.memref_slice %arg9[%dma_start3A_348, %dma_start3A_354] : memref<2x8192xf32, #tpu.memory_space<vmem>> -> memref<1x8192xf32, #tpu.memory_space<vmem>>
    %dma_start3A_356 = tpu.memref_squeeze %dma_start3A_355 : memref<1x8192xf32, #tpu.memory_space<vmem>> -> memref<8192xf32, #tpu.memory_space<vmem>>
    tpu.enqueue_dma source(%dma_start3A_356 : memref<8192xf32, #tpu.memory_space<vmem>>) target(%dma_start3A_353 : memref<8192xf32, #tpu.memory_space<hbm>>) target_semaphore(%arg14 : memref<!tpu.dma_semaphore, #tpu.memory_space<semaphore_mem>>)
    %add3A_357 = arith.constant 40960 : i32
    %add3A_358 = arith.addi %add3A_25, %add3A_357 : i32
    %dma_start3A_359 = arith.constant 1 : i32
    %dma_start3A_360 = arith.constant 0 : i32
    %dma_start3A_361 = tpu.memref_slice %arg6[%dma_start3A_359, %dma_start3A_360] : memref<2x8192xf32, #tpu.memory_space<vmem>> -> memref<1x8192xf32, #tpu.memory_space<vmem>>
    %dma_start3A_362 = tpu.memref_squeeze %dma_start3A_361 : memref<1x8192xf32, #tpu.memory_space<vmem>> -> memref<8192xf32, #tpu.memory_space<vmem>>
    %dma_start3A_363 = tpu.memref_slice %arg2[%add3A_358] : memref<8388608xf32, #tpu.memory_space<hbm>> -> memref<8192xf32, #tpu.memory_space<hbm>>
    %dma_start3A_364 = arith.constant 0 : i32
    %dma_start3A_365 = tpu.memref_slice %arg6[%dma_start3A_359, %dma_start3A_364] : memref<2x8192xf32, #tpu.memory_space<vmem>> -> memref<1x8192xf32, #tpu.memory_space<vmem>>
    %dma_start3A_366 = tpu.memref_squeeze %dma_start3A_365 : memref<1x8192xf32, #tpu.memory_space<vmem>> -> memref<8192xf32, #tpu.memory_space<vmem>>
    %dma_start3A_367 = tpu.memref_slice %arg2[%add3A_358] : memref<8388608xf32, #tpu.memory_space<hbm>> -> memref<8192xf32, #tpu.memory_space<hbm>>
    tpu.enqueue_dma source(%dma_start3A_367 : memref<8192xf32, #tpu.memory_space<hbm>>) target(%dma_start3A_366 : memref<8192xf32, #tpu.memory_space<vmem>>) target_semaphore(%arg12 : memref<!tpu.dma_semaphore, #tpu.memory_space<semaphore_mem>>)
    %add3A_368 = arith.constant 40960 : i32
    %add3A_369 = arith.addi %add3A_29, %add3A_368 : i32
    %dma_start3A_370 = arith.constant 1 : i32
    %dma_start3A_371 = arith.constant 0 : i32
    %dma_start3A_372 = tpu.memref_slice %arg7[%dma_start3A_370, %dma_start3A_371] : memref<2x8192xf32, #tpu.memory_space<vmem>> -> memref<1x8192xf32, #tpu.memory_space<vmem>>
    %dma_start3A_373 = tpu.memref_squeeze %dma_start3A_372 : memref<1x8192xf32, #tpu.memory_space<vmem>> -> memref<8192xf32, #tpu.memory_space<vmem>>
    %dma_start3A_374 = tpu.memref_slice %arg2[%add3A_369] : memref<8388608xf32, #tpu.memory_space<hbm>> -> memref<8192xf32, #tpu.memory_space<hbm>>
    %dma_start3A_375 = arith.constant 0 : i32
    %dma_start3A_376 = tpu.memref_slice %arg7[%dma_start3A_370, %dma_start3A_375] : memref<2x8192xf32, #tpu.memory_space<vmem>> -> memref<1x8192xf32, #tpu.memory_space<vmem>>
    %dma_start3A_377 = tpu.memref_squeeze %dma_start3A_376 : memref<1x8192xf32, #tpu.memory_space<vmem>> -> memref<8192xf32, #tpu.memory_space<vmem>>
    %dma_start3A_378 = tpu.memref_slice %arg2[%add3A_369] : memref<8388608xf32, #tpu.memory_space<hbm>> -> memref<8192xf32, #tpu.memory_space<hbm>>
    tpu.enqueue_dma source(%dma_start3A_378 : memref<8192xf32, #tpu.memory_space<hbm>>) target(%dma_start3A_377 : memref<8192xf32, #tpu.memory_space<vmem>>) target_semaphore(%arg12 : memref<!tpu.dma_semaphore, #tpu.memory_space<semaphore_mem>>)
    %dma_wait3A_379 = arith.constant 0 : i32
    %dma_wait3A_380 = arith.constant 0 : i32
    %dma_wait3A_381 = tpu.memref_slice %arg6[%dma_wait3A_379, %dma_wait3A_380] : memref<2x8192xf32, #tpu.memory_space<vmem>> -> memref<1x8192xf32, #tpu.memory_space<vmem>>
    %dma_wait3A_382 = tpu.memref_squeeze %dma_wait3A_381 : memref<1x8192xf32, #tpu.memory_space<vmem>> -> memref<8192xf32, #tpu.memory_space<vmem>>
    %dma_wait3A_383 = tpu.memref_slice %arg2[%add3A_272] : memref<8388608xf32, #tpu.memory_space<hbm>> -> memref<8192xf32, #tpu.memory_space<hbm>>
    %dma_wait3A_384 = arith.constant 0 : i32
    %dma_wait3A_385 = tpu.memref_slice %arg6[%dma_wait3A_379, %dma_wait3A_384] : memref<2x8192xf32, #tpu.memory_space<vmem>> -> memref<1x8192xf32, #tpu.memory_space<vmem>>
    %dma_wait3A_386 = tpu.memref_squeeze %dma_wait3A_385 : memref<1x8192xf32, #tpu.memory_space<vmem>> -> memref<8192xf32, #tpu.memory_space<vmem>>
    %dma_wait3A_387 = tpu.memref_slice %arg2[%add3A_272] : memref<8388608xf32, #tpu.memory_space<hbm>> -> memref<8192xf32, #tpu.memory_space<hbm>>
    tpu.wait_dma2 semaphore(%arg11 : memref<!tpu.dma_semaphore, #tpu.memory_space<semaphore_mem>>) src(%dma_wait3A_387 : memref<8192xf32, #tpu.memory_space<hbm>>) dst(%dma_wait3A_386 : memref<8192xf32, #tpu.memory_space<vmem>>)
    %dma_wait3A_388 = arith.constant 0 : i32
    %dma_wait3A_389 = arith.constant 0 : i32
    %dma_wait3A_390 = tpu.memref_slice %arg7[%dma_wait3A_388, %dma_wait3A_389] : memref<2x8192xf32, #tpu.memory_space<vmem>> -> memref<1x8192xf32, #tpu.memory_space<vmem>>
    %dma_wait3A_391 = tpu.memref_squeeze %dma_wait3A_390 : memref<1x8192xf32, #tpu.memory_space<vmem>> -> memref<8192xf32, #tpu.memory_space<vmem>>
    %dma_wait3A_392 = tpu.memref_slice %arg2[%add3A_283] : memref<8388608xf32, #tpu.memory_space<hbm>> -> memref<8192xf32, #tpu.memory_space<hbm>>
    %dma_wait3A_393 = arith.constant 0 : i32
    %dma_wait3A_394 = tpu.memref_slice %arg7[%dma_wait3A_388, %dma_wait3A_393] : memref<2x8192xf32, #tpu.memory_space<vmem>> -> memref<1x8192xf32, #tpu.memory_space<vmem>>
    %dma_wait3A_395 = tpu.memref_squeeze %dma_wait3A_394 : memref<1x8192xf32, #tpu.memory_space<vmem>> -> memref<8192xf32, #tpu.memory_space<vmem>>
    %dma_wait3A_396 = tpu.memref_slice %arg2[%add3A_283] : memref<8388608xf32, #tpu.memory_space<hbm>> -> memref<8192xf32, #tpu.memory_space<hbm>>
    tpu.wait_dma2 semaphore(%arg11 : memref<!tpu.dma_semaphore, #tpu.memory_space<semaphore_mem>>) src(%dma_wait3A_396 : memref<8192xf32, #tpu.memory_space<hbm>>) dst(%dma_wait3A_395 : memref<8192xf32, #tpu.memory_space<vmem>>)
    %dma_wait3A_397 = arith.constant 0 : i32
    %dma_wait3A_398 = arith.constant 0 : i32
    %dma_wait3A_399 = tpu.memref_slice %arg8[%dma_wait3A_397, %dma_wait3A_398] : memref<2x8192xf32, #tpu.memory_space<vmem>> -> memref<1x8192xf32, #tpu.memory_space<vmem>>
    %dma_wait3A_400 = tpu.memref_squeeze %dma_wait3A_399 : memref<1x8192xf32, #tpu.memory_space<vmem>> -> memref<8192xf32, #tpu.memory_space<vmem>>
    %dma_wait3A_401 = tpu.memref_slice %arg4[%add3A_250] : memref<8388608xf32, #tpu.memory_space<hbm>> -> memref<8192xf32, #tpu.memory_space<hbm>>
    %dma_wait3A_402 = tpu.memref_slice %arg4[%add3A_250] : memref<8388608xf32, #tpu.memory_space<hbm>> -> memref<8192xf32, #tpu.memory_space<hbm>>
    %dma_wait3A_403 = arith.constant 0 : i32
    %dma_wait3A_404 = tpu.memref_slice %arg8[%dma_wait3A_397, %dma_wait3A_403] : memref<2x8192xf32, #tpu.memory_space<vmem>> -> memref<1x8192xf32, #tpu.memory_space<vmem>>
    %dma_wait3A_405 = tpu.memref_squeeze %dma_wait3A_404 : memref<1x8192xf32, #tpu.memory_space<vmem>> -> memref<8192xf32, #tpu.memory_space<vmem>>
    tpu.wait_dma2 semaphore(%arg13 : memref<!tpu.dma_semaphore, #tpu.memory_space<semaphore_mem>>) src(%dma_wait3A_405 : memref<8192xf32, #tpu.memory_space<vmem>>) dst(%dma_wait3A_402 : memref<8192xf32, #tpu.memory_space<hbm>>)
    %dma_wait3A_406 = arith.constant 0 : i32
    %dma_wait3A_407 = arith.constant 0 : i32
    %dma_wait3A_408 = tpu.memref_slice %arg9[%dma_wait3A_406, %dma_wait3A_407] : memref<2x8192xf32, #tpu.memory_space<vmem>> -> memref<1x8192xf32, #tpu.memory_space<vmem>>
    %dma_wait3A_409 = tpu.memref_squeeze %dma_wait3A_408 : memref<1x8192xf32, #tpu.memory_space<vmem>> -> memref<8192xf32, #tpu.memory_space<vmem>>
    %dma_wait3A_410 = tpu.memref_slice %arg4[%add3A_261] : memref<8388608xf32, #tpu.memory_space<hbm>> -> memref<8192xf32, #tpu.memory_space<hbm>>
    %dma_wait3A_411 = tpu.memref_slice %arg4[%add3A_261] : memref<8388608xf32, #tpu.memory_space<hbm>> -> memref<8192xf32, #tpu.memory_space<hbm>>
    %dma_wait3A_412 = arith.constant 0 : i32
    %dma_wait3A_413 = tpu.memref_slice %arg9[%dma_wait3A_406, %dma_wait3A_412] : memref<2x8192xf32, #tpu.memory_space<vmem>> -> memref<1x8192xf32, #tpu.memory_space<vmem>>
    %dma_wait3A_414 = tpu.memref_squeeze %dma_wait3A_413 : memref<1x8192xf32, #tpu.memory_space<vmem>> -> memref<8192xf32, #tpu.memory_space<vmem>>
    tpu.wait_dma2 semaphore(%arg13 : memref<!tpu.dma_semaphore, #tpu.memory_space<semaphore_mem>>) src(%dma_wait3A_414 : memref<8192xf32, #tpu.memory_space<vmem>>) dst(%dma_wait3A_411 : memref<8192xf32, #tpu.memory_space<hbm>>)
    %scan3A_415 = arith.constant 0 : i32
    %scan3A_416 = arith.constant 0 : i32
    %scan3A_417 = arith.constant 512 : i32
    %scan3A_418 = arith.addi %scan3A_416, %scan3A_417 : i32
    %scan3A_419 = arith.constant 8 : i32
    scf.for %scan3A_720 = %scan3A_416 to %scan3A_418 step %scan3A_419  : i32 {
      %mul3A_721 = arith.constant 16 : i32
      %mul3A_722 = arith.muli %scan3A_720, %mul3A_721 : i32
      %get3A_723 = arith.constant 0 : i32
      %get3A_724 = arith.index_cast %get3A_723 : i32 to index
      %get3A_725 = arith.index_cast %mul3A_722 : i32 to index
      %get3A_726 = tpu.vector_load %arg6[%get3A_724, %get3A_725] {strides = array<i32>} : memref<2x8192xf32, #tpu.memory_space<vmem>>, vector<1x16xf32>,
      %get3A_727 = vector.shape_cast %get3A_726 : vector<1x16xf32> to vector<16xf32>
      %get3A_728 = arith.constant 0 : i32
      %get3A_729 = arith.index_cast %get3A_728 : i32 to index
      %get3A_730 = arith.index_cast %mul3A_722 : i32 to index
      %get3A_731 = tpu.vector_load %arg7[%get3A_729, %get3A_730] {strides = array<i32>} : memref<2x8192xf32, #tpu.memory_space<vmem>>, vector<1x16xf32>,
      %get3A_732 = vector.shape_cast %get3A_731 : vector<1x16xf32> to vector<16xf32>
      %mul3A_733 = arith.mulf %get3A_6, %get3A_727 : vector<16xf32>
      %mul3A_734 = arith.mulf %get3A_11, %get3A_732 : vector<16xf32>
      %add3A_735 = arith.addf %mul3A_733, %mul3A_734 : vector<16xf32>
      %swap3A = arith.constant 0 : i32
      %swap3A_736 = arith.index_cast %swap3A : i32 to index
      %swap3A_737 = arith.index_cast %mul3A_722 : i32 to index
      %swap3A_738 = tpu.vector_load %arg8[%swap3A_736, %swap3A_737] {strides = array<i32>} : memref<2x8192xf32, #tpu.memory_space<vmem>>, vector<1x16xf32>,
      %swap3A_739 = vector.shape_cast %swap3A_738 : vector<1x16xf32> to vector<16xf32>
      %swap3A_740 = vector.shape_cast %add3A_735 : vector<16xf32> to vector<1x16xf32>
      tpu.vector_store %arg8[%swap3A_736, %swap3A_737], %swap3A_740 {strides = array<i32>} : memref<2x8192xf32, #tpu.memory_space<vmem>>, vector<1x16xf32>,
      %mul3A_741 = arith.mulf %get3A_16, %get3A_727 : vector<16xf32>
      %mul3A_742 = arith.mulf %get3A_21, %get3A_732 : vector<16xf32>
      %add3A_743 = arith.addf %mul3A_741, %mul3A_742 : vector<16xf32>
      %swap3A_744 = arith.constant 0 : i32
      %swap3A_745 = arith.index_cast %swap3A_744 : i32 to index
      %swap3A_746 = arith.index_cast %mul3A_722 : i32 to index
      %swap3A_747 = tpu.vector_load %arg9[%swap3A_745, %swap3A_746] {strides = array<i32>} : memref<2x8192xf32, #tpu.memory_space<vmem>>, vector<1x16xf32>,
      %swap3A_748 = vector.shape_cast %swap3A_747 : vector<1x16xf32> to vector<16xf32>
      %swap3A_749 = vector.shape_cast %add3A_743 : vector<16xf32> to vector<1x16xf32>
      tpu.vector_store %arg9[%swap3A_745, %swap3A_746], %swap3A_749 {strides = array<i32>} : memref<2x8192xf32, #tpu.memory_space<vmem>>, vector<1x16xf32>,
      %scan3A_750 = arith.constant 1 : i32
      %scan3A_751 = arith.addi %scan3A_720, %scan3A_750 : i32
      %mul3A_752 = arith.constant 16 : i32
      %mul3A_753 = arith.muli %scan3A_751, %mul3A_752 : i32
      %get3A_754 = arith.constant 0 : i32
      %get3A_755 = arith.index_cast %get3A_754 : i32 to index
      %get3A_756 = arith.index_cast %mul3A_753 : i32 to index
      %get3A_757 = tpu.vector_load %arg6[%get3A_755, %get3A_756] {strides = array<i32>} : memref<2x8192xf32, #tpu.memory_space<vmem>>, vector<1x16xf32>,
      %get3A_758 = vector.shape_cast %get3A_757 : vector<1x16xf32> to vector<16xf32>
      %get3A_759 = arith.constant 0 : i32
      %get3A_760 = arith.index_cast %get3A_759 : i32 to index
      %get3A_761 = arith.index_cast %mul3A_753 : i32 to index
      %get3A_762 = tpu.vector_load %arg7[%get3A_760, %get3A_761] {strides = array<i32>} : memref<2x8192xf32, #tpu.memory_space<vmem>>, vector<1x16xf32>,
      %get3A_763 = vector.shape_cast %get3A_762 : vector<1x16xf32> to vector<16xf32>
      %mul3A_764 = arith.mulf %get3A_6, %get3A_758 : vector<16xf32>
      %mul3A_765 = arith.mulf %get3A_11, %get3A_763 : vector<16xf32>
      %add3A_766 = arith.addf %mul3A_764, %mul3A_765 : vector<16xf32>
      %swap3A_767 = arith.constant 0 : i32
      %swap3A_768 = arith.index_cast %swap3A_767 : i32 to index
      %swap3A_769 = arith.index_cast %mul3A_753 : i32 to index
      %swap3A_770 = tpu.vector_load %arg8[%swap3A_768, %swap3A_769] {strides = array<i32>} : memref<2x8192xf32, #tpu.memory_space<vmem>>, vector<1x16xf32>,
      %swap3A_771 = vector.shape_cast %swap3A_770 : vector<1x16xf32> to vector<16xf32>
      %swap3A_772 = vector.shape_cast %add3A_766 : vector<16xf32> to vector<1x16xf32>
      tpu.vector_store %arg8[%swap3A_768, %swap3A_769], %swap3A_772 {strides = array<i32>} : memref<2x8192xf32, #tpu.memory_space<vmem>>, vector<1x16xf32>,
      %mul3A_773 = arith.mulf %get3A_16, %get3A_758 : vector<16xf32>
      %mul3A_774 = arith.mulf %get3A_21, %get3A_763 : vector<16xf32>
      %add3A_775 = arith.addf %mul3A_773, %mul3A_774 : vector<16xf32>
      %swap3A_776 = arith.constant 0 : i32
      %swap3A_777 = arith.index_cast %swap3A_776 : i32 to index
      %swap3A_778 = arith.index_cast %mul3A_753 : i32 to index
      %swap3A_779 = tpu.vector_load %arg9[%swap3A_777, %swap3A_778] {strides = array<i32>} : memref<2x8192xf32, #tpu.memory_space<vmem>>, vector<1x16xf32>,
      %swap3A_780 = vector.shape_cast %swap3A_779 : vector<1x16xf32> to vector<16xf32>
      %swap3A_781 = vector.shape_cast %add3A_775 : vector<16xf32> to vector<1x16xf32>
      tpu.vector_store %arg9[%swap3A_777, %swap3A_778], %swap3A_781 {strides = array<i32>} : memref<2x8192xf32, #tpu.memory_space<vmem>>, vector<1x16xf32>,
      %scan3A_782 = arith.constant 2 : i32
      %scan3A_783 = arith.addi %scan3A_720, %scan3A_782 : i32
      %mul3A_784 = arith.constant 16 : i32
      %mul3A_785 = arith.muli %scan3A_783, %mul3A_784 : i32
      %get3A_786 = arith.constant 0 : i32
      %get3A_787 = arith.index_cast %get3A_786 : i32 to index
      %get3A_788 = arith.index_cast %mul3A_785 : i32 to index
      %get3A_789 = tpu.vector_load %arg6[%get3A_787, %get3A_788] {strides = array<i32>} : memref<2x8192xf32, #tpu.memory_space<vmem>>, vector<1x16xf32>,
      %get3A_790 = vector.shape_cast %get3A_789 : vector<1x16xf32> to vector<16xf32>
      %get3A_791 = arith.constant 0 : i32
      %get3A_792 = arith.index_cast %get3A_791 : i32 to index
      %get3A_793 = arith.index_cast %mul3A_785 : i32 to index
      %get3A_794 = tpu.vector_load %arg7[%get3A_792, %get3A_793] {strides = array<i32>} : memref<2x8192xf32, #tpu.memory_space<vmem>>, vector<1x16xf32>,
      %get3A_795 = vector.shape_cast %get3A_794 : vector<1x16xf32> to vector<16xf32>
      %mul3A_796 = arith.mulf %get3A_6, %get3A_790 : vector<16xf32>
      %mul3A_797 = arith.mulf %get3A_11, %get3A_795 : vector<16xf32>
      %add3A_798 = arith.addf %mul3A_796, %mul3A_797 : vector<16xf32>
      %swap3A_799 = arith.constant 0 : i32
      %swap3A_800 = arith.index_cast %swap3A_799 : i32 to index
      %swap3A_801 = arith.index_cast %mul3A_785 : i32 to index
      %swap3A_802 = tpu.vector_load %arg8[%swap3A_800, %swap3A_801] {strides = array<i32>} : memref<2x8192xf32, #tpu.memory_space<vmem>>, vector<1x16xf32>,
      %swap3A_803 = vector.shape_cast %swap3A_802 : vector<1x16xf32> to vector<16xf32>
      %swap3A_804 = vector.shape_cast %add3A_798 : vector<16xf32> to vector<1x16xf32>
      tpu.vector_store %arg8[%swap3A_800, %swap3A_801], %swap3A_804 {strides = array<i32>} : memref<2x8192xf32, #tpu.memory_space<vmem>>, vector<1x16xf32>,
      %mul3A_805 = arith.mulf %get3A_16, %get3A_790 : vector<16xf32>
      %mul3A_806 = arith.mulf %get3A_21, %get3A_795 : vector<16xf32>
      %add3A_807 = arith.addf %mul3A_805, %mul3A_806 : vector<16xf32>
      %swap3A_808 = arith.constant 0 : i32
      %swap3A_809 = arith.index_cast %swap3A_808 : i32 to index
      %swap3A_810 = arith.index_cast %mul3A_785 : i32 to index
      %swap3A_811 = tpu.vector_load %arg9[%swap3A_809, %swap3A_810] {strides = array<i32>} : memref<2x8192xf32, #tpu.memory_space<vmem>>, vector<1x16xf32>,
      %swap3A_812 = vector.shape_cast %swap3A_811 : vector<1x16xf32> to vector<16xf32>
      %swap3A_813 = vector.shape_cast %add3A_807 : vector<16xf32> to vector<1x16xf32>
      tpu.vector_store %arg9[%swap3A_809, %swap3A_810], %swap3A_813 {strides = array<i32>} : memref<2x8192xf32, #tpu.memory_space<vmem>>, vector<1x16xf32>,
      %scan3A_814 = arith.constant 3 : i32
      %scan3A_815 = arith.addi %scan3A_720, %scan3A_814 : i32
      %mul3A_816 = arith.constant 16 : i32
      %mul3A_817 = arith.muli %scan3A_815, %mul3A_816 : i32
      %get3A_818 = arith.constant 0 : i32
      %get3A_819 = arith.index_cast %get3A_818 : i32 to index
      %get3A_820 = arith.index_cast %mul3A_817 : i32 to index
      %get3A_821 = tpu.vector_load %arg6[%get3A_819, %get3A_820] {strides = array<i32>} : memref<2x8192xf32, #tpu.memory_space<vmem>>, vector<1x16xf32>,
      %get3A_822 = vector.shape_cast %get3A_821 : vector<1x16xf32> to vector<16xf32>
      %get3A_823 = arith.constant 0 : i32
      %get3A_824 = arith.index_cast %get3A_823 : i32 to index
      %get3A_825 = arith.index_cast %mul3A_817 : i32 to index
      %get3A_826 = tpu.vector_load %arg7[%get3A_824, %get3A_825] {strides = array<i32>} : memref<2x8192xf32, #tpu.memory_space<vmem>>, vector<1x16xf32>,
      %get3A_827 = vector.shape_cast %get3A_826 : vector<1x16xf32> to vector<16xf32>
      %mul3A_828 = arith.mulf %get3A_6, %get3A_822 : vector<16xf32>
      %mul3A_829 = arith.mulf %get3A_11, %get3A_827 : vector<16xf32>
      %add3A_830 = arith.addf %mul3A_828, %mul3A_829 : vector<16xf32>
      %swap3A_831 = arith.constant 0 : i32
      %swap3A_832 = arith.index_cast %swap3A_831 : i32 to index
      %swap3A_833 = arith.index_cast %mul3A_817 : i32 to index
      %swap3A_834 = tpu.vector_load %arg8[%swap3A_832, %swap3A_833] {strides = array<i32>} : memref<2x8192xf32, #tpu.memory_space<vmem>>, vector<1x16xf32>,
      %swap3A_835 = vector.shape_cast %swap3A_834 : vector<1x16xf32> to vector<16xf32>
      %swap3A_836 = vector.shape_cast %add3A_830 : vector<16xf32> to vector<1x16xf32>
      tpu.vector_store %arg8[%swap3A_832, %swap3A_833], %swap3A_836 {strides = array<i32>} : memref<2x8192xf32, #tpu.memory_space<vmem>>, vector<1x16xf32>,
      %mul3A_837 = arith.mulf %get3A_16, %get3A_822 : vector<16xf32>
      %mul3A_838 = arith.mulf %get3A_21, %get3A_827 : vector<16xf32>
      %add3A_839 = arith.addf %mul3A_837, %mul3A_838 : vector<16xf32>
      %swap3A_840 = arith.constant 0 : i32
      %swap3A_841 = arith.index_cast %swap3A_840 : i32 to index
      %swap3A_842 = arith.index_cast %mul3A_817 : i32 to index
      %swap3A_843 = tpu.vector_load %arg9[%swap3A_841, %swap3A_842] {strides = array<i32>} : memref<2x8192xf32, #tpu.memory_space<vmem>>, vector<1x16xf32>,
      %swap3A_844 = vector.shape_cast %swap3A_843 : vector<1x16xf32> to vector<16xf32>
      %swap3A_845 = vector.shape_cast %add3A_839 : vector<16xf32> to vector<1x16xf32>
      tpu.vector_store %arg9[%swap3A_841, %swap3A_842], %swap3A_845 {strides = array<i32>} : memref<2x8192xf32, #tpu.memory_space<vmem>>, vector<1x16xf32>,
      %scan3A_846 = arith.constant 4 : i32
      %scan3A_847 = arith.addi %scan3A_720, %scan3A_846 : i32
      %mul3A_848 = arith.constant 16 : i32
      %mul3A_849 = arith.muli %scan3A_847, %mul3A_848 : i32
      %get3A_850 = arith.constant 0 : i32
      %get3A_851 = arith.index_cast %get3A_850 : i32 to index
      %get3A_852 = arith.index_cast %mul3A_849 : i32 to index
      %get3A_853 = tpu.vector_load %arg6[%get3A_851, %get3A_852] {strides = array<i32>} : memref<2x8192xf32, #tpu.memory_space<vmem>>, vector<1x16xf32>,
      %get3A_854 = vector.shape_cast %get3A_853 : vector<1x16xf32> to vector<16xf32>
      %get3A_855 = arith.constant 0 : i32
      %get3A_856 = arith.index_cast %get3A_855 : i32 to index
      %get3A_857 = arith.index_cast %mul3A_849 : i32 to index
      %get3A_858 = tpu.vector_load %arg7[%get3A_856, %get3A_857] {strides = array<i32>} : memref<2x8192xf32, #tpu.memory_space<vmem>>, vector<1x16xf32>,
      %get3A_859 = vector.shape_cast %get3A_858 : vector<1x16xf32> to vector<16xf32>
      %mul3A_860 = arith.mulf %get3A_6, %get3A_854 : vector<16xf32>
      %mul3A_861 = arith.mulf %get3A_11, %get3A_859 : vector<16xf32>
      %add3A_862 = arith.addf %mul3A_860, %mul3A_861 : vector<16xf32>
      %swap3A_863 = arith.constant 0 : i32
      %swap3A_864 = arith.index_cast %swap3A_863 : i32 to index
      %swap3A_865 = arith.index_cast %mul3A_849 : i32 to index
      %swap3A_866 = tpu.vector_load %arg8[%swap3A_864, %swap3A_865] {strides = array<i32>} : memref<2x8192xf32, #tpu.memory_space<vmem>>, vector<1x16xf32>,
      %swap3A_867 = vector.shape_cast %swap3A_866 : vector<1x16xf32> to vector<16xf32>
      %swap3A_868 = vector.shape_cast %add3A_862 : vector<16xf32> to vector<1x16xf32>
      tpu.vector_store %arg8[%swap3A_864, %swap3A_865], %swap3A_868 {strides = array<i32>} : memref<2x8192xf32, #tpu.memory_space<vmem>>, vector<1x16xf32>,
      %mul3A_869 = arith.mulf %get3A_16, %get3A_854 : vector<16xf32>
      %mul3A_870 = arith.mulf %get3A_21, %get3A_859 : vector<16xf32>
      %add3A_871 = arith.addf %mul3A_869, %mul3A_870 : vector<16xf32>
      %swap3A_872 = arith.constant 0 : i32
      %swap3A_873 = arith.index_cast %swap3A_872 : i32 to index
      %swap3A_874 = arith.index_cast %mul3A_849 : i32 to index
      %swap3A_875 = tpu.vector_load %arg9[%swap3A_873, %swap3A_874] {strides = array<i32>} : memref<2x8192xf32, #tpu.memory_space<vmem>>, vector<1x16xf32>,
      %swap3A_876 = vector.shape_cast %swap3A_875 : vector<1x16xf32> to vector<16xf32>
      %swap3A_877 = vector.shape_cast %add3A_871 : vector<16xf32> to vector<1x16xf32>
      tpu.vector_store %arg9[%swap3A_873, %swap3A_874], %swap3A_877 {strides = array<i32>} : memref<2x8192xf32, #tpu.memory_space<vmem>>, vector<1x16xf32>,
      %scan3A_878 = arith.constant 5 : i32
      %scan3A_879 = arith.addi %scan3A_720, %scan3A_878 : i32
      %mul3A_880 = arith.constant 16 : i32
      %mul3A_881 = arith.muli %scan3A_879, %mul3A_880 : i32
      %get3A_882 = arith.constant 0 : i32
      %get3A_883 = arith.index_cast %get3A_882 : i32 to index
      %get3A_884 = arith.index_cast %mul3A_881 : i32 to index
      %get3A_885 = tpu.vector_load %arg6[%get3A_883, %get3A_884] {strides = array<i32>} : memref<2x8192xf32, #tpu.memory_space<vmem>>, vector<1x16xf32>,
      %get3A_886 = vector.shape_cast %get3A_885 : vector<1x16xf32> to vector<16xf32>
      %get3A_887 = arith.constant 0 : i32
      %get3A_888 = arith.index_cast %get3A_887 : i32 to index
      %get3A_889 = arith.index_cast %mul3A_881 : i32 to index
      %get3A_890 = tpu.vector_load %arg7[%get3A_888, %get3A_889] {strides = array<i32>} : memref<2x8192xf32, #tpu.memory_space<vmem>>, vector<1x16xf32>,
      %get3A_891 = vector.shape_cast %get3A_890 : vector<1x16xf32> to vector<16xf32>
      %mul3A_892 = arith.mulf %get3A_6, %get3A_886 : vector<16xf32>
      %mul3A_893 = arith.mulf %get3A_11, %get3A_891 : vector<16xf32>
      %add3A_894 = arith.addf %mul3A_892, %mul3A_893 : vector<16xf32>
      %swap3A_895 = arith.constant 0 : i32
      %swap3A_896 = arith.index_cast %swap3A_895 : i32 to index
      %swap3A_897 = arith.index_cast %mul3A_881 : i32 to index
      %swap3A_898 = tpu.vector_load %arg8[%swap3A_896, %swap3A_897] {strides = array<i32>} : memref<2x8192xf32, #tpu.memory_space<vmem>>, vector<1x16xf32>,
      %swap3A_899 = vector.shape_cast %swap3A_898 : vector<1x16xf32> to vector<16xf32>
      %swap3A_900 = vector.shape_cast %add3A_894 : vector<16xf32> to vector<1x16xf32>
      tpu.vector_store %arg8[%swap3A_896, %swap3A_897], %swap3A_900 {strides = array<i32>} : memref<2x8192xf32, #tpu.memory_space<vmem>>, vector<1x16xf32>,
      %mul3A_901 = arith.mulf %get3A_16, %get3A_886 : vector<16xf32>
      %mul3A_902 = arith.mulf %get3A_21, %get3A_891 : vector<16xf32>
      %add3A_903 = arith.addf %mul3A_901, %mul3A_902 : vector<16xf32>
      %swap3A_904 = arith.constant 0 : i32
      %swap3A_905 = arith.index_cast %swap3A_904 : i32 to index
      %swap3A_906 = arith.index_cast %mul3A_881 : i32 to index
      %swap3A_907 = tpu.vector_load %arg9[%swap3A_905, %swap3A_906] {strides = array<i32>} : memref<2x8192xf32, #tpu.memory_space<vmem>>, vector<1x16xf32>,
      %swap3A_908 = vector.shape_cast %swap3A_907 : vector<1x16xf32> to vector<16xf32>
      %swap3A_909 = vector.shape_cast %add3A_903 : vector<16xf32> to vector<1x16xf32>
      tpu.vector_store %arg9[%swap3A_905, %swap3A_906], %swap3A_909 {strides = array<i32>} : memref<2x8192xf32, #tpu.memory_space<vmem>>, vector<1x16xf32>,
      %scan3A_910 = arith.constant 6 : i32
      %scan3A_911 = arith.addi %scan3A_720, %scan3A_910 : i32
      %mul3A_912 = arith.constant 16 : i32
      %mul3A_913 = arith.muli %scan3A_911, %mul3A_912 : i32
      %get3A_914 = arith.constant 0 : i32
      %get3A_915 = arith.index_cast %get3A_914 : i32 to index
      %get3A_916 = arith.index_cast %mul3A_913 : i32 to index
      %get3A_917 = tpu.vector_load %arg6[%get3A_915, %get3A_916] {strides = array<i32>} : memref<2x8192xf32, #tpu.memory_space<vmem>>, vector<1x16xf32>,
      %get3A_918 = vector.shape_cast %get3A_917 : vector<1x16xf32> to vector<16xf32>
      %get3A_919 = arith.constant 0 : i32
      %get3A_920 = arith.index_cast %get3A_919 : i32 to index
      %get3A_921 = arith.index_cast %mul3A_913 : i32 to index
      %get3A_922 = tpu.vector_load %arg7[%get3A_920, %get3A_921] {strides = array<i32>} : memref<2x8192xf32, #tpu.memory_space<vmem>>, vector<1x16xf32>,
      %get3A_923 = vector.shape_cast %get3A_922 : vector<1x16xf32> to vector<16xf32>
      %mul3A_924 = arith.mulf %get3A_6, %get3A_918 : vector<16xf32>
      %mul3A_925 = arith.mulf %get3A_11, %get3A_923 : vector<16xf32>
      %add3A_926 = arith.addf %mul3A_924, %mul3A_925 : vector<16xf32>
      %swap3A_927 = arith.constant 0 : i32
      %swap3A_928 = arith.index_cast %swap3A_927 : i32 to index
      %swap3A_929 = arith.index_cast %mul3A_913 : i32 to index
      %swap3A_930 = tpu.vector_load %arg8[%swap3A_928, %swap3A_929] {strides = array<i32>} : memref<2x8192xf32, #tpu.memory_space<vmem>>, vector<1x16xf32>,
      %swap3A_931 = vector.shape_cast %swap3A_930 : vector<1x16xf32> to vector<16xf32>
      %swap3A_932 = vector.shape_cast %add3A_926 : vector<16xf32> to vector<1x16xf32>
      tpu.vector_store %arg8[%swap3A_928, %swap3A_929], %swap3A_932 {strides = array<i32>} : memref<2x8192xf32, #tpu.memory_space<vmem>>, vector<1x16xf32>,
      %mul3A_933 = arith.mulf %get3A_16, %get3A_918 : vector<16xf32>
      %mul3A_934 = arith.mulf %get3A_21, %get3A_923 : vector<16xf32>
      %add3A_935 = arith.addf %mul3A_933, %mul3A_934 : vector<16xf32>
      %swap3A_936 = arith.constant 0 : i32
      %swap3A_937 = arith.index_cast %swap3A_936 : i32 to index
      %swap3A_938 = arith.index_cast %mul3A_913 : i32 to index
      %swap3A_939 = tpu.vector_load %arg9[%swap3A_937, %swap3A_938] {strides = array<i32>} : memref<2x8192xf32, #tpu.memory_space<vmem>>, vector<1x16xf32>,
      %swap3A_940 = vector.shape_cast %swap3A_939 : vector<1x16xf32> to vector<16xf32>
      %swap3A_941 = vector.shape_cast %add3A_935 : vector<16xf32> to vector<1x16xf32>
      tpu.vector_store %arg9[%swap3A_937, %swap3A_938], %swap3A_941 {strides = array<i32>} : memref<2x8192xf32, #tpu.memory_space<vmem>>, vector<1x16xf32>,
      %scan3A_942 = arith.constant 7 : i32
      %scan3A_943 = arith.addi %scan3A_720, %scan3A_942 : i32
      %mul3A_944 = arith.constant 16 : i32
      %mul3A_945 = arith.muli %scan3A_943, %mul3A_944 : i32
      %get3A_946 = arith.constant 0 : i32
      %get3A_947 = arith.index_cast %get3A_946 : i32 to index
      %get3A_948 = arith.index_cast %mul3A_945 : i32 to index
      %get3A_949 = tpu.vector_load %arg6[%get3A_947, %get3A_948] {strides = array<i32>} : memref<2x8192xf32, #tpu.memory_space<vmem>>, vector<1x16xf32>,
      %get3A_950 = vector.shape_cast %get3A_949 : vector<1x16xf32> to vector<16xf32>
      %get3A_951 = arith.constant 0 : i32
      %get3A_952 = arith.index_cast %get3A_951 : i32 to index
      %get3A_953 = arith.index_cast %mul3A_945 : i32 to index
      %get3A_954 = tpu.vector_load %arg7[%get3A_952, %get3A_953] {strides = array<i32>} : memref<2x8192xf32, #tpu.memory_space<vmem>>, vector<1x16xf32>,
      %get3A_955 = vector.shape_cast %get3A_954 : vector<1x16xf32> to vector<16xf32>
      %mul3A_956 = arith.mulf %get3A_6, %get3A_950 : vector<16xf32>
      %mul3A_957 = arith.mulf %get3A_11, %get3A_955 : vector<16xf32>
      %add3A_958 = arith.addf %mul3A_956, %mul3A_957 : vector<16xf32>
      %swap3A_959 = arith.constant 0 : i32
      %swap3A_960 = arith.index_cast %swap3A_959 : i32 to index
      %swap3A_961 = arith.index_cast %mul3A_945 : i32 to index
      %swap3A_962 = tpu.vector_load %arg8[%swap3A_960, %swap3A_961] {strides = array<i32>} : memref<2x8192xf32, #tpu.memory_space<vmem>>, vector<1x16xf32>,
      %swap3A_963 = vector.shape_cast %swap3A_962 : vector<1x16xf32> to vector<16xf32>
      %swap3A_964 = vector.shape_cast %add3A_958 : vector<16xf32> to vector<1x16xf32>
      tpu.vector_store %arg8[%swap3A_960, %swap3A_961], %swap3A_964 {strides = array<i32>} : memref<2x8192xf32, #tpu.memory_space<vmem>>, vector<1x16xf32>,
      %mul3A_965 = arith.mulf %get3A_16, %get3A_950 : vector<16xf32>
      %mul3A_966 = arith.mulf %get3A_21, %get3A_955 : vector<16xf32>
      %add3A_967 = arith.addf %mul3A_965, %mul3A_966 : vector<16xf32>
      %swap3A_968 = arith.constant 0 : i32
      %swap3A_969 = arith.index_cast %swap3A_968 : i32 to index
      %swap3A_970 = arith.index_cast %mul3A_945 : i32 to index
      %swap3A_971 = tpu.vector_load %arg9[%swap3A_969, %swap3A_970] {strides = array<i32>} : memref<2x8192xf32, #tpu.memory_space<vmem>>, vector<1x16xf32>,
      %swap3A_972 = vector.shape_cast %swap3A_971 : vector<1x16xf32> to vector<16xf32>
      %swap3A_973 = vector.shape_cast %add3A_967 : vector<16xf32> to vector<1x16xf32>
      tpu.vector_store %arg9[%swap3A_969, %swap3A_970], %swap3A_973 {strides = array<i32>} : memref<2x8192xf32, #tpu.memory_space<vmem>>, vector<1x16xf32>,
    }
    %scan3A_420 = arith.constant 512 : i32
    %add3A_421 = arith.constant 32768 : i32
    %add3A_422 = arith.addi %add3A_25, %add3A_421 : i32
    %dma_start3A_423 = arith.constant 0 : i32
    %dma_start3A_424 = arith.constant 0 : i32
    %dma_start3A_425 = tpu.memref_slice %arg8[%dma_start3A_423, %dma_start3A_424] : memref<2x8192xf32, #tpu.memory_space<vmem>> -> memref<1x8192xf32, #tpu.memory_space<vmem>>
    %dma_start3A_426 = tpu.memref_squeeze %dma_start3A_425 : memref<1x8192xf32, #tpu.memory_space<vmem>> -> memref<8192xf32, #tpu.memory_space<vmem>>
    %dma_start3A_427 = tpu.memref_slice %arg4[%add3A_422] : memref<8388608xf32, #tpu.memory_space<hbm>> -> memref<8192xf32, #tpu.memory_space<hbm>>
    %dma_start3A_428 = tpu.memref_slice %arg4[%add3A_422] : memref<8388608xf32, #tpu.memory_space<hbm>> -> memref<8192xf32, #tpu.memory_space<hbm>>
    %dma_start3A_429 = arith.constant 0 : i32
    %dma_start3A_430 = tpu.memref_slice %arg8[%dma_start3A_423, %dma_start3A_429] : memref<2x8192xf32, #tpu.memory_space<vmem>> -> memref<1x8192xf32, #tpu.memory_space<vmem>>
    %dma_start3A_431 = tpu.memref_squeeze %dma_start3A_430 : memref<1x8192xf32, #tpu.memory_space<vmem>> -> memref<8192xf32, #tpu.memory_space<vmem>>
    tpu.enqueue_dma source(%dma_start3A_431 : memref<8192xf32, #tpu.memory_space<vmem>>) target(%dma_start3A_428 : memref<8192xf32, #tpu.memory_space<hbm>>) target_semaphore(%arg13 : memref<!tpu.dma_semaphore, #tpu.memory_space<semaphore_mem>>)
    %add3A_432 = arith.constant 32768 : i32
    %add3A_433 = arith.addi %add3A_29, %add3A_432 : i32
    %dma_start3A_434 = arith.constant 0 : i32
    %dma_start3A_435 = arith.constant 0 : i32
    %dma_start3A_436 = tpu.memref_slice %arg9[%dma_start3A_434, %dma_start3A_435] : memref<2x8192xf32, #tpu.memory_space<vmem>> -> memref<1x8192xf32, #tpu.memory_space<vmem>>
    %dma_start3A_437 = tpu.memref_squeeze %dma_start3A_436 : memref<1x8192xf32, #tpu.memory_space<vmem>> -> memref<8192xf32, #tpu.memory_space<vmem>>
    %dma_start3A_438 = tpu.memref_slice %arg4[%add3A_433] : memref<8388608xf32, #tpu.memory_space<hbm>> -> memref<8192xf32, #tpu.memory_space<hbm>>
    %dma_start3A_439 = tpu.memref_slice %arg4[%add3A_433] : memref<8388608xf32, #tpu.memory_space<hbm>> -> memref<8192xf32, #tpu.memory_space<hbm>>
    %dma_start3A_440 = arith.constant 0 : i32
    %dma_start3A_441 = tpu.memref_slice %arg9[%dma_start3A_434, %dma_start3A_440] : memref<2x8192xf32, #tpu.memory_space<vmem>> -> memref<1x8192xf32, #tpu.memory_space<vmem>>
    %dma_start3A_442 = tpu.memref_squeeze %dma_start3A_441 : memref<1x8192xf32, #tpu.memory_space<vmem>> -> memref<8192xf32, #tpu.memory_space<vmem>>
    tpu.enqueue_dma source(%dma_start3A_442 : memref<8192xf32, #tpu.memory_space<vmem>>) target(%dma_start3A_439 : memref<8192xf32, #tpu.memory_space<hbm>>) target_semaphore(%arg13 : memref<!tpu.dma_semaphore, #tpu.memory_space<semaphore_mem>>)
    %add3A_443 = arith.constant 49152 : i32
    %add3A_444 = arith.addi %add3A_25, %add3A_443 : i32
    %dma_start3A_445 = arith.constant 0 : i32
    %dma_start3A_446 = arith.constant 0 : i32
    %dma_start3A_447 = tpu.memref_slice %arg6[%dma_start3A_445, %dma_start3A_446] : memref<2x8192xf32, #tpu.memory_space<vmem>> -> memref<1x8192xf32, #tpu.memory_space<vmem>>
    %dma_start3A_448 = tpu.memref_squeeze %dma_start3A_447 : memref<1x8192xf32, #tpu.memory_space<vmem>> -> memref<8192xf32, #tpu.memory_space<vmem>>
    %dma_start3A_449 = tpu.memref_slice %arg2[%add3A_444] : memref<8388608xf32, #tpu.memory_space<hbm>> -> memref<8192xf32, #tpu.memory_space<hbm>>
    %dma_start3A_450 = arith.constant 0 : i32
    %dma_start3A_451 = tpu.memref_slice %arg6[%dma_start3A_445, %dma_start3A_450] : memref<2x8192xf32, #tpu.memory_space<vmem>> -> memref<1x8192xf32, #tpu.memory_space<vmem>>
    %dma_start3A_452 = tpu.memref_squeeze %dma_start3A_451 : memref<1x8192xf32, #tpu.memory_space<vmem>> -> memref<8192xf32, #tpu.memory_space<vmem>>
    %dma_start3A_453 = tpu.memref_slice %arg2[%add3A_444] : memref<8388608xf32, #tpu.memory_space<hbm>> -> memref<8192xf32, #tpu.memory_space<hbm>>
    tpu.enqueue_dma source(%dma_start3A_453 : memref<8192xf32, #tpu.memory_space<hbm>>) target(%dma_start3A_452 : memref<8192xf32, #tpu.memory_space<vmem>>) target_semaphore(%arg11 : memref<!tpu.dma_semaphore, #tpu.memory_space<semaphore_mem>>)
    %add3A_454 = arith.constant 49152 : i32
    %add3A_455 = arith.addi %add3A_29, %add3A_454 : i32
    %dma_start3A_456 = arith.constant 0 : i32
    %dma_start3A_457 = arith.constant 0 : i32
    %dma_start3A_458 = tpu.memref_slice %arg7[%dma_start3A_456, %dma_start3A_457] : memref<2x8192xf32, #tpu.memory_space<vmem>> -> memref<1x8192xf32, #tpu.memory_space<vmem>>
    %dma_start3A_459 = tpu.memref_squeeze %dma_start3A_458 : memref<1x8192xf32, #tpu.memory_space<vmem>> -> memref<8192xf32, #tpu.memory_space<vmem>>
    %dma_start3A_460 = tpu.memref_slice %arg2[%add3A_455] : memref<8388608xf32, #tpu.memory_space<hbm>> -> memref<8192xf32, #tpu.memory_space<hbm>>
    %dma_start3A_461 = arith.constant 0 : i32
    %dma_start3A_462 = tpu.memref_slice %arg7[%dma_start3A_456, %dma_start3A_461] : memref<2x8192xf32, #tpu.memory_space<vmem>> -> memref<1x8192xf32, #tpu.memory_space<vmem>>
    %dma_start3A_463 = tpu.memref_squeeze %dma_start3A_462 : memref<1x8192xf32, #tpu.memory_space<vmem>> -> memref<8192xf32, #tpu.memory_space<vmem>>
    %dma_start3A_464 = tpu.memref_slice %arg2[%add3A_455] : memref<8388608xf32, #tpu.memory_space<hbm>> -> memref<8192xf32, #tpu.memory_space<hbm>>
    tpu.enqueue_dma source(%dma_start3A_464 : memref<8192xf32, #tpu.memory_space<hbm>>) target(%dma_start3A_463 : memref<8192xf32, #tpu.memory_space<vmem>>) target_semaphore(%arg11 : memref<!tpu.dma_semaphore, #tpu.memory_space<semaphore_mem>>)
    %dma_wait3A_465 = arith.constant 1 : i32
    %dma_wait3A_466 = arith.constant 0 : i32
    %dma_wait3A_467 = tpu.memref_slice %arg6[%dma_wait3A_465, %dma_wait3A_466] : memref<2x8192xf32, #tpu.memory_space<vmem>> -> memref<1x8192xf32, #tpu.memory_space<vmem>>
    %dma_wait3A_468 = tpu.memref_squeeze %dma_wait3A_467 : memref<1x8192xf32, #tpu.memory_space<vmem>> -> memref<8192xf32, #tpu.memory_space<vmem>>
    %dma_wait3A_469 = tpu.memref_slice %arg2[%add3A_358] : memref<8388608xf32, #tpu.memory_space<hbm>> -> memref<8192xf32, #tpu.memory_space<hbm>>
    %dma_wait3A_470 = arith.constant 0 : i32
    %dma_wait3A_471 = tpu.memref_slice %arg6[%dma_wait3A_465, %dma_wait3A_470] : memref<2x8192xf32, #tpu.memory_space<vmem>> -> memref<1x8192xf32, #tpu.memory_space<vmem>>
    %dma_wait3A_472 = tpu.memref_squeeze %dma_wait3A_471 : memref<1x8192xf32, #tpu.memory_space<vmem>> -> memref<8192xf32, #tpu.memory_space<vmem>>
    %dma_wait3A_473 = tpu.memref_slice %arg2[%add3A_358] : memref<8388608xf32, #tpu.memory_space<hbm>> -> memref<8192xf32, #tpu.memory_space<hbm>>
    tpu.wait_dma2 semaphore(%arg12 : memref<!tpu.dma_semaphore, #tpu.memory_space<semaphore_mem>>) src(%dma_wait3A_473 : memref<8192xf32, #tpu.memory_space<hbm>>) dst(%dma_wait3A_472 : memref<8192xf32, #tpu.memory_space<vmem>>)
    %dma_wait3A_474 = arith.constant 1 : i32
    %dma_wait3A_475 = arith.constant 0 : i32
    %dma_wait3A_476 = tpu.memref_slice %arg7[%dma_wait3A_474, %dma_wait3A_475] : memref<2x8192xf32, #tpu.memory_space<vmem>> -> memref<1x8192xf32, #tpu.memory_space<vmem>>
    %dma_wait3A_477 = tpu.memref_squeeze %dma_wait3A_476 : memref<1x8192xf32, #tpu.memory_space<vmem>> -> memref<8192xf32, #tpu.memory_space<vmem>>
    %dma_wait3A_478 = tpu.memref_slice %arg2[%add3A_369] : memref<8388608xf32, #tpu.memory_space<hbm>> -> memref<8192xf32, #tpu.memory_space<hbm>>
    %dma_wait3A_479 = arith.constant 0 : i32
    %dma_wait3A_480 = tpu.memref_slice %arg7[%dma_wait3A_474, %dma_wait3A_479] : memref<2x8192xf32, #tpu.memory_space<vmem>> -> memref<1x8192xf32, #tpu.memory_space<vmem>>
    %dma_wait3A_481 = tpu.memref_squeeze %dma_wait3A_480 : memref<1x8192xf32, #tpu.memory_space<vmem>> -> memref<8192xf32, #tpu.memory_space<vmem>>
    %dma_wait3A_482 = tpu.memref_slice %arg2[%add3A_369] : memref<8388608xf32, #tpu.memory_space<hbm>> -> memref<8192xf32, #tpu.memory_space<hbm>>
    tpu.wait_dma2 semaphore(%arg12 : memref<!tpu.dma_semaphore, #tpu.memory_space<semaphore_mem>>) src(%dma_wait3A_482 : memref<8192xf32, #tpu.memory_space<hbm>>) dst(%dma_wait3A_481 : memref<8192xf32, #tpu.memory_space<vmem>>)
    %dma_wait3A_483 = arith.constant 1 : i32
    %dma_wait3A_484 = arith.constant 0 : i32
    %dma_wait3A_485 = tpu.memref_slice %arg8[%dma_wait3A_483, %dma_wait3A_484] : memref<2x8192xf32, #tpu.memory_space<vmem>> -> memref<1x8192xf32, #tpu.memory_space<vmem>>
    %dma_wait3A_486 = tpu.memref_squeeze %dma_wait3A_485 : memref<1x8192xf32, #tpu.memory_space<vmem>> -> memref<8192xf32, #tpu.memory_space<vmem>>
    %dma_wait3A_487 = tpu.memref_slice %arg4[%add3A_336] : memref<8388608xf32, #tpu.memory_space<hbm>> -> memref<8192xf32, #tpu.memory_space<hbm>>
    %dma_wait3A_488 = tpu.memref_slice %arg4[%add3A_336] : memref<8388608xf32, #tpu.memory_space<hbm>> -> memref<8192xf32, #tpu.memory_space<hbm>>
    %dma_wait3A_489 = arith.constant 0 : i32
    %dma_wait3A_490 = tpu.memref_slice %arg8[%dma_wait3A_483, %dma_wait3A_489] : memref<2x8192xf32, #tpu.memory_space<vmem>> -> memref<1x8192xf32, #tpu.memory_space<vmem>>
    %dma_wait3A_491 = tpu.memref_squeeze %dma_wait3A_490 : memref<1x8192xf32, #tpu.memory_space<vmem>> -> memref<8192xf32, #tpu.memory_space<vmem>>
    tpu.wait_dma2 semaphore(%arg14 : memref<!tpu.dma_semaphore, #tpu.memory_space<semaphore_mem>>) src(%dma_wait3A_491 : memref<8192xf32, #tpu.memory_space<vmem>>) dst(%dma_wait3A_488 : memref<8192xf32, #tpu.memory_space<hbm>>)
    %dma_wait3A_492 = arith.constant 1 : i32
    %dma_wait3A_493 = arith.constant 0 : i32
    %dma_wait3A_494 = tpu.memref_slice %arg9[%dma_wait3A_492, %dma_wait3A_493] : memref<2x8192xf32, #tpu.memory_space<vmem>> -> memref<1x8192xf32, #tpu.memory_space<vmem>>
    %dma_wait3A_495 = tpu.memref_squeeze %dma_wait3A_494 : memref<1x8192xf32, #tpu.memory_space<vmem>> -> memref<8192xf32, #tpu.memory_space<vmem>>
    %dma_wait3A_496 = tpu.memref_slice %arg4[%add3A_347] : memref<8388608xf32, #tpu.memory_space<hbm>> -> memref<8192xf32, #tpu.memory_space<hbm>>
    %dma_wait3A_497 = tpu.memref_slice %arg4[%add3A_347] : memref<8388608xf32, #tpu.memory_space<hbm>> -> memref<8192xf32, #tpu.memory_space<hbm>>
    %dma_wait3A_498 = arith.constant 0 : i32
    %dma_wait3A_499 = tpu.memref_slice %arg9[%dma_wait3A_492, %dma_wait3A_498] : memref<2x8192xf32, #tpu.memory_space<vmem>> -> memref<1x8192xf32, #tpu.memory_space<vmem>>
    %dma_wait3A_500 = tpu.memref_squeeze %dma_wait3A_499 : memref<1x8192xf32, #tpu.memory_space<vmem>> -> memref<8192xf32, #tpu.memory_space<vmem>>
    tpu.wait_dma2 semaphore(%arg14 : memref<!tpu.dma_semaphore, #tpu.memory_space<semaphore_mem>>) src(%dma_wait3A_500 : memref<8192xf32, #tpu.memory_space<vmem>>) dst(%dma_wait3A_497 : memref<8192xf32, #tpu.memory_space<hbm>>)
    %scan3A_501 = arith.constant 0 : i32
    %scan3A_502 = arith.constant 0 : i32
    %scan3A_503 = arith.constant 512 : i32
    %scan3A_504 = arith.addi %scan3A_502, %scan3A_503 : i32
    %scan3A_505 = arith.constant 8 : i32
    scf.for %scan3A_720 = %scan3A_502 to %scan3A_504 step %scan3A_505  : i32 {
      %mul3A_721 = arith.constant 16 : i32
      %mul3A_722 = arith.muli %scan3A_720, %mul3A_721 : i32
      %get3A_723 = arith.constant 1 : i32
      %get3A_724 = arith.index_cast %get3A_723 : i32 to index
      %get3A_725 = arith.index_cast %mul3A_722 : i32 to index
      %get3A_726 = tpu.vector_load %arg6[%get3A_724, %get3A_725] {strides = array<i32>} : memref<2x8192xf32, #tpu.memory_space<vmem>>, vector<1x16xf32>,
      %get3A_727 = vector.shape_cast %get3A_726 : vector<1x16xf32> to vector<16xf32>
      %get3A_728 = arith.constant 1 : i32
      %get3A_729 = arith.index_cast %get3A_728 : i32 to index
      %get3A_730 = arith.index_cast %mul3A_722 : i32 to index
      %get3A_731 = tpu.vector_load %arg7[%get3A_729, %get3A_730] {strides = array<i32>} : memref<2x8192xf32, #tpu.memory_space<vmem>>, vector<1x16xf32>,
      %get3A_732 = vector.shape_cast %get3A_731 : vector<1x16xf32> to vector<16xf32>
      %mul3A_733 = arith.mulf %get3A_6, %get3A_727 : vector<16xf32>
      %mul3A_734 = arith.mulf %get3A_11, %get3A_732 : vector<16xf32>
      %add3A_735 = arith.addf %mul3A_733, %mul3A_734 : vector<16xf32>
      %swap3A = arith.constant 1 : i32
      %swap3A_736 = arith.index_cast %swap3A : i32 to index
      %swap3A_737 = arith.index_cast %mul3A_722 : i32 to index
      %swap3A_738 = tpu.vector_load %arg8[%swap3A_736, %swap3A_737] {strides = array<i32>} : memref<2x8192xf32, #tpu.memory_space<vmem>>, vector<1x16xf32>,
      %swap3A_739 = vector.shape_cast %swap3A_738 : vector<1x16xf32> to vector<16xf32>
      %swap3A_740 = vector.shape_cast %add3A_735 : vector<16xf32> to vector<1x16xf32>
      tpu.vector_store %arg8[%swap3A_736, %swap3A_737], %swap3A_740 {strides = array<i32>} : memref<2x8192xf32, #tpu.memory_space<vmem>>, vector<1x16xf32>,
      %mul3A_741 = arith.mulf %get3A_16, %get3A_727 : vector<16xf32>
      %mul3A_742 = arith.mulf %get3A_21, %get3A_732 : vector<16xf32>
      %add3A_743 = arith.addf %mul3A_741, %mul3A_742 : vector<16xf32>
      %swap3A_744 = arith.constant 1 : i32
      %swap3A_745 = arith.index_cast %swap3A_744 : i32 to index
      %swap3A_746 = arith.index_cast %mul3A_722 : i32 to index
      %swap3A_747 = tpu.vector_load %arg9[%swap3A_745, %swap3A_746] {strides = array<i32>} : memref<2x8192xf32, #tpu.memory_space<vmem>>, vector<1x16xf32>,
      %swap3A_748 = vector.shape_cast %swap3A_747 : vector<1x16xf32> to vector<16xf32>
      %swap3A_749 = vector.shape_cast %add3A_743 : vector<16xf32> to vector<1x16xf32>
      tpu.vector_store %arg9[%swap3A_745, %swap3A_746], %swap3A_749 {strides = array<i32>} : memref<2x8192xf32, #tpu.memory_space<vmem>>, vector<1x16xf32>,
      %scan3A_750 = arith.constant 1 : i32
      %scan3A_751 = arith.addi %scan3A_720, %scan3A_750 : i32
      %mul3A_752 = arith.constant 16 : i32
      %mul3A_753 = arith.muli %scan3A_751, %mul3A_752 : i32
      %get3A_754 = arith.constant 1 : i32
      %get3A_755 = arith.index_cast %get3A_754 : i32 to index
      %get3A_756 = arith.index_cast %mul3A_753 : i32 to index
      %get3A_757 = tpu.vector_load %arg6[%get3A_755, %get3A_756] {strides = array<i32>} : memref<2x8192xf32, #tpu.memory_space<vmem>>, vector<1x16xf32>,
      %get3A_758 = vector.shape_cast %get3A_757 : vector<1x16xf32> to vector<16xf32>
      %get3A_759 = arith.constant 1 : i32
      %get3A_760 = arith.index_cast %get3A_759 : i32 to index
      %get3A_761 = arith.index_cast %mul3A_753 : i32 to index
      %get3A_762 = tpu.vector_load %arg7[%get3A_760, %get3A_761] {strides = array<i32>} : memref<2x8192xf32, #tpu.memory_space<vmem>>, vector<1x16xf32>,
      %get3A_763 = vector.shape_cast %get3A_762 : vector<1x16xf32> to vector<16xf32>
      %mul3A_764 = arith.mulf %get3A_6, %get3A_758 : vector<16xf32>
      %mul3A_765 = arith.mulf %get3A_11, %get3A_763 : vector<16xf32>
      %add3A_766 = arith.addf %mul3A_764, %mul3A_765 : vector<16xf32>
      %swap3A_767 = arith.constant 1 : i32
      %swap3A_768 = arith.index_cast %swap3A_767 : i32 to index
      %swap3A_769 = arith.index_cast %mul3A_753 : i32 to index
      %swap3A_770 = tpu.vector_load %arg8[%swap3A_768, %swap3A_769] {strides = array<i32>} : memref<2x8192xf32, #tpu.memory_space<vmem>>, vector<1x16xf32>,
      %swap3A_771 = vector.shape_cast %swap3A_770 : vector<1x16xf32> to vector<16xf32>
      %swap3A_772 = vector.shape_cast %add3A_766 : vector<16xf32> to vector<1x16xf32>
      tpu.vector_store %arg8[%swap3A_768, %swap3A_769], %swap3A_772 {strides = array<i32>} : memref<2x8192xf32, #tpu.memory_space<vmem>>, vector<1x16xf32>,
      %mul3A_773 = arith.mulf %get3A_16, %get3A_758 : vector<16xf32>
      %mul3A_774 = arith.mulf %get3A_21, %get3A_763 : vector<16xf32>
      %add3A_775 = arith.addf %mul3A_773, %mul3A_774 : vector<16xf32>
      %swap3A_776 = arith.constant 1 : i32
      %swap3A_777 = arith.index_cast %swap3A_776 : i32 to index
      %swap3A_778 = arith.index_cast %mul3A_753 : i32 to index
      %swap3A_779 = tpu.vector_load %arg9[%swap3A_777, %swap3A_778] {strides = array<i32>} : memref<2x8192xf32, #tpu.memory_space<vmem>>, vector<1x16xf32>,
      %swap3A_780 = vector.shape_cast %swap3A_779 : vector<1x16xf32> to vector<16xf32>
      %swap3A_781 = vector.shape_cast %add3A_775 : vector<16xf32> to vector<1x16xf32>
      tpu.vector_store %arg9[%swap3A_777, %swap3A_778], %swap3A_781 {strides = array<i32>} : memref<2x8192xf32, #tpu.memory_space<vmem>>, vector<1x16xf32>,
      %scan3A_782 = arith.constant 2 : i32
      %scan3A_783 = arith.addi %scan3A_720, %scan3A_782 : i32
      %mul3A_784 = arith.constant 16 : i32
      %mul3A_785 = arith.muli %scan3A_783, %mul3A_784 : i32
      %get3A_786 = arith.constant 1 : i32
      %get3A_787 = arith.index_cast %get3A_786 : i32 to index
      %get3A_788 = arith.index_cast %mul3A_785 : i32 to index
      %get3A_789 = tpu.vector_load %arg6[%get3A_787, %get3A_788] {strides = array<i32>} : memref<2x8192xf32, #tpu.memory_space<vmem>>, vector<1x16xf32>,
      %get3A_790 = vector.shape_cast %get3A_789 : vector<1x16xf32> to vector<16xf32>
      %get3A_791 = arith.constant 1 : i32
      %get3A_792 = arith.index_cast %get3A_791 : i32 to index
      %get3A_793 = arith.index_cast %mul3A_785 : i32 to index
      %get3A_794 = tpu.vector_load %arg7[%get3A_792, %get3A_793] {strides = array<i32>} : memref<2x8192xf32, #tpu.memory_space<vmem>>, vector<1x16xf32>,
      %get3A_795 = vector.shape_cast %get3A_794 : vector<1x16xf32> to vector<16xf32>
      %mul3A_796 = arith.mulf %get3A_6, %get3A_790 : vector<16xf32>
      %mul3A_797 = arith.mulf %get3A_11, %get3A_795 : vector<16xf32>
      %add3A_798 = arith.addf %mul3A_796, %mul3A_797 : vector<16xf32>
      %swap3A_799 = arith.constant 1 : i32
      %swap3A_800 = arith.index_cast %swap3A_799 : i32 to index
      %swap3A_801 = arith.index_cast %mul3A_785 : i32 to index
      %swap3A_802 = tpu.vector_load %arg8[%swap3A_800, %swap3A_801] {strides = array<i32>} : memref<2x8192xf32, #tpu.memory_space<vmem>>, vector<1x16xf32>,
      %swap3A_803 = vector.shape_cast %swap3A_802 : vector<1x16xf32> to vector<16xf32>
      %swap3A_804 = vector.shape_cast %add3A_798 : vector<16xf32> to vector<1x16xf32>
      tpu.vector_store %arg8[%swap3A_800, %swap3A_801], %swap3A_804 {strides = array<i32>} : memref<2x8192xf32, #tpu.memory_space<vmem>>, vector<1x16xf32>,
      %mul3A_805 = arith.mulf %get3A_16, %get3A_790 : vector<16xf32>
      %mul3A_806 = arith.mulf %get3A_21, %get3A_795 : vector<16xf32>
      %add3A_807 = arith.addf %mul3A_805, %mul3A_806 : vector<16xf32>
      %swap3A_808 = arith.constant 1 : i32
      %swap3A_809 = arith.index_cast %swap3A_808 : i32 to index
      %swap3A_810 = arith.index_cast %mul3A_785 : i32 to index
      %swap3A_811 = tpu.vector_load %arg9[%swap3A_809, %swap3A_810] {strides = array<i32>} : memref<2x8192xf32, #tpu.memory_space<vmem>>, vector<1x16xf32>,
      %swap3A_812 = vector.shape_cast %swap3A_811 : vector<1x16xf32> to vector<16xf32>
      %swap3A_813 = vector.shape_cast %add3A_807 : vector<16xf32> to vector<1x16xf32>
      tpu.vector_store %arg9[%swap3A_809, %swap3A_810], %swap3A_813 {strides = array<i32>} : memref<2x8192xf32, #tpu.memory_space<vmem>>, vector<1x16xf32>,
      %scan3A_814 = arith.constant 3 : i32
      %scan3A_815 = arith.addi %scan3A_720, %scan3A_814 : i32
      %mul3A_816 = arith.constant 16 : i32
      %mul3A_817 = arith.muli %scan3A_815, %mul3A_816 : i32
      %get3A_818 = arith.constant 1 : i32
      %get3A_819 = arith.index_cast %get3A_818 : i32 to index
      %get3A_820 = arith.index_cast %mul3A_817 : i32 to index
      %get3A_821 = tpu.vector_load %arg6[%get3A_819, %get3A_820] {strides = array<i32>} : memref<2x8192xf32, #tpu.memory_space<vmem>>, vector<1x16xf32>,
      %get3A_822 = vector.shape_cast %get3A_821 : vector<1x16xf32> to vector<16xf32>
      %get3A_823 = arith.constant 1 : i32
      %get3A_824 = arith.index_cast %get3A_823 : i32 to index
      %get3A_825 = arith.index_cast %mul3A_817 : i32 to index
      %get3A_826 = tpu.vector_load %arg7[%get3A_824, %get3A_825] {strides = array<i32>} : memref<2x8192xf32, #tpu.memory_space<vmem>>, vector<1x16xf32>,
      %get3A_827 = vector.shape_cast %get3A_826 : vector<1x16xf32> to vector<16xf32>
      %mul3A_828 = arith.mulf %get3A_6, %get3A_822 : vector<16xf32>
      %mul3A_829 = arith.mulf %get3A_11, %get3A_827 : vector<16xf32>
      %add3A_830 = arith.addf %mul3A_828, %mul3A_829 : vector<16xf32>
      %swap3A_831 = arith.constant 1 : i32
      %swap3A_832 = arith.index_cast %swap3A_831 : i32 to index
      %swap3A_833 = arith.index_cast %mul3A_817 : i32 to index
      %swap3A_834 = tpu.vector_load %arg8[%swap3A_832, %swap3A_833] {strides = array<i32>} : memref<2x8192xf32, #tpu.memory_space<vmem>>, vector<1x16xf32>,
      %swap3A_835 = vector.shape_cast %swap3A_834 : vector<1x16xf32> to vector<16xf32>
      %swap3A_836 = vector.shape_cast %add3A_830 : vector<16xf32> to vector<1x16xf32>
      tpu.vector_store %arg8[%swap3A_832, %swap3A_833], %swap3A_836 {strides = array<i32>} : memref<2x8192xf32, #tpu.memory_space<vmem>>, vector<1x16xf32>,
      %mul3A_837 = arith.mulf %get3A_16, %get3A_822 : vector<16xf32>
      %mul3A_838 = arith.mulf %get3A_21, %get3A_827 : vector<16xf32>
      %add3A_839 = arith.addf %mul3A_837, %mul3A_838 : vector<16xf32>
      %swap3A_840 = arith.constant 1 : i32
      %swap3A_841 = arith.index_cast %swap3A_840 : i32 to index
      %swap3A_842 = arith.index_cast %mul3A_817 : i32 to index
      %swap3A_843 = tpu.vector_load %arg9[%swap3A_841, %swap3A_842] {strides = array<i32>} : memref<2x8192xf32, #tpu.memory_space<vmem>>, vector<1x16xf32>,
      %swap3A_844 = vector.shape_cast %swap3A_843 : vector<1x16xf32> to vector<16xf32>
      %swap3A_845 = vector.shape_cast %add3A_839 : vector<16xf32> to vector<1x16xf32>
      tpu.vector_store %arg9[%swap3A_841, %swap3A_842], %swap3A_845 {strides = array<i32>} : memref<2x8192xf32, #tpu.memory_space<vmem>>, vector<1x16xf32>,
      %scan3A_846 = arith.constant 4 : i32
      %scan3A_847 = arith.addi %scan3A_720, %scan3A_846 : i32
      %mul3A_848 = arith.constant 16 : i32
      %mul3A_849 = arith.muli %scan3A_847, %mul3A_848 : i32
      %get3A_850 = arith.constant 1 : i32
      %get3A_851 = arith.index_cast %get3A_850 : i32 to index
      %get3A_852 = arith.index_cast %mul3A_849 : i32 to index
      %get3A_853 = tpu.vector_load %arg6[%get3A_851, %get3A_852] {strides = array<i32>} : memref<2x8192xf32, #tpu.memory_space<vmem>>, vector<1x16xf32>,
      %get3A_854 = vector.shape_cast %get3A_853 : vector<1x16xf32> to vector<16xf32>
      %get3A_855 = arith.constant 1 : i32
      %get3A_856 = arith.index_cast %get3A_855 : i32 to index
      %get3A_857 = arith.index_cast %mul3A_849 : i32 to index
      %get3A_858 = tpu.vector_load %arg7[%get3A_856, %get3A_857] {strides = array<i32>} : memref<2x8192xf32, #tpu.memory_space<vmem>>, vector<1x16xf32>,
      %get3A_859 = vector.shape_cast %get3A_858 : vector<1x16xf32> to vector<16xf32>
      %mul3A_860 = arith.mulf %get3A_6, %get3A_854 : vector<16xf32>
      %mul3A_861 = arith.mulf %get3A_11, %get3A_859 : vector<16xf32>
      %add3A_862 = arith.addf %mul3A_860, %mul3A_861 : vector<16xf32>
      %swap3A_863 = arith.constant 1 : i32
      %swap3A_864 = arith.index_cast %swap3A_863 : i32 to index
      %swap3A_865 = arith.index_cast %mul3A_849 : i32 to index
      %swap3A_866 = tpu.vector_load %arg8[%swap3A_864, %swap3A_865] {strides = array<i32>} : memref<2x8192xf32, #tpu.memory_space<vmem>>, vector<1x16xf32>,
      %swap3A_867 = vector.shape_cast %swap3A_866 : vector<1x16xf32> to vector<16xf32>
      %swap3A_868 = vector.shape_cast %add3A_862 : vector<16xf32> to vector<1x16xf32>
      tpu.vector_store %arg8[%swap3A_864, %swap3A_865], %swap3A_868 {strides = array<i32>} : memref<2x8192xf32, #tpu.memory_space<vmem>>, vector<1x16xf32>,
      %mul3A_869 = arith.mulf %get3A_16, %get3A_854 : vector<16xf32>
      %mul3A_870 = arith.mulf %get3A_21, %get3A_859 : vector<16xf32>
      %add3A_871 = arith.addf %mul3A_869, %mul3A_870 : vector<16xf32>
      %swap3A_872 = arith.constant 1 : i32
      %swap3A_873 = arith.index_cast %swap3A_872 : i32 to index
      %swap3A_874 = arith.index_cast %mul3A_849 : i32 to index
      %swap3A_875 = tpu.vector_load %arg9[%swap3A_873, %swap3A_874] {strides = array<i32>} : memref<2x8192xf32, #tpu.memory_space<vmem>>, vector<1x16xf32>,
      %swap3A_876 = vector.shape_cast %swap3A_875 : vector<1x16xf32> to vector<16xf32>
      %swap3A_877 = vector.shape_cast %add3A_871 : vector<16xf32> to vector<1x16xf32>
      tpu.vector_store %arg9[%swap3A_873, %swap3A_874], %swap3A_877 {strides = array<i32>} : memref<2x8192xf32, #tpu.memory_space<vmem>>, vector<1x16xf32>,
      %scan3A_878 = arith.constant 5 : i32
      %scan3A_879 = arith.addi %scan3A_720, %scan3A_878 : i32
      %mul3A_880 = arith.constant 16 : i32
      %mul3A_881 = arith.muli %scan3A_879, %mul3A_880 : i32
      %get3A_882 = arith.constant 1 : i32
      %get3A_883 = arith.index_cast %get3A_882 : i32 to index
      %get3A_884 = arith.index_cast %mul3A_881 : i32 to index
      %get3A_885 = tpu.vector_load %arg6[%get3A_883, %get3A_884] {strides = array<i32>} : memref<2x8192xf32, #tpu.memory_space<vmem>>, vector<1x16xf32>,
      %get3A_886 = vector.shape_cast %get3A_885 : vector<1x16xf32> to vector<16xf32>
      %get3A_887 = arith.constant 1 : i32
      %get3A_888 = arith.index_cast %get3A_887 : i32 to index
      %get3A_889 = arith.index_cast %mul3A_881 : i32 to index
      %get3A_890 = tpu.vector_load %arg7[%get3A_888, %get3A_889] {strides = array<i32>} : memref<2x8192xf32, #tpu.memory_space<vmem>>, vector<1x16xf32>,
      %get3A_891 = vector.shape_cast %get3A_890 : vector<1x16xf32> to vector<16xf32>
      %mul3A_892 = arith.mulf %get3A_6, %get3A_886 : vector<16xf32>
      %mul3A_893 = arith.mulf %get3A_11, %get3A_891 : vector<16xf32>
      %add3A_894 = arith.addf %mul3A_892, %mul3A_893 : vector<16xf32>
      %swap3A_895 = arith.constant 1 : i32
      %swap3A_896 = arith.index_cast %swap3A_895 : i32 to index
      %swap3A_897 = arith.index_cast %mul3A_881 : i32 to index
      %swap3A_898 = tpu.vector_load %arg8[%swap3A_896, %swap3A_897] {strides = array<i32>} : memref<2x8192xf32, #tpu.memory_space<vmem>>, vector<1x16xf32>,
      %swap3A_899 = vector.shape_cast %swap3A_898 : vector<1x16xf32> to vector<16xf32>
      %swap3A_900 = vector.shape_cast %add3A_894 : vector<16xf32> to vector<1x16xf32>
      tpu.vector_store %arg8[%swap3A_896, %swap3A_897], %swap3A_900 {strides = array<i32>} : memref<2x8192xf32, #tpu.memory_space<vmem>>, vector<1x16xf32>,
      %mul3A_901 = arith.mulf %get3A_16, %get3A_886 : vector<16xf32>
      %mul3A_902 = arith.mulf %get3A_21, %get3A_891 : vector<16xf32>
      %add3A_903 = arith.addf %mul3A_901, %mul3A_902 : vector<16xf32>
      %swap3A_904 = arith.constant 1 : i32
      %swap3A_905 = arith.index_cast %swap3A_904 : i32 to index
      %swap3A_906 = arith.index_cast %mul3A_881 : i32 to index
      %swap3A_907 = tpu.vector_load %arg9[%swap3A_905, %swap3A_906] {strides = array<i32>} : memref<2x8192xf32, #tpu.memory_space<vmem>>, vector<1x16xf32>,
      %swap3A_908 = vector.shape_cast %swap3A_907 : vector<1x16xf32> to vector<16xf32>
      %swap3A_909 = vector.shape_cast %add3A_903 : vector<16xf32> to vector<1x16xf32>
      tpu.vector_store %arg9[%swap3A_905, %swap3A_906], %swap3A_909 {strides = array<i32>} : memref<2x8192xf32, #tpu.memory_space<vmem>>, vector<1x16xf32>,
      %scan3A_910 = arith.constant 6 : i32
      %scan3A_911 = arith.addi %scan3A_720, %scan3A_910 : i32
      %mul3A_912 = arith.constant 16 : i32
      %mul3A_913 = arith.muli %scan3A_911, %mul3A_912 : i32
      %get3A_914 = arith.constant 1 : i32
      %get3A_915 = arith.index_cast %get3A_914 : i32 to index
      %get3A_916 = arith.index_cast %mul3A_913 : i32 to index
      %get3A_917 = tpu.vector_load %arg6[%get3A_915, %get3A_916] {strides = array<i32>} : memref<2x8192xf32, #tpu.memory_space<vmem>>, vector<1x16xf32>,
      %get3A_918 = vector.shape_cast %get3A_917 : vector<1x16xf32> to vector<16xf32>
      %get3A_919 = arith.constant 1 : i32
      %get3A_920 = arith.index_cast %get3A_919 : i32 to index
      %get3A_921 = arith.index_cast %mul3A_913 : i32 to index
      %get3A_922 = tpu.vector_load %arg7[%get3A_920, %get3A_921] {strides = array<i32>} : memref<2x8192xf32, #tpu.memory_space<vmem>>, vector<1x16xf32>,
      %get3A_923 = vector.shape_cast %get3A_922 : vector<1x16xf32> to vector<16xf32>
      %mul3A_924 = arith.mulf %get3A_6, %get3A_918 : vector<16xf32>
      %mul3A_925 = arith.mulf %get3A_11, %get3A_923 : vector<16xf32>
      %add3A_926 = arith.addf %mul3A_924, %mul3A_925 : vector<16xf32>
      %swap3A_927 = arith.constant 1 : i32
      %swap3A_928 = arith.index_cast %swap3A_927 : i32 to index
      %swap3A_929 = arith.index_cast %mul3A_913 : i32 to index
      %swap3A_930 = tpu.vector_load %arg8[%swap3A_928, %swap3A_929] {strides = array<i32>} : memref<2x8192xf32, #tpu.memory_space<vmem>>, vector<1x16xf32>,
      %swap3A_931 = vector.shape_cast %swap3A_930 : vector<1x16xf32> to vector<16xf32>
      %swap3A_932 = vector.shape_cast %add3A_926 : vector<16xf32> to vector<1x16xf32>
      tpu.vector_store %arg8[%swap3A_928, %swap3A_929], %swap3A_932 {strides = array<i32>} : memref<2x8192xf32, #tpu.memory_space<vmem>>, vector<1x16xf32>,
      %mul3A_933 = arith.mulf %get3A_16, %get3A_918 : vector<16xf32>
      %mul3A_934 = arith.mulf %get3A_21, %get3A_923 : vector<16xf32>
      %add3A_935 = arith.addf %mul3A_933, %mul3A_934 : vector<16xf32>
      %swap3A_936 = arith.constant 1 : i32
      %swap3A_937 = arith.index_cast %swap3A_936 : i32 to index
      %swap3A_938 = arith.index_cast %mul3A_913 : i32 to index
      %swap3A_939 = tpu.vector_load %arg9[%swap3A_937, %swap3A_938] {strides = array<i32>} : memref<2x8192xf32, #tpu.memory_space<vmem>>, vector<1x16xf32>,
      %swap3A_940 = vector.shape_cast %swap3A_939 : vector<1x16xf32> to vector<16xf32>
      %swap3A_941 = vector.shape_cast %add3A_935 : vector<16xf32> to vector<1x16xf32>
      tpu.vector_store %arg9[%swap3A_937, %swap3A_938], %swap3A_941 {strides = array<i32>} : memref<2x8192xf32, #tpu.memory_space<vmem>>, vector<1x16xf32>,
      %scan3A_942 = arith.constant 7 : i32
      %scan3A_943 = arith.addi %scan3A_720, %scan3A_942 : i32
      %mul3A_944 = arith.constant 16 : i32
      %mul3A_945 = arith.muli %scan3A_943, %mul3A_944 : i32
      %get3A_946 = arith.constant 1 : i32
      %get3A_947 = arith.index_cast %get3A_946 : i32 to index
      %get3A_948 = arith.index_cast %mul3A_945 : i32 to index
      %get3A_949 = tpu.vector_load %arg6[%get3A_947, %get3A_948] {strides = array<i32>} : memref<2x8192xf32, #tpu.memory_space<vmem>>, vector<1x16xf32>,
      %get3A_950 = vector.shape_cast %get3A_949 : vector<1x16xf32> to vector<16xf32>
      %get3A_951 = arith.constant 1 : i32
      %get3A_952 = arith.index_cast %get3A_951 : i32 to index
      %get3A_953 = arith.index_cast %mul3A_945 : i32 to index
      %get3A_954 = tpu.vector_load %arg7[%get3A_952, %get3A_953] {strides = array<i32>} : memref<2x8192xf32, #tpu.memory_space<vmem>>, vector<1x16xf32>,
      %get3A_955 = vector.shape_cast %get3A_954 : vector<1x16xf32> to vector<16xf32>
      %mul3A_956 = arith.mulf %get3A_6, %get3A_950 : vector<16xf32>
      %mul3A_957 = arith.mulf %get3A_11, %get3A_955 : vector<16xf32>
      %add3A_958 = arith.addf %mul3A_956, %mul3A_957 : vector<16xf32>
      %swap3A_959 = arith.constant 1 : i32
      %swap3A_960 = arith.index_cast %swap3A_959 : i32 to index
      %swap3A_961 = arith.index_cast %mul3A_945 : i32 to index
      %swap3A_962 = tpu.vector_load %arg8[%swap3A_960, %swap3A_961] {strides = array<i32>} : memref<2x8192xf32, #tpu.memory_space<vmem>>, vector<1x16xf32>,
      %swap3A_963 = vector.shape_cast %swap3A_962 : vector<1x16xf32> to vector<16xf32>
      %swap3A_964 = vector.shape_cast %add3A_958 : vector<16xf32> to vector<1x16xf32>
      tpu.vector_store %arg8[%swap3A_960, %swap3A_961], %swap3A_964 {strides = array<i32>} : memref<2x8192xf32, #tpu.memory_space<vmem>>, vector<1x16xf32>,
      %mul3A_965 = arith.mulf %get3A_16, %get3A_950 : vector<16xf32>
      %mul3A_966 = arith.mulf %get3A_21, %get3A_955 : vector<16xf32>
      %add3A_967 = arith.addf %mul3A_965, %mul3A_966 : vector<16xf32>
      %swap3A_968 = arith.constant 1 : i32
      %swap3A_969 = arith.index_cast %swap3A_968 : i32 to index
      %swap3A_970 = arith.index_cast %mul3A_945 : i32 to index
      %swap3A_971 = tpu.vector_load %arg9[%swap3A_969, %swap3A_970] {strides = array<i32>} : memref<2x8192xf32, #tpu.memory_space<vmem>>, vector<1x16xf32>,
      %swap3A_972 = vector.shape_cast %swap3A_971 : vector<1x16xf32> to vector<16xf32>
      %swap3A_973 = vector.shape_cast %add3A_967 : vector<16xf32> to vector<1x16xf32>
      tpu.vector_store %arg9[%swap3A_969, %swap3A_970], %swap3A_973 {strides = array<i32>} : memref<2x8192xf32, #tpu.memory_space<vmem>>, vector<1x16xf32>,
    }
    %scan3A_506 = arith.constant 512 : i32
    %add3A_507 = arith.constant 40960 : i32
    %add3A_508 = arith.addi %add3A_25, %add3A_507 : i32
    %dma_start3A_509 = arith.constant 1 : i32
    %dma_start3A_510 = arith.constant 0 : i32
    %dma_start3A_511 = tpu.memref_slice %arg8[%dma_start3A_509, %dma_start3A_510] : memref<2x8192xf32, #tpu.memory_space<vmem>> -> memref<1x8192xf32, #tpu.memory_space<vmem>>
    %dma_start3A_512 = tpu.memref_squeeze %dma_start3A_511 : memref<1x8192xf32, #tpu.memory_space<vmem>> -> memref<8192xf32, #tpu.memory_space<vmem>>
    %dma_start3A_513 = tpu.memref_slice %arg4[%add3A_508] : memref<8388608xf32, #tpu.memory_space<hbm>> -> memref<8192xf32, #tpu.memory_space<hbm>>
    %dma_start3A_514 = tpu.memref_slice %arg4[%add3A_508] : memref<8388608xf32, #tpu.memory_space<hbm>> -> memref<8192xf32, #tpu.memory_space<hbm>>
    %dma_start3A_515 = arith.constant 0 : i32
    %dma_start3A_516 = tpu.memref_slice %arg8[%dma_start3A_509, %dma_start3A_515] : memref<2x8192xf32, #tpu.memory_space<vmem>> -> memref<1x8192xf32, #tpu.memory_space<vmem>>
    %dma_start3A_517 = tpu.memref_squeeze %dma_start3A_516 : memref<1x8192xf32, #tpu.memory_space<vmem>> -> memref<8192xf32, #tpu.memory_space<vmem>>
    tpu.enqueue_dma source(%dma_start3A_517 : memref<8192xf32, #tpu.memory_space<vmem>>) target(%dma_start3A_514 : memref<8192xf32, #tpu.memory_space<hbm>>) target_semaphore(%arg14 : memref<!tpu.dma_semaphore, #tpu.memory_space<semaphore_mem>>)
    %add3A_518 = arith.constant 40960 : i32
    %add3A_519 = arith.addi %add3A_29, %add3A_518 : i32
    %dma_start3A_520 = arith.constant 1 : i32
    %dma_start3A_521 = arith.constant 0 : i32
    %dma_start3A_522 = tpu.memref_slice %arg9[%dma_start3A_520, %dma_start3A_521] : memref<2x8192xf32, #tpu.memory_space<vmem>> -> memref<1x8192xf32, #tpu.memory_space<vmem>>
    %dma_start3A_523 = tpu.memref_squeeze %dma_start3A_522 : memref<1x8192xf32, #tpu.memory_space<vmem>> -> memref<8192xf32, #tpu.memory_space<vmem>>
    %dma_start3A_524 = tpu.memref_slice %arg4[%add3A_519] : memref<8388608xf32, #tpu.memory_space<hbm>> -> memref<8192xf32, #tpu.memory_space<hbm>>
    %dma_start3A_525 = tpu.memref_slice %arg4[%add3A_519] : memref<8388608xf32, #tpu.memory_space<hbm>> -> memref<8192xf32, #tpu.memory_space<hbm>>
    %dma_start3A_526 = arith.constant 0 : i32
    %dma_start3A_527 = tpu.memref_slice %arg9[%dma_start3A_520, %dma_start3A_526] : memref<2x8192xf32, #tpu.memory_space<vmem>> -> memref<1x8192xf32, #tpu.memory_space<vmem>>
    %dma_start3A_528 = tpu.memref_squeeze %dma_start3A_527 : memref<1x8192xf32, #tpu.memory_space<vmem>> -> memref<8192xf32, #tpu.memory_space<vmem>>
    tpu.enqueue_dma source(%dma_start3A_528 : memref<8192xf32, #tpu.memory_space<vmem>>) target(%dma_start3A_525 : memref<8192xf32, #tpu.memory_space<hbm>>) target_semaphore(%arg14 : memref<!tpu.dma_semaphore, #tpu.memory_space<semaphore_mem>>)
    %add3A_529 = arith.constant 57344 : i32
    %add3A_530 = arith.addi %add3A_25, %add3A_529 : i32
    %dma_start3A_531 = arith.constant 1 : i32
    %dma_start3A_532 = arith.constant 0 : i32
    %dma_start3A_533 = tpu.memref_slice %arg6[%dma_start3A_531, %dma_start3A_532] : memref<2x8192xf32, #tpu.memory_space<vmem>> -> memref<1x8192xf32, #tpu.memory_space<vmem>>
    %dma_start3A_534 = tpu.memref_squeeze %dma_start3A_533 : memref<1x8192xf32, #tpu.memory_space<vmem>> -> memref<8192xf32, #tpu.memory_space<vmem>>
    %dma_start3A_535 = tpu.memref_slice %arg2[%add3A_530] : memref<8388608xf32, #tpu.memory_space<hbm>> -> memref<8192xf32, #tpu.memory_space<hbm>>
    %dma_start3A_536 = arith.constant 0 : i32
    %dma_start3A_537 = tpu.memref_slice %arg6[%dma_start3A_531, %dma_start3A_536] : memref<2x8192xf32, #tpu.memory_space<vmem>> -> memref<1x8192xf32, #tpu.memory_space<vmem>>
    %dma_start3A_538 = tpu.memref_squeeze %dma_start3A_537 : memref<1x8192xf32, #tpu.memory_space<vmem>> -> memref<8192xf32, #tpu.memory_space<vmem>>
    %dma_start3A_539 = tpu.memref_slice %arg2[%add3A_530] : memref<8388608xf32, #tpu.memory_space<hbm>> -> memref<8192xf32, #tpu.memory_space<hbm>>
    tpu.enqueue_dma source(%dma_start3A_539 : memref<8192xf32, #tpu.memory_space<hbm>>) target(%dma_start3A_538 : memref<8192xf32, #tpu.memory_space<vmem>>) target_semaphore(%arg12 : memref<!tpu.dma_semaphore, #tpu.memory_space<semaphore_mem>>)
    %add3A_540 = arith.constant 57344 : i32
    %add3A_541 = arith.addi %add3A_29, %add3A_540 : i32
    %dma_start3A_542 = arith.constant 1 : i32
    %dma_start3A_543 = arith.constant 0 : i32
    %dma_start3A_544 = tpu.memref_slice %arg7[%dma_start3A_542, %dma_start3A_543] : memref<2x8192xf32, #tpu.memory_space<vmem>> -> memref<1x8192xf32, #tpu.memory_space<vmem>>
    %dma_start3A_545 = tpu.memref_squeeze %dma_start3A_544 : memref<1x8192xf32, #tpu.memory_space<vmem>> -> memref<8192xf32, #tpu.memory_space<vmem>>
    %dma_start3A_546 = tpu.memref_slice %arg2[%add3A_541] : memref<8388608xf32, #tpu.memory_space<hbm>> -> memref<8192xf32, #tpu.memory_space<hbm>>
    %dma_start3A_547 = arith.constant 0 : i32
    %dma_start3A_548 = tpu.memref_slice %arg7[%dma_start3A_542, %dma_start3A_547] : memref<2x8192xf32, #tpu.memory_space<vmem>> -> memref<1x8192xf32, #tpu.memory_space<vmem>>
    %dma_start3A_549 = tpu.memref_squeeze %dma_start3A_548 : memref<1x8192xf32, #tpu.memory_space<vmem>> -> memref<8192xf32, #tpu.memory_space<vmem>>
    %dma_start3A_550 = tpu.memref_slice %arg2[%add3A_541] : memref<8388608xf32, #tpu.memory_space<hbm>> -> memref<8192xf32, #tpu.memory_space<hbm>>
    tpu.enqueue_dma source(%dma_start3A_550 : memref<8192xf32, #tpu.memory_space<hbm>>) target(%dma_start3A_549 : memref<8192xf32, #tpu.memory_space<vmem>>) target_semaphore(%arg12 : memref<!tpu.dma_semaphore, #tpu.memory_space<semaphore_mem>>)
    %dma_wait3A_551 = arith.constant 0 : i32
    %dma_wait3A_552 = arith.constant 0 : i32
    %dma_wait3A_553 = tpu.memref_slice %arg6[%dma_wait3A_551, %dma_wait3A_552] : memref<2x8192xf32, #tpu.memory_space<vmem>> -> memref<1x8192xf32, #tpu.memory_space<vmem>>
    %dma_wait3A_554 = tpu.memref_squeeze %dma_wait3A_553 : memref<1x8192xf32, #tpu.memory_space<vmem>> -> memref<8192xf32, #tpu.memory_space<vmem>>
    %dma_wait3A_555 = tpu.memref_slice %arg2[%add3A_444] : memref<8388608xf32, #tpu.memory_space<hbm>> -> memref<8192xf32, #tpu.memory_space<hbm>>
    %dma_wait3A_556 = arith.constant 0 : i32
    %dma_wait3A_557 = tpu.memref_slice %arg6[%dma_wait3A_551, %dma_wait3A_556] : memref<2x8192xf32, #tpu.memory_space<vmem>> -> memref<1x8192xf32, #tpu.memory_space<vmem>>
    %dma_wait3A_558 = tpu.memref_squeeze %dma_wait3A_557 : memref<1x8192xf32, #tpu.memory_space<vmem>> -> memref<8192xf32, #tpu.memory_space<vmem>>
    %dma_wait3A_559 = tpu.memref_slice %arg2[%add3A_444] : memref<8388608xf32, #tpu.memory_space<hbm>> -> memref<8192xf32, #tpu.memory_space<hbm>>
    tpu.wait_dma2 semaphore(%arg11 : memref<!tpu.dma_semaphore, #tpu.memory_space<semaphore_mem>>) src(%dma_wait3A_559 : memref<8192xf32, #tpu.memory_space<hbm>>) dst(%dma_wait3A_558 : memref<8192xf32, #tpu.memory_space<vmem>>)
    %dma_wait3A_560 = arith.constant 0 : i32
    %dma_wait3A_561 = arith.constant 0 : i32
    %dma_wait3A_562 = tpu.memref_slice %arg7[%dma_wait3A_560, %dma_wait3A_561] : memref<2x8192xf32, #tpu.memory_space<vmem>> -> memref<1x8192xf32, #tpu.memory_space<vmem>>
    %dma_wait3A_563 = tpu.memref_squeeze %dma_wait3A_562 : memref<1x8192xf32, #tpu.memory_space<vmem>> -> memref<8192xf32, #tpu.memory_space<vmem>>
    %dma_wait3A_564 = tpu.memref_slice %arg2[%add3A_455] : memref<8388608xf32, #tpu.memory_space<hbm>> -> memref<8192xf32, #tpu.memory_space<hbm>>
    %dma_wait3A_565 = arith.constant 0 : i32
    %dma_wait3A_566 = tpu.memref_slice %arg7[%dma_wait3A_560, %dma_wait3A_565] : memref<2x8192xf32, #tpu.memory_space<vmem>> -> memref<1x8192xf32, #tpu.memory_space<vmem>>
    %dma_wait3A_567 = tpu.memref_squeeze %dma_wait3A_566 : memref<1x8192xf32, #tpu.memory_space<vmem>> -> memref<8192xf32, #tpu.memory_space<vmem>>
    %dma_wait3A_568 = tpu.memref_slice %arg2[%add3A_455] : memref<8388608xf32, #tpu.memory_space<hbm>> -> memref<8192xf32, #tpu.memory_space<hbm>>
    tpu.wait_dma2 semaphore(%arg11 : memref<!tpu.dma_semaphore, #tpu.memory_space<semaphore_mem>>) src(%dma_wait3A_568 : memref<8192xf32, #tpu.memory_space<hbm>>) dst(%dma_wait3A_567 : memref<8192xf32, #tpu.memory_space<vmem>>)
    %dma_wait3A_569 = arith.constant 0 : i32
    %dma_wait3A_570 = arith.constant 0 : i32
    %dma_wait3A_571 = tpu.memref_slice %arg8[%dma_wait3A_569, %dma_wait3A_570] : memref<2x8192xf32, #tpu.memory_space<vmem>> -> memref<1x8192xf32, #tpu.memory_space<vmem>>
    %dma_wait3A_572 = tpu.memref_squeeze %dma_wait3A_571 : memref<1x8192xf32, #tpu.memory_space<vmem>> -> memref<8192xf32, #tpu.memory_space<vmem>>
    %dma_wait3A_573 = tpu.memref_slice %arg4[%add3A_422] : memref<8388608xf32, #tpu.memory_space<hbm>> -> memref<8192xf32, #tpu.memory_space<hbm>>
    %dma_wait3A_574 = tpu.memref_slice %arg4[%add3A_422] : memref<8388608xf32, #tpu.memory_space<hbm>> -> memref<8192xf32, #tpu.memory_space<hbm>>
    %dma_wait3A_575 = arith.constant 0 : i32
    %dma_wait3A_576 = tpu.memref_slice %arg8[%dma_wait3A_569, %dma_wait3A_575] : memref<2x8192xf32, #tpu.memory_space<vmem>> -> memref<1x8192xf32, #tpu.memory_space<vmem>>
    %dma_wait3A_577 = tpu.memref_squeeze %dma_wait3A_576 : memref<1x8192xf32, #tpu.memory_space<vmem>> -> memref<8192xf32, #tpu.memory_space<vmem>>
    tpu.wait_dma2 semaphore(%arg13 : memref<!tpu.dma_semaphore, #tpu.memory_space<semaphore_mem>>) src(%dma_wait3A_577 : memref<8192xf32, #tpu.memory_space<vmem>>) dst(%dma_wait3A_574 : memref<8192xf32, #tpu.memory_space<hbm>>)
    %dma_wait3A_578 = arith.constant 0 : i32
    %dma_wait3A_579 = arith.constant 0 : i32
    %dma_wait3A_580 = tpu.memref_slice %arg9[%dma_wait3A_578, %dma_wait3A_579] : memref<2x8192xf32, #tpu.memory_space<vmem>> -> memref<1x8192xf32, #tpu.memory_space<vmem>>
    %dma_wait3A_581 = tpu.memref_squeeze %dma_wait3A_580 : memref<1x8192xf32, #tpu.memory_space<vmem>> -> memref<8192xf32, #tpu.memory_space<vmem>>
    %dma_wait3A_582 = tpu.memref_slice %arg4[%add3A_433] : memref<8388608xf32, #tpu.memory_space<hbm>> -> memref<8192xf32, #tpu.memory_space<hbm>>
    %dma_wait3A_583 = tpu.memref_slice %arg4[%add3A_433] : memref<8388608xf32, #tpu.memory_space<hbm>> -> memref<8192xf32, #tpu.memory_space<hbm>>
    %dma_wait3A_584 = arith.constant 0 : i32
    %dma_wait3A_585 = tpu.memref_slice %arg9[%dma_wait3A_578, %dma_wait3A_584] : memref<2x8192xf32, #tpu.memory_space<vmem>> -> memref<1x8192xf32, #tpu.memory_space<vmem>>
    %dma_wait3A_586 = tpu.memref_squeeze %dma_wait3A_585 : memref<1x8192xf32, #tpu.memory_space<vmem>> -> memref<8192xf32, #tpu.memory_space<vmem>>
    tpu.wait_dma2 semaphore(%arg13 : memref<!tpu.dma_semaphore, #tpu.memory_space<semaphore_mem>>) src(%dma_wait3A_586 : memref<8192xf32, #tpu.memory_space<vmem>>) dst(%dma_wait3A_583 : memref<8192xf32, #tpu.memory_space<hbm>>)
    %scan3A_587 = arith.constant 0 : i32
    %scan3A_588 = arith.constant 0 : i32
    %scan3A_589 = arith.constant 512 : i32
    %scan3A_590 = arith.addi %scan3A_588, %scan3A_589 : i32
    %scan3A_591 = arith.constant 8 : i32
    scf.for %scan3A_720 = %scan3A_588 to %scan3A_590 step %scan3A_591  : i32 {
      %mul3A_721 = arith.constant 16 : i32
      %mul3A_722 = arith.muli %scan3A_720, %mul3A_721 : i32
      %get3A_723 = arith.constant 0 : i32
      %get3A_724 = arith.index_cast %get3A_723 : i32 to index
      %get3A_725 = arith.index_cast %mul3A_722 : i32 to index
      %get3A_726 = tpu.vector_load %arg6[%get3A_724, %get3A_725] {strides = array<i32>} : memref<2x8192xf32, #tpu.memory_space<vmem>>, vector<1x16xf32>,
      %get3A_727 = vector.shape_cast %get3A_726 : vector<1x16xf32> to vector<16xf32>
      %get3A_728 = arith.constant 0 : i32
      %get3A_729 = arith.index_cast %get3A_728 : i32 to index
      %get3A_730 = arith.index_cast %mul3A_722 : i32 to index
      %get3A_731 = tpu.vector_load %arg7[%get3A_729, %get3A_730] {strides = array<i32>} : memref<2x8192xf32, #tpu.memory_space<vmem>>, vector<1x16xf32>,
      %get3A_732 = vector.shape_cast %get3A_731 : vector<1x16xf32> to vector<16xf32>
      %mul3A_733 = arith.mulf %get3A_6, %get3A_727 : vector<16xf32>
      %mul3A_734 = arith.mulf %get3A_11, %get3A_732 : vector<16xf32>
      %add3A_735 = arith.addf %mul3A_733, %mul3A_734 : vector<16xf32>
      %swap3A = arith.constant 0 : i32
      %swap3A_736 = arith.index_cast %swap3A : i32 to index
      %swap3A_737 = arith.index_cast %mul3A_722 : i32 to index
      %swap3A_738 = tpu.vector_load %arg8[%swap3A_736, %swap3A_737] {strides = array<i32>} : memref<2x8192xf32, #tpu.memory_space<vmem>>, vector<1x16xf32>,
      %swap3A_739 = vector.shape_cast %swap3A_738 : vector<1x16xf32> to vector<16xf32>
      %swap3A_740 = vector.shape_cast %add3A_735 : vector<16xf32> to vector<1x16xf32>
      tpu.vector_store %arg8[%swap3A_736, %swap3A_737], %swap3A_740 {strides = array<i32>} : memref<2x8192xf32, #tpu.memory_space<vmem>>, vector<1x16xf32>,
      %mul3A_741 = arith.mulf %get3A_16, %get3A_727 : vector<16xf32>
      %mul3A_742 = arith.mulf %get3A_21, %get3A_732 : vector<16xf32>
      %add3A_743 = arith.addf %mul3A_741, %mul3A_742 : vector<16xf32>
      %swap3A_744 = arith.constant 0 : i32
      %swap3A_745 = arith.index_cast %swap3A_744 : i32 to index
      %swap3A_746 = arith.index_cast %mul3A_722 : i32 to index
      %swap3A_747 = tpu.vector_load %arg9[%swap3A_745, %swap3A_746] {strides = array<i32>} : memref<2x8192xf32, #tpu.memory_space<vmem>>, vector<1x16xf32>,
      %swap3A_748 = vector.shape_cast %swap3A_747 : vector<1x16xf32> to vector<16xf32>
      %swap3A_749 = vector.shape_cast %add3A_743 : vector<16xf32> to vector<1x16xf32>
      tpu.vector_store %arg9[%swap3A_745, %swap3A_746], %swap3A_749 {strides = array<i32>} : memref<2x8192xf32, #tpu.memory_space<vmem>>, vector<1x16xf32>,
      %scan3A_750 = arith.constant 1 : i32
      %scan3A_751 = arith.addi %scan3A_720, %scan3A_750 : i32
      %mul3A_752 = arith.constant 16 : i32
      %mul3A_753 = arith.muli %scan3A_751, %mul3A_752 : i32
      %get3A_754 = arith.constant 0 : i32
      %get3A_755 = arith.index_cast %get3A_754 : i32 to index
      %get3A_756 = arith.index_cast %mul3A_753 : i32 to index
      %get3A_757 = tpu.vector_load %arg6[%get3A_755, %get3A_756] {strides = array<i32>} : memref<2x8192xf32, #tpu.memory_space<vmem>>, vector<1x16xf32>,
      %get3A_758 = vector.shape_cast %get3A_757 : vector<1x16xf32> to vector<16xf32>
      %get3A_759 = arith.constant 0 : i32
      %get3A_760 = arith.index_cast %get3A_759 : i32 to index
      %get3A_761 = arith.index_cast %mul3A_753 : i32 to index
      %get3A_762 = tpu.vector_load %arg7[%get3A_760, %get3A_761] {strides = array<i32>} : memref<2x8192xf32, #tpu.memory_space<vmem>>, vector<1x16xf32>,
      %get3A_763 = vector.shape_cast %get3A_762 : vector<1x16xf32> to vector<16xf32>
      %mul3A_764 = arith.mulf %get3A_6, %get3A_758 : vector<16xf32>
      %mul3A_765 = arith.mulf %get3A_11, %get3A_763 : vector<16xf32>
      %add3A_766 = arith.addf %mul3A_764, %mul3A_765 : vector<16xf32>
      %swap3A_767 = arith.constant 0 : i32
      %swap3A_768 = arith.index_cast %swap3A_767 : i32 to index
      %swap3A_769 = arith.index_cast %mul3A_753 : i32 to index
      %swap3A_770 = tpu.vector_load %arg8[%swap3A_768, %swap3A_769] {strides = array<i32>} : memref<2x8192xf32, #tpu.memory_space<vmem>>, vector<1x16xf32>,
      %swap3A_771 = vector.shape_cast %swap3A_770 : vector<1x16xf32> to vector<16xf32>
      %swap3A_772 = vector.shape_cast %add3A_766 : vector<16xf32> to vector<1x16xf32>
      tpu.vector_store %arg8[%swap3A_768, %swap3A_769], %swap3A_772 {strides = array<i32>} : memref<2x8192xf32, #tpu.memory_space<vmem>>, vector<1x16xf32>,
      %mul3A_773 = arith.mulf %get3A_16, %get3A_758 : vector<16xf32>
      %mul3A_774 = arith.mulf %get3A_21, %get3A_763 : vector<16xf32>
      %add3A_775 = arith.addf %mul3A_773, %mul3A_774 : vector<16xf32>
      %swap3A_776 = arith.constant 0 : i32
      %swap3A_777 = arith.index_cast %swap3A_776 : i32 to index
      %swap3A_778 = arith.index_cast %mul3A_753 : i32 to index
      %swap3A_779 = tpu.vector_load %arg9[%swap3A_777, %swap3A_778] {strides = array<i32>} : memref<2x8192xf32, #tpu.memory_space<vmem>>, vector<1x16xf32>,
      %swap3A_780 = vector.shape_cast %swap3A_779 : vector<1x16xf32> to vector<16xf32>
      %swap3A_781 = vector.shape_cast %add3A_775 : vector<16xf32> to vector<1x16xf32>
      tpu.vector_store %arg9[%swap3A_777, %swap3A_778], %swap3A_781 {strides = array<i32>} : memref<2x8192xf32, #tpu.memory_space<vmem>>, vector<1x16xf32>,
      %scan3A_782 = arith.constant 2 : i32
      %scan3A_783 = arith.addi %scan3A_720, %scan3A_782 : i32
      %mul3A_784 = arith.constant 16 : i32
      %mul3A_785 = arith.muli %scan3A_783, %mul3A_784 : i32
      %get3A_786 = arith.constant 0 : i32
      %get3A_787 = arith.index_cast %get3A_786 : i32 to index
      %get3A_788 = arith.index_cast %mul3A_785 : i32 to index
      %get3A_789 = tpu.vector_load %arg6[%get3A_787, %get3A_788] {strides = array<i32>} : memref<2x8192xf32, #tpu.memory_space<vmem>>, vector<1x16xf32>,
      %get3A_790 = vector.shape_cast %get3A_789 : vector<1x16xf32> to vector<16xf32>
      %get3A_791 = arith.constant 0 : i32
      %get3A_792 = arith.index_cast %get3A_791 : i32 to index
      %get3A_793 = arith.index_cast %mul3A_785 : i32 to index
      %get3A_794 = tpu.vector_load %arg7[%get3A_792, %get3A_793] {strides = array<i32>} : memref<2x8192xf32, #tpu.memory_space<vmem>>, vector<1x16xf32>,
      %get3A_795 = vector.shape_cast %get3A_794 : vector<1x16xf32> to vector<16xf32>
      %mul3A_796 = arith.mulf %get3A_6, %get3A_790 : vector<16xf32>
      %mul3A_797 = arith.mulf %get3A_11, %get3A_795 : vector<16xf32>
      %add3A_798 = arith.addf %mul3A_796, %mul3A_797 : vector<16xf32>
      %swap3A_799 = arith.constant 0 : i32
      %swap3A_800 = arith.index_cast %swap3A_799 : i32 to index
      %swap3A_801 = arith.index_cast %mul3A_785 : i32 to index
      %swap3A_802 = tpu.vector_load %arg8[%swap3A_800, %swap3A_801] {strides = array<i32>} : memref<2x8192xf32, #tpu.memory_space<vmem>>, vector<1x16xf32>,
      %swap3A_803 = vector.shape_cast %swap3A_802 : vector<1x16xf32> to vector<16xf32>
      %swap3A_804 = vector.shape_cast %add3A_798 : vector<16xf32> to vector<1x16xf32>
      tpu.vector_store %arg8[%swap3A_800, %swap3A_801], %swap3A_804 {strides = array<i32>} : memref<2x8192xf32, #tpu.memory_space<vmem>>, vector<1x16xf32>,
      %mul3A_805 = arith.mulf %get3A_16, %get3A_790 : vector<16xf32>
      %mul3A_806 = arith.mulf %get3A_21, %get3A_795 : vector<16xf32>
      %add3A_807 = arith.addf %mul3A_805, %mul3A_806 : vector<16xf32>
      %swap3A_808 = arith.constant 0 : i32
      %swap3A_809 = arith.index_cast %swap3A_808 : i32 to index
      %swap3A_810 = arith.index_cast %mul3A_785 : i32 to index
      %swap3A_811 = tpu.vector_load %arg9[%swap3A_809, %swap3A_810] {strides = array<i32>} : memref<2x8192xf32, #tpu.memory_space<vmem>>, vector<1x16xf32>,
      %swap3A_812 = vector.shape_cast %swap3A_811 : vector<1x16xf32> to vector<16xf32>
      %swap3A_813 = vector.shape_cast %add3A_807 : vector<16xf32> to vector<1x16xf32>
      tpu.vector_store %arg9[%swap3A_809, %swap3A_810], %swap3A_813 {strides = array<i32>} : memref<2x8192xf32, #tpu.memory_space<vmem>>, vector<1x16xf32>,
      %scan3A_814 = arith.constant 3 : i32
      %scan3A_815 = arith.addi %scan3A_720, %scan3A_814 : i32
      %mul3A_816 = arith.constant 16 : i32
      %mul3A_817 = arith.muli %scan3A_815, %mul3A_816 : i32
      %get3A_818 = arith.constant 0 : i32
      %get3A_819 = arith.index_cast %get3A_818 : i32 to index
      %get3A_820 = arith.index_cast %mul3A_817 : i32 to index
      %get3A_821 = tpu.vector_load %arg6[%get3A_819, %get3A_820] {strides = array<i32>} : memref<2x8192xf32, #tpu.memory_space<vmem>>, vector<1x16xf32>,
      %get3A_822 = vector.shape_cast %get3A_821 : vector<1x16xf32> to vector<16xf32>
      %get3A_823 = arith.constant 0 : i32
      %get3A_824 = arith.index_cast %get3A_823 : i32 to index
      %get3A_825 = arith.index_cast %mul3A_817 : i32 to index
      %get3A_826 = tpu.vector_load %arg7[%get3A_824, %get3A_825] {strides = array<i32>} : memref<2x8192xf32, #tpu.memory_space<vmem>>, vector<1x16xf32>,
      %get3A_827 = vector.shape_cast %get3A_826 : vector<1x16xf32> to vector<16xf32>
      %mul3A_828 = arith.mulf %get3A_6, %get3A_822 : vector<16xf32>
      %mul3A_829 = arith.mulf %get3A_11, %get3A_827 : vector<16xf32>
      %add3A_830 = arith.addf %mul3A_828, %mul3A_829 : vector<16xf32>
      %swap3A_831 = arith.constant 0 : i32
      %swap3A_832 = arith.index_cast %swap3A_831 : i32 to index
      %swap3A_833 = arith.index_cast %mul3A_817 : i32 to index
      %swap3A_834 = tpu.vector_load %arg8[%swap3A_832, %swap3A_833] {strides = array<i32>} : memref<2x8192xf32, #tpu.memory_space<vmem>>, vector<1x16xf32>,
      %swap3A_835 = vector.shape_cast %swap3A_834 : vector<1x16xf32> to vector<16xf32>
      %swap3A_836 = vector.shape_cast %add3A_830 : vector<16xf32> to vector<1x16xf32>
      tpu.vector_store %arg8[%swap3A_832, %swap3A_833], %swap3A_836 {strides = array<i32>} : memref<2x8192xf32, #tpu.memory_space<vmem>>, vector<1x16xf32>,
      %mul3A_837 = arith.mulf %get3A_16, %get3A_822 : vector<16xf32>
      %mul3A_838 = arith.mulf %get3A_21, %get3A_827 : vector<16xf32>
      %add3A_839 = arith.addf %mul3A_837, %mul3A_838 : vector<16xf32>
      %swap3A_840 = arith.constant 0 : i32
      %swap3A_841 = arith.index_cast %swap3A_840 : i32 to index
      %swap3A_842 = arith.index_cast %mul3A_817 : i32 to index
      %swap3A_843 = tpu.vector_load %arg9[%swap3A_841, %swap3A_842] {strides = array<i32>} : memref<2x8192xf32, #tpu.memory_space<vmem>>, vector<1x16xf32>,
      %swap3A_844 = vector.shape_cast %swap3A_843 : vector<1x16xf32> to vector<16xf32>
      %swap3A_845 = vector.shape_cast %add3A_839 : vector<16xf32> to vector<1x16xf32>
      tpu.vector_store %arg9[%swap3A_841, %swap3A_842], %swap3A_845 {strides = array<i32>} : memref<2x8192xf32, #tpu.memory_space<vmem>>, vector<1x16xf32>,
      %scan3A_846 = arith.constant 4 : i32
      %scan3A_847 = arith.addi %scan3A_720, %scan3A_846 : i32
      %mul3A_848 = arith.constant 16 : i32
      %mul3A_849 = arith.muli %scan3A_847, %mul3A_848 : i32
      %get3A_850 = arith.constant 0 : i32
      %get3A_851 = arith.index_cast %get3A_850 : i32 to index
      %get3A_852 = arith.index_cast %mul3A_849 : i32 to index
      %get3A_853 = tpu.vector_load %arg6[%get3A_851, %get3A_852] {strides = array<i32>} : memref<2x8192xf32, #tpu.memory_space<vmem>>, vector<1x16xf32>,
      %get3A_854 = vector.shape_cast %get3A_853 : vector<1x16xf32> to vector<16xf32>
      %get3A_855 = arith.constant 0 : i32
      %get3A_856 = arith.index_cast %get3A_855 : i32 to index
      %get3A_857 = arith.index_cast %mul3A_849 : i32 to index
      %get3A_858 = tpu.vector_load %arg7[%get3A_856, %get3A_857] {strides = array<i32>} : memref<2x8192xf32, #tpu.memory_space<vmem>>, vector<1x16xf32>,
      %get3A_859 = vector.shape_cast %get3A_858 : vector<1x16xf32> to vector<16xf32>
      %mul3A_860 = arith.mulf %get3A_6, %get3A_854 : vector<16xf32>
      %mul3A_861 = arith.mulf %get3A_11, %get3A_859 : vector<16xf32>
      %add3A_862 = arith.addf %mul3A_860, %mul3A_861 : vector<16xf32>
      %swap3A_863 = arith.constant 0 : i32
      %swap3A_864 = arith.index_cast %swap3A_863 : i32 to index
      %swap3A_865 = arith.index_cast %mul3A_849 : i32 to index
      %swap3A_866 = tpu.vector_load %arg8[%swap3A_864, %swap3A_865] {strides = array<i32>} : memref<2x8192xf32, #tpu.memory_space<vmem>>, vector<1x16xf32>,
      %swap3A_867 = vector.shape_cast %swap3A_866 : vector<1x16xf32> to vector<16xf32>
      %swap3A_868 = vector.shape_cast %add3A_862 : vector<16xf32> to vector<1x16xf32>
      tpu.vector_store %arg8[%swap3A_864, %swap3A_865], %swap3A_868 {strides = array<i32>} : memref<2x8192xf32, #tpu.memory_space<vmem>>, vector<1x16xf32>,
      %mul3A_869 = arith.mulf %get3A_16, %get3A_854 : vector<16xf32>
      %mul3A_870 = arith.mulf %get3A_21, %get3A_859 : vector<16xf32>
      %add3A_871 = arith.addf %mul3A_869, %mul3A_870 : vector<16xf32>
      %swap3A_872 = arith.constant 0 : i32
      %swap3A_873 = arith.index_cast %swap3A_872 : i32 to index
      %swap3A_874 = arith.index_cast %mul3A_849 : i32 to index
      %swap3A_875 = tpu.vector_load %arg9[%swap3A_873, %swap3A_874] {strides = array<i32>} : memref<2x8192xf32, #tpu.memory_space<vmem>>, vector<1x16xf32>,
      %swap3A_876 = vector.shape_cast %swap3A_875 : vector<1x16xf32> to vector<16xf32>
      %swap3A_877 = vector.shape_cast %add3A_871 : vector<16xf32> to vector<1x16xf32>
      tpu.vector_store %arg9[%swap3A_873, %swap3A_874], %swap3A_877 {strides = array<i32>} : memref<2x8192xf32, #tpu.memory_space<vmem>>, vector<1x16xf32>,
      %scan3A_878 = arith.constant 5 : i32
      %scan3A_879 = arith.addi %scan3A_720, %scan3A_878 : i32
      %mul3A_880 = arith.constant 16 : i32
      %mul3A_881 = arith.muli %scan3A_879, %mul3A_880 : i32
      %get3A_882 = arith.constant 0 : i32
      %get3A_883 = arith.index_cast %get3A_882 : i32 to index
      %get3A_884 = arith.index_cast %mul3A_881 : i32 to index
      %get3A_885 = tpu.vector_load %arg6[%get3A_883, %get3A_884] {strides = array<i32>} : memref<2x8192xf32, #tpu.memory_space<vmem>>, vector<1x16xf32>,
      %get3A_886 = vector.shape_cast %get3A_885 : vector<1x16xf32> to vector<16xf32>
      %get3A_887 = arith.constant 0 : i32
      %get3A_888 = arith.index_cast %get3A_887 : i32 to index
      %get3A_889 = arith.index_cast %mul3A_881 : i32 to index
      %get3A_890 = tpu.vector_load %arg7[%get3A_888, %get3A_889] {strides = array<i32>} : memref<2x8192xf32, #tpu.memory_space<vmem>>, vector<1x16xf32>,
      %get3A_891 = vector.shape_cast %get3A_890 : vector<1x16xf32> to vector<16xf32>
      %mul3A_892 = arith.mulf %get3A_6, %get3A_886 : vector<16xf32>
      %mul3A_893 = arith.mulf %get3A_11, %get3A_891 : vector<16xf32>
      %add3A_894 = arith.addf %mul3A_892, %mul3A_893 : vector<16xf32>
      %swap3A_895 = arith.constant 0 : i32
      %swap3A_896 = arith.index_cast %swap3A_895 : i32 to index
      %swap3A_897 = arith.index_cast %mul3A_881 : i32 to index
      %swap3A_898 = tpu.vector_load %arg8[%swap3A_896, %swap3A_897] {strides = array<i32>} : memref<2x8192xf32, #tpu.memory_space<vmem>>, vector<1x16xf32>,
      %swap3A_899 = vector.shape_cast %swap3A_898 : vector<1x16xf32> to vector<16xf32>
      %swap3A_900 = vector.shape_cast %add3A_894 : vector<16xf32> to vector<1x16xf32>
      tpu.vector_store %arg8[%swap3A_896, %swap3A_897], %swap3A_900 {strides = array<i32>} : memref<2x8192xf32, #tpu.memory_space<vmem>>, vector<1x16xf32>,
      %mul3A_901 = arith.mulf %get3A_16, %get3A_886 : vector<16xf32>
      %mul3A_902 = arith.mulf %get3A_21, %get3A_891 : vector<16xf32>
      %add3A_903 = arith.addf %mul3A_901, %mul3A_902 : vector<16xf32>
      %swap3A_904 = arith.constant 0 : i32
      %swap3A_905 = arith.index_cast %swap3A_904 : i32 to index
      %swap3A_906 = arith.index_cast %mul3A_881 : i32 to index
      %swap3A_907 = tpu.vector_load %arg9[%swap3A_905, %swap3A_906] {strides = array<i32>} : memref<2x8192xf32, #tpu.memory_space<vmem>>, vector<1x16xf32>,
      %swap3A_908 = vector.shape_cast %swap3A_907 : vector<1x16xf32> to vector<16xf32>
      %swap3A_909 = vector.shape_cast %add3A_903 : vector<16xf32> to vector<1x16xf32>
      tpu.vector_store %arg9[%swap3A_905, %swap3A_906], %swap3A_909 {strides = array<i32>} : memref<2x8192xf32, #tpu.memory_space<vmem>>, vector<1x16xf32>,
      %scan3A_910 = arith.constant 6 : i32
      %scan3A_911 = arith.addi %scan3A_720, %scan3A_910 : i32
      %mul3A_912 = arith.constant 16 : i32
      %mul3A_913 = arith.muli %scan3A_911, %mul3A_912 : i32
      %get3A_914 = arith.constant 0 : i32
      %get3A_915 = arith.index_cast %get3A_914 : i32 to index
      %get3A_916 = arith.index_cast %mul3A_913 : i32 to index
      %get3A_917 = tpu.vector_load %arg6[%get3A_915, %get3A_916] {strides = array<i32>} : memref<2x8192xf32, #tpu.memory_space<vmem>>, vector<1x16xf32>,
      %get3A_918 = vector.shape_cast %get3A_917 : vector<1x16xf32> to vector<16xf32>
      %get3A_919 = arith.constant 0 : i32
      %get3A_920 = arith.index_cast %get3A_919 : i32 to index
      %get3A_921 = arith.index_cast %mul3A_913 : i32 to index
      %get3A_922 = tpu.vector_load %arg7[%get3A_920, %get3A_921] {strides = array<i32>} : memref<2x8192xf32, #tpu.memory_space<vmem>>, vector<1x16xf32>,
      %get3A_923 = vector.shape_cast %get3A_922 : vector<1x16xf32> to vector<16xf32>
      %mul3A_924 = arith.mulf %get3A_6, %get3A_918 : vector<16xf32>
      %mul3A_925 = arith.mulf %get3A_11, %get3A_923 : vector<16xf32>
      %add3A_926 = arith.addf %mul3A_924, %mul3A_925 : vector<16xf32>
      %swap3A_927 = arith.constant 0 : i32
      %swap3A_928 = arith.index_cast %swap3A_927 : i32 to index
      %swap3A_929 = arith.index_cast %mul3A_913 : i32 to index
      %swap3A_930 = tpu.vector_load %arg8[%swap3A_928, %swap3A_929] {strides = array<i32>} : memref<2x8192xf32, #tpu.memory_space<vmem>>, vector<1x16xf32>,
      %swap3A_931 = vector.shape_cast %swap3A_930 : vector<1x16xf32> to vector<16xf32>
      %swap3A_932 = vector.shape_cast %add3A_926 : vector<16xf32> to vector<1x16xf32>
      tpu.vector_store %arg8[%swap3A_928, %swap3A_929], %swap3A_932 {strides = array<i32>} : memref<2x8192xf32, #tpu.memory_space<vmem>>, vector<1x16xf32>,
      %mul3A_933 = arith.mulf %get3A_16, %get3A_918 : vector<16xf32>
      %mul3A_934 = arith.mulf %get3A_21, %get3A_923 : vector<16xf32>
      %add3A_935 = arith.addf %mul3A_933, %mul3A_934 : vector<16xf32>
      %swap3A_936 = arith.constant 0 : i32
      %swap3A_937 = arith.index_cast %swap3A_936 : i32 to index
      %swap3A_938 = arith.index_cast %mul3A_913 : i32 to index
      %swap3A_939 = tpu.vector_load %arg9[%swap3A_937, %swap3A_938] {strides = array<i32>} : memref<2x8192xf32, #tpu.memory_space<vmem>>, vector<1x16xf32>,
      %swap3A_940 = vector.shape_cast %swap3A_939 : vector<1x16xf32> to vector<16xf32>
      %swap3A_941 = vector.shape_cast %add3A_935 : vector<16xf32> to vector<1x16xf32>
      tpu.vector_store %arg9[%swap3A_937, %swap3A_938], %swap3A_941 {strides = array<i32>} : memref<2x8192xf32, #tpu.memory_space<vmem>>, vector<1x16xf32>,
      %scan3A_942 = arith.constant 7 : i32
      %scan3A_943 = arith.addi %scan3A_720, %scan3A_942 : i32
      %mul3A_944 = arith.constant 16 : i32
      %mul3A_945 = arith.muli %scan3A_943, %mul3A_944 : i32
      %get3A_946 = arith.constant 0 : i32
      %get3A_947 = arith.index_cast %get3A_946 : i32 to index
      %get3A_948 = arith.index_cast %mul3A_945 : i32 to index
      %get3A_949 = tpu.vector_load %arg6[%get3A_947, %get3A_948] {strides = array<i32>} : memref<2x8192xf32, #tpu.memory_space<vmem>>, vector<1x16xf32>,
      %get3A_950 = vector.shape_cast %get3A_949 : vector<1x16xf32> to vector<16xf32>
      %get3A_951 = arith.constant 0 : i32
      %get3A_952 = arith.index_cast %get3A_951 : i32 to index
      %get3A_953 = arith.index_cast %mul3A_945 : i32 to index
      %get3A_954 = tpu.vector_load %arg7[%get3A_952, %get3A_953] {strides = array<i32>} : memref<2x8192xf32, #tpu.memory_space<vmem>>, vector<1x16xf32>,
      %get3A_955 = vector.shape_cast %get3A_954 : vector<1x16xf32> to vector<16xf32>
      %mul3A_956 = arith.mulf %get3A_6, %get3A_950 : vector<16xf32>
      %mul3A_957 = arith.mulf %get3A_11, %get3A_955 : vector<16xf32>
      %add3A_958 = arith.addf %mul3A_956, %mul3A_957 : vector<16xf32>
      %swap3A_959 = arith.constant 0 : i32
      %swap3A_960 = arith.index_cast %swap3A_959 : i32 to index
      %swap3A_961 = arith.index_cast %mul3A_945 : i32 to index
      %swap3A_962 = tpu.vector_load %arg8[%swap3A_960, %swap3A_961] {strides = array<i32>} : memref<2x8192xf32, #tpu.memory_space<vmem>>, vector<1x16xf32>,
      %swap3A_963 = vector.shape_cast %swap3A_962 : vector<1x16xf32> to vector<16xf32>
      %swap3A_964 = vector.shape_cast %add3A_958 : vector<16xf32> to vector<1x16xf32>
      tpu.vector_store %arg8[%swap3A_960, %swap3A_961], %swap3A_964 {strides = array<i32>} : memref<2x8192xf32, #tpu.memory_space<vmem>>, vector<1x16xf32>,
      %mul3A_965 = arith.mulf %get3A_16, %get3A_950 : vector<16xf32>
      %mul3A_966 = arith.mulf %get3A_21, %get3A_955 : vector<16xf32>
      %add3A_967 = arith.addf %mul3A_965, %mul3A_966 : vector<16xf32>
      %swap3A_968 = arith.constant 0 : i32
      %swap3A_969 = arith.index_cast %swap3A_968 : i32 to index
      %swap3A_970 = arith.index_cast %mul3A_945 : i32 to index
      %swap3A_971 = tpu.vector_load %arg9[%swap3A_969, %swap3A_970] {strides = array<i32>} : memref<2x8192xf32, #tpu.memory_space<vmem>>, vector<1x16xf32>,
      %swap3A_972 = vector.shape_cast %swap3A_971 : vector<1x16xf32> to vector<16xf32>
      %swap3A_973 = vector.shape_cast %add3A_967 : vector<16xf32> to vector<1x16xf32>
      tpu.vector_store %arg9[%swap3A_969, %swap3A_970], %swap3A_973 {strides = array<i32>} : memref<2x8192xf32, #tpu.memory_space<vmem>>, vector<1x16xf32>,
    }
    %scan3A_592 = arith.constant 512 : i32
    %add3A_593 = arith.constant 49152 : i32
    %add3A_594 = arith.addi %add3A_25, %add3A_593 : i32
    %dma_start3A_595 = arith.constant 0 : i32
    %dma_start3A_596 = arith.constant 0 : i32
    %dma_start3A_597 = tpu.memref_slice %arg8[%dma_start3A_595, %dma_start3A_596] : memref<2x8192xf32, #tpu.memory_space<vmem>> -> memref<1x8192xf32, #tpu.memory_space<vmem>>
    %dma_start3A_598 = tpu.memref_squeeze %dma_start3A_597 : memref<1x8192xf32, #tpu.memory_space<vmem>> -> memref<8192xf32, #tpu.memory_space<vmem>>
    %dma_start3A_599 = tpu.memref_slice %arg4[%add3A_594] : memref<8388608xf32, #tpu.memory_space<hbm>> -> memref<8192xf32, #tpu.memory_space<hbm>>
    %dma_start3A_600 = tpu.memref_slice %arg4[%add3A_594] : memref<8388608xf32, #tpu.memory_space<hbm>> -> memref<8192xf32, #tpu.memory_space<hbm>>
    %dma_start3A_601 = arith.constant 0 : i32
    %dma_start3A_602 = tpu.memref_slice %arg8[%dma_start3A_595, %dma_start3A_601] : memref<2x8192xf32, #tpu.memory_space<vmem>> -> memref<1x8192xf32, #tpu.memory_space<vmem>>
    %dma_start3A_603 = tpu.memref_squeeze %dma_start3A_602 : memref<1x8192xf32, #tpu.memory_space<vmem>> -> memref<8192xf32, #tpu.memory_space<vmem>>
    tpu.enqueue_dma source(%dma_start3A_603 : memref<8192xf32, #tpu.memory_space<vmem>>) target(%dma_start3A_600 : memref<8192xf32, #tpu.memory_space<hbm>>) target_semaphore(%arg13 : memref<!tpu.dma_semaphore, #tpu.memory_space<semaphore_mem>>)
    %add3A_604 = arith.constant 49152 : i32
    %add3A_605 = arith.addi %add3A_29, %add3A_604 : i32
    %dma_start3A_606 = arith.constant 0 : i32
    %dma_start3A_607 = arith.constant 0 : i32
    %dma_start3A_608 = tpu.memref_slice %arg9[%dma_start3A_606, %dma_start3A_607] : memref<2x8192xf32, #tpu.memory_space<vmem>> -> memref<1x8192xf32, #tpu.memory_space<vmem>>
    %dma_start3A_609 = tpu.memref_squeeze %dma_start3A_608 : memref<1x8192xf32, #tpu.memory_space<vmem>> -> memref<8192xf32, #tpu.memory_space<vmem>>
    %dma_start3A_610 = tpu.memref_slice %arg4[%add3A_605] : memref<8388608xf32, #tpu.memory_space<hbm>> -> memref<8192xf32, #tpu.memory_space<hbm>>
    %dma_start3A_611 = tpu.memref_slice %arg4[%add3A_605] : memref<8388608xf32, #tpu.memory_space<hbm>> -> memref<8192xf32, #tpu.memory_space<hbm>>
    %dma_start3A_612 = arith.constant 0 : i32
    %dma_start3A_613 = tpu.memref_slice %arg9[%dma_start3A_606, %dma_start3A_612] : memref<2x8192xf32, #tpu.memory_space<vmem>> -> memref<1x8192xf32, #tpu.memory_space<vmem>>
    %dma_start3A_614 = tpu.memref_squeeze %dma_start3A_613 : memref<1x8192xf32, #tpu.memory_space<vmem>> -> memref<8192xf32, #tpu.memory_space<vmem>>
    tpu.enqueue_dma source(%dma_start3A_614 : memref<8192xf32, #tpu.memory_space<vmem>>) target(%dma_start3A_611 : memref<8192xf32, #tpu.memory_space<hbm>>) target_semaphore(%arg13 : memref<!tpu.dma_semaphore, #tpu.memory_space<semaphore_mem>>)
    %dma_wait3A_615 = arith.constant 1 : i32
    %dma_wait3A_616 = arith.constant 0 : i32
    %dma_wait3A_617 = tpu.memref_slice %arg6[%dma_wait3A_615, %dma_wait3A_616] : memref<2x8192xf32, #tpu.memory_space<vmem>> -> memref<1x8192xf32, #tpu.memory_space<vmem>>
    %dma_wait3A_618 = tpu.memref_squeeze %dma_wait3A_617 : memref<1x8192xf32, #tpu.memory_space<vmem>> -> memref<8192xf32, #tpu.memory_space<vmem>>
    %dma_wait3A_619 = tpu.memref_slice %arg2[%add3A_530] : memref<8388608xf32, #tpu.memory_space<hbm>> -> memref<8192xf32, #tpu.memory_space<hbm>>
    %dma_wait3A_620 = arith.constant 0 : i32
    %dma_wait3A_621 = tpu.memref_slice %arg6[%dma_wait3A_615, %dma_wait3A_620] : memref<2x8192xf32, #tpu.memory_space<vmem>> -> memref<1x8192xf32, #tpu.memory_space<vmem>>
    %dma_wait3A_622 = tpu.memref_squeeze %dma_wait3A_621 : memref<1x8192xf32, #tpu.memory_space<vmem>> -> memref<8192xf32, #tpu.memory_space<vmem>>
    %dma_wait3A_623 = tpu.memref_slice %arg2[%add3A_530] : memref<8388608xf32, #tpu.memory_space<hbm>> -> memref<8192xf32, #tpu.memory_space<hbm>>
    tpu.wait_dma2 semaphore(%arg12 : memref<!tpu.dma_semaphore, #tpu.memory_space<semaphore_mem>>) src(%dma_wait3A_623 : memref<8192xf32, #tpu.memory_space<hbm>>) dst(%dma_wait3A_622 : memref<8192xf32, #tpu.memory_space<vmem>>)
    %dma_wait3A_624 = arith.constant 1 : i32
    %dma_wait3A_625 = arith.constant 0 : i32
    %dma_wait3A_626 = tpu.memref_slice %arg7[%dma_wait3A_624, %dma_wait3A_625] : memref<2x8192xf32, #tpu.memory_space<vmem>> -> memref<1x8192xf32, #tpu.memory_space<vmem>>
    %dma_wait3A_627 = tpu.memref_squeeze %dma_wait3A_626 : memref<1x8192xf32, #tpu.memory_space<vmem>> -> memref<8192xf32, #tpu.memory_space<vmem>>
    %dma_wait3A_628 = tpu.memref_slice %arg2[%add3A_541] : memref<8388608xf32, #tpu.memory_space<hbm>> -> memref<8192xf32, #tpu.memory_space<hbm>>
    %dma_wait3A_629 = arith.constant 0 : i32
    %dma_wait3A_630 = tpu.memref_slice %arg7[%dma_wait3A_624, %dma_wait3A_629] : memref<2x8192xf32, #tpu.memory_space<vmem>> -> memref<1x8192xf32, #tpu.memory_space<vmem>>
    %dma_wait3A_631 = tpu.memref_squeeze %dma_wait3A_630 : memref<1x8192xf32, #tpu.memory_space<vmem>> -> memref<8192xf32, #tpu.memory_space<vmem>>
    %dma_wait3A_632 = tpu.memref_slice %arg2[%add3A_541] : memref<8388608xf32, #tpu.memory_space<hbm>> -> memref<8192xf32, #tpu.memory_space<hbm>>
    tpu.wait_dma2 semaphore(%arg12 : memref<!tpu.dma_semaphore, #tpu.memory_space<semaphore_mem>>) src(%dma_wait3A_632 : memref<8192xf32, #tpu.memory_space<hbm>>) dst(%dma_wait3A_631 : memref<8192xf32, #tpu.memory_space<vmem>>)
    %dma_wait3A_633 = arith.constant 1 : i32
    %dma_wait3A_634 = arith.constant 0 : i32
    %dma_wait3A_635 = tpu.memref_slice %arg8[%dma_wait3A_633, %dma_wait3A_634] : memref<2x8192xf32, #tpu.memory_space<vmem>> -> memref<1x8192xf32, #tpu.memory_space<vmem>>
    %dma_wait3A_636 = tpu.memref_squeeze %dma_wait3A_635 : memref<1x8192xf32, #tpu.memory_space<vmem>> -> memref<8192xf32, #tpu.memory_space<vmem>>
    %dma_wait3A_637 = tpu.memref_slice %arg4[%add3A_508] : memref<8388608xf32, #tpu.memory_space<hbm>> -> memref<8192xf32, #tpu.memory_space<hbm>>
    %dma_wait3A_638 = tpu.memref_slice %arg4[%add3A_508] : memref<8388608xf32, #tpu.memory_space<hbm>> -> memref<8192xf32, #tpu.memory_space<hbm>>
    %dma_wait3A_639 = arith.constant 0 : i32
    %dma_wait3A_640 = tpu.memref_slice %arg8[%dma_wait3A_633, %dma_wait3A_639] : memref<2x8192xf32, #tpu.memory_space<vmem>> -> memref<1x8192xf32, #tpu.memory_space<vmem>>
    %dma_wait3A_641 = tpu.memref_squeeze %dma_wait3A_640 : memref<1x8192xf32, #tpu.memory_space<vmem>> -> memref<8192xf32, #tpu.memory_space<vmem>>
    tpu.wait_dma2 semaphore(%arg14 : memref<!tpu.dma_semaphore, #tpu.memory_space<semaphore_mem>>) src(%dma_wait3A_641 : memref<8192xf32, #tpu.memory_space<vmem>>) dst(%dma_wait3A_638 : memref<8192xf32, #tpu.memory_space<hbm>>)
    %dma_wait3A_642 = arith.constant 1 : i32
    %dma_wait3A_643 = arith.constant 0 : i32
    %dma_wait3A_644 = tpu.memref_slice %arg9[%dma_wait3A_642, %dma_wait3A_643] : memref<2x8192xf32, #tpu.memory_space<vmem>> -> memref<1x8192xf32, #tpu.memory_space<vmem>>
    %dma_wait3A_645 = tpu.memref_squeeze %dma_wait3A_644 : memref<1x8192xf32, #tpu.memory_space<vmem>> -> memref<8192xf32, #tpu.memory_space<vmem>>
    %dma_wait3A_646 = tpu.memref_slice %arg4[%add3A_519] : memref<8388608xf32, #tpu.memory_space<hbm>> -> memref<8192xf32, #tpu.memory_space<hbm>>
    %dma_wait3A_647 = tpu.memref_slice %arg4[%add3A_519] : memref<8388608xf32, #tpu.memory_space<hbm>> -> memref<8192xf32, #tpu.memory_space<hbm>>
    %dma_wait3A_648 = arith.constant 0 : i32
    %dma_wait3A_649 = tpu.memref_slice %arg9[%dma_wait3A_642, %dma_wait3A_648] : memref<2x8192xf32, #tpu.memory_space<vmem>> -> memref<1x8192xf32, #tpu.memory_space<vmem>>
    %dma_wait3A_650 = tpu.memref_squeeze %dma_wait3A_649 : memref<1x8192xf32, #tpu.memory_space<vmem>> -> memref<8192xf32, #tpu.memory_space<vmem>>
    tpu.wait_dma2 semaphore(%arg14 : memref<!tpu.dma_semaphore, #tpu.memory_space<semaphore_mem>>) src(%dma_wait3A_650 : memref<8192xf32, #tpu.memory_space<vmem>>) dst(%dma_wait3A_647 : memref<8192xf32, #tpu.memory_space<hbm>>)
    %scan3A_651 = arith.constant 0 : i32
    %scan3A_652 = arith.constant 0 : i32
    %scan3A_653 = arith.constant 512 : i32
    %scan3A_654 = arith.addi %scan3A_652, %scan3A_653 : i32
    %scan3A_655 = arith.constant 8 : i32
    scf.for %scan3A_720 = %scan3A_652 to %scan3A_654 step %scan3A_655  : i32 {
      %mul3A_721 = arith.constant 16 : i32
      %mul3A_722 = arith.muli %scan3A_720, %mul3A_721 : i32
      %get3A_723 = arith.constant 1 : i32
      %get3A_724 = arith.index_cast %get3A_723 : i32 to index
      %get3A_725 = arith.index_cast %mul3A_722 : i32 to index
      %get3A_726 = tpu.vector_load %arg6[%get3A_724, %get3A_725] {strides = array<i32>} : memref<2x8192xf32, #tpu.memory_space<vmem>>, vector<1x16xf32>,
      %get3A_727 = vector.shape_cast %get3A_726 : vector<1x16xf32> to vector<16xf32>
      %get3A_728 = arith.constant 1 : i32
      %get3A_729 = arith.index_cast %get3A_728 : i32 to index
      %get3A_730 = arith.index_cast %mul3A_722 : i32 to index
      %get3A_731 = tpu.vector_load %arg7[%get3A_729, %get3A_730] {strides = array<i32>} : memref<2x8192xf32, #tpu.memory_space<vmem>>, vector<1x16xf32>,
      %get3A_732 = vector.shape_cast %get3A_731 : vector<1x16xf32> to vector<16xf32>
      %mul3A_733 = arith.mulf %get3A_6, %get3A_727 : vector<16xf32>
      %mul3A_734 = arith.mulf %get3A_11, %get3A_732 : vector<16xf32>
      %add3A_735 = arith.addf %mul3A_733, %mul3A_734 : vector<16xf32>
      %swap3A = arith.constant 1 : i32
      %swap3A_736 = arith.index_cast %swap3A : i32 to index
      %swap3A_737 = arith.index_cast %mul3A_722 : i32 to index
      %swap3A_738 = tpu.vector_load %arg8[%swap3A_736, %swap3A_737] {strides = array<i32>} : memref<2x8192xf32, #tpu.memory_space<vmem>>, vector<1x16xf32>,
      %swap3A_739 = vector.shape_cast %swap3A_738 : vector<1x16xf32> to vector<16xf32>
      %swap3A_740 = vector.shape_cast %add3A_735 : vector<16xf32> to vector<1x16xf32>
      tpu.vector_store %arg8[%swap3A_736, %swap3A_737], %swap3A_740 {strides = array<i32>} : memref<2x8192xf32, #tpu.memory_space<vmem>>, vector<1x16xf32>,
      %mul3A_741 = arith.mulf %get3A_16, %get3A_727 : vector<16xf32>
      %mul3A_742 = arith.mulf %get3A_21, %get3A_732 : vector<16xf32>
      %add3A_743 = arith.addf %mul3A_741, %mul3A_742 : vector<16xf32>
      %swap3A_744 = arith.constant 1 : i32
      %swap3A_745 = arith.index_cast %swap3A_744 : i32 to index
      %swap3A_746 = arith.index_cast %mul3A_722 : i32 to index
      %swap3A_747 = tpu.vector_load %arg9[%swap3A_745, %swap3A_746] {strides = array<i32>} : memref<2x8192xf32, #tpu.memory_space<vmem>>, vector<1x16xf32>,
      %swap3A_748 = vector.shape_cast %swap3A_747 : vector<1x16xf32> to vector<16xf32>
      %swap3A_749 = vector.shape_cast %add3A_743 : vector<16xf32> to vector<1x16xf32>
      tpu.vector_store %arg9[%swap3A_745, %swap3A_746], %swap3A_749 {strides = array<i32>} : memref<2x8192xf32, #tpu.memory_space<vmem>>, vector<1x16xf32>,
      %scan3A_750 = arith.constant 1 : i32
      %scan3A_751 = arith.addi %scan3A_720, %scan3A_750 : i32
      %mul3A_752 = arith.constant 16 : i32
      %mul3A_753 = arith.muli %scan3A_751, %mul3A_752 : i32
      %get3A_754 = arith.constant 1 : i32
      %get3A_755 = arith.index_cast %get3A_754 : i32 to index
      %get3A_756 = arith.index_cast %mul3A_753 : i32 to index
      %get3A_757 = tpu.vector_load %arg6[%get3A_755, %get3A_756] {strides = array<i32>} : memref<2x8192xf32, #tpu.memory_space<vmem>>, vector<1x16xf32>,
      %get3A_758 = vector.shape_cast %get3A_757 : vector<1x16xf32> to vector<16xf32>
      %get3A_759 = arith.constant 1 : i32
      %get3A_760 = arith.index_cast %get3A_759 : i32 to index
      %get3A_761 = arith.index_cast %mul3A_753 : i32 to index
      %get3A_762 = tpu.vector_load %arg7[%get3A_760, %get3A_761] {strides = array<i32>} : memref<2x8192xf32, #tpu.memory_space<vmem>>, vector<1x16xf32>,
      %get3A_763 = vector.shape_cast %get3A_762 : vector<1x16xf32> to vector<16xf32>
      %mul3A_764 = arith.mulf %get3A_6, %get3A_758 : vector<16xf32>
      %mul3A_765 = arith.mulf %get3A_11, %get3A_763 : vector<16xf32>
      %add3A_766 = arith.addf %mul3A_764, %mul3A_765 : vector<16xf32>
      %swap3A_767 = arith.constant 1 : i32
      %swap3A_768 = arith.index_cast %swap3A_767 : i32 to index
      %swap3A_769 = arith.index_cast %mul3A_753 : i32 to index
      %swap3A_770 = tpu.vector_load %arg8[%swap3A_768, %swap3A_769] {strides = array<i32>} : memref<2x8192xf32, #tpu.memory_space<vmem>>, vector<1x16xf32>,
      %swap3A_771 = vector.shape_cast %swap3A_770 : vector<1x16xf32> to vector<16xf32>
      %swap3A_772 = vector.shape_cast %add3A_766 : vector<16xf32> to vector<1x16xf32>
      tpu.vector_store %arg8[%swap3A_768, %swap3A_769], %swap3A_772 {strides = array<i32>} : memref<2x8192xf32, #tpu.memory_space<vmem>>, vector<1x16xf32>,
      %mul3A_773 = arith.mulf %get3A_16, %get3A_758 : vector<16xf32>
      %mul3A_774 = arith.mulf %get3A_21, %get3A_763 : vector<16xf32>
      %add3A_775 = arith.addf %mul3A_773, %mul3A_774 : vector<16xf32>
      %swap3A_776 = arith.constant 1 : i32
      %swap3A_777 = arith.index_cast %swap3A_776 : i32 to index
      %swap3A_778 = arith.index_cast %mul3A_753 : i32 to index
      %swap3A_779 = tpu.vector_load %arg9[%swap3A_777, %swap3A_778] {strides = array<i32>} : memref<2x8192xf32, #tpu.memory_space<vmem>>, vector<1x16xf32>,
      %swap3A_780 = vector.shape_cast %swap3A_779 : vector<1x16xf32> to vector<16xf32>
      %swap3A_781 = vector.shape_cast %add3A_775 : vector<16xf32> to vector<1x16xf32>
      tpu.vector_store %arg9[%swap3A_777, %swap3A_778], %swap3A_781 {strides = array<i32>} : memref<2x8192xf32, #tpu.memory_space<vmem>>, vector<1x16xf32>,
      %scan3A_782 = arith.constant 2 : i32
      %scan3A_783 = arith.addi %scan3A_720, %scan3A_782 : i32
      %mul3A_784 = arith.constant 16 : i32
      %mul3A_785 = arith.muli %scan3A_783, %mul3A_784 : i32
      %get3A_786 = arith.constant 1 : i32
      %get3A_787 = arith.index_cast %get3A_786 : i32 to index
      %get3A_788 = arith.index_cast %mul3A_785 : i32 to index
      %get3A_789 = tpu.vector_load %arg6[%get3A_787, %get3A_788] {strides = array<i32>} : memref<2x8192xf32, #tpu.memory_space<vmem>>, vector<1x16xf32>,
      %get3A_790 = vector.shape_cast %get3A_789 : vector<1x16xf32> to vector<16xf32>
      %get3A_791 = arith.constant 1 : i32
      %get3A_792 = arith.index_cast %get3A_791 : i32 to index
      %get3A_793 = arith.index_cast %mul3A_785 : i32 to index
      %get3A_794 = tpu.vector_load %arg7[%get3A_792, %get3A_793] {strides = array<i32>} : memref<2x8192xf32, #tpu.memory_space<vmem>>, vector<1x16xf32>,
      %get3A_795 = vector.shape_cast %get3A_794 : vector<1x16xf32> to vector<16xf32>
      %mul3A_796 = arith.mulf %get3A_6, %get3A_790 : vector<16xf32>
      %mul3A_797 = arith.mulf %get3A_11, %get3A_795 : vector<16xf32>
      %add3A_798 = arith.addf %mul3A_796, %mul3A_797 : vector<16xf32>
      %swap3A_799 = arith.constant 1 : i32
      %swap3A_800 = arith.index_cast %swap3A_799 : i32 to index
      %swap3A_801 = arith.index_cast %mul3A_785 : i32 to index
      %swap3A_802 = tpu.vector_load %arg8[%swap3A_800, %swap3A_801] {strides = array<i32>} : memref<2x8192xf32, #tpu.memory_space<vmem>>, vector<1x16xf32>,
      %swap3A_803 = vector.shape_cast %swap3A_802 : vector<1x16xf32> to vector<16xf32>
      %swap3A_804 = vector.shape_cast %add3A_798 : vector<16xf32> to vector<1x16xf32>
      tpu.vector_store %arg8[%swap3A_800, %swap3A_801], %swap3A_804 {strides = array<i32>} : memref<2x8192xf32, #tpu.memory_space<vmem>>, vector<1x16xf32>,
      %mul3A_805 = arith.mulf %get3A_16, %get3A_790 : vector<16xf32>
      %mul3A_806 = arith.mulf %get3A_21, %get3A_795 : vector<16xf32>
      %add3A_807 = arith.addf %mul3A_805, %mul3A_806 : vector<16xf32>
      %swap3A_808 = arith.constant 1 : i32
      %swap3A_809 = arith.index_cast %swap3A_808 : i32 to index
      %swap3A_810 = arith.index_cast %mul3A_785 : i32 to index
      %swap3A_811 = tpu.vector_load %arg9[%swap3A_809, %swap3A_810] {strides = array<i32>} : memref<2x8192xf32, #tpu.memory_space<vmem>>, vector<1x16xf32>,
      %swap3A_812 = vector.shape_cast %swap3A_811 : vector<1x16xf32> to vector<16xf32>
      %swap3A_813 = vector.shape_cast %add3A_807 : vector<16xf32> to vector<1x16xf32>
      tpu.vector_store %arg9[%swap3A_809, %swap3A_810], %swap3A_813 {strides = array<i32>} : memref<2x8192xf32, #tpu.memory_space<vmem>>, vector<1x16xf32>,
      %scan3A_814 = arith.constant 3 : i32
      %scan3A_815 = arith.addi %scan3A_720, %scan3A_814 : i32
      %mul3A_816 = arith.constant 16 : i32
      %mul3A_817 = arith.muli %scan3A_815, %mul3A_816 : i32
      %get3A_818 = arith.constant 1 : i32
      %get3A_819 = arith.index_cast %get3A_818 : i32 to index
      %get3A_820 = arith.index_cast %mul3A_817 : i32 to index
      %get3A_821 = tpu.vector_load %arg6[%get3A_819, %get3A_820] {strides = array<i32>} : memref<2x8192xf32, #tpu.memory_space<vmem>>, vector<1x16xf32>,
      %get3A_822 = vector.shape_cast %get3A_821 : vector<1x16xf32> to vector<16xf32>
      %get3A_823 = arith.constant 1 : i32
      %get3A_824 = arith.index_cast %get3A_823 : i32 to index
      %get3A_825 = arith.index_cast %mul3A_817 : i32 to index
      %get3A_826 = tpu.vector_load %arg7[%get3A_824, %get3A_825] {strides = array<i32>} : memref<2x8192xf32, #tpu.memory_space<vmem>>, vector<1x16xf32>,
      %get3A_827 = vector.shape_cast %get3A_826 : vector<1x16xf32> to vector<16xf32>
      %mul3A_828 = arith.mulf %get3A_6, %get3A_822 : vector<16xf32>
      %mul3A_829 = arith.mulf %get3A_11, %get3A_827 : vector<16xf32>
      %add3A_830 = arith.addf %mul3A_828, %mul3A_829 : vector<16xf32>
      %swap3A_831 = arith.constant 1 : i32
      %swap3A_832 = arith.index_cast %swap3A_831 : i32 to index
      %swap3A_833 = arith.index_cast %mul3A_817 : i32 to index
      %swap3A_834 = tpu.vector_load %arg8[%swap3A_832, %swap3A_833] {strides = array<i32>} : memref<2x8192xf32, #tpu.memory_space<vmem>>, vector<1x16xf32>,
      %swap3A_835 = vector.shape_cast %swap3A_834 : vector<1x16xf32> to vector<16xf32>
      %swap3A_836 = vector.shape_cast %add3A_830 : vector<16xf32> to vector<1x16xf32>
      tpu.vector_store %arg8[%swap3A_832, %swap3A_833], %swap3A_836 {strides = array<i32>} : memref<2x8192xf32, #tpu.memory_space<vmem>>, vector<1x16xf32>,
      %mul3A_837 = arith.mulf %get3A_16, %get3A_822 : vector<16xf32>
      %mul3A_838 = arith.mulf %get3A_21, %get3A_827 : vector<16xf32>
      %add3A_839 = arith.addf %mul3A_837, %mul3A_838 : vector<16xf32>
      %swap3A_840 = arith.constant 1 : i32
      %swap3A_841 = arith.index_cast %swap3A_840 : i32 to index
      %swap3A_842 = arith.index_cast %mul3A_817 : i32 to index
      %swap3A_843 = tpu.vector_load %arg9[%swap3A_841, %swap3A_842] {strides = array<i32>} : memref<2x8192xf32, #tpu.memory_space<vmem>>, vector<1x16xf32>,
      %swap3A_844 = vector.shape_cast %swap3A_843 : vector<1x16xf32> to vector<16xf32>
      %swap3A_845 = vector.shape_cast %add3A_839 : vector<16xf32> to vector<1x16xf32>
      tpu.vector_store %arg9[%swap3A_841, %swap3A_842], %swap3A_845 {strides = array<i32>} : memref<2x8192xf32, #tpu.memory_space<vmem>>, vector<1x16xf32>,
      %scan3A_846 = arith.constant 4 : i32
      %scan3A_847 = arith.addi %scan3A_720, %scan3A_846 : i32
      %mul3A_848 = arith.constant 16 : i32
      %mul3A_849 = arith.muli %scan3A_847, %mul3A_848 : i32
      %get3A_850 = arith.constant 1 : i32
      %get3A_851 = arith.index_cast %get3A_850 : i32 to index
      %get3A_852 = arith.index_cast %mul3A_849 : i32 to index
      %get3A_853 = tpu.vector_load %arg6[%get3A_851, %get3A_852] {strides = array<i32>} : memref<2x8192xf32, #tpu.memory_space<vmem>>, vector<1x16xf32>,
      %get3A_854 = vector.shape_cast %get3A_853 : vector<1x16xf32> to vector<16xf32>
      %get3A_855 = arith.constant 1 : i32
      %get3A_856 = arith.index_cast %get3A_855 : i32 to index
      %get3A_857 = arith.index_cast %mul3A_849 : i32 to index
      %get3A_858 = tpu.vector_load %arg7[%get3A_856, %get3A_857] {strides = array<i32>} : memref<2x8192xf32, #tpu.memory_space<vmem>>, vector<1x16xf32>,
      %get3A_859 = vector.shape_cast %get3A_858 : vector<1x16xf32> to vector<16xf32>
      %mul3A_860 = arith.mulf %get3A_6, %get3A_854 : vector<16xf32>
      %mul3A_861 = arith.mulf %get3A_11, %get3A_859 : vector<16xf32>
      %add3A_862 = arith.addf %mul3A_860, %mul3A_861 : vector<16xf32>
      %swap3A_863 = arith.constant 1 : i32
      %swap3A_864 = arith.index_cast %swap3A_863 : i32 to index
      %swap3A_865 = arith.index_cast %mul3A_849 : i32 to index
      %swap3A_866 = tpu.vector_load %arg8[%swap3A_864, %swap3A_865] {strides = array<i32>} : memref<2x8192xf32, #tpu.memory_space<vmem>>, vector<1x16xf32>,
      %swap3A_867 = vector.shape_cast %swap3A_866 : vector<1x16xf32> to vector<16xf32>
      %swap3A_868 = vector.shape_cast %add3A_862 : vector<16xf32> to vector<1x16xf32>
      tpu.vector_store %arg8[%swap3A_864, %swap3A_865], %swap3A_868 {strides = array<i32>} : memref<2x8192xf32, #tpu.memory_space<vmem>>, vector<1x16xf32>,
      %mul3A_869 = arith.mulf %get3A_16, %get3A_854 : vector<16xf32>
      %mul3A_870 = arith.mulf %get3A_21, %get3A_859 : vector<16xf32>
      %add3A_871 = arith.addf %mul3A_869, %mul3A_870 : vector<16xf32>
      %swap3A_872 = arith.constant 1 : i32
      %swap3A_873 = arith.index_cast %swap3A_872 : i32 to index
      %swap3A_874 = arith.index_cast %mul3A_849 : i32 to index
      %swap3A_875 = tpu.vector_load %arg9[%swap3A_873, %swap3A_874] {strides = array<i32>} : memref<2x8192xf32, #tpu.memory_space<vmem>>, vector<1x16xf32>,
      %swap3A_876 = vector.shape_cast %swap3A_875 : vector<1x16xf32> to vector<16xf32>
      %swap3A_877 = vector.shape_cast %add3A_871 : vector<16xf32> to vector<1x16xf32>
      tpu.vector_store %arg9[%swap3A_873, %swap3A_874], %swap3A_877 {strides = array<i32>} : memref<2x8192xf32, #tpu.memory_space<vmem>>, vector<1x16xf32>,
      %scan3A_878 = arith.constant 5 : i32
      %scan3A_879 = arith.addi %scan3A_720, %scan3A_878 : i32
      %mul3A_880 = arith.constant 16 : i32
      %mul3A_881 = arith.muli %scan3A_879, %mul3A_880 : i32
      %get3A_882 = arith.constant 1 : i32
      %get3A_883 = arith.index_cast %get3A_882 : i32 to index
      %get3A_884 = arith.index_cast %mul3A_881 : i32 to index
      %get3A_885 = tpu.vector_load %arg6[%get3A_883, %get3A_884] {strides = array<i32>} : memref<2x8192xf32, #tpu.memory_space<vmem>>, vector<1x16xf32>,
      %get3A_886 = vector.shape_cast %get3A_885 : vector<1x16xf32> to vector<16xf32>
      %get3A_887 = arith.constant 1 : i32
      %get3A_888 = arith.index_cast %get3A_887 : i32 to index
      %get3A_889 = arith.index_cast %mul3A_881 : i32 to index
      %get3A_890 = tpu.vector_load %arg7[%get3A_888, %get3A_889] {strides = array<i32>} : memref<2x8192xf32, #tpu.memory_space<vmem>>, vector<1x16xf32>,
      %get3A_891 = vector.shape_cast %get3A_890 : vector<1x16xf32> to vector<16xf32>
      %mul3A_892 = arith.mulf %get3A_6, %get3A_886 : vector<16xf32>
      %mul3A_893 = arith.mulf %get3A_11, %get3A_891 : vector<16xf32>
      %add3A_894 = arith.addf %mul3A_892, %mul3A_893 : vector<16xf32>
      %swap3A_895 = arith.constant 1 : i32
      %swap3A_896 = arith.index_cast %swap3A_895 : i32 to index
      %swap3A_897 = arith.index_cast %mul3A_881 : i32 to index
      %swap3A_898 = tpu.vector_load %arg8[%swap3A_896, %swap3A_897] {strides = array<i32>} : memref<2x8192xf32, #tpu.memory_space<vmem>>, vector<1x16xf32>,
      %swap3A_899 = vector.shape_cast %swap3A_898 : vector<1x16xf32> to vector<16xf32>
      %swap3A_900 = vector.shape_cast %add3A_894 : vector<16xf32> to vector<1x16xf32>
      tpu.vector_store %arg8[%swap3A_896, %swap3A_897], %swap3A_900 {strides = array<i32>} : memref<2x8192xf32, #tpu.memory_space<vmem>>, vector<1x16xf32>,
      %mul3A_901 = arith.mulf %get3A_16, %get3A_886 : vector<16xf32>
      %mul3A_902 = arith.mulf %get3A_21, %get3A_891 : vector<16xf32>
      %add3A_903 = arith.addf %mul3A_901, %mul3A_902 : vector<16xf32>
      %swap3A_904 = arith.constant 1 : i32
      %swap3A_905 = arith.index_cast %swap3A_904 : i32 to index
      %swap3A_906 = arith.index_cast %mul3A_881 : i32 to index
      %swap3A_907 = tpu.vector_load %arg9[%swap3A_905, %swap3A_906] {strides = array<i32>} : memref<2x8192xf32, #tpu.memory_space<vmem>>, vector<1x16xf32>,
      %swap3A_908 = vector.shape_cast %swap3A_907 : vector<1x16xf32> to vector<16xf32>
      %swap3A_909 = vector.shape_cast %add3A_903 : vector<16xf32> to vector<1x16xf32>
      tpu.vector_store %arg9[%swap3A_905, %swap3A_906], %swap3A_909 {strides = array<i32>} : memref<2x8192xf32, #tpu.memory_space<vmem>>, vector<1x16xf32>,
      %scan3A_910 = arith.constant 6 : i32
      %scan3A_911 = arith.addi %scan3A_720, %scan3A_910 : i32
      %mul3A_912 = arith.constant 16 : i32
      %mul3A_913 = arith.muli %scan3A_911, %mul3A_912 : i32
      %get3A_914 = arith.constant 1 : i32
      %get3A_915 = arith.index_cast %get3A_914 : i32 to index
      %get3A_916 = arith.index_cast %mul3A_913 : i32 to index
      %get3A_917 = tpu.vector_load %arg6[%get3A_915, %get3A_916] {strides = array<i32>} : memref<2x8192xf32, #tpu.memory_space<vmem>>, vector<1x16xf32>,
      %get3A_918 = vector.shape_cast %get3A_917 : vector<1x16xf32> to vector<16xf32>
      %get3A_919 = arith.constant 1 : i32
      %get3A_920 = arith.index_cast %get3A_919 : i32 to index
      %get3A_921 = arith.index_cast %mul3A_913 : i32 to index
      %get3A_922 = tpu.vector_load %arg7[%get3A_920, %get3A_921] {strides = array<i32>} : memref<2x8192xf32, #tpu.memory_space<vmem>>, vector<1x16xf32>,
      %get3A_923 = vector.shape_cast %get3A_922 : vector<1x16xf32> to vector<16xf32>
      %mul3A_924 = arith.mulf %get3A_6, %get3A_918 : vector<16xf32>
      %mul3A_925 = arith.mulf %get3A_11, %get3A_923 : vector<16xf32>
      %add3A_926 = arith.addf %mul3A_924, %mul3A_925 : vector<16xf32>
      %swap3A_927 = arith.constant 1 : i32
      %swap3A_928 = arith.index_cast %swap3A_927 : i32 to index
      %swap3A_929 = arith.index_cast %mul3A_913 : i32 to index
      %swap3A_930 = tpu.vector_load %arg8[%swap3A_928, %swap3A_929] {strides = array<i32>} : memref<2x8192xf32, #tpu.memory_space<vmem>>, vector<1x16xf32>,
      %swap3A_931 = vector.shape_cast %swap3A_930 : vector<1x16xf32> to vector<16xf32>
      %swap3A_932 = vector.shape_cast %add3A_926 : vector<16xf32> to vector<1x16xf32>
      tpu.vector_store %arg8[%swap3A_928, %swap3A_929], %swap3A_932 {strides = array<i32>} : memref<2x8192xf32, #tpu.memory_space<vmem>>, vector<1x16xf32>,
      %mul3A_933 = arith.mulf %get3A_16, %get3A_918 : vector<16xf32>
      %mul3A_934 = arith.mulf %get3A_21, %get3A_923 : vector<16xf32>
      %add3A_935 = arith.addf %mul3A_933, %mul3A_934 : vector<16xf32>
      %swap3A_936 = arith.constant 1 : i32
      %swap3A_937 = arith.index_cast %swap3A_936 : i32 to index
      %swap3A_938 = arith.index_cast %mul3A_913 : i32 to index
      %swap3A_939 = tpu.vector_load %arg9[%swap3A_937, %swap3A_938] {strides = array<i32>} : memref<2x8192xf32, #tpu.memory_space<vmem>>, vector<1x16xf32>,
      %swap3A_940 = vector.shape_cast %swap3A_939 : vector<1x16xf32> to vector<16xf32>
      %swap3A_941 = vector.shape_cast %add3A_935 : vector<16xf32> to vector<1x16xf32>
      tpu.vector_store %arg9[%swap3A_937, %swap3A_938], %swap3A_941 {strides = array<i32>} : memref<2x8192xf32, #tpu.memory_space<vmem>>, vector<1x16xf32>,
      %scan3A_942 = arith.constant 7 : i32
      %scan3A_943 = arith.addi %scan3A_720, %scan3A_942 : i32
      %mul3A_944 = arith.constant 16 : i32
      %mul3A_945 = arith.muli %scan3A_943, %mul3A_944 : i32
      %get3A_946 = arith.constant 1 : i32
      %get3A_947 = arith.index_cast %get3A_946 : i32 to index
      %get3A_948 = arith.index_cast %mul3A_945 : i32 to index
      %get3A_949 = tpu.vector_load %arg6[%get3A_947, %get3A_948] {strides = array<i32>} : memref<2x8192xf32, #tpu.memory_space<vmem>>, vector<1x16xf32>,
      %get3A_950 = vector.shape_cast %get3A_949 : vector<1x16xf32> to vector<16xf32>
      %get3A_951 = arith.constant 1 : i32
      %get3A_952 = arith.index_cast %get3A_951 : i32 to index
      %get3A_953 = arith.index_cast %mul3A_945 : i32 to index
      %get3A_954 = tpu.vector_load %arg7[%get3A_952, %get3A_953] {strides = array<i32>} : memref<2x8192xf32, #tpu.memory_space<vmem>>, vector<1x16xf32>,
      %get3A_955 = vector.shape_cast %get3A_954 : vector<1x16xf32> to vector<16xf32>
      %mul3A_956 = arith.mulf %get3A_6, %get3A_950 : vector<16xf32>
      %mul3A_957 = arith.mulf %get3A_11, %get3A_955 : vector<16xf32>
      %add3A_958 = arith.addf %mul3A_956, %mul3A_957 : vector<16xf32>
      %swap3A_959 = arith.constant 1 : i32
      %swap3A_960 = arith.index_cast %swap3A_959 : i32 to index
      %swap3A_961 = arith.index_cast %mul3A_945 : i32 to index
      %swap3A_962 = tpu.vector_load %arg8[%swap3A_960, %swap3A_961] {strides = array<i32>} : memref<2x8192xf32, #tpu.memory_space<vmem>>, vector<1x16xf32>,
      %swap3A_963 = vector.shape_cast %swap3A_962 : vector<1x16xf32> to vector<16xf32>
      %swap3A_964 = vector.shape_cast %add3A_958 : vector<16xf32> to vector<1x16xf32>
      tpu.vector_store %arg8[%swap3A_960, %swap3A_961], %swap3A_964 {strides = array<i32>} : memref<2x8192xf32, #tpu.memory_space<vmem>>, vector<1x16xf32>,
      %mul3A_965 = arith.mulf %get3A_16, %get3A_950 : vector<16xf32>
      %mul3A_966 = arith.mulf %get3A_21, %get3A_955 : vector<16xf32>
      %add3A_967 = arith.addf %mul3A_965, %mul3A_966 : vector<16xf32>
      %swap3A_968 = arith.constant 1 : i32
      %swap3A_969 = arith.index_cast %swap3A_968 : i32 to index
      %swap3A_970 = arith.index_cast %mul3A_945 : i32 to index
      %swap3A_971 = tpu.vector_load %arg9[%swap3A_969, %swap3A_970] {strides = array<i32>} : memref<2x8192xf32, #tpu.memory_space<vmem>>, vector<1x16xf32>,
      %swap3A_972 = vector.shape_cast %swap3A_971 : vector<1x16xf32> to vector<16xf32>
      %swap3A_973 = vector.shape_cast %add3A_967 : vector<16xf32> to vector<1x16xf32>
      tpu.vector_store %arg9[%swap3A_969, %swap3A_970], %swap3A_973 {strides = array<i32>} : memref<2x8192xf32, #tpu.memory_space<vmem>>, vector<1x16xf32>,
    }
    %scan3A_656 = arith.constant 512 : i32
    %add3A_657 = arith.constant 57344 : i32
    %add3A_658 = arith.addi %add3A_25, %add3A_657 : i32
    %dma_start3A_659 = arith.constant 1 : i32
    %dma_start3A_660 = arith.constant 0 : i32
    %dma_start3A_661 = tpu.memref_slice %arg8[%dma_start3A_659, %dma_start3A_660] : memref<2x8192xf32, #tpu.memory_space<vmem>> -> memref<1x8192xf32, #tpu.memory_space<vmem>>
    %dma_start3A_662 = tpu.memref_squeeze %dma_start3A_661 : memref<1x8192xf32, #tpu.memory_space<vmem>> -> memref<8192xf32, #tpu.memory_space<vmem>>
    %dma_start3A_663 = tpu.memref_slice %arg4[%add3A_658] : memref<8388608xf32, #tpu.memory_space<hbm>> -> memref<8192xf32, #tpu.memory_space<hbm>>
    %dma_start3A_664 = tpu.memref_slice %arg4[%add3A_658] : memref<8388608xf32, #tpu.memory_space<hbm>> -> memref<8192xf32, #tpu.memory_space<hbm>>
    %dma_start3A_665 = arith.constant 0 : i32
    %dma_start3A_666 = tpu.memref_slice %arg8[%dma_start3A_659, %dma_start3A_665] : memref<2x8192xf32, #tpu.memory_space<vmem>> -> memref<1x8192xf32, #tpu.memory_space<vmem>>
    %dma_start3A_667 = tpu.memref_squeeze %dma_start3A_666 : memref<1x8192xf32, #tpu.memory_space<vmem>> -> memref<8192xf32, #tpu.memory_space<vmem>>
    tpu.enqueue_dma source(%dma_start3A_667 : memref<8192xf32, #tpu.memory_space<vmem>>) target(%dma_start3A_664 : memref<8192xf32, #tpu.memory_space<hbm>>) target_semaphore(%arg14 : memref<!tpu.dma_semaphore, #tpu.memory_space<semaphore_mem>>)
    %add3A_668 = arith.constant 57344 : i32
    %add3A_669 = arith.addi %add3A_29, %add3A_668 : i32
    %dma_start3A_670 = arith.constant 1 : i32
    %dma_start3A_671 = arith.constant 0 : i32
    %dma_start3A_672 = tpu.memref_slice %arg9[%dma_start3A_670, %dma_start3A_671] : memref<2x8192xf32, #tpu.memory_space<vmem>> -> memref<1x8192xf32, #tpu.memory_space<vmem>>
    %dma_start3A_673 = tpu.memref_squeeze %dma_start3A_672 : memref<1x8192xf32, #tpu.memory_space<vmem>> -> memref<8192xf32, #tpu.memory_space<vmem>>
    %dma_start3A_674 = tpu.memref_slice %arg4[%add3A_669] : memref<8388608xf32, #tpu.memory_space<hbm>> -> memref<8192xf32, #tpu.memory_space<hbm>>
    %dma_start3A_675 = tpu.memref_slice %arg4[%add3A_669] : memref<8388608xf32, #tpu.memory_space<hbm>> -> memref<8192xf32, #tpu.memory_space<hbm>>
    %dma_start3A_676 = arith.constant 0 : i32
    %dma_start3A_677 = tpu.memref_slice %arg9[%dma_start3A_670, %dma_start3A_676] : memref<2x8192xf32, #tpu.memory_space<vmem>> -> memref<1x8192xf32, #tpu.memory_space<vmem>>
    %dma_start3A_678 = tpu.memref_squeeze %dma_start3A_677 : memref<1x8192xf32, #tpu.memory_space<vmem>> -> memref<8192xf32, #tpu.memory_space<vmem>>
    tpu.enqueue_dma source(%dma_start3A_678 : memref<8192xf32, #tpu.memory_space<vmem>>) target(%dma_start3A_675 : memref<8192xf32, #tpu.memory_space<hbm>>) target_semaphore(%arg14 : memref<!tpu.dma_semaphore, #tpu.memory_space<semaphore_mem>>)
    %dma_wait3A_679 = arith.constant 0 : i32
    %dma_wait3A_680 = arith.constant 0 : i32
    %dma_wait3A_681 = tpu.memref_slice %arg8[%dma_wait3A_679, %dma_wait3A_680] : memref<2x8192xf32, #tpu.memory_space<vmem>> -> memref<1x8192xf32, #tpu.memory_space<vmem>>
    %dma_wait3A_682 = tpu.memref_squeeze %dma_wait3A_681 : memref<1x8192xf32, #tpu.memory_space<vmem>> -> memref<8192xf32, #tpu.memory_space<vmem>>
    %dma_wait3A_683 = tpu.memref_slice %arg4[%add3A_594] : memref<8388608xf32, #tpu.memory_space<hbm>> -> memref<8192xf32, #tpu.memory_space<hbm>>
    %dma_wait3A_684 = tpu.memref_slice %arg4[%add3A_594] : memref<8388608xf32, #tpu.memory_space<hbm>> -> memref<8192xf32, #tpu.memory_space<hbm>>
    %dma_wait3A_685 = arith.constant 0 : i32
    %dma_wait3A_686 = tpu.memref_slice %arg8[%dma_wait3A_679, %dma_wait3A_685] : memref<2x8192xf32, #tpu.memory_space<vmem>> -> memref<1x8192xf32, #tpu.memory_space<vmem>>
    %dma_wait3A_687 = tpu.memref_squeeze %dma_wait3A_686 : memref<1x8192xf32, #tpu.memory_space<vmem>> -> memref<8192xf32, #tpu.memory_space<vmem>>
    tpu.wait_dma2 semaphore(%arg13 : memref<!tpu.dma_semaphore, #tpu.memory_space<semaphore_mem>>) src(%dma_wait3A_687 : memref<8192xf32, #tpu.memory_space<vmem>>) dst(%dma_wait3A_684 : memref<8192xf32, #tpu.memory_space<hbm>>)
    %dma_wait3A_688 = arith.constant 0 : i32
    %dma_wait3A_689 = arith.constant 0 : i32
    %dma_wait3A_690 = tpu.memref_slice %arg9[%dma_wait3A_688, %dma_wait3A_689] : memref<2x8192xf32, #tpu.memory_space<vmem>> -> memref<1x8192xf32, #tpu.memory_space<vmem>>
    %dma_wait3A_691 = tpu.memref_squeeze %dma_wait3A_690 : memref<1x8192xf32, #tpu.memory_space<vmem>> -> memref<8192xf32, #tpu.memory_space<vmem>>
    %dma_wait3A_692 = tpu.memref_slice %arg4[%add3A_605] : memref<8388608xf32, #tpu.memory_space<hbm>> -> memref<8192xf32, #tpu.memory_space<hbm>>
    %dma_wait3A_693 = tpu.memref_slice %arg4[%add3A_605] : memref<8388608xf32, #tpu.memory_space<hbm>> -> memref<8192xf32, #tpu.memory_space<hbm>>
    %dma_wait3A_694 = arith.constant 0 : i32
    %dma_wait3A_695 = tpu.memref_slice %arg9[%dma_wait3A_688, %dma_wait3A_694] : memref<2x8192xf32, #tpu.memory_space<vmem>> -> memref<1x8192xf32, #tpu.memory_space<vmem>>
    %dma_wait3A_696 = tpu.memref_squeeze %dma_wait3A_695 : memref<1x8192xf32, #tpu.memory_space<vmem>> -> memref<8192xf32, #tpu.memory_space<vmem>>
    tpu.wait_dma2 semaphore(%arg13 : memref<!tpu.dma_semaphore, #tpu.memory_space<semaphore_mem>>) src(%dma_wait3A_696 : memref<8192xf32, #tpu.memory_space<vmem>>) dst(%dma_wait3A_693 : memref<8192xf32, #tpu.memory_space<hbm>>)
    %dma_wait3A_697 = arith.constant 1 : i32
    %dma_wait3A_698 = arith.constant 0 : i32
    %dma_wait3A_699 = tpu.memref_slice %arg8[%dma_wait3A_697, %dma_wait3A_698] : memref<2x8192xf32, #tpu.memory_space<vmem>> -> memref<1x8192xf32, #tpu.memory_space<vmem>>
    %dma_wait3A_700 = tpu.memref_squeeze %dma_wait3A_699 : memref<1x8192xf32, #tpu.memory_space<vmem>> -> memref<8192xf32, #tpu.memory_space<vmem>>
    %dma_wait3A_701 = tpu.memref_slice %arg4[%add3A_658] : memref<8388608xf32, #tpu.memory_space<hbm>> -> memref<8192xf32, #tpu.memory_space<hbm>>
    %dma_wait3A_702 = tpu.memref_slice %arg4[%add3A_658] : memref<8388608xf32, #tpu.memory_space<hbm>> -> memref<8192xf32, #tpu.memory_space<hbm>>
    %dma_wait3A_703 = arith.constant 0 : i32
    %dma_wait3A_704 = tpu.memref_slice %arg8[%dma_wait3A_697, %dma_wait3A_703] : memref<2x8192xf32, #tpu.memory_space<vmem>> -> memref<1x8192xf32, #tpu.memory_space<vmem>>
    %dma_wait3A_705 = tpu.memref_squeeze %dma_wait3A_704 : memref<1x8192xf32, #tpu.memory_space<vmem>> -> memref<8192xf32, #tpu.memory_space<vmem>>
    tpu.wait_dma2 semaphore(%arg14 : memref<!tpu.dma_semaphore, #tpu.memory_space<semaphore_mem>>) src(%dma_wait3A_705 : memref<8192xf32, #tpu.memory_space<vmem>>) dst(%dma_wait3A_702 : memref<8192xf32, #tpu.memory_space<hbm>>)
    %dma_wait3A_706 = arith.constant 1 : i32
    %dma_wait3A_707 = arith.constant 0 : i32
    %dma_wait3A_708 = tpu.memref_slice %arg9[%dma_wait3A_706, %dma_wait3A_707] : memref<2x8192xf32, #tpu.memory_space<vmem>> -> memref<1x8192xf32, #tpu.memory_space<vmem>>
    %dma_wait3A_709 = tpu.memref_squeeze %dma_wait3A_708 : memref<1x8192xf32, #tpu.memory_space<vmem>> -> memref<8192xf32, #tpu.memory_space<vmem>>
    %dma_wait3A_710 = tpu.memref_slice %arg4[%add3A_669] : memref<8388608xf32, #tpu.memory_space<hbm>> -> memref<8192xf32, #tpu.memory_space<hbm>>
    %dma_wait3A_711 = tpu.memref_slice %arg4[%add3A_669] : memref<8388608xf32, #tpu.memory_space<hbm>> -> memref<8192xf32, #tpu.memory_space<hbm>>
    %dma_wait3A_712 = arith.constant 0 : i32
    %dma_wait3A_713 = tpu.memref_slice %arg9[%dma_wait3A_706, %dma_wait3A_712] : memref<2x8192xf32, #tpu.memory_space<vmem>> -> memref<1x8192xf32, #tpu.memory_space<vmem>>
    %dma_wait3A_714 = tpu.memref_squeeze %dma_wait3A_713 : memref<1x8192xf32, #tpu.memory_space<vmem>> -> memref<8192xf32, #tpu.memory_space<vmem>>
    tpu.wait_dma2 semaphore(%arg14 : memref<!tpu.dma_semaphore, #tpu.memory_space<semaphore_mem>>) src(%dma_wait3A_714 : memref<8192xf32, #tpu.memory_space<vmem>>) dst(%dma_wait3A_711 : memref<8192xf32, #tpu.memory_space<hbm>>)
    %eq3A_715 = arith.constant 0 : i32
    %eq3A_716 = arith.cmpi eq, %add3A, %eq3A_715 : i32
    %convert_element_type3A_717 = arith.extui %eq3A_716 : i1 to i32
    %cond3A_718 = arith.constant 0 : i32
    %cond3A_719 = arith.cmpi ne, %convert_element_type3A_717, %cond3A_718 : i32
    scf.if %cond3A_719 {
      %dma_wait3A_720 = arith.constant 0 : i32
      %dma_wait3A_721 = tpu.memref_slice %arg4[%dma_wait3A_720] : memref<8388608xf32, #tpu.memory_space<hbm>> -> memref<4194304xf32, #tpu.memory_space<hbm>>
      %dma_wait3A_722 = arith.constant 0 : i32
      %dma_wait3A_723 = tpu.memref_slice %arg2[%dma_wait3A_722] : memref<8388608xf32, #tpu.memory_space<hbm>> -> memref<4194304xf32, #tpu.memory_space<hbm>>
      tpu.wait_dma2 semaphore(%arg10 : memref<!tpu.dma_semaphore, #tpu.memory_space<semaphore_mem>>) src(%dma_wait3A_723 : memref<4194304xf32, #tpu.memory_space<hbm>>) dst(%dma_wait3A_721 : memref<4194304xf32, #tpu.memory_space<hbm>>)
    } else {
    }
    return
  }
}

</mosaic_0001>

<sc_bundles>
// kernel: kernel.3.cloned.1.call-start
scs
__scs_entry_jumppad:
0x0: {  	(pc) =	sbr.rel $0x88, $3  }
0x1: {  	(tag) =	ssettag $0x0;
	lr =	simm.s32 $0x1  }
0x2: {  	[smem:$0x3F9F] =	sst lr;
	_ =	strace $0xD0000000  }
0x3: {  	_ = 	snop  }
0x4: {  	_ = 	snop  }
0x5: {  	_ = 	snop  }
0x6: {  	_ = 	snop  }
0x7: {  	_ = 	snop  }
__scs_overlays_trampoline_lowered:
0x8: {  	[smem:$0x3FAE] =	sst s0  }
0x9: {  	[smem:$0x3FAF] =	sst s1  }
0xa: {  	[smem:$0x3FB0] =	sst s2  }
0xb: {  	[smem:$0x3FB1] =	sst s3  }
0xc: {  	[smem:$0x3FB2] =	sst s4  }
0xd: {  	[smem:$0x3FB3] =	sst s5  }
0xe: {  	[smem:$0x3FB4] =	sst s6  }
0xf: {  	[smem:$0x3FB5] =	sst s7  }
0x10: {  	[smem:$0x3FB6] =	sst s8  }
0x11: {  	[smem:$0x3FB7] =	sst s9;
	s0 =	simm.s32 @!p0 $0x0  }
0x12: {  	s1 =	sld [smem:$0x3F9D];
	s0 =	simm.s32 @p0 $0x1  }
0x13: {  	[smem:$0x3FB8] =	sst s0;
	s0 =	simm.s32 @!p1 $0x0  }
0x14: {  	s2 =	sld [smem:$0x3F9C];
	s0 =	simm.s32 @p1 $0x1  }
0x15: {  	[smem:$0x3FB9] =	sst s0;
	s0 =	simm.s32 @!p2 $0x0  }
0x16: {  	s3 =	sld [smem:$0x3FDB];
	s0 =	simm.s32 @p2 $0x1  }
0x17: {  	s4 =	simm.s32 $0x1BF5;
	[smem:$0x3FBB] =	sst s0  }
0x18: {  	s0 =	sld [smem:$0x3F9E];
	_ =	swait.ge [sflag:s4], $0x0  }
0x19: {  	s7 =	sld [smem:$0x3F9F]  }
0x1a: {  	s8 =	sadd.s32 $0xFFFFE003, lr  }
0x1b: {  	s9 =	sadd.s32 $0xFFFFFEF7, lr;
	s5 =	simm.s32 $0xFFFFFFFF;
	p2 =	slt.u32 s8, $0xFFFFF086  }
0x1c: {  	p1 =	slt.u32 s9, $0xF7A;
	s5 =	simm.s32 @!p2 $0x0  }
0x1d: {  	s5 =	simm.s32 @p1 $0x1;
	p0 =	seq.s32 s7, s2  }
0x1e: {  	s7 =	smul.u32 @!p0 $0xF7A, s2;
	p2 =	seq.s32 @!p0 s5, $0x0  }
0x1f: {  	s9 =	smul.u32 $0xF7A, s1;
	s8 =	simm.s32 @!p0 $0x1BF5;
	p2 =	por !p2, p0  }
0x20: {  	[sflag:s8] =	ssyncset.s32 @!p0 $0xFFFFF086;
	s6 =	sadd.s32 @!p0 s3, s7;
	s7 =	simm.s32 @!p0 $0x108  }
0x21: {  	s3 =	sadd.s32 s3, s9;
	s6 =	sadd.s32 @!p0 $0x88, s6;
	s7 =	simm.s32 @p2 $0x1082  }
0x22: {  	[simem:s7], [sflag:s8] =	dma.local @!p0 [hbm:s6], $0xF7A  }
0x23: {  	s9 =	sor.u32 $0xD0000000, s2;
	s6 =	simm.s32 $0x108;
	_ =	swait.ge @!p0 [sflag:s8], $0x0  }
0x24: {  	s3 =	sadd.s32 $0x88, s3;
	s6 =	simm.s32 @!p1 $0x1082;
	[sflag:s4] =	ssyncset.s32 $0xFFFFF086  }
0x25: {  	[simem:s6], [sflag:s4] =	dma.local [hbm:s3], $0xF7A  }
0x26: {  	[smem:$0x3F9F] =	sst s1;
	(tag) =	ssettag s2;
	_ =	strace s9  }
0x27: {  	s1 =	sld [smem:$0x3FAF]  }
0x28: {  	s2 =	sld [smem:$0x3FB0]  }
0x29: {  	s4 =	sld [smem:$0x3FB2]  }
0x2a: {  	p0 =	seq.s32 s5, $0x0;
	s5 =	sld [smem:$0x3FB3]  }
0x2b: {  	s6 =	sld [smem:$0x3FB4]  }
0x2c: {  	s7 =	sld [smem:$0x3FB5]  }
0x2d: {  	s3 =	simm.s32 $0x108;
	s8 =	sld [smem:$0x3FB6]  }
0x2e: {  	s3 =	simm.s32 @!p0 $0x1082;
	s9 =	sld [smem:$0x3FB7]  }
0x2f: {  	lr =	sadd.s32 s0, s3;
	s0 =	sld [smem:$0x3FAE]  }
0x30: {  	s3 =	sld [smem:$0x3FB1]  }
0x31: {  	[smem:$0x3FBA] =	sst s10  }
0x32: {  	s10 =	sld [smem:$0x3FB8];
	_ =	sdelay $0x3  }
0x33: {  	p0 =	seq.s32 s10, $0x1;
	s10 =	sld [smem:$0x3FBA];
	_ =	sdelay $0x3  }
0x34: {  	[smem:$0x3FBA] =	sst s10  }
0x35: {  	s10 =	sld [smem:$0x3FB9];
	_ =	sdelay $0x3  }
0x36: {  	p1 =	seq.s32 s10, $0x1;
	s10 =	sld [smem:$0x3FBA];
	_ =	sdelay $0x3  }
0x37: {  	[smem:$0x3FBA] =	sst s10  }
0x38: {  	s10 =	sld [smem:$0x3FBB]  }
0x39: {  	_ = 	snop;
	(pc) =	sbr.ind lr, $3  }
0x3a: {  	_ = 	snop  }
0x3b: {  	_ = 	snop  }
0x3c: {  	p2 =	seq.s32 s10, $0x1;
	s10 =	sld [smem:$0x3FBA]  }
0x3d: {  	_ =	shalt  }
0x3e: {  	_ =	shalt  }
0x3f: {  	_ =	shalt  }
0x40: {  	_ =	shalt  }
0x41: {  	_ =	shalt  }
0x42: {  	_ =	shalt  }
0x43: {  	_ =	shalt  }
0x44: {  	_ =	shalt  }
0x45: {  	_ =	shalt  }
0x46: {  	_ =	shalt  }
0x47: {  	_ =	shalt  }
0x48: {  	_ =	shalt  }
0x49: {  	_ =	shalt  }
0x4a: {  	_ =	shalt  }
0x4b: {  	_ =	shalt  }
0x4c: {  	_ =	shalt  }
0x4d: {  	_ =	shalt  }
0x4e: {  	_ =	shalt  }
0x4f: {  	_ =	shalt  }
0x50: {  	_ =	shalt  }
0x51: {  	_ =	shalt  }
0x52: {  	_ =	shalt  }
0x53: {  	_ =	shalt  }
0x54: {  	_ =	shalt  }
0x55: {  	_ =	shalt  }
0x56: {  	_ =	shalt  }
0x57: {  	_ =	shalt  }
0x58: {  	_ =	shalt  }
0x59: {  	_ =	shalt  }
0x5a: {  	_ =	shalt  }
0x5b: {  	_ =	shalt  }
0x5c: {  	_ =	shalt  }
0x5d: {  	_ =	shalt  }
0x5e: {  	_ =	shalt  }
0x5f: {  	_ =	shalt  }
0x60: {  	_ =	shalt  }
0x61: {  	_ =	shalt  }
0x62: {  	_ =	shalt  }
0x63: {  	_ =	shalt  }
0x64: {  	_ =	shalt  }
0x65: {  	_ =	shalt  }
0x66: {  	_ =	shalt  }
0x67: {  	_ =	shalt  }
0x68: {  	_ =	shalt  }
0x69: {  	_ =	shalt  }
0x6a: {  	_ =	shalt  }
0x6b: {  	_ =	shalt  }
0x6c: {  	_ =	shalt  }
0x6d: {  	_ =	shalt  }
0x6e: {  	_ =	shalt  }
0x6f: {  	_ =	shalt  }
0x70: {  	_ =	shalt  }
0x71: {  	_ =	shalt  }
0x72: {  	_ =	shalt  }
0x73: {  	_ =	shalt  }
0x74: {  	_ =	shalt  }
0x75: {  	_ =	shalt  }
0x76: {  	_ =	shalt  }
0x77: {  	_ =	shalt  }
0x78: {  	_ =	shalt  }
0x79: {  	_ =	shalt  }
0x7a: {  	_ =	shalt  }
0x7b: {  	_ =	shalt  }
0x7c: {  	_ =	shalt  }
0x7d: {  	_ =	shalt  }
0x7e: {  	_ =	shalt  }
0x7f: {  	_ =	shalt  }
0x80: {  	_ =	shalt  }
0x81: {  	_ =	shalt  }
0x82: {  	_ =	shalt  }
0x83: {  	_ =	shalt  }
0x84: {  	_ =	shalt  }
0x85: {  	_ =	shalt  }
0x86: {  	_ =	shalt  }
0x87: {  	_ =	shalt  }
.Lfunc_end0:
.L_simem_size_0:
called_computation_lowered:
.L_overlay_start_0:
0x88: {  	s2 =	sld [smem:$0x3FD9]  }
0x89: {  	s3 =	sld [smem:$0x3FFE];
	_ =	sdelay $0x1  }
0x8a: {  	s1 =	srdreg.scid  }
0x8b: {  	s0 =	sand.u32 $0x1, s1  }
0x8c: {  	s17 =	sshll.u32 s0, $0xA;
	s2 =	sadd.s32 s3, s2  }
0x8d: {  	s2 =	sadd.s32 s2, s17  }
0x8e: {  	[smem:$0x3FC6] =	sst s2  }
0x8f: {  	_ = 	snop  }
0x90: {  	s2 =	sld [smem:$0x3FC9]  }
0x91: {  	s18 =	sld [smem:$0x3FD0];
	(tm) =	ssettm $0x1  }
0x92: {  	s4 =	sld [smem:$0x3FFB];
	_ =	sdelay $0x3  }
0x93: {  	_ =	strace s4  }
0x94: {  	s4 =	sld [smem:$0x3FFC];
	_ =	sdelay $0x3  }
0x95: {  	_ =	strace s4  }
0x96: {  	s4 =	sld [smem:$0x3FFD];
	_ =	sdelay $0x3  }
0x97: {  	_ =	strace s4  }
0x98: {  	_ =	strace $0x8FFFFFFF  }
0x99: {  	s19 =	sld [smem:$0x3FDB];
	_ =	sdelay $0x1  }
0x9a: {  	s5 =	simm.s32 $_scs_section_size  }
0x9b: {  	s6 =	simm.s32 $_size__tile_overlayer_lowered;
	s7 =	simm.s32 $_tile_overlayer_lowered  }
0x9c: {  	s22 =	simm.s32 $0x1BFF;
	s21 =	sshll.u32 s7, $0x1;
	s4 =	sadd.s32 s5, s19  }
0x9d: {  	s8 =	simm.s32 $0x0;
	s20 =	sshll.u32 s6, $0x1;
	s6 =	sadd.s32 s21, s4  }
0x9e: {  	[timem:s8], [sflag:s22] =	dma.local [hbm:s6], s20  }
0x9f: {  	_ =	swait.ge [sflag:s22], s20  }
0xa0: {  	s5 =	ssub.s32 $0x0, s20;
	[sflag:s22] =	ssyncset.done $0x0  }
0xa1: {  	[sflag:s22] =	ssyncadd.s32 s5;
	_ =	sdelay $0x1  }
0xa2: {  	s23 =	simm.s32 $0x1B8B  }
0xa3: {  	_ =	swait.ge [sflag:s23], $0x1  }
0xa4: {  	[sflag:s23] =	ssyncset.done $0x0  }
0xa5: {  	s25 =	simm.s32 $0x1B8E;
	s24 =	sld [smem:$0x3FFE];
	[sflag:s23] =	ssyncadd.s32 $0xFFFFFFFF  }
0xa6: {  	s26 =	simm.s32 $execute0_lowered;
	[smem:$0x3FD2] =	sst s25  }
0xa7: {  	s6 =	sshll.u32 s26, $0x1;
	_ =	strace $0x80000046;
	[dreg:$0x1] =	wrdreg $0xFFFFFFFF  }
0xa8: {  	s28 =	simm.s32 $_size_execute0_lowered;
	s4 =	sadd.s32 s4, s6;
	[dreg:$0x0] =	wrdreg $0x0  }
0xa9: {  	s6 =	sshll.u32 s28, $0x1;
	[dreg:$0x2] =	wrdreg s4  }
0xaa: {  	[dreg:$0x3] =	wrdreg s6  }
0xab: {  	[dreg:$0x4] =	wrdreg $0xC0  }
0xac: {  	_ =	task [dreg:s8], $0x5FFFF  }
0xad: {  	[dreg:$0x1] =	wrdreg $0xFFFFFFFF  }
0xae: {  	[dreg:$0x0] =	wrdreg $0x60  }
0xaf: {  	[dreg:$0x2] =	wrdreg s2  }
0xb0: {  	[dreg:$0x3] =	wrdreg s24  }
0xb1: {  	[dreg:$0x4] =	wrdreg s18  }
0xb2: {  	[dreg:$0x5] =	wrdreg $0x9  }
0xb3: {  	_ =	task.clear_ibuf [dreg:s8], $0x6FFFF;
	_ =	strace $0x90000046  }
0xb4: {  	s29 =	simm.s32 $0x9;
	_ =	strace $0x80000048  }
0xb5: {  	_ =	swait.ge [sflag:s29], $0x1  }
0xb6: {  	[sflag:s29] =	ssyncadd.s32 $0xFFFFFFFF  }
0xb7: {  	_ =	strace $0x90000048  }
0xb8: {  	_ =	sfence  }
0xb9: {  	s30 =	sld [smem:$0x0];
	_ =	sdelay $0x2  }
0xba: {  	s31 =	sshll.u32 s1, $0xD;
	s1 =	sshrl.u32 s1, $0x2  }
0xbb: {  	s3 =	sand.u32 $0x4000, s31;
	s1 =	sadd.s32 s1, s30  }
0xbc: {  	s0 =	sor.u32 s3, s0;
	s1 =	sshll.u32 s1, $0x11  }
0xbd: {  	s0 =	sor.u32 s1, s0  }
0xbe: {  	s0 =	sadd.s32 $0x8F2B, s0  }
0xbf: {  	[sflag:s0] =	ssyncadd.remote.s32 $0x1  }
0xc0: {  	_ =	sfence.sel $0xFFFF  }
0xc1: {  	[dreg:$0x0] =	wrdreg $0xFFFFFFFF;
	(pc) =	sbr.abs _section_cstart, $3  }
0xc2: {  	[dreg:$0x1] =	wrdreg $0xFFFFFFFF  }
0xc3: {  	_ =	task.clear_ibuf [dreg:s8], $0x2FFFF;
	_ =	strace $0x9FFFFFFF  }
0xc4: {  	(tm) =	ssettm $0x7FFFFFFF  }
0xc5: {  	_ =	shalt  }
tec
execute0_lowered:
.L_overlay_start_1:
0x0: {  	(tag) =	ssettag $0x1  }
0x1: {  	s9 =	rddreg [dreg:$0x0]  }
0x2: {  	s0 =	rddreg [dreg:$0x1];
	s1 =	srdreg.scid  }
0x3: {  	s2 =	stileid.u32;
	s10 =	rddreg [dreg:$0x2];
	s4 =	simm.s32 $0x0  }
0x4: {  	s1 =	sand.u32 $0x1, s1;
	s2 =	sshll.u32 s2, $0x1;
	[smem:$0x7FF] =	sst s4  }
0x5: {  	s0 =	sadd.s32 $0x400, s0;
	s2 =	sor.u32 s1, s2;
	s1 =	ssub.s32 $0x2, s1  }
0x6: {  	_ =	strace $0x80000047;
	[dreg:$0x4] =	wrdreg s0;
	s3 =	sshll.u32 s2, $0xD  }
0x7: {  	s5 =	sshrl.u32 s1, $0x1;
	p0 =	sne.s32 s2, $0x0;
	s6 =	sor.u32 $0x80000, s3  }
0x8: {  	s8 =	ssub.s32 s1, s5;
	s15 =	sor.u32 $0xC0000, s3;
	s16 =	sor.u32 $0x80400, s3  }
0x9: {  	s17 =	sor.u32 $0xC0400, s3;
	s18 =	sor.u32 $0x80800, s3;
	s19 =	sor.u32 $0xC0800, s3  }
0xa: {  	s23 =	sor.u32 $0x80C00, s3;
	s24 =	sor.u32 $0xC0C00, s3;
	s25 =	sor.u32 $0x81000, s3  }
0xb: {  	s26 =	sor.u32 $0xC1000, s3;
	s1 =	sor.u32 $0x81400, s3;
	s2 =	sor.u32 $0xC1400, s3  }
0xc: {  	s5 =	sor.u32 $0x81800, s3;
	s11 =	sor.u32 $0xC1C00, s3;
	s12 =	sadd.s32 s9, s6  }
0xd: {  	s13 =	sadd.s32 s9, s15;
	s14 =	sadd.s32 s9, s16;
	s7 =	sadd.s32 s9, s17  }
0xe: {  	s6 =	sadd.s32 s10, s6;
	s0 =	sadd.s32 s10, s15;
	s20 =	sadd.s32 s9, s18  }
0xf: {  	s21 =	sadd.s32 s9, s19;
	s22 =	sadd.s32 s10, s16;
	s15 =	sadd.s32 s10, s17  }
0x10: {  	s16 =	sadd.s32 s9, s23;
	s17 =	sadd.s32 s9, s24;
	[dreg:$0x8] =	wrdreg s7  }
0x11: {  	s18 =	sadd.s32 s10, s18;
	s19 =	sadd.s32 s10, s19;
	[dreg:$0x9] =	wrdreg s6  }
0x12: {  	s28 =	sadd.s32 s10, s1;
	s29 =	sadd.s32 s9, s2;
	[dreg:$0xa] =	wrdreg s0  }
0x13: {  	s30 =	sadd.s32 s10, s2;
	s31 =	sadd.s32 s9, s5;
	[dreg:$0xb] =	wrdreg s20  }
0x14: {  	s2 =	sadd.s32 s10, s5;
	s8 =	smax.u32 s8, $0x1;
	[dreg:$0xc] =	wrdreg s21  }
0x15: {  	[dreg:$0xd] =	wrdreg s22;
	s20 =	sadd.s32 s9, s25;
	s21 =	sadd.s32 s10, s23  }
0x16: {  	s22 =	sadd.s32 s10, s24;
	s23 =	sadd.s32 s10, s25;
	[dreg:$0xe] =	wrdreg s8  }
0x17: {  	s24 =	sadd.s32 s9, s26;
	s25 =	sadd.s32 s10, s26;
	[dreg:$0x5] =	wrdreg s12  }
0x18: {  	s26 =	sadd.s32 s9, s1;
	s6 =	sor.u32 $0xC1800, s3;
	[dreg:$0x6] =	wrdreg s13  }
0x19: {  	s7 =	sor.u32 $0x81C00, s3;
	[dreg:$0x7] =	wrdreg s14;
	s0 =	sadd.s32 s9, s6  }
0x1a: {  	s1 =	sadd.s32 s10, s6;
	s3 =	sadd.s32 s9, s7;
	s5 =	sadd.s32 s10, s7  }
0x1b: {  	s6 =	sadd.s32 s9, s11;
	s7 =	sadd.s32 s10, s11;
	s10 =	simm.s32 $0x0  }
.LBB2_1:
0x1c: {  	[dreg:$0xf] =	wrdreg s10;
	s8 =	stileid.u32  }
0x1d: {  	s9 =	rddreg [dreg:$0x0];
	s8 =	sshll.u32 @!p0 s8, $0x6  }
0x1e: {  	s10 =	rddreg [dreg:$0x2];
	s8 =	sor.u32 @!p0 $0x1C01, s8  }
0x1f: {  	[hbm:s10], [sflag:s8] =	dma.local @!p0 [hbm:s9], $0x80000  }
0x20: {  	s11 =	simm.s32 $0x6;
	s8 =	rddreg [dreg:$0x4]  }
0x21: {  	[tilespmem:s4], [sflag:$0x6] =	stream.linear.gather [hbm4b:s8+s4], $0x200, $0x38;
	[tilespmem:$0x10200] =	vst v63  }
0x22: {  	_ =	swait.ge [sflag:s11], $0x200  }
0x23: {  	[sflag:s11] =	ssyncset.done $0x0  }
0x24: {  	[sflag:s11] =	ssyncadd.s32 $0xFFFFFE00  }
0x25: {  	v0 =	vld [tilespmem:$0x0]  }
0x26: {  	v1 =	vld [tilespmem:$0x80]  }
0x27: {  	v2 =	vld [tilespmem:$0x100]  }
0x28: {  	v3 =	vld [tilespmem:$0x180]  }
0x29: {  	s9 =	simm.s32 $0x10  }
0x2a: {  	s10 =	simm.s32 $0x300;
	s8 =	simm.s32 $0x200;
	s11 =	sadd.s32 $0x0, s12  }
.LBB2_2:
0x2b: {  	[tilespmem:s8], [sflag:$0x2] =	stream.linear.gather [hbm4b:s11+s4], $0x80, $0x38;
	[tilespmem:$0x10200] =	vst v63  }
0x2c: {  	s11 =	smov.u32 s9;
	s8 =	smov.u32 s10;
	p1 =	sne.s32 s9, $0x3F0  }
.Ltmp0:
0x2d: {  	s9 =	sadd.s32 $0x10, s9;
	(pc) =	sbr.rel @p1 .LBB2_2-.Ltmp0, $2  }
0x2e: {  	_ =	sdelay $0x2  }
0x2f: {  	s10 =	sadd.s32 $0x100, s10;
	s11 =	sadd.s32 s11, s12  }
0x30: {  	[tilespmem:s8], [sflag:$0x2] =	stream.linear.gather [hbm4b:s11+s4], $0x80, $0x38;
	[tilespmem:$0x10200] =	vst v63  }
0x31: {  	s8 =	simm.s32 $0x4200  }
0x32: {  	s9 =	simm.s32 $0x10;
	s11 =	sadd.s32 $0x0, s13;
	s10 =	simm.s32 $0x4300  }
.LBB2_4:
0x33: {  	[tilespmem:s8], [sflag:$0x2] =	stream.linear.gather [hbm4b:s11+s4], $0x80, $0x38;
	[tilespmem:$0x10200] =	vst v63  }
0x34: {  	s11 =	smov.u32 s9;
	s8 =	smov.u32 s10;
	p1 =	sne.s32 s9, $0x3F0  }
.Ltmp1:
0x35: {  	s9 =	sadd.s32 $0x10, s9;
	(pc) =	sbr.rel @p1 .LBB2_4-.Ltmp1, $2  }
0x36: {  	_ =	sdelay $0x2  }
0x37: {  	s10 =	sadd.s32 $0x100, s10;
	s11 =	sadd.s32 s11, s13  }
0x38: {  	[tilespmem:s8], [sflag:$0x2] =	stream.linear.gather [hbm4b:s11+s4], $0x80, $0x38;
	[tilespmem:$0x10200] =	vst v63  }
0x39: {  	s8 =	simm.s32 $0x280  }
0x3a: {  	s9 =	simm.s32 $0x10;
	s11 =	sadd.s32 $0x0, s14;
	s10 =	simm.s32 $0x380  }
.LBB2_6:
0x3b: {  	[tilespmem:s8], [sflag:$0x3] =	stream.linear.gather [hbm4b:s11+s4], $0x80, $0x38;
	[tilespmem:$0x10200] =	vst v63  }
0x3c: {  	s11 =	smov.u32 s9;
	s8 =	smov.u32 s10;
	p1 =	sne.s32 s9, $0x3F0  }
.Ltmp2:
0x3d: {  	s9 =	sadd.s32 $0x10, s9;
	(pc) =	sbr.rel @p1 .LBB2_6-.Ltmp2, $2  }
0x3e: {  	_ =	sdelay $0x2  }
0x3f: {  	s10 =	sadd.s32 $0x100, s10;
	s11 =	sadd.s32 s11, s14  }
0x40: {  	[tilespmem:s8], [sflag:$0x3] =	stream.linear.gather [hbm4b:s11+s4], $0x80, $0x38;
	[tilespmem:$0x10200] =	vst v63  }
0x41: {  	s8 =	simm.s32 $0x4280;
	s12 =	rddreg [dreg:$0x8]  }
0x42: {  	s9 =	simm.s32 $0x10;
	s10 =	simm.s32 $0x4380;
	s11 =	sadd.s32 $0x0, s12  }
.LBB2_8:
0x43: {  	[tilespmem:s8], [sflag:$0x3] =	stream.linear.gather [hbm4b:s11+s4], $0x80, $0x38;
	[tilespmem:$0x10200] =	vst v63  }
0x44: {  	s11 =	smov.u32 s9;
	s8 =	smov.u32 s10;
	p1 =	sne.s32 s9, $0x3F0  }
.Ltmp3:
0x45: {  	s9 =	sadd.s32 $0x10, s9;
	(pc) =	sbr.rel @p1 .LBB2_8-.Ltmp3, $2  }
0x46: {  	_ =	sdelay $0x2  }
0x47: {  	s10 =	sadd.s32 $0x100, s10;
	s11 =	sadd.s32 s11, s12  }
0x48: {  	[tilespmem:s8], [sflag:$0x3] =	stream.linear.gather [hbm4b:s11+s4], $0x80, $0x38;
	[tilespmem:$0x10200] =	vst v63  }
0x49: {  	s14 =	simm.s32 $0x2  }
0x4a: {  	_ =	swait.ge [sflag:s14], $0x2000  }
0x4b: {  	[sflag:s14] =	ssyncset.done $0x0  }
0x4c: {  	[sflag:s14] =	ssyncadd.s32 $0xFFFFE000  }
0x4d: {  	_ =	swait.ge [sflag:s14], $0x2000  }
0x4e: {  	[sflag:s14] =	ssyncset.done $0x0  }
0x4f: {  	s8 =	simm.s32 $0x240;
	[sflag:s14] =	ssyncadd.s32 $0xFFFFE000  }
0x50: {  	s9 =	simm.s32 $0x4240;
	v4 =	vld [tilespmem:s8+$0xFFFFFFC0]  }
0x51: {  	v5 =	vld [tilespmem:s9+$0xFFFFFFC0];
	_ =	sdelay $0x4  }
0x52: {  	v6 =	vmul.f32 v4, v0;
	v7 =	vmul.f32 v5, v1  }
0x53: {  	v4 =	vmul.f32 v4, v2;
	v5 =	vmul.f32 v5, v3  }
0x54: {  	v6 =	vadd.f32 v7, v6  }
0x55: {  	s10 =	simm.s32 $0x8240;
	v4 =	vadd.f32 v5, v4  }
0x56: {  	s11 =	simm.s32 $0xC240;
	[tilespmem:s10+$0xFFFFFFC0] =	vst v6  }
0x57: {  	[tilespmem:s11+$0xFFFFFFC0] =	vst v4  }
0x58: {  	v4 =	vld [tilespmem:s8+$0xFFFFFFD0]  }
0x59: {  	v5 =	vld [tilespmem:s9+$0xFFFFFFD0];
	_ =	sdelay $0x4  }
0x5a: {  	v6 =	vmul.f32 v4, v0;
	v7 =	vmul.f32 v5, v1  }
0x5b: {  	v4 =	vmul.f32 v4, v2;
	v5 =	vmul.f32 v5, v3  }
0x5c: {  	v6 =	vadd.f32 v7, v6  }
0x5d: {  	v4 =	vadd.f32 v5, v4  }
0x5e: {  	[tilespmem:s10+$0xFFFFFFD0] =	vst v6  }
0x5f: {  	[tilespmem:s11+$0xFFFFFFD0] =	vst v4  }
0x60: {  	v4 =	vld [tilespmem:s8+$0xFFFFFFE0]  }
0x61: {  	v5 =	vld [tilespmem:s9+$0xFFFFFFE0];
	_ =	sdelay $0x4  }
0x62: {  	v6 =	vmul.f32 v4, v0;
	v7 =	vmul.f32 v5, v1  }
0x63: {  	v4 =	vmul.f32 v4, v2;
	v5 =	vmul.f32 v5, v3  }
0x64: {  	v6 =	vadd.f32 v7, v6  }
0x65: {  	v4 =	vadd.f32 v5, v4  }
0x66: {  	[tilespmem:s10+$0xFFFFFFE0] =	vst v6  }
0x67: {  	[tilespmem:s11+$0xFFFFFFE0] =	vst v4  }
0x68: {  	v4 =	vld [tilespmem:s8+$0xFFFFFFF0]  }
0x69: {  	v5 =	vld [tilespmem:s9+$0xFFFFFFF0];
	_ =	sdelay $0x4  }
0x6a: {  	v6 =	vmul.f32 v4, v0;
	v7 =	vmul.f32 v5, v1  }
0x6b: {  	v4 =	vmul.f32 v4, v2;
	v5 =	vmul.f32 v5, v3  }
0x6c: {  	v6 =	vadd.f32 v7, v6  }
0x6d: {  	v4 =	vadd.f32 v5, v4  }
0x6e: {  	[tilespmem:s10+$0xFFFFFFF0] =	vst v6  }
0x6f: {  	[tilespmem:s11+$0xFFFFFFF0] =	vst v4  }
0x70: {  	v4 =	vld [tilespmem:s8+$0x0]  }
0x71: {  	v5 =	vld [tilespmem:s9+$0x0];
	_ =	sdelay $0x4  }
0x72: {  	v6 =	vmul.f32 v4, v0;
	v7 =	vmul.f32 v5, v1  }
0x73: {  	v4 =	vmul.f32 v4, v2;
	v5 =	vmul.f32 v5, v3  }
0x74: {  	v6 =	vadd.f32 v7, v6  }
0x75: {  	v4 =	vadd.f32 v5, v4  }
0x76: {  	[tilespmem:s10+$0x0] =	vst v6  }
0x77: {  	[tilespmem:s11+$0x0] =	vst v4  }
0x78: {  	v4 =	vld [tilespmem:s8+$0x10]  }
0x79: {  	v5 =	vld [tilespmem:s9+$0x10];
	_ =	sdelay $0x4  }
0x7a: {  	v6 =	vmul.f32 v4, v0;
	v7 =	vmul.f32 v5, v1  }
0x7b: {  	v4 =	vmul.f32 v4, v2;
	v5 =	vmul.f32 v5, v3  }
0x7c: {  	v6 =	vadd.f32 v7, v6  }
0x7d: {  	v4 =	vadd.f32 v5, v4  }
0x7e: {  	[tilespmem:s10+$0x10] =	vst v6  }
0x7f: {  	[tilespmem:s11+$0x10] =	vst v4  }
0x80: {  	v4 =	vld [tilespmem:s8+$0x20]  }
0x81: {  	v5 =	vld [tilespmem:s9+$0x20];
	_ =	sdelay $0x4  }
0x82: {  	v6 =	vmul.f32 v4, v0;
	v7 =	vmul.f32 v5, v1  }
0x83: {  	v4 =	vmul.f32 v4, v2;
	v5 =	vmul.f32 v5, v3  }
0x84: {  	v6 =	vadd.f32 v7, v6  }
0x85: {  	v4 =	vadd.f32 v5, v4  }
0x86: {  	[tilespmem:s10+$0x20] =	vst v6  }
0x87: {  	[tilespmem:s11+$0x20] =	vst v4  }
0x88: {  	v4 =	vld [tilespmem:s8+$0x30]  }
0x89: {  	v5 =	vld [tilespmem:s9+$0x30];
	_ =	sdelay $0x1  }
0x8a: {  	s12 =	simm.s32 $0x0;
	s13 =	simm.s32 $0x8340;
	s14 =	simm.s32 $0xC340  }
.LBB2_10:
0x8b: {  	s12 =	sadd.s32 $0x8, s12;
	s8 =	sadd.s32 $0x100, s8;
	s9 =	sadd.s32 $0x100, s9  }
0x8c: {  	p1 =	slt.u32 s12, $0x1F8;
	v6 =	vmul.f32 v4, v0;
	v4 =	vmul.f32 v4, v2  }
0x8d: {  	v7 =	vmul.f32 v5, v1;
	v5 =	vmul.f32 v5, v3;
	_ =	sdelay $0x1  }
0x8e: {  	v6 =	vadd.f32 v7, v6;
	v4 =	vadd.f32 v5, v4;
	_ =	sdelay $0x1  }
0x8f: {  	[tilespmem:s10+$0x30] =	vst v6;
	s10 =	smov.u32 s13  }
0x90: {  	[tilespmem:s11+$0x30] =	vst v4;
	s11 =	smov.u32 s14  }
0x91: {  	v4 =	vld [tilespmem:s8+$0xFFFFFFC0]  }
0x92: {  	v5 =	vld [tilespmem:s9+$0xFFFFFFC0];
	_ =	sdelay $0x4  }
0x93: {  	v6 =	vmul.f32 v4, v0;
	v7 =	vmul.f32 v5, v1  }
0x94: {  	v4 =	vmul.f32 v4, v2;
	v5 =	vmul.f32 v5, v3  }
0x95: {  	v6 =	vadd.f32 v7, v6  }
0x96: {  	v4 =	vadd.f32 v5, v4  }
0x97: {  	[tilespmem:s13+$0xFFFFFFC0] =	vst v6  }
0x98: {  	[tilespmem:s14+$0xFFFFFFC0] =	vst v4  }
0x99: {  	v4 =	vld [tilespmem:s8+$0xFFFFFFD0]  }
0x9a: {  	v5 =	vld [tilespmem:s9+$0xFFFFFFD0];
	_ =	sdelay $0x3  }
0x9b: {  	v6 =	vmul.f32 v4, v0;
	v4 =	vmul.f32 v4, v2  }
0x9c: {  	v7 =	vmul.f32 v5, v1;
	v5 =	vmul.f32 v5, v3;
	_ =	sdelay $0x1  }
0x9d: {  	v6 =	vadd.f32 v7, v6;
	v4 =	vadd.f32 v5, v4;
	_ =	sdelay $0x1  }
0x9e: {  	[tilespmem:s13+$0xFFFFFFD0] =	vst v6  }
0x9f: {  	[tilespmem:s14+$0xFFFFFFD0] =	vst v4  }
0xa0: {  	v4 =	vld [tilespmem:s8+$0xFFFFFFE0]  }
0xa1: {  	v5 =	vld [tilespmem:s9+$0xFFFFFFE0];
	_ =	sdelay $0x3  }
0xa2: {  	v6 =	vmul.f32 v4, v0;
	v4 =	vmul.f32 v4, v2  }
0xa3: {  	v7 =	vmul.f32 v5, v1;
	v5 =	vmul.f32 v5, v3;
	_ =	sdelay $0x1  }
0xa4: {  	v6 =	vadd.f32 v7, v6;
	v4 =	vadd.f32 v5, v4;
	_ =	sdelay $0x1  }
0xa5: {  	[tilespmem:s13+$0xFFFFFFE0] =	vst v6  }
0xa6: {  	[tilespmem:s14+$0xFFFFFFE0] =	vst v4  }
0xa7: {  	v4 =	vld [tilespmem:s8+$0xFFFFFFF0]  }
0xa8: {  	v5 =	vld [tilespmem:s9+$0xFFFFFFF0];
	_ =	sdelay $0x3  }
0xa9: {  	v6 =	vmul.f32 v4, v0;
	v4 =	vmul.f32 v4, v2  }
0xaa: {  	v7 =	vmul.f32 v5, v1;
	v5 =	vmul.f32 v5, v3;
	_ =	sdelay $0x1  }
0xab: {  	v6 =	vadd.f32 v7, v6;
	v4 =	vadd.f32 v5, v4;
	_ =	sdelay $0x1  }
0xac: {  	[tilespmem:s13+$0xFFFFFFF0] =	vst v6  }
0xad: {  	[tilespmem:s14+$0xFFFFFFF0] =	vst v4  }
0xae: {  	v4 =	vld [tilespmem:s8+$0x0]  }
0xaf: {  	v5 =	vld [tilespmem:s9+$0x0];
	_ =	sdelay $0x3  }
0xb0: {  	v6 =	vmul.f32 v4, v0;
	v4 =	vmul.f32 v4, v2  }
0xb1: {  	v7 =	vmul.f32 v5, v1;
	v5 =	vmul.f32 v5, v3;
	_ =	sdelay $0x1  }
0xb2: {  	v6 =	vadd.f32 v7, v6;
	v4 =	vadd.f32 v5, v4;
	_ =	sdelay $0x1  }
0xb3: {  	[tilespmem:s13+$0x0] =	vst v6  }
0xb4: {  	[tilespmem:s14+$0x0] =	vst v4  }
0xb5: {  	v4 =	vld [tilespmem:s8+$0x10]  }
0xb6: {  	v5 =	vld [tilespmem:s9+$0x10];
	_ =	sdelay $0x3  }
0xb7: {  	v6 =	vmul.f32 v4, v0;
	v4 =	vmul.f32 v4, v2  }
0xb8: {  	v7 =	vmul.f32 v5, v1;
	v5 =	vmul.f32 v5, v3;
	_ =	sdelay $0x1  }
0xb9: {  	v6 =	vadd.f32 v7, v6;
	v4 =	vadd.f32 v5, v4;
	_ =	sdelay $0x1  }
0xba: {  	[tilespmem:s13+$0x10] =	vst v6  }
0xbb: {  	[tilespmem:s14+$0x10] =	vst v4  }
0xbc: {  	v4 =	vld [tilespmem:s8+$0x20]  }
0xbd: {  	v5 =	vld [tilespmem:s9+$0x20];
	_ =	sdelay $0x3  }
0xbe: {  	v6 =	vmul.f32 v4, v0;
	v4 =	vmul.f32 v4, v2  }
0xbf: {  	v7 =	vmul.f32 v5, v1;
	v5 =	vmul.f32 v5, v3;
	_ =	sdelay $0x1  }
0xc0: {  	v6 =	vadd.f32 v7, v6;
	v4 =	vadd.f32 v5, v4;
	_ =	sdelay $0x1  }
0xc1: {  	[tilespmem:s13+$0x20] =	vst v6  }
.Ltmp4:
0xc2: {  	[tilespmem:s14+$0x20] =	vst v4;
	(pc) =	sbr.rel @p1 .LBB2_10-.Ltmp4, $3  }
0xc3: {  	v4 =	vld [tilespmem:s8+$0x30]  }
0xc4: {  	v5 =	vld [tilespmem:s9+$0x30];
	_ =	sdelay $0x1  }
0xc5: {  	s13 =	sadd.s32 $0x100, s13;
	s14 =	sadd.s32 $0x100, s14  }
0xc6: {  	_ =	sdelay $0x1  }
0xc7: {  	v6 =	vmul.f32 v4, v0;
	v7 =	vmul.f32 v5, v1  }
0xc8: {  	v4 =	vmul.f32 v4, v2;
	v5 =	vmul.f32 v5, v3  }
0xc9: {  	v6 =	vadd.f32 v7, v6  }
0xca: {  	v4 =	vadd.f32 v5, v4  }
0xcb: {  	s8 =	simm.s32 $0x8200;
	s12 =	rddreg [dreg:$0x9];
	[tilespmem:s10+$0x30] =	vst v6  }
0xcc: {  	s9 =	simm.s32 $0x10;
	s10 =	simm.s32 $0x8300;
	[tilespmem:s11+$0x30] =	vst v4;
	s11 =	sadd.s32 $0x0, s12  }
.LBB2_12:
0xcd: {  	[hbm4b:s11+s4] =	stream.linear.scatter [tilespmem:s8], [sflag:$0x4], $0x80, $0x38;
	[tilespmem:$0x10200] =	vst v63  }
0xce: {  	s11 =	smov.u32 s9;
	s8 =	smov.u32 s10;
	p1 =	sne.s32 s9, $0x3F0  }
.Ltmp5:
0xcf: {  	s9 =	sadd.s32 $0x10, s9;
	(pc) =	sbr.rel @p1 .LBB2_12-.Ltmp5, $2  }
0xd0: {  	_ =	sdelay $0x2  }
0xd1: {  	s10 =	sadd.s32 $0x100, s10;
	s11 =	sadd.s32 s11, s12  }
0xd2: {  	[hbm4b:s11+s4] =	stream.linear.scatter [tilespmem:s8], [sflag:$0x4], $0x80, $0x38;
	[tilespmem:$0x10200] =	vst v63  }
0xd3: {  	s8 =	simm.s32 $0xC200;
	s12 =	rddreg [dreg:$0xa]  }
0xd4: {  	s9 =	simm.s32 $0x10;
	s10 =	simm.s32 $0xC300;
	s11 =	sadd.s32 $0x0, s12  }
.LBB2_14:
0xd5: {  	[hbm4b:s11+s4] =	stream.linear.scatter [tilespmem:s8], [sflag:$0x4], $0x80, $0x38;
	[tilespmem:$0x10200] =	vst v63  }
0xd6: {  	s11 =	smov.u32 s9;
	s8 =	smov.u32 s10;
	p1 =	sne.s32 s9, $0x3F0  }
.Ltmp6:
0xd7: {  	s9 =	sadd.s32 $0x10, s9;
	(pc) =	sbr.rel @p1 .LBB2_14-.Ltmp6, $2  }
0xd8: {  	_ =	sdelay $0x2  }
0xd9: {  	s10 =	sadd.s32 $0x100, s10;
	s11 =	sadd.s32 s11, s12  }
0xda: {  	[hbm4b:s11+s4] =	stream.linear.scatter [tilespmem:s8], [sflag:$0x4], $0x80, $0x38;
	[tilespmem:$0x10200] =	vst v63  }
0xdb: {  	s8 =	simm.s32 $0x200;
	s12 =	rddreg [dreg:$0xb]  }
0xdc: {  	s9 =	simm.s32 $0x10;
	s10 =	simm.s32 $0x300;
	s11 =	sadd.s32 $0x0, s12  }
.LBB2_16:
0xdd: {  	[tilespmem:s8], [sflag:$0x2] =	stream.linear.gather [hbm4b:s11+s4], $0x80, $0x38;
	[tilespmem:$0x10200] =	vst v63  }
0xde: {  	s11 =	smov.u32 s9;
	s8 =	smov.u32 s10;
	p1 =	sne.s32 s9, $0x3F0  }
.Ltmp7:
0xdf: {  	s9 =	sadd.s32 $0x10, s9;
	(pc) =	sbr.rel @p1 .LBB2_16-.Ltmp7, $2  }
0xe0: {  	_ =	sdelay $0x2  }
0xe1: {  	s10 =	sadd.s32 $0x100, s10;
	s11 =	sadd.s32 s11, s12  }
0xe2: {  	[tilespmem:s8], [sflag:$0x2] =	stream.linear.gather [hbm4b:s11+s4], $0x80, $0x38;
	[tilespmem:$0x10200] =	vst v63  }
0xe3: {  	s8 =	simm.s32 $0x4200;
	s12 =	rddreg [dreg:$0xc]  }
0xe4: {  	s9 =	simm.s32 $0x10;
	s10 =	simm.s32 $0x4300;
	s11 =	sadd.s32 $0x0, s12  }
.LBB2_18:
0xe5: {  	[tilespmem:s8], [sflag:$0x2] =	stream.linear.gather [hbm4b:s11+s4], $0x80, $0x38;
	[tilespmem:$0x10200] =	vst v63  }
0xe6: {  	s11 =	smov.u32 s9;
	s8 =	smov.u32 s10;
	p1 =	sne.s32 s9, $0x3F0  }
.Ltmp8:
0xe7: {  	s9 =	sadd.s32 $0x10, s9;
	(pc) =	sbr.rel @p1 .LBB2_18-.Ltmp8, $2  }
0xe8: {  	_ =	sdelay $0x2  }
0xe9: {  	s10 =	sadd.s32 $0x100, s10;
	s11 =	sadd.s32 s11, s12  }
0xea: {  	[tilespmem:s8], [sflag:$0x2] =	stream.linear.gather [hbm4b:s11+s4], $0x80, $0x38;
	[tilespmem:$0x10200] =	vst v63  }
0xeb: {  	s13 =	simm.s32 $0x3  }
0xec: {  	_ =	swait.ge [sflag:s13], $0x2000  }
0xed: {  	[sflag:s13] =	ssyncset.done $0x0  }
0xee: {  	[sflag:s13] =	ssyncadd.s32 $0xFFFFE000  }
0xef: {  	_ =	swait.ge [sflag:s13], $0x2000  }
0xf0: {  	[sflag:s13] =	ssyncset.done $0x0  }
0xf1: {  	s14 =	simm.s32 $0x2F0;
	[sflag:s13] =	ssyncadd.s32 $0xFFFFE000  }
0xf2: {  	s10 =	simm.s32 $0x42F0;
	v4 =	vld [tilespmem:s14+$0xFFFFFF90]  }
0xf3: {  	v5 =	vld [tilespmem:s10+$0xFFFFFF90];
	_ =	sdelay $0x4  }
0xf4: {  	v6 =	vmul.f32 v4, v0;
	v7 =	vmul.f32 v5, v1  }
0xf5: {  	v4 =	vmul.f32 v4, v2;
	v5 =	vmul.f32 v5, v3  }
0xf6: {  	v6 =	vadd.f32 v7, v6  }
0xf7: {  	s8 =	simm.s32 $0x82F0;
	v4 =	vadd.f32 v5, v4  }
0xf8: {  	s9 =	simm.s32 $0xC2F0;
	[tilespmem:s8+$0xFFFFFF90] =	vst v6  }
0xf9: {  	[tilespmem:s9+$0xFFFFFF90] =	vst v4  }
0xfa: {  	v4 =	vld [tilespmem:s14+$0xFFFFFFA0]  }
0xfb: {  	v5 =	vld [tilespmem:s10+$0xFFFFFFA0];
	_ =	sdelay $0x4  }
0xfc: {  	v6 =	vmul.f32 v4, v0;
	v7 =	vmul.f32 v5, v1  }
0xfd: {  	v4 =	vmul.f32 v4, v2;
	v5 =	vmul.f32 v5, v3  }
0xfe: {  	v6 =	vadd.f32 v7, v6  }
0xff: {  	v4 =	vadd.f32 v5, v4  }
0x100: {  	[tilespmem:s8+$0xFFFFFFA0] =	vst v6  }
0x101: {  	[tilespmem:s9+$0xFFFFFFA0] =	vst v4  }
0x102: {  	v4 =	vld [tilespmem:s14+$0xFFFFFFB0]  }
0x103: {  	v5 =	vld [tilespmem:s10+$0xFFFFFFB0];
	_ =	sdelay $0x4  }
0x104: {  	v6 =	vmul.f32 v4, v0;
	v7 =	vmul.f32 v5, v1  }
0x105: {  	v4 =	vmul.f32 v4, v2;
	v5 =	vmul.f32 v5, v3  }
0x106: {  	v6 =	vadd.f32 v7, v6  }
0x107: {  	v4 =	vadd.f32 v5, v4  }
0x108: {  	[tilespmem:s8+$0xFFFFFFB0] =	vst v6  }
0x109: {  	[tilespmem:s9+$0xFFFFFFB0] =	vst v4  }
0x10a: {  	v4 =	vld [tilespmem:s14+$0xFFFFFFC0]  }
0x10b: {  	v5 =	vld [tilespmem:s10+$0xFFFFFFC0];
	_ =	sdelay $0x4  }
0x10c: {  	v6 =	vmul.f32 v4, v0;
	v7 =	vmul.f32 v5, v1  }
0x10d: {  	v4 =	vmul.f32 v4, v2;
	v5 =	vmul.f32 v5, v3  }
0x10e: {  	v6 =	vadd.f32 v7, v6  }
0x10f: {  	v4 =	vadd.f32 v5, v4  }
0x110: {  	[tilespmem:s8+$0xFFFFFFC0] =	vst v6  }
0x111: {  	[tilespmem:s9+$0xFFFFFFC0] =	vst v4  }
0x112: {  	v4 =	vld [tilespmem:s14+$0xFFFFFFD0]  }
0x113: {  	v5 =	vld [tilespmem:s10+$0xFFFFFFD0];
	_ =	sdelay $0x4  }
0x114: {  	v6 =	vmul.f32 v4, v0;
	v7 =	vmul.f32 v5, v1  }
0x115: {  	v4 =	vmul.f32 v4, v2;
	v5 =	vmul.f32 v5, v3  }
0x116: {  	v6 =	vadd.f32 v7, v6  }
0x117: {  	v4 =	vadd.f32 v5, v4  }
0x118: {  	[tilespmem:s8+$0xFFFFFFD0] =	vst v6  }
0x119: {  	[tilespmem:s9+$0xFFFFFFD0] =	vst v4  }
0x11a: {  	v4 =	vld [tilespmem:s14+$0xFFFFFFE0]  }
0x11b: {  	v5 =	vld [tilespmem:s10+$0xFFFFFFE0];
	_ =	sdelay $0x4  }
0x11c: {  	v6 =	vmul.f32 v4, v0;
	v7 =	vmul.f32 v5, v1  }
0x11d: {  	v4 =	vmul.f32 v4, v2;
	v5 =	vmul.f32 v5, v3  }
0x11e: {  	v6 =	vadd.f32 v7, v6  }
0x11f: {  	v4 =	vadd.f32 v5, v4  }
0x120: {  	[tilespmem:s8+$0xFFFFFFE0] =	vst v6  }
0x121: {  	[tilespmem:s9+$0xFFFFFFE0] =	vst v4  }
0x122: {  	v4 =	vld [tilespmem:s14+$0xFFFFFFF0]  }
0x123: {  	v5 =	vld [tilespmem:s10+$0xFFFFFFF0];
	_ =	sdelay $0x4  }
0x124: {  	v6 =	vmul.f32 v4, v0;
	v7 =	vmul.f32 v5, v1  }
0x125: {  	v4 =	vmul.f32 v4, v2;
	v5 =	vmul.f32 v5, v3  }
0x126: {  	v6 =	vadd.f32 v7, v6  }
0x127: {  	v4 =	vadd.f32 v5, v4  }
0x128: {  	[tilespmem:s8+$0xFFFFFFF0] =	vst v6  }
0x129: {  	[tilespmem:s9+$0xFFFFFFF0] =	vst v4  }
0x12a: {  	v4 =	vld [tilespmem:s14+$0x0]  }
0x12b: {  	v5 =	vld [tilespmem:s10+$0x0]  }
0x12c: {  	s12 =	simm.s32 $0x0;
	s11 =	simm.s32 $0x82F0  }
0x12d: {  	s13 =	simm.s32 $0x43F0;
	s14 =	simm.s32 $0x3F0;
	s10 =	simm.s32 $0xC2F0  }
.LBB2_20:
0x12e: {  	s12 =	sadd.s32 $0x8, s12;
	s9 =	sadd.s32 $0x100, s9;
	s8 =	sadd.s32 $0x100, s8  }
0x12f: {  	p1 =	slt.u32 s12, $0x1F8;
	v6 =	vmul.f32 v4, v0;
	v4 =	vmul.f32 v4, v2  }
0x130: {  	v7 =	vmul.f32 v5, v1;
	v5 =	vmul.f32 v5, v3;
	_ =	sdelay $0x1  }
0x131: {  	v6 =	vadd.f32 v7, v6;
	v4 =	vadd.f32 v5, v4;
	_ =	sdelay $0x1  }
0x132: {  	[tilespmem:s11+$0x0] =	vst v6;
	s11 =	smov.u32 s8  }
0x133: {  	[tilespmem:s10+$0x0] =	vst v4;
	s10 =	smov.u32 s9  }
0x134: {  	v4 =	vld [tilespmem:s14+$0xFFFFFF90]  }
0x135: {  	v5 =	vld [tilespmem:s13+$0xFFFFFF90];
	_ =	sdelay $0x4  }
0x136: {  	v6 =	vmul.f32 v4, v0;
	v7 =	vmul.f32 v5, v1  }
0x137: {  	v4 =	vmul.f32 v4, v2;
	v5 =	vmul.f32 v5, v3  }
0x138: {  	v6 =	vadd.f32 v7, v6  }
0x139: {  	v4 =	vadd.f32 v5, v4  }
0x13a: {  	[tilespmem:s8+$0xFFFFFF90] =	vst v6  }
0x13b: {  	[tilespmem:s9+$0xFFFFFF90] =	vst v4  }
0x13c: {  	v4 =	vld [tilespmem:s14+$0xFFFFFFA0]  }
0x13d: {  	v5 =	vld [tilespmem:s13+$0xFFFFFFA0];
	_ =	sdelay $0x3  }
0x13e: {  	v6 =	vmul.f32 v4, v0;
	v4 =	vmul.f32 v4, v2  }
0x13f: {  	v7 =	vmul.f32 v5, v1;
	v5 =	vmul.f32 v5, v3;
	_ =	sdelay $0x1  }
0x140: {  	v6 =	vadd.f32 v7, v6;
	v4 =	vadd.f32 v5, v4;
	_ =	sdelay $0x1  }
0x141: {  	[tilespmem:s8+$0xFFFFFFA0] =	vst v6  }
0x142: {  	[tilespmem:s9+$0xFFFFFFA0] =	vst v4  }
0x143: {  	v4 =	vld [tilespmem:s14+$0xFFFFFFB0]  }
0x144: {  	v5 =	vld [tilespmem:s13+$0xFFFFFFB0];
	_ =	sdelay $0x3  }
0x145: {  	v6 =	vmul.f32 v4, v0;
	v4 =	vmul.f32 v4, v2  }
0x146: {  	v7 =	vmul.f32 v5, v1;
	v5 =	vmul.f32 v5, v3;
	_ =	sdelay $0x1  }
0x147: {  	v6 =	vadd.f32 v7, v6;
	v4 =	vadd.f32 v5, v4;
	_ =	sdelay $0x1  }
0x148: {  	[tilespmem:s8+$0xFFFFFFB0] =	vst v6  }
0x149: {  	[tilespmem:s9+$0xFFFFFFB0] =	vst v4  }
0x14a: {  	v4 =	vld [tilespmem:s14+$0xFFFFFFC0]  }
0x14b: {  	v5 =	vld [tilespmem:s13+$0xFFFFFFC0];
	_ =	sdelay $0x3  }
0x14c: {  	v6 =	vmul.f32 v4, v0;
	v4 =	vmul.f32 v4, v2  }
0x14d: {  	v7 =	vmul.f32 v5, v1;
	v5 =	vmul.f32 v5, v3;
	_ =	sdelay $0x1  }
0x14e: {  	v6 =	vadd.f32 v7, v6;
	v4 =	vadd.f32 v5, v4;
	_ =	sdelay $0x1  }
0x14f: {  	[tilespmem:s8+$0xFFFFFFC0] =	vst v6  }
0x150: {  	[tilespmem:s9+$0xFFFFFFC0] =	vst v4  }
0x151: {  	v4 =	vld [tilespmem:s14+$0xFFFFFFD0]  }
0x152: {  	v5 =	vld [tilespmem:s13+$0xFFFFFFD0];
	_ =	sdelay $0x3  }
0x153: {  	v6 =	vmul.f32 v4, v0;
	v4 =	vmul.f32 v4, v2  }
0x154: {  	v7 =	vmul.f32 v5, v1;
	v5 =	vmul.f32 v5, v3;
	_ =	sdelay $0x1  }
0x155: {  	v6 =	vadd.f32 v7, v6;
	v4 =	vadd.f32 v5, v4;
	_ =	sdelay $0x1  }
0x156: {  	[tilespmem:s8+$0xFFFFFFD0] =	vst v6  }
0x157: {  	[tilespmem:s9+$0xFFFFFFD0] =	vst v4  }
0x158: {  	v4 =	vld [tilespmem:s14+$0xFFFFFFE0]  }
0x159: {  	v5 =	vld [tilespmem:s13+$0xFFFFFFE0];
	_ =	sdelay $0x3  }
0x15a: {  	v6 =	vmul.f32 v4, v0;
	v4 =	vmul.f32 v4, v2  }
0x15b: {  	v7 =	vmul.f32 v5, v1;
	v5 =	vmul.f32 v5, v3;
	_ =	sdelay $0x1  }
0x15c: {  	v6 =	vadd.f32 v7, v6;
	v4 =	vadd.f32 v5, v4;
	_ =	sdelay $0x1  }
0x15d: {  	[tilespmem:s8+$0xFFFFFFE0] =	vst v6  }
0x15e: {  	[tilespmem:s9+$0xFFFFFFE0] =	vst v4  }
0x15f: {  	v4 =	vld [tilespmem:s14+$0xFFFFFFF0]  }
0x160: {  	v5 =	vld [tilespmem:s13+$0xFFFFFFF0];
	_ =	sdelay $0x3  }
0x161: {  	v6 =	vmul.f32 v4, v0;
	v4 =	vmul.f32 v4, v2  }
0x162: {  	v7 =	vmul.f32 v5, v1;
	v5 =	vmul.f32 v5, v3;
	_ =	sdelay $0x1  }
0x163: {  	v6 =	vadd.f32 v7, v6;
	v4 =	vadd.f32 v5, v4;
	_ =	sdelay $0x1  }
0x164: {  	[tilespmem:s8+$0xFFFFFFF0] =	vst v6  }
.Ltmp9:
0x165: {  	[tilespmem:s9+$0xFFFFFFF0] =	vst v4;
	(pc) =	sbr.rel @p1 .LBB2_20-.Ltmp9, $3  }
0x166: {  	v4 =	vld [tilespmem:s14+$0x0]  }
0x167: {  	v5 =	vld [tilespmem:s13+$0x0];
	_ =	sdelay $0x1  }
0x168: {  	s14 =	sadd.s32 $0x100, s14;
	s13 =	sadd.s32 $0x100, s13  }
0x169: {  	_ =	sdelay $0x1  }
0x16a: {  	v6 =	vmul.f32 v4, v0;
	v7 =	vmul.f32 v5, v1  }
0x16b: {  	v4 =	vmul.f32 v4, v2;
	v5 =	vmul.f32 v5, v3  }
0x16c: {  	v6 =	vadd.f32 v7, v6  }
0x16d: {  	v4 =	vadd.f32 v5, v4  }
0x16e: {  	s8 =	simm.s32 $0x8280;
	s12 =	rddreg [dreg:$0xd];
	[tilespmem:s11+$0x0] =	vst v6  }
0x16f: {  	s9 =	simm.s32 $0x10;
	s11 =	sadd.s32 $0x0, s12;
	[tilespmem:s10+$0x0] =	vst v4;
	s10 =	simm.s32 $0x8380  }
.LBB2_22:
0x170: {  	[hbm4b:s11+s4] =	stream.linear.scatter [tilespmem:s8], [sflag:$0x5], $0x80, $0x38;
	[tilespmem:$0x10200] =	vst v63  }
0x171: {  	s11 =	smov.u32 s9;
	s8 =	smov.u32 s10;
	p1 =	sne.s32 s9, $0x3F0  }
.Ltmp10:
0x172: {  	s9 =	sadd.s32 $0x10, s9;
	(pc) =	sbr.rel @p1 .LBB2_22-.Ltmp10, $2  }
0x173: {  	_ =	sdelay $0x2  }
0x174: {  	s10 =	sadd.s32 $0x100, s10;
	s11 =	sadd.s32 s11, s12  }
0x175: {  	[hbm4b:s11+s4] =	stream.linear.scatter [tilespmem:s8], [sflag:$0x5], $0x80, $0x38;
	[tilespmem:$0x10200] =	vst v63  }
0x176: {  	s8 =	simm.s32 $0xC280  }
0x177: {  	s9 =	simm.s32 $0x10;
	s11 =	sadd.s32 $0x0, s15;
	s10 =	simm.s32 $0xC380  }
.LBB2_24:
0x178: {  	[hbm4b:s11+s4] =	stream.linear.scatter [tilespmem:s8], [sflag:$0x5], $0x80, $0x38;
	[tilespmem:$0x10200] =	vst v63  }
0x179: {  	s11 =	smov.u32 s9;
	s8 =	smov.u32 s10;
	p1 =	sne.s32 s9, $0x3F0  }
.Ltmp11:
0x17a: {  	s9 =	sadd.s32 $0x10, s9;
	(pc) =	sbr.rel @p1 .LBB2_24-.Ltmp11, $2  }
0x17b: {  	_ =	sdelay $0x2  }
0x17c: {  	s10 =	sadd.s32 $0x100, s10;
	s11 =	sadd.s32 s11, s15  }
0x17d: {  	[hbm4b:s11+s4] =	stream.linear.scatter [tilespmem:s8], [sflag:$0x5], $0x80, $0x38;
	[tilespmem:$0x10200] =	vst v63  }
0x17e: {  	s8 =	simm.s32 $0x280  }
0x17f: {  	s9 =	simm.s32 $0x10;
	s11 =	sadd.s32 $0x0, s16;
	s10 =	simm.s32 $0x380  }
.LBB2_26:
0x180: {  	[tilespmem:s8], [sflag:$0x3] =	stream.linear.gather [hbm4b:s11+s4], $0x80, $0x38;
	[tilespmem:$0x10200] =	vst v63  }
0x181: {  	s11 =	smov.u32 s9;
	s8 =	smov.u32 s10;
	p1 =	sne.s32 s9, $0x3F0  }
.Ltmp12:
0x182: {  	s9 =	sadd.s32 $0x10, s9;
	(pc) =	sbr.rel @p1 .LBB2_26-.Ltmp12, $2  }
0x183: {  	_ =	sdelay $0x2  }
0x184: {  	s10 =	sadd.s32 $0x100, s10;
	s11 =	sadd.s32 s11, s16  }
0x185: {  	[tilespmem:s8], [sflag:$0x3] =	stream.linear.gather [hbm4b:s11+s4], $0x80, $0x38;
	[tilespmem:$0x10200] =	vst v63  }
0x186: {  	s8 =	simm.s32 $0x4280  }
0x187: {  	s9 =	simm.s32 $0x10;
	s11 =	sadd.s32 $0x0, s17;
	s10 =	simm.s32 $0x4380  }
.LBB2_28:
0x188: {  	[tilespmem:s8], [sflag:$0x3] =	stream.linear.gather [hbm4b:s11+s4], $0x80, $0x38;
	[tilespmem:$0x10200] =	vst v63  }
0x189: {  	s11 =	smov.u32 s9;
	s8 =	smov.u32 s10;
	p1 =	sne.s32 s9, $0x3F0  }
.Ltmp13:
0x18a: {  	s9 =	sadd.s32 $0x10, s9;
	(pc) =	sbr.rel @p1 .LBB2_28-.Ltmp13, $2  }
0x18b: {  	_ =	sdelay $0x2  }
0x18c: {  	s10 =	sadd.s32 $0x100, s10;
	s11 =	sadd.s32 s11, s17  }
0x18d: {  	[tilespmem:s8], [sflag:$0x3] =	stream.linear.gather [hbm4b:s11+s4], $0x80, $0x38;
	[tilespmem:$0x10200] =	vst v63  }
0x18e: {  	s13 =	simm.s32 $0x2  }
0x18f: {  	_ =	swait.ge [sflag:s13], $0x2000  }
0x190: {  	[sflag:s13] =	ssyncset.done $0x0  }
0x191: {  	[sflag:s13] =	ssyncadd.s32 $0xFFFFE000  }
0x192: {  	_ =	swait.ge [sflag:s13], $0x2000  }
0x193: {  	[sflag:s13] =	ssyncset.done $0x0  }
0x194: {  	s14 =	simm.s32 $0x4;
	[sflag:s13] =	ssyncadd.s32 $0xFFFFE000  }
0x195: {  	_ =	swait.ge [sflag:s14], $0x2000  }
0x196: {  	[sflag:s14] =	ssyncset.done $0x0  }
0x197: {  	[sflag:s14] =	ssyncadd.s32 $0xFFFFE000  }
0x198: {  	_ =	swait.ge [sflag:s14], $0x2000  }
0x199: {  	[sflag:s14] =	ssyncset.done $0x0  }
0x19a: {  	s8 =	simm.s32 $0x240;
	[sflag:s14] =	ssyncadd.s32 $0xFFFFE000  }
0x19b: {  	s9 =	simm.s32 $0x4240;
	v4 =	vld [tilespmem:s8+$0xFFFFFFC0]  }
0x19c: {  	v5 =	vld [tilespmem:s9+$0xFFFFFFC0];
	_ =	sdelay $0x4  }
0x19d: {  	v6 =	vmul.f32 v4, v0;
	v7 =	vmul.f32 v5, v1  }
0x19e: {  	v4 =	vmul.f32 v4, v2;
	v5 =	vmul.f32 v5, v3  }
0x19f: {  	v6 =	vadd.f32 v7, v6  }
0x1a0: {  	s10 =	simm.s32 $0x8240;
	v4 =	vadd.f32 v5, v4  }
0x1a1: {  	s11 =	simm.s32 $0xC240;
	[tilespmem:s10+$0xFFFFFFC0] =	vst v6  }
0x1a2: {  	[tilespmem:s11+$0xFFFFFFC0] =	vst v4  }
0x1a3: {  	v4 =	vld [tilespmem:s8+$0xFFFFFFD0]  }
0x1a4: {  	v5 =	vld [tilespmem:s9+$0xFFFFFFD0];
	_ =	sdelay $0x4  }
0x1a5: {  	v6 =	vmul.f32 v4, v0;
	v7 =	vmul.f32 v5, v1  }
0x1a6: {  	v4 =	vmul.f32 v4, v2;
	v5 =	vmul.f32 v5, v3  }
0x1a7: {  	v6 =	vadd.f32 v7, v6  }
0x1a8: {  	v4 =	vadd.f32 v5, v4  }
0x1a9: {  	[tilespmem:s10+$0xFFFFFFD0] =	vst v6  }
0x1aa: {  	[tilespmem:s11+$0xFFFFFFD0] =	vst v4  }
0x1ab: {  	v4 =	vld [tilespmem:s8+$0xFFFFFFE0]  }
0x1ac: {  	v5 =	vld [tilespmem:s9+$0xFFFFFFE0];
	_ =	sdelay $0x4  }
0x1ad: {  	v6 =	vmul.f32 v4, v0;
	v7 =	vmul.f32 v5, v1  }
0x1ae: {  	v4 =	vmul.f32 v4, v2;
	v5 =	vmul.f32 v5, v3  }
0x1af: {  	v6 =	vadd.f32 v7, v6  }
0x1b0: {  	v4 =	vadd.f32 v5, v4  }
0x1b1: {  	[tilespmem:s10+$0xFFFFFFE0] =	vst v6  }
0x1b2: {  	[tilespmem:s11+$0xFFFFFFE0] =	vst v4  }
0x1b3: {  	v4 =	vld [tilespmem:s8+$0xFFFFFFF0]  }
0x1b4: {  	v5 =	vld [tilespmem:s9+$0xFFFFFFF0];
	_ =	sdelay $0x4  }
0x1b5: {  	v6 =	vmul.f32 v4, v0;
	v7 =	vmul.f32 v5, v1  }
0x1b6: {  	v4 =	vmul.f32 v4, v2;
	v5 =	vmul.f32 v5, v3  }
0x1b7: {  	v6 =	vadd.f32 v7, v6  }
0x1b8: {  	v4 =	vadd.f32 v5, v4  }
0x1b9: {  	[tilespmem:s10+$0xFFFFFFF0] =	vst v6  }
0x1ba: {  	[tilespmem:s11+$0xFFFFFFF0] =	vst v4  }
0x1bb: {  	v4 =	vld [tilespmem:s8+$0x0]  }
0x1bc: {  	v5 =	vld [tilespmem:s9+$0x0];
	_ =	sdelay $0x4  }
0x1bd: {  	v6 =	vmul.f32 v4, v0;
	v7 =	vmul.f32 v5, v1  }
0x1be: {  	v4 =	vmul.f32 v4, v2;
	v5 =	vmul.f32 v5, v3  }
0x1bf: {  	v6 =	vadd.f32 v7, v6  }
0x1c0: {  	v4 =	vadd.f32 v5, v4  }
0x1c1: {  	[tilespmem:s10+$0x0] =	vst v6  }
0x1c2: {  	[tilespmem:s11+$0x0] =	vst v4  }
0x1c3: {  	v4 =	vld [tilespmem:s8+$0x10]  }
0x1c4: {  	v5 =	vld [tilespmem:s9+$0x10];
	_ =	sdelay $0x4  }
0x1c5: {  	v6 =	vmul.f32 v4, v0;
	v7 =	vmul.f32 v5, v1  }
0x1c6: {  	v4 =	vmul.f32 v4, v2;
	v5 =	vmul.f32 v5, v3  }
0x1c7: {  	v6 =	vadd.f32 v7, v6  }
0x1c8: {  	v4 =	vadd.f32 v5, v4  }
0x1c9: {  	[tilespmem:s10+$0x10] =	vst v6  }
0x1ca: {  	[tilespmem:s11+$0x10] =	vst v4  }
0x1cb: {  	v4 =	vld [tilespmem:s8+$0x20]  }
0x1cc: {  	v5 =	vld [tilespmem:s9+$0x20];
	_ =	sdelay $0x4  }
0x1cd: {  	v6 =	vmul.f32 v4, v0;
	v7 =	vmul.f32 v5, v1  }
0x1ce: {  	v4 =	vmul.f32 v4, v2;
	v5 =	vmul.f32 v5, v3  }
0x1cf: {  	v6 =	vadd.f32 v7, v6  }
0x1d0: {  	v4 =	vadd.f32 v5, v4  }
0x1d1: {  	[tilespmem:s10+$0x20] =	vst v6  }
0x1d2: {  	[tilespmem:s11+$0x20] =	vst v4  }
0x1d3: {  	v4 =	vld [tilespmem:s8+$0x30]  }
0x1d4: {  	v5 =	vld [tilespmem:s9+$0x30];
	_ =	sdelay $0x1  }
0x1d5: {  	s12 =	simm.s32 $0x0;
	s13 =	simm.s32 $0x8340;
	s14 =	simm.s32 $0xC340  }
.LBB2_30:
0x1d6: {  	s12 =	sadd.s32 $0x8, s12;
	s8 =	sadd.s32 $0x100, s8;
	s9 =	sadd.s32 $0x100, s9  }
0x1d7: {  	p1 =	slt.u32 s12, $0x1F8;
	v6 =	vmul.f32 v4, v0;
	v4 =	vmul.f32 v4, v2  }
0x1d8: {  	v7 =	vmul.f32 v5, v1;
	v5 =	vmul.f32 v5, v3;
	_ =	sdelay $0x1  }
0x1d9: {  	v6 =	vadd.f32 v7, v6;
	v4 =	vadd.f32 v5, v4;
	_ =	sdelay $0x1  }
0x1da: {  	[tilespmem:s10+$0x30] =	vst v6;
	s10 =	smov.u32 s13  }
0x1db: {  	[tilespmem:s11+$0x30] =	vst v4;
	s11 =	smov.u32 s14  }
0x1dc: {  	v4 =	vld [tilespmem:s8+$0xFFFFFFC0]  }
0x1dd: {  	v5 =	vld [tilespmem:s9+$0xFFFFFFC0];
	_ =	sdelay $0x4  }
0x1de: {  	v6 =	vmul.f32 v4, v0;
	v7 =	vmul.f32 v5, v1  }
0x1df: {  	v4 =	vmul.f32 v4, v2;
	v5 =	vmul.f32 v5, v3  }
0x1e0: {  	v6 =	vadd.f32 v7, v6  }
0x1e1: {  	v4 =	vadd.f32 v5, v4  }
0x1e2: {  	[tilespmem:s13+$0xFFFFFFC0] =	vst v6  }
0x1e3: {  	[tilespmem:s14+$0xFFFFFFC0] =	vst v4  }
0x1e4: {  	v4 =	vld [tilespmem:s8+$0xFFFFFFD0]  }
0x1e5: {  	v5 =	vld [tilespmem:s9+$0xFFFFFFD0];
	_ =	sdelay $0x3  }
0x1e6: {  	v6 =	vmul.f32 v4, v0;
	v4 =	vmul.f32 v4, v2  }
0x1e7: {  	v7 =	vmul.f32 v5, v1;
	v5 =	vmul.f32 v5, v3;
	_ =	sdelay $0x1  }
0x1e8: {  	v6 =	vadd.f32 v7, v6;
	v4 =	vadd.f32 v5, v4;
	_ =	sdelay $0x1  }
0x1e9: {  	[tilespmem:s13+$0xFFFFFFD0] =	vst v6  }
0x1ea: {  	[tilespmem:s14+$0xFFFFFFD0] =	vst v4  }
0x1eb: {  	v4 =	vld [tilespmem:s8+$0xFFFFFFE0]  }
0x1ec: {  	v5 =	vld [tilespmem:s9+$0xFFFFFFE0];
	_ =	sdelay $0x3  }
0x1ed: {  	v6 =	vmul.f32 v4, v0;
	v4 =	vmul.f32 v4, v2  }
0x1ee: {  	v7 =	vmul.f32 v5, v1;
	v5 =	vmul.f32 v5, v3;
	_ =	sdelay $0x1  }
0x1ef: {  	v6 =	vadd.f32 v7, v6;
	v4 =	vadd.f32 v5, v4;
	_ =	sdelay $0x1  }
0x1f0: {  	[tilespmem:s13+$0xFFFFFFE0] =	vst v6  }
0x1f1: {  	[tilespmem:s14+$0xFFFFFFE0] =	vst v4  }
0x1f2: {  	v4 =	vld [tilespmem:s8+$0xFFFFFFF0]  }
0x1f3: {  	v5 =	vld [tilespmem:s9+$0xFFFFFFF0];
	_ =	sdelay $0x3  }
0x1f4: {  	v6 =	vmul.f32 v4, v0;
	v4 =	vmul.f32 v4, v2  }
0x1f5: {  	v7 =	vmul.f32 v5, v1;
	v5 =	vmul.f32 v5, v3;
	_ =	sdelay $0x1  }
0x1f6: {  	v6 =	vadd.f32 v7, v6;
	v4 =	vadd.f32 v5, v4;
	_ =	sdelay $0x1  }
0x1f7: {  	[tilespmem:s13+$0xFFFFFFF0] =	vst v6  }
0x1f8: {  	[tilespmem:s14+$0xFFFFFFF0] =	vst v4  }
0x1f9: {  	v4 =	vld [tilespmem:s8+$0x0]  }
0x1fa: {  	v5 =	vld [tilespmem:s9+$0x0];
	_ =	sdelay $0x3  }
0x1fb: {  	v6 =	vmul.f32 v4, v0;
	v4 =	vmul.f32 v4, v2  }
0x1fc: {  	v7 =	vmul.f32 v5, v1;
	v5 =	vmul.f32 v5, v3;
	_ =	sdelay $0x1  }
0x1fd: {  	v6 =	vadd.f32 v7, v6;
	v4 =	vadd.f32 v5, v4;
	_ =	sdelay $0x1  }
0x1fe: {  	[tilespmem:s13+$0x0] =	vst v6  }
0x1ff: {  	[tilespmem:s14+$0x0] =	vst v4  }
0x200: {  	v4 =	vld [tilespmem:s8+$0x10]  }
0x201: {  	v5 =	vld [tilespmem:s9+$0x10];
	_ =	sdelay $0x3  }
0x202: {  	v6 =	vmul.f32 v4, v0;
	v4 =	vmul.f32 v4, v2  }
0x203: {  	v7 =	vmul.f32 v5, v1;
	v5 =	vmul.f32 v5, v3;
	_ =	sdelay $0x1  }
0x204: {  	v6 =	vadd.f32 v7, v6;
	v4 =	vadd.f32 v5, v4;
	_ =	sdelay $0x1  }
0x205: {  	[tilespmem:s13+$0x10] =	vst v6  }
0x206: {  	[tilespmem:s14+$0x10] =	vst v4  }
0x207: {  	v4 =	vld [tilespmem:s8+$0x20]  }
0x208: {  	v5 =	vld [tilespmem:s9+$0x20];
	_ =	sdelay $0x3  }
0x209: {  	v6 =	vmul.f32 v4, v0;
	v4 =	vmul.f32 v4, v2  }
0x20a: {  	v7 =	vmul.f32 v5, v1;
	v5 =	vmul.f32 v5, v3;
	_ =	sdelay $0x1  }
0x20b: {  	v6 =	vadd.f32 v7, v6;
	v4 =	vadd.f32 v5, v4;
	_ =	sdelay $0x1  }
0x20c: {  	[tilespmem:s13+$0x20] =	vst v6  }
.Ltmp14:
0x20d: {  	[tilespmem:s14+$0x20] =	vst v4;
	(pc) =	sbr.rel @p1 .LBB2_30-.Ltmp14, $3  }
0x20e: {  	v4 =	vld [tilespmem:s8+$0x30]  }
0x20f: {  	v5 =	vld [tilespmem:s9+$0x30];
	_ =	sdelay $0x1  }
0x210: {  	s13 =	sadd.s32 $0x100, s13;
	s14 =	sadd.s32 $0x100, s14  }
0x211: {  	_ =	sdelay $0x1  }
0x212: {  	v6 =	vmul.f32 v4, v0;
	v7 =	vmul.f32 v5, v1  }
0x213: {  	v4 =	vmul.f32 v4, v2;
	v5 =	vmul.f32 v5, v3  }
0x214: {  	v6 =	vadd.f32 v7, v6  }
0x215: {  	v4 =	vadd.f32 v5, v4  }
0x216: {  	s8 =	simm.s32 $0x8200;
	[tilespmem:s10+$0x30] =	vst v6  }
0x217: {  	s9 =	simm.s32 $0x10;
	s10 =	simm.s32 $0x8300;
	[tilespmem:s11+$0x30] =	vst v4;
	s11 =	sadd.s32 $0x0, s18  }
.LBB2_32:
0x218: {  	[hbm4b:s11+s4] =	stream.linear.scatter [tilespmem:s8], [sflag:$0x4], $0x80, $0x38;
	[tilespmem:$0x10200] =	vst v63  }
0x219: {  	s11 =	smov.u32 s9;
	s8 =	smov.u32 s10;
	p1 =	sne.s32 s9, $0x3F0  }
.Ltmp15:
0x21a: {  	s9 =	sadd.s32 $0x10, s9;
	(pc) =	sbr.rel @p1 .LBB2_32-.Ltmp15, $2  }
0x21b: {  	_ =	sdelay $0x2  }
0x21c: {  	s10 =	sadd.s32 $0x100, s10;
	s11 =	sadd.s32 s11, s18  }
0x21d: {  	[hbm4b:s11+s4] =	stream.linear.scatter [tilespmem:s8], [sflag:$0x4], $0x80, $0x38;
	[tilespmem:$0x10200] =	vst v63  }
0x21e: {  	s8 =	simm.s32 $0xC200  }
0x21f: {  	s9 =	simm.s32 $0x10;
	s11 =	sadd.s32 $0x0, s19;
	s10 =	simm.s32 $0xC300  }
.LBB2_34:
0x220: {  	[hbm4b:s11+s4] =	stream.linear.scatter [tilespmem:s8], [sflag:$0x4], $0x80, $0x38;
	[tilespmem:$0x10200] =	vst v63  }
0x221: {  	s11 =	smov.u32 s9;
	s8 =	smov.u32 s10;
	p1 =	sne.s32 s9, $0x3F0  }
.Ltmp16:
0x222: {  	s9 =	sadd.s32 $0x10, s9;
	(pc) =	sbr.rel @p1 .LBB2_34-.Ltmp16, $2  }
0x223: {  	_ =	sdelay $0x2  }
0x224: {  	s10 =	sadd.s32 $0x100, s10;
	s11 =	sadd.s32 s11, s19  }
0x225: {  	[hbm4b:s11+s4] =	stream.linear.scatter [tilespmem:s8], [sflag:$0x4], $0x80, $0x38;
	[tilespmem:$0x10200] =	vst v63  }
0x226: {  	s8 =	simm.s32 $0x200  }
0x227: {  	s9 =	simm.s32 $0x10;
	s11 =	sadd.s32 $0x0, s20;
	s10 =	simm.s32 $0x300  }
.LBB2_36:
0x228: {  	[tilespmem:s8], [sflag:$0x2] =	stream.linear.gather [hbm4b:s11+s4], $0x80, $0x38;
	[tilespmem:$0x10200] =	vst v63  }
0x229: {  	s11 =	smov.u32 s9;
	s8 =	smov.u32 s10;
	p1 =	sne.s32 s9, $0x3F0  }
.Ltmp17:
0x22a: {  	s9 =	sadd.s32 $0x10, s9;
	(pc) =	sbr.rel @p1 .LBB2_36-.Ltmp17, $2  }
0x22b: {  	_ =	sdelay $0x2  }
0x22c: {  	s10 =	sadd.s32 $0x100, s10;
	s11 =	sadd.s32 s11, s20  }
0x22d: {  	[tilespmem:s8], [sflag:$0x2] =	stream.linear.gather [hbm4b:s11+s4], $0x80, $0x38;
	[tilespmem:$0x10200] =	vst v63  }
0x22e: {  	s8 =	simm.s32 $0x4200  }
0x22f: {  	s9 =	simm.s32 $0x10;
	s11 =	sadd.s32 $0x0, s24;
	s10 =	simm.s32 $0x4300  }
.LBB2_38:
0x230: {  	[tilespmem:s8], [sflag:$0x2] =	stream.linear.gather [hbm4b:s11+s4], $0x80, $0x38;
	[tilespmem:$0x10200] =	vst v63  }
0x231: {  	s11 =	smov.u32 s9;
	s8 =	smov.u32 s10;
	p1 =	sne.s32 s9, $0x3F0  }
.Ltmp18:
0x232: {  	s9 =	sadd.s32 $0x10, s9;
	(pc) =	sbr.rel @p1 .LBB2_38-.Ltmp18, $2  }
0x233: {  	_ =	sdelay $0x2  }
0x234: {  	s10 =	sadd.s32 $0x100, s10;
	s11 =	sadd.s32 s11, s24  }
0x235: {  	[tilespmem:s8], [sflag:$0x2] =	stream.linear.gather [hbm4b:s11+s4], $0x80, $0x38;
	[tilespmem:$0x10200] =	vst v63  }
0x236: {  	s12 =	simm.s32 $0x3  }
0x237: {  	_ =	swait.ge [sflag:s12], $0x2000  }
0x238: {  	[sflag:s12] =	ssyncset.done $0x0  }
0x239: {  	[sflag:s12] =	ssyncadd.s32 $0xFFFFE000  }
0x23a: {  	_ =	swait.ge [sflag:s12], $0x2000  }
0x23b: {  	[sflag:s12] =	ssyncset.done $0x0  }
0x23c: {  	s13 =	simm.s32 $0x5;
	[sflag:s12] =	ssyncadd.s32 $0xFFFFE000  }
0x23d: {  	_ =	swait.ge [sflag:s13], $0x2000  }
0x23e: {  	[sflag:s13] =	ssyncset.done $0x0  }
0x23f: {  	[sflag:s13] =	ssyncadd.s32 $0xFFFFE000  }
0x240: {  	_ =	swait.ge [sflag:s13], $0x2000  }
0x241: {  	[sflag:s13] =	ssyncset.done $0x0  }
0x242: {  	s14 =	simm.s32 $0x2F0;
	[sflag:s13] =	ssyncadd.s32 $0xFFFFE000  }
0x243: {  	s10 =	simm.s32 $0x42F0;
	v4 =	vld [tilespmem:s14+$0xFFFFFF90]  }
0x244: {  	v5 =	vld [tilespmem:s10+$0xFFFFFF90];
	_ =	sdelay $0x4  }
0x245: {  	v6 =	vmul.f32 v4, v0;
	v7 =	vmul.f32 v5, v1  }
0x246: {  	v4 =	vmul.f32 v4, v2;
	v5 =	vmul.f32 v5, v3  }
0x247: {  	v6 =	vadd.f32 v7, v6  }
0x248: {  	s8 =	simm.s32 $0x82F0;
	v4 =	vadd.f32 v5, v4  }
0x249: {  	s9 =	simm.s32 $0xC2F0;
	[tilespmem:s8+$0xFFFFFF90] =	vst v6  }
0x24a: {  	[tilespmem:s9+$0xFFFFFF90] =	vst v4  }
0x24b: {  	v4 =	vld [tilespmem:s14+$0xFFFFFFA0]  }
0x24c: {  	v5 =	vld [tilespmem:s10+$0xFFFFFFA0];
	_ =	sdelay $0x4  }
0x24d: {  	v6 =	vmul.f32 v4, v0;
	v7 =	vmul.f32 v5, v1  }
0x24e: {  	v4 =	vmul.f32 v4, v2;
	v5 =	vmul.f32 v5, v3  }
0x24f: {  	v6 =	vadd.f32 v7, v6  }
0x250: {  	v4 =	vadd.f32 v5, v4  }
0x251: {  	[tilespmem:s8+$0xFFFFFFA0] =	vst v6  }
0x252: {  	[tilespmem:s9+$0xFFFFFFA0] =	vst v4  }
0x253: {  	v4 =	vld [tilespmem:s14+$0xFFFFFFB0]  }
0x254: {  	v5 =	vld [tilespmem:s10+$0xFFFFFFB0];
	_ =	sdelay $0x4  }
0x255: {  	v6 =	vmul.f32 v4, v0;
	v7 =	vmul.f32 v5, v1  }
0x256: {  	v4 =	vmul.f32 v4, v2;
	v5 =	vmul.f32 v5, v3  }
0x257: {  	v6 =	vadd.f32 v7, v6  }
0x258: {  	v4 =	vadd.f32 v5, v4  }
0x259: {  	[tilespmem:s8+$0xFFFFFFB0] =	vst v6  }
0x25a: {  	[tilespmem:s9+$0xFFFFFFB0] =	vst v4  }
0x25b: {  	v4 =	vld [tilespmem:s14+$0xFFFFFFC0]  }
0x25c: {  	v5 =	vld [tilespmem:s10+$0xFFFFFFC0];
	_ =	sdelay $0x4  }
0x25d: {  	v6 =	vmul.f32 v4, v0;
	v7 =	vmul.f32 v5, v1  }
0x25e: {  	v4 =	vmul.f32 v4, v2;
	v5 =	vmul.f32 v5, v3  }
0x25f: {  	v6 =	vadd.f32 v7, v6  }
0x260: {  	v4 =	vadd.f32 v5, v4  }
0x261: {  	[tilespmem:s8+$0xFFFFFFC0] =	vst v6  }
0x262: {  	[tilespmem:s9+$0xFFFFFFC0] =	vst v4  }
0x263: {  	v4 =	vld [tilespmem:s14+$0xFFFFFFD0]  }
0x264: {  	v5 =	vld [tilespmem:s10+$0xFFFFFFD0];
	_ =	sdelay $0x4  }
0x265: {  	v6 =	vmul.f32 v4, v0;
	v7 =	vmul.f32 v5, v1  }
0x266: {  	v4 =	vmul.f32 v4, v2;
	v5 =	vmul.f32 v5, v3  }
0x267: {  	v6 =	vadd.f32 v7, v6  }
0x268: {  	v4 =	vadd.f32 v5, v4  }
0x269: {  	[tilespmem:s8+$0xFFFFFFD0] =	vst v6  }
0x26a: {  	[tilespmem:s9+$0xFFFFFFD0] =	vst v4  }
0x26b: {  	v4 =	vld [tilespmem:s14+$0xFFFFFFE0]  }
0x26c: {  	v5 =	vld [tilespmem:s10+$0xFFFFFFE0];
	_ =	sdelay $0x4  }
0x26d: {  	v6 =	vmul.f32 v4, v0;
	v7 =	vmul.f32 v5, v1  }
0x26e: {  	v4 =	vmul.f32 v4, v2;
	v5 =	vmul.f32 v5, v3  }
0x26f: {  	v6 =	vadd.f32 v7, v6  }
0x270: {  	v4 =	vadd.f32 v5, v4  }
0x271: {  	[tilespmem:s8+$0xFFFFFFE0] =	vst v6  }
0x272: {  	[tilespmem:s9+$0xFFFFFFE0] =	vst v4  }
0x273: {  	v4 =	vld [tilespmem:s14+$0xFFFFFFF0]  }
0x274: {  	v5 =	vld [tilespmem:s10+$0xFFFFFFF0];
	_ =	sdelay $0x4  }
0x275: {  	v6 =	vmul.f32 v4, v0;
	v7 =	vmul.f32 v5, v1  }
0x276: {  	v4 =	vmul.f32 v4, v2;
	v5 =	vmul.f32 v5, v3  }
0x277: {  	v6 =	vadd.f32 v7, v6  }
0x278: {  	v4 =	vadd.f32 v5, v4  }
0x279: {  	[tilespmem:s8+$0xFFFFFFF0] =	vst v6  }
0x27a: {  	[tilespmem:s9+$0xFFFFFFF0] =	vst v4  }
0x27b: {  	v4 =	vld [tilespmem:s14+$0x0]  }
0x27c: {  	v5 =	vld [tilespmem:s10+$0x0]  }
0x27d: {  	s11 =	simm.s32 $0x82F0;
	s12 =	simm.s32 $0x0  }
0x27e: {  	s13 =	simm.s32 $0x43F0;
	s14 =	simm.s32 $0x3F0;
	s10 =	simm.s32 $0xC2F0  }
.LBB2_40:
0x27f: {  	s12 =	sadd.s32 $0x8, s12;
	s9 =	sadd.s32 $0x100, s9;
	s8 =	sadd.s32 $0x100, s8  }
0x280: {  	p1 =	slt.u32 s12, $0x1F8;
	v6 =	vmul.f32 v4, v0;
	v4 =	vmul.f32 v4, v2  }
0x281: {  	v7 =	vmul.f32 v5, v1;
	v5 =	vmul.f32 v5, v3;
	_ =	sdelay $0x1  }
0x282: {  	v6 =	vadd.f32 v7, v6;
	v4 =	vadd.f32 v5, v4;
	_ =	sdelay $0x1  }
0x283: {  	[tilespmem:s11+$0x0] =	vst v6;
	s11 =	smov.u32 s8  }
0x284: {  	[tilespmem:s10+$0x0] =	vst v4;
	s10 =	smov.u32 s9  }
0x285: {  	v4 =	vld [tilespmem:s14+$0xFFFFFF90]  }
0x286: {  	v5 =	vld [tilespmem:s13+$0xFFFFFF90];
	_ =	sdelay $0x4  }
0x287: {  	v6 =	vmul.f32 v4, v0;
	v7 =	vmul.f32 v5, v1  }
0x288: {  	v4 =	vmul.f32 v4, v2;
	v5 =	vmul.f32 v5, v3  }
0x289: {  	v6 =	vadd.f32 v7, v6  }
0x28a: {  	v4 =	vadd.f32 v5, v4  }
0x28b: {  	[tilespmem:s8+$0xFFFFFF90] =	vst v6  }
0x28c: {  	[tilespmem:s9+$0xFFFFFF90] =	vst v4  }
0x28d: {  	v4 =	vld [tilespmem:s14+$0xFFFFFFA0]  }
0x28e: {  	v5 =	vld [tilespmem:s13+$0xFFFFFFA0];
	_ =	sdelay $0x3  }
0x28f: {  	v6 =	vmul.f32 v4, v0;
	v4 =	vmul.f32 v4, v2  }
0x290: {  	v7 =	vmul.f32 v5, v1;
	v5 =	vmul.f32 v5, v3;
	_ =	sdelay $0x1  }
0x291: {  	v6 =	vadd.f32 v7, v6;
	v4 =	vadd.f32 v5, v4;
	_ =	sdelay $0x1  }
0x292: {  	[tilespmem:s8+$0xFFFFFFA0] =	vst v6  }
0x293: {  	[tilespmem:s9+$0xFFFFFFA0] =	vst v4  }
0x294: {  	v4 =	vld [tilespmem:s14+$0xFFFFFFB0]  }
0x295: {  	v5 =	vld [tilespmem:s13+$0xFFFFFFB0];
	_ =	sdelay $0x3  }
0x296: {  	v6 =	vmul.f32 v4, v0;
	v4 =	vmul.f32 v4, v2  }
0x297: {  	v7 =	vmul.f32 v5, v1;
	v5 =	vmul.f32 v5, v3;
	_ =	sdelay $0x1  }
0x298: {  	v6 =	vadd.f32 v7, v6;
	v4 =	vadd.f32 v5, v4;
	_ =	sdelay $0x1  }
0x299: {  	[tilespmem:s8+$0xFFFFFFB0] =	vst v6  }
0x29a: {  	[tilespmem:s9+$0xFFFFFFB0] =	vst v4  }
0x29b: {  	v4 =	vld [tilespmem:s14+$0xFFFFFFC0]  }
0x29c: {  	v5 =	vld [tilespmem:s13+$0xFFFFFFC0];
	_ =	sdelay $0x3  }
0x29d: {  	v6 =	vmul.f32 v4, v0;
	v4 =	vmul.f32 v4, v2  }
0x29e: {  	v7 =	vmul.f32 v5, v1;
	v5 =	vmul.f32 v5, v3;
	_ =	sdelay $0x1  }
0x29f: {  	v6 =	vadd.f32 v7, v6;
	v4 =	vadd.f32 v5, v4;
	_ =	sdelay $0x1  }
0x2a0: {  	[tilespmem:s8+$0xFFFFFFC0] =	vst v6  }
0x2a1: {  	[tilespmem:s9+$0xFFFFFFC0] =	vst v4  }
0x2a2: {  	v4 =	vld [tilespmem:s14+$0xFFFFFFD0]  }
0x2a3: {  	v5 =	vld [tilespmem:s13+$0xFFFFFFD0];
	_ =	sdelay $0x3  }
0x2a4: {  	v6 =	vmul.f32 v4, v0;
	v4 =	vmul.f32 v4, v2  }
0x2a5: {  	v7 =	vmul.f32 v5, v1;
	v5 =	vmul.f32 v5, v3;
	_ =	sdelay $0x1  }
0x2a6: {  	v6 =	vadd.f32 v7, v6;
	v4 =	vadd.f32 v5, v4;
	_ =	sdelay $0x1  }
0x2a7: {  	[tilespmem:s8+$0xFFFFFFD0] =	vst v6  }
0x2a8: {  	[tilespmem:s9+$0xFFFFFFD0] =	vst v4  }
0x2a9: {  	v4 =	vld [tilespmem:s14+$0xFFFFFFE0]  }
0x2aa: {  	v5 =	vld [tilespmem:s13+$0xFFFFFFE0];
	_ =	sdelay $0x3  }
0x2ab: {  	v6 =	vmul.f32 v4, v0;
	v4 =	vmul.f32 v4, v2  }
0x2ac: {  	v7 =	vmul.f32 v5, v1;
	v5 =	vmul.f32 v5, v3;
	_ =	sdelay $0x1  }
0x2ad: {  	v6 =	vadd.f32 v7, v6;
	v4 =	vadd.f32 v5, v4;
	_ =	sdelay $0x1  }
0x2ae: {  	[tilespmem:s8+$0xFFFFFFE0] =	vst v6  }
0x2af: {  	[tilespmem:s9+$0xFFFFFFE0] =	vst v4  }
0x2b0: {  	v4 =	vld [tilespmem:s14+$0xFFFFFFF0]  }
0x2b1: {  	v5 =	vld [tilespmem:s13+$0xFFFFFFF0];
	_ =	sdelay $0x3  }
0x2b2: {  	v6 =	vmul.f32 v4, v0;
	v4 =	vmul.f32 v4, v2  }
0x2b3: {  	v7 =	vmul.f32 v5, v1;
	v5 =	vmul.f32 v5, v3;
	_ =	sdelay $0x1  }
0x2b4: {  	v6 =	vadd.f32 v7, v6;
	v4 =	vadd.f32 v5, v4;
	_ =	sdelay $0x1  }
0x2b5: {  	[tilespmem:s8+$0xFFFFFFF0] =	vst v6  }
.Ltmp19:
0x2b6: {  	[tilespmem:s9+$0xFFFFFFF0] =	vst v4;
	(pc) =	sbr.rel @p1 .LBB2_40-.Ltmp19, $3  }
0x2b7: {  	v4 =	vld [tilespmem:s14+$0x0]  }
0x2b8: {  	v5 =	vld [tilespmem:s13+$0x0];
	_ =	sdelay $0x1  }
0x2b9: {  	s14 =	sadd.s32 $0x100, s14;
	s13 =	sadd.s32 $0x100, s13  }
0x2ba: {  	_ =	sdelay $0x1  }
0x2bb: {  	v6 =	vmul.f32 v4, v0;
	v7 =	vmul.f32 v5, v1  }
0x2bc: {  	v4 =	vmul.f32 v4, v2;
	v5 =	vmul.f32 v5, v3  }
0x2bd: {  	v6 =	vadd.f32 v7, v6  }
0x2be: {  	v4 =	vadd.f32 v5, v4  }
0x2bf: {  	s8 =	simm.s32 $0x8280;
	[tilespmem:s11+$0x0] =	vst v6  }
0x2c0: {  	s9 =	simm.s32 $0x10;
	s11 =	sadd.s32 $0x0, s21;
	[tilespmem:s10+$0x0] =	vst v4;
	s10 =	simm.s32 $0x8380  }
.LBB2_42:
0x2c1: {  	[hbm4b:s11+s4] =	stream.linear.scatter [tilespmem:s8], [sflag:$0x5], $0x80, $0x38;
	[tilespmem:$0x10200] =	vst v63  }
0x2c2: {  	s11 =	smov.u32 s9;
	s8 =	smov.u32 s10;
	p1 =	sne.s32 s9, $0x3F0  }
.Ltmp20:
0x2c3: {  	s9 =	sadd.s32 $0x10, s9;
	(pc) =	sbr.rel @p1 .LBB2_42-.Ltmp20, $2  }
0x2c4: {  	_ =	sdelay $0x2  }
0x2c5: {  	s10 =	sadd.s32 $0x100, s10;
	s11 =	sadd.s32 s11, s21  }
0x2c6: {  	[hbm4b:s11+s4] =	stream.linear.scatter [tilespmem:s8], [sflag:$0x5], $0x80, $0x38;
	[tilespmem:$0x10200] =	vst v63  }
0x2c7: {  	s8 =	simm.s32 $0xC280  }
0x2c8: {  	s9 =	simm.s32 $0x10;
	s11 =	sadd.s32 $0x0, s22;
	s10 =	simm.s32 $0xC380  }
.LBB2_44:
0x2c9: {  	[hbm4b:s11+s4] =	stream.linear.scatter [tilespmem:s8], [sflag:$0x5], $0x80, $0x38;
	[tilespmem:$0x10200] =	vst v63  }
0x2ca: {  	s11 =	smov.u32 s9;
	s8 =	smov.u32 s10;
	p1 =	sne.s32 s9, $0x3F0  }
.Ltmp21:
0x2cb: {  	s9 =	sadd.s32 $0x10, s9;
	(pc) =	sbr.rel @p1 .LBB2_44-.Ltmp21, $2  }
0x2cc: {  	_ =	sdelay $0x2  }
0x2cd: {  	s10 =	sadd.s32 $0x100, s10;
	s11 =	sadd.s32 s11, s22  }
0x2ce: {  	[hbm4b:s11+s4] =	stream.linear.scatter [tilespmem:s8], [sflag:$0x5], $0x80, $0x38;
	[tilespmem:$0x10200] =	vst v63  }
0x2cf: {  	s8 =	simm.s32 $0x280  }
0x2d0: {  	s9 =	simm.s32 $0x10;
	s11 =	sadd.s32 $0x0, s26;
	s10 =	simm.s32 $0x380  }
.LBB2_46:
0x2d1: {  	[tilespmem:s8], [sflag:$0x3] =	stream.linear.gather [hbm4b:s11+s4], $0x80, $0x38;
	[tilespmem:$0x10200] =	vst v63  }
0x2d2: {  	s11 =	smov.u32 s9;
	s8 =	smov.u32 s10;
	p1 =	sne.s32 s9, $0x3F0  }
.Ltmp22:
0x2d3: {  	s9 =	sadd.s32 $0x10, s9;
	(pc) =	sbr.rel @p1 .LBB2_46-.Ltmp22, $2  }
0x2d4: {  	_ =	sdelay $0x2  }
0x2d5: {  	s10 =	sadd.s32 $0x100, s10;
	s11 =	sadd.s32 s11, s26  }
0x2d6: {  	[tilespmem:s8], [sflag:$0x3] =	stream.linear.gather [hbm4b:s11+s4], $0x80, $0x38;
	[tilespmem:$0x10200] =	vst v63  }
0x2d7: {  	s8 =	simm.s32 $0x4280  }
0x2d8: {  	s9 =	simm.s32 $0x10;
	s11 =	sadd.s32 $0x0, s29;
	s10 =	simm.s32 $0x4380  }
.LBB2_48:
0x2d9: {  	[tilespmem:s8], [sflag:$0x3] =	stream.linear.gather [hbm4b:s11+s4], $0x80, $0x38;
	[tilespmem:$0x10200] =	vst v63  }
0x2da: {  	s11 =	smov.u32 s9;
	s8 =	smov.u32 s10;
	p1 =	sne.s32 s9, $0x3F0  }
.Ltmp23:
0x2db: {  	s9 =	sadd.s32 $0x10, s9;
	(pc) =	sbr.rel @p1 .LBB2_48-.Ltmp23, $2  }
0x2dc: {  	_ =	sdelay $0x2  }
0x2dd: {  	s10 =	sadd.s32 $0x100, s10;
	s11 =	sadd.s32 s11, s29  }
0x2de: {  	[tilespmem:s8], [sflag:$0x3] =	stream.linear.gather [hbm4b:s11+s4], $0x80, $0x38;
	[tilespmem:$0x10200] =	vst v63  }
0x2df: {  	s13 =	simm.s32 $0x2  }
0x2e0: {  	_ =	swait.ge [sflag:s13], $0x2000  }
0x2e1: {  	[sflag:s13] =	ssyncset.done $0x0  }
0x2e2: {  	[sflag:s13] =	ssyncadd.s32 $0xFFFFE000  }
0x2e3: {  	_ =	swait.ge [sflag:s13], $0x2000  }
0x2e4: {  	[sflag:s13] =	ssyncset.done $0x0  }
0x2e5: {  	s14 =	simm.s32 $0x4;
	[sflag:s13] =	ssyncadd.s32 $0xFFFFE000  }
0x2e6: {  	_ =	swait.ge [sflag:s14], $0x2000  }
0x2e7: {  	[sflag:s14] =	ssyncset.done $0x0  }
0x2e8: {  	[sflag:s14] =	ssyncadd.s32 $0xFFFFE000  }
0x2e9: {  	_ =	swait.ge [sflag:s14], $0x2000  }
0x2ea: {  	[sflag:s14] =	ssyncset.done $0x0  }
0x2eb: {  	s8 =	simm.s32 $0x240;
	[sflag:s14] =	ssyncadd.s32 $0xFFFFE000  }
0x2ec: {  	s9 =	simm.s32 $0x4240;
	v4 =	vld [tilespmem:s8+$0xFFFFFFC0]  }
0x2ed: {  	v5 =	vld [tilespmem:s9+$0xFFFFFFC0];
	_ =	sdelay $0x4  }
0x2ee: {  	v6 =	vmul.f32 v4, v0;
	v7 =	vmul.f32 v5, v1  }
0x2ef: {  	v4 =	vmul.f32 v4, v2;
	v5 =	vmul.f32 v5, v3  }
0x2f0: {  	v6 =	vadd.f32 v7, v6  }
0x2f1: {  	s10 =	simm.s32 $0x8240;
	v4 =	vadd.f32 v5, v4  }
0x2f2: {  	s11 =	simm.s32 $0xC240;
	[tilespmem:s10+$0xFFFFFFC0] =	vst v6  }
0x2f3: {  	[tilespmem:s11+$0xFFFFFFC0] =	vst v4  }
0x2f4: {  	v4 =	vld [tilespmem:s8+$0xFFFFFFD0]  }
0x2f5: {  	v5 =	vld [tilespmem:s9+$0xFFFFFFD0];
	_ =	sdelay $0x4  }
0x2f6: {  	v6 =	vmul.f32 v4, v0;
	v7 =	vmul.f32 v5, v1  }
0x2f7: {  	v4 =	vmul.f32 v4, v2;
	v5 =	vmul.f32 v5, v3  }
0x2f8: {  	v6 =	vadd.f32 v7, v6  }
0x2f9: {  	v4 =	vadd.f32 v5, v4  }
0x2fa: {  	[tilespmem:s10+$0xFFFFFFD0] =	vst v6  }
0x2fb: {  	[tilespmem:s11+$0xFFFFFFD0] =	vst v4  }
0x2fc: {  	v4 =	vld [tilespmem:s8+$0xFFFFFFE0]  }
0x2fd: {  	v5 =	vld [tilespmem:s9+$0xFFFFFFE0];
	_ =	sdelay $0x4  }
0x2fe: {  	v6 =	vmul.f32 v4, v0;
	v7 =	vmul.f32 v5, v1  }
0x2ff: {  	v4 =	vmul.f32 v4, v2;
	v5 =	vmul.f32 v5, v3  }
0x300: {  	v6 =	vadd.f32 v7, v6  }
0x301: {  	v4 =	vadd.f32 v5, v4  }
0x302: {  	[tilespmem:s10+$0xFFFFFFE0] =	vst v6  }
0x303: {  	[tilespmem:s11+$0xFFFFFFE0] =	vst v4  }
0x304: {  	v4 =	vld [tilespmem:s8+$0xFFFFFFF0]  }
0x305: {  	v5 =	vld [tilespmem:s9+$0xFFFFFFF0];
	_ =	sdelay $0x4  }
0x306: {  	v6 =	vmul.f32 v4, v0;
	v7 =	vmul.f32 v5, v1  }
0x307: {  	v4 =	vmul.f32 v4, v2;
	v5 =	vmul.f32 v5, v3  }
0x308: {  	v6 =	vadd.f32 v7, v6  }
0x309: {  	v4 =	vadd.f32 v5, v4  }
0x30a: {  	[tilespmem:s10+$0xFFFFFFF0] =	vst v6  }
0x30b: {  	[tilespmem:s11+$0xFFFFFFF0] =	vst v4  }
0x30c: {  	v4 =	vld [tilespmem:s8+$0x0]  }
0x30d: {  	v5 =	vld [tilespmem:s9+$0x0];
	_ =	sdelay $0x4  }
0x30e: {  	v6 =	vmul.f32 v4, v0;
	v7 =	vmul.f32 v5, v1  }
0x30f: {  	v4 =	vmul.f32 v4, v2;
	v5 =	vmul.f32 v5, v3  }
0x310: {  	v6 =	vadd.f32 v7, v6  }
0x311: {  	v4 =	vadd.f32 v5, v4  }
0x312: {  	[tilespmem:s10+$0x0] =	vst v6  }
0x313: {  	[tilespmem:s11+$0x0] =	vst v4  }
0x314: {  	v4 =	vld [tilespmem:s8+$0x10]  }
0x315: {  	v5 =	vld [tilespmem:s9+$0x10];
	_ =	sdelay $0x4  }
0x316: {  	v6 =	vmul.f32 v4, v0;
	v7 =	vmul.f32 v5, v1  }
0x317: {  	v4 =	vmul.f32 v4, v2;
	v5 =	vmul.f32 v5, v3  }
0x318: {  	v6 =	vadd.f32 v7, v6  }
0x319: {  	v4 =	vadd.f32 v5, v4  }
0x31a: {  	[tilespmem:s10+$0x10] =	vst v6  }
0x31b: {  	[tilespmem:s11+$0x10] =	vst v4  }
0x31c: {  	v4 =	vld [tilespmem:s8+$0x20]  }
0x31d: {  	v5 =	vld [tilespmem:s9+$0x20];
	_ =	sdelay $0x4  }
0x31e: {  	v6 =	vmul.f32 v4, v0;
	v7 =	vmul.f32 v5, v1  }
0x31f: {  	v4 =	vmul.f32 v4, v2;
	v5 =	vmul.f32 v5, v3  }
0x320: {  	v6 =	vadd.f32 v7, v6  }
0x321: {  	v4 =	vadd.f32 v5, v4  }
0x322: {  	[tilespmem:s10+$0x20] =	vst v6  }
0x323: {  	[tilespmem:s11+$0x20] =	vst v4  }
0x324: {  	v4 =	vld [tilespmem:s8+$0x30]  }
0x325: {  	v5 =	vld [tilespmem:s9+$0x30];
	_ =	sdelay $0x1  }
0x326: {  	s12 =	simm.s32 $0x0;
	s13 =	simm.s32 $0x8340;
	s14 =	simm.s32 $0xC340  }
.LBB2_50:
0x327: {  	s12 =	sadd.s32 $0x8, s12;
	s8 =	sadd.s32 $0x100, s8;
	s9 =	sadd.s32 $0x100, s9  }
0x328: {  	p1 =	slt.u32 s12, $0x1F8;
	v6 =	vmul.f32 v4, v0;
	v4 =	vmul.f32 v4, v2  }
0x329: {  	v7 =	vmul.f32 v5, v1;
	v5 =	vmul.f32 v5, v3;
	_ =	sdelay $0x1  }
0x32a: {  	v6 =	vadd.f32 v7, v6;
	v4 =	vadd.f32 v5, v4;
	_ =	sdelay $0x1  }
0x32b: {  	[tilespmem:s10+$0x30] =	vst v6;
	s10 =	smov.u32 s13  }
0x32c: {  	[tilespmem:s11+$0x30] =	vst v4;
	s11 =	smov.u32 s14  }
0x32d: {  	v4 =	vld [tilespmem:s8+$0xFFFFFFC0]  }
0x32e: {  	v5 =	vld [tilespmem:s9+$0xFFFFFFC0];
	_ =	sdelay $0x4  }
0x32f: {  	v6 =	vmul.f32 v4, v0;
	v7 =	vmul.f32 v5, v1  }
0x330: {  	v4 =	vmul.f32 v4, v2;
	v5 =	vmul.f32 v5, v3  }
0x331: {  	v6 =	vadd.f32 v7, v6  }
0x332: {  	v4 =	vadd.f32 v5, v4  }
0x333: {  	[tilespmem:s13+$0xFFFFFFC0] =	vst v6  }
0x334: {  	[tilespmem:s14+$0xFFFFFFC0] =	vst v4  }
0x335: {  	v4 =	vld [tilespmem:s8+$0xFFFFFFD0]  }
0x336: {  	v5 =	vld [tilespmem:s9+$0xFFFFFFD0];
	_ =	sdelay $0x3  }
0x337: {  	v6 =	vmul.f32 v4, v0;
	v4 =	vmul.f32 v4, v2  }
0x338: {  	v7 =	vmul.f32 v5, v1;
	v5 =	vmul.f32 v5, v3;
	_ =	sdelay $0x1  }
0x339: {  	v6 =	vadd.f32 v7, v6;
	v4 =	vadd.f32 v5, v4;
	_ =	sdelay $0x1  }
0x33a: {  	[tilespmem:s13+$0xFFFFFFD0] =	vst v6  }
0x33b: {  	[tilespmem:s14+$0xFFFFFFD0] =	vst v4  }
0x33c: {  	v4 =	vld [tilespmem:s8+$0xFFFFFFE0]  }
0x33d: {  	v5 =	vld [tilespmem:s9+$0xFFFFFFE0];
	_ =	sdelay $0x3  }
0x33e: {  	v6 =	vmul.f32 v4, v0;
	v4 =	vmul.f32 v4, v2  }
0x33f: {  	v7 =	vmul.f32 v5, v1;
	v5 =	vmul.f32 v5, v3;
	_ =	sdelay $0x1  }
0x340: {  	v6 =	vadd.f32 v7, v6;
	v4 =	vadd.f32 v5, v4;
	_ =	sdelay $0x1  }
0x341: {  	[tilespmem:s13+$0xFFFFFFE0] =	vst v6  }
0x342: {  	[tilespmem:s14+$0xFFFFFFE0] =	vst v4  }
0x343: {  	v4 =	vld [tilespmem:s8+$0xFFFFFFF0]  }
0x344: {  	v5 =	vld [tilespmem:s9+$0xFFFFFFF0];
	_ =	sdelay $0x3  }
0x345: {  	v6 =	vmul.f32 v4, v0;
	v4 =	vmul.f32 v4, v2  }
0x346: {  	v7 =	vmul.f32 v5, v1;
	v5 =	vmul.f32 v5, v3;
	_ =	sdelay $0x1  }
0x347: {  	v6 =	vadd.f32 v7, v6;
	v4 =	vadd.f32 v5, v4;
	_ =	sdelay $0x1  }
0x348: {  	[tilespmem:s13+$0xFFFFFFF0] =	vst v6  }
0x349: {  	[tilespmem:s14+$0xFFFFFFF0] =	vst v4  }
0x34a: {  	v4 =	vld [tilespmem:s8+$0x0]  }
0x34b: {  	v5 =	vld [tilespmem:s9+$0x0];
	_ =	sdelay $0x3  }
0x34c: {  	v6 =	vmul.f32 v4, v0;
	v4 =	vmul.f32 v4, v2  }
0x34d: {  	v7 =	vmul.f32 v5, v1;
	v5 =	vmul.f32 v5, v3;
	_ =	sdelay $0x1  }
0x34e: {  	v6 =	vadd.f32 v7, v6;
	v4 =	vadd.f32 v5, v4;
	_ =	sdelay $0x1  }
0x34f: {  	[tilespmem:s13+$0x0] =	vst v6  }
0x350: {  	[tilespmem:s14+$0x0] =	vst v4  }
0x351: {  	v4 =	vld [tilespmem:s8+$0x10]  }
0x352: {  	v5 =	vld [tilespmem:s9+$0x10];
	_ =	sdelay $0x3  }
0x353: {  	v6 =	vmul.f32 v4, v0;
	v4 =	vmul.f32 v4, v2  }
0x354: {  	v7 =	vmul.f32 v5, v1;
	v5 =	vmul.f32 v5, v3;
	_ =	sdelay $0x1  }
0x355: {  	v6 =	vadd.f32 v7, v6;
	v4 =	vadd.f32 v5, v4;
	_ =	sdelay $0x1  }
0x356: {  	[tilespmem:s13+$0x10] =	vst v6  }
0x357: {  	[tilespmem:s14+$0x10] =	vst v4  }
0x358: {  	v4 =	vld [tilespmem:s8+$0x20]  }
0x359: {  	v5 =	vld [tilespmem:s9+$0x20];
	_ =	sdelay $0x3  }
0x35a: {  	v6 =	vmul.f32 v4, v0;
	v4 =	vmul.f32 v4, v2  }
0x35b: {  	v7 =	vmul.f32 v5, v1;
	v5 =	vmul.f32 v5, v3;
	_ =	sdelay $0x1  }
0x35c: {  	v6 =	vadd.f32 v7, v6;
	v4 =	vadd.f32 v5, v4;
	_ =	sdelay $0x1  }
0x35d: {  	[tilespmem:s13+$0x20] =	vst v6  }
.Ltmp24:
0x35e: {  	[tilespmem:s14+$0x20] =	vst v4;
	(pc) =	sbr.rel @p1 .LBB2_50-.Ltmp24, $3  }
0x35f: {  	v4 =	vld [tilespmem:s8+$0x30]  }
0x360: {  	v5 =	vld [tilespmem:s9+$0x30];
	_ =	sdelay $0x1  }
0x361: {  	s13 =	sadd.s32 $0x100, s13;
	s14 =	sadd.s32 $0x100, s14  }
0x362: {  	_ =	sdelay $0x1  }
0x363: {  	v6 =	vmul.f32 v4, v0;
	v7 =	vmul.f32 v5, v1  }
0x364: {  	v4 =	vmul.f32 v4, v2;
	v5 =	vmul.f32 v5, v3  }
0x365: {  	v6 =	vadd.f32 v7, v6  }
0x366: {  	v4 =	vadd.f32 v5, v4  }
0x367: {  	s8 =	simm.s32 $0x8200;
	[tilespmem:s10+$0x30] =	vst v6  }
0x368: {  	s9 =	simm.s32 $0x10;
	s10 =	simm.s32 $0x8300;
	[tilespmem:s11+$0x30] =	vst v4;
	s11 =	sadd.s32 $0x0, s23  }
.LBB2_52:
0x369: {  	[hbm4b:s11+s4] =	stream.linear.scatter [tilespmem:s8], [sflag:$0x4], $0x80, $0x38;
	[tilespmem:$0x10200] =	vst v63  }
0x36a: {  	s11 =	smov.u32 s9;
	s8 =	smov.u32 s10;
	p1 =	sne.s32 s9, $0x3F0  }
.Ltmp25:
0x36b: {  	s9 =	sadd.s32 $0x10, s9;
	(pc) =	sbr.rel @p1 .LBB2_52-.Ltmp25, $2  }
0x36c: {  	_ =	sdelay $0x2  }
0x36d: {  	s10 =	sadd.s32 $0x100, s10;
	s11 =	sadd.s32 s11, s23  }
0x36e: {  	[hbm4b:s11+s4] =	stream.linear.scatter [tilespmem:s8], [sflag:$0x4], $0x80, $0x38;
	[tilespmem:$0x10200] =	vst v63  }
0x36f: {  	s8 =	simm.s32 $0xC200  }
0x370: {  	s9 =	simm.s32 $0x10;
	s11 =	sadd.s32 $0x0, s25;
	s10 =	simm.s32 $0xC300  }
.LBB2_54:
0x371: {  	[hbm4b:s11+s4] =	stream.linear.scatter [tilespmem:s8], [sflag:$0x4], $0x80, $0x38;
	[tilespmem:$0x10200] =	vst v63  }
0x372: {  	s11 =	smov.u32 s9;
	s8 =	smov.u32 s10;
	p1 =	sne.s32 s9, $0x3F0  }
.Ltmp26:
0x373: {  	s9 =	sadd.s32 $0x10, s9;
	(pc) =	sbr.rel @p1 .LBB2_54-.Ltmp26, $2  }
0x374: {  	_ =	sdelay $0x2  }
0x375: {  	s10 =	sadd.s32 $0x100, s10;
	s11 =	sadd.s32 s11, s25  }
0x376: {  	[hbm4b:s11+s4] =	stream.linear.scatter [tilespmem:s8], [sflag:$0x4], $0x80, $0x38;
	[tilespmem:$0x10200] =	vst v63  }
0x377: {  	s8 =	simm.s32 $0x200  }
0x378: {  	s9 =	simm.s32 $0x10;
	s11 =	sadd.s32 $0x0, s31;
	s10 =	simm.s32 $0x300  }
.LBB2_56:
0x379: {  	[tilespmem:s8], [sflag:$0x2] =	stream.linear.gather [hbm4b:s11+s4], $0x80, $0x38;
	[tilespmem:$0x10200] =	vst v63  }
0x37a: {  	s11 =	smov.u32 s9;
	s8 =	smov.u32 s10;
	p1 =	sne.s32 s9, $0x3F0  }
.Ltmp27:
0x37b: {  	s9 =	sadd.s32 $0x10, s9;
	(pc) =	sbr.rel @p1 .LBB2_56-.Ltmp27, $2  }
0x37c: {  	_ =	sdelay $0x2  }
0x37d: {  	s10 =	sadd.s32 $0x100, s10;
	s11 =	sadd.s32 s11, s31  }
0x37e: {  	[tilespmem:s8], [sflag:$0x2] =	stream.linear.gather [hbm4b:s11+s4], $0x80, $0x38;
	[tilespmem:$0x10200] =	vst v63  }
0x37f: {  	s8 =	simm.s32 $0x4200  }
0x380: {  	s9 =	simm.s32 $0x10;
	s11 =	sadd.s32 $0x0, s0;
	s10 =	simm.s32 $0x4300  }
.LBB2_58:
0x381: {  	[tilespmem:s8], [sflag:$0x2] =	stream.linear.gather [hbm4b:s11+s4], $0x80, $0x38;
	[tilespmem:$0x10200] =	vst v63  }
0x382: {  	s11 =	smov.u32 s9;
	s8 =	smov.u32 s10;
	p1 =	sne.s32 s9, $0x3F0  }
.Ltmp28:
0x383: {  	s9 =	sadd.s32 $0x10, s9;
	(pc) =	sbr.rel @p1 .LBB2_58-.Ltmp28, $2  }
0x384: {  	_ =	sdelay $0x2  }
0x385: {  	s10 =	sadd.s32 $0x100, s10;
	s11 =	sadd.s32 s11, s0  }
0x386: {  	[tilespmem:s8], [sflag:$0x2] =	stream.linear.gather [hbm4b:s11+s4], $0x80, $0x38;
	[tilespmem:$0x10200] =	vst v63  }
0x387: {  	s12 =	simm.s32 $0x3  }
0x388: {  	_ =	swait.ge [sflag:s12], $0x2000  }
0x389: {  	[sflag:s12] =	ssyncset.done $0x0  }
0x38a: {  	[sflag:s12] =	ssyncadd.s32 $0xFFFFE000  }
0x38b: {  	_ =	swait.ge [sflag:s12], $0x2000  }
0x38c: {  	[sflag:s12] =	ssyncset.done $0x0  }
0x38d: {  	s13 =	simm.s32 $0x5;
	[sflag:s12] =	ssyncadd.s32 $0xFFFFE000  }
0x38e: {  	_ =	swait.ge [sflag:s13], $0x2000  }
0x38f: {  	[sflag:s13] =	ssyncset.done $0x0  }
0x390: {  	[sflag:s13] =	ssyncadd.s32 $0xFFFFE000  }
0x391: {  	_ =	swait.ge [sflag:s13], $0x2000  }
0x392: {  	[sflag:s13] =	ssyncset.done $0x0  }
0x393: {  	s14 =	simm.s32 $0x2F0;
	[sflag:s13] =	ssyncadd.s32 $0xFFFFE000  }
0x394: {  	s10 =	simm.s32 $0x42F0;
	v4 =	vld [tilespmem:s14+$0xFFFFFF90]  }
0x395: {  	v5 =	vld [tilespmem:s10+$0xFFFFFF90];
	_ =	sdelay $0x4  }
0x396: {  	v6 =	vmul.f32 v4, v0;
	v7 =	vmul.f32 v5, v1  }
0x397: {  	v4 =	vmul.f32 v4, v2;
	v5 =	vmul.f32 v5, v3  }
0x398: {  	v6 =	vadd.f32 v7, v6  }
0x399: {  	s8 =	simm.s32 $0x82F0;
	v4 =	vadd.f32 v5, v4  }
0x39a: {  	s9 =	simm.s32 $0xC2F0;
	[tilespmem:s8+$0xFFFFFF90] =	vst v6  }
0x39b: {  	[tilespmem:s9+$0xFFFFFF90] =	vst v4  }
0x39c: {  	v4 =	vld [tilespmem:s14+$0xFFFFFFA0]  }
0x39d: {  	v5 =	vld [tilespmem:s10+$0xFFFFFFA0];
	_ =	sdelay $0x4  }
0x39e: {  	v6 =	vmul.f32 v4, v0;
	v7 =	vmul.f32 v5, v1  }
0x39f: {  	v4 =	vmul.f32 v4, v2;
	v5 =	vmul.f32 v5, v3  }
0x3a0: {  	v6 =	vadd.f32 v7, v6  }
0x3a1: {  	v4 =	vadd.f32 v5, v4  }
0x3a2: {  	[tilespmem:s8+$0xFFFFFFA0] =	vst v6  }
0x3a3: {  	[tilespmem:s9+$0xFFFFFFA0] =	vst v4  }
0x3a4: {  	v4 =	vld [tilespmem:s14+$0xFFFFFFB0]  }
0x3a5: {  	v5 =	vld [tilespmem:s10+$0xFFFFFFB0];
	_ =	sdelay $0x4  }
0x3a6: {  	v6 =	vmul.f32 v4, v0;
	v7 =	vmul.f32 v5, v1  }
0x3a7: {  	v4 =	vmul.f32 v4, v2;
	v5 =	vmul.f32 v5, v3  }
0x3a8: {  	v6 =	vadd.f32 v7, v6  }
0x3a9: {  	v4 =	vadd.f32 v5, v4  }
0x3aa: {  	[tilespmem:s8+$0xFFFFFFB0] =	vst v6  }
0x3ab: {  	[tilespmem:s9+$0xFFFFFFB0] =	vst v4  }
0x3ac: {  	v4 =	vld [tilespmem:s14+$0xFFFFFFC0]  }
0x3ad: {  	v5 =	vld [tilespmem:s10+$0xFFFFFFC0];
	_ =	sdelay $0x4  }
0x3ae: {  	v6 =	vmul.f32 v4, v0;
	v7 =	vmul.f32 v5, v1  }
0x3af: {  	v4 =	vmul.f32 v4, v2;
	v5 =	vmul.f32 v5, v3  }
0x3b0: {  	v6 =	vadd.f32 v7, v6  }
0x3b1: {  	v4 =	vadd.f32 v5, v4  }
0x3b2: {  	[tilespmem:s8+$0xFFFFFFC0] =	vst v6  }
0x3b3: {  	[tilespmem:s9+$0xFFFFFFC0] =	vst v4  }
0x3b4: {  	v4 =	vld [tilespmem:s14+$0xFFFFFFD0]  }
0x3b5: {  	v5 =	vld [tilespmem:s10+$0xFFFFFFD0];
	_ =	sdelay $0x4  }
0x3b6: {  	v6 =	vmul.f32 v4, v0;
	v7 =	vmul.f32 v5, v1  }
0x3b7: {  	v4 =	vmul.f32 v4, v2;
	v5 =	vmul.f32 v5, v3  }
0x3b8: {  	v6 =	vadd.f32 v7, v6  }
0x3b9: {  	v4 =	vadd.f32 v5, v4  }
0x3ba: {  	[tilespmem:s8+$0xFFFFFFD0] =	vst v6  }
0x3bb: {  	[tilespmem:s9+$0xFFFFFFD0] =	vst v4  }
0x3bc: {  	v4 =	vld [tilespmem:s14+$0xFFFFFFE0]  }
0x3bd: {  	v5 =	vld [tilespmem:s10+$0xFFFFFFE0];
	_ =	sdelay $0x4  }
0x3be: {  	v6 =	vmul.f32 v4, v0;
	v7 =	vmul.f32 v5, v1  }
0x3bf: {  	v4 =	vmul.f32 v4, v2;
	v5 =	vmul.f32 v5, v3  }
0x3c0: {  	v6 =	vadd.f32 v7, v6  }
0x3c1: {  	v4 =	vadd.f32 v5, v4  }
0x3c2: {  	[tilespmem:s8+$0xFFFFFFE0] =	vst v6  }
0x3c3: {  	[tilespmem:s9+$0xFFFFFFE0] =	vst v4  }
0x3c4: {  	v4 =	vld [tilespmem:s14+$0xFFFFFFF0]  }
0x3c5: {  	v5 =	vld [tilespmem:s10+$0xFFFFFFF0];
	_ =	sdelay $0x4  }
0x3c6: {  	v6 =	vmul.f32 v4, v0;
	v7 =	vmul.f32 v5, v1  }
0x3c7: {  	v4 =	vmul.f32 v4, v2;
	v5 =	vmul.f32 v5, v3  }
0x3c8: {  	v6 =	vadd.f32 v7, v6  }
0x3c9: {  	v4 =	vadd.f32 v5, v4  }
0x3ca: {  	[tilespmem:s8+$0xFFFFFFF0] =	vst v6  }
0x3cb: {  	[tilespmem:s9+$0xFFFFFFF0] =	vst v4  }
0x3cc: {  	v4 =	vld [tilespmem:s14+$0x0]  }
0x3cd: {  	v5 =	vld [tilespmem:s10+$0x0]  }
0x3ce: {  	s11 =	simm.s32 $0x82F0;
	s12 =	simm.s32 $0x0  }
0x3cf: {  	s13 =	simm.s32 $0x43F0;
	s14 =	simm.s32 $0x3F0;
	s10 =	simm.s32 $0xC2F0  }
.LBB2_60:
0x3d0: {  	s12 =	sadd.s32 $0x8, s12;
	s9 =	sadd.s32 $0x100, s9;
	s8 =	sadd.s32 $0x100, s8  }
0x3d1: {  	p1 =	slt.u32 s12, $0x1F8;
	v6 =	vmul.f32 v4, v0;
	v4 =	vmul.f32 v4, v2  }
0x3d2: {  	v7 =	vmul.f32 v5, v1;
	v5 =	vmul.f32 v5, v3;
	_ =	sdelay $0x1  }
0x3d3: {  	v6 =	vadd.f32 v7, v6;
	v4 =	vadd.f32 v5, v4;
	_ =	sdelay $0x1  }
0x3d4: {  	[tilespmem:s11+$0x0] =	vst v6;
	s11 =	smov.u32 s8  }
0x3d5: {  	[tilespmem:s10+$0x0] =	vst v4;
	s10 =	smov.u32 s9  }
0x3d6: {  	v4 =	vld [tilespmem:s14+$0xFFFFFF90]  }
0x3d7: {  	v5 =	vld [tilespmem:s13+$0xFFFFFF90];
	_ =	sdelay $0x4  }
0x3d8: {  	v6 =	vmul.f32 v4, v0;
	v7 =	vmul.f32 v5, v1  }
0x3d9: {  	v4 =	vmul.f32 v4, v2;
	v5 =	vmul.f32 v5, v3  }
0x3da: {  	v6 =	vadd.f32 v7, v6  }
0x3db: {  	v4 =	vadd.f32 v5, v4  }
0x3dc: {  	[tilespmem:s8+$0xFFFFFF90] =	vst v6  }
0x3dd: {  	[tilespmem:s9+$0xFFFFFF90] =	vst v4  }
0x3de: {  	v4 =	vld [tilespmem:s14+$0xFFFFFFA0]  }
0x3df: {  	v5 =	vld [tilespmem:s13+$0xFFFFFFA0];
	_ =	sdelay $0x3  }
0x3e0: {  	v6 =	vmul.f32 v4, v0;
	v4 =	vmul.f32 v4, v2  }
0x3e1: {  	v7 =	vmul.f32 v5, v1;
	v5 =	vmul.f32 v5, v3;
	_ =	sdelay $0x1  }
0x3e2: {  	v6 =	vadd.f32 v7, v6;
	v4 =	vadd.f32 v5, v4;
	_ =	sdelay $0x1  }
0x3e3: {  	[tilespmem:s8+$0xFFFFFFA0] =	vst v6  }
0x3e4: {  	[tilespmem:s9+$0xFFFFFFA0] =	vst v4  }
0x3e5: {  	v4 =	vld [tilespmem:s14+$0xFFFFFFB0]  }
0x3e6: {  	v5 =	vld [tilespmem:s13+$0xFFFFFFB0];
	_ =	sdelay $0x3  }
0x3e7: {  	v6 =	vmul.f32 v4, v0;
	v4 =	vmul.f32 v4, v2  }
0x3e8: {  	v7 =	vmul.f32 v5, v1;
	v5 =	vmul.f32 v5, v3;
	_ =	sdelay $0x1  }
0x3e9: {  	v6 =	vadd.f32 v7, v6;
	v4 =	vadd.f32 v5, v4;
	_ =	sdelay $0x1  }
0x3ea: {  	[tilespmem:s8+$0xFFFFFFB0] =	vst v6  }
0x3eb: {  	[tilespmem:s9+$0xFFFFFFB0] =	vst v4  }
0x3ec: {  	v4 =	vld [tilespmem:s14+$0xFFFFFFC0]  }
0x3ed: {  	v5 =	vld [tilespmem:s13+$0xFFFFFFC0];
	_ =	sdelay $0x3  }
0x3ee: {  	v6 =	vmul.f32 v4, v0;
	v4 =	vmul.f32 v4, v2  }
0x3ef: {  	v7 =	vmul.f32 v5, v1;
	v5 =	vmul.f32 v5, v3;
	_ =	sdelay $0x1  }
0x3f0: {  	v6 =	vadd.f32 v7, v6;
	v4 =	vadd.f32 v5, v4;
	_ =	sdelay $0x1  }
0x3f1: {  	[tilespmem:s8+$0xFFFFFFC0] =	vst v6  }
0x3f2: {  	[tilespmem:s9+$0xFFFFFFC0] =	vst v4  }
0x3f3: {  	v4 =	vld [tilespmem:s14+$0xFFFFFFD0]  }
0x3f4: {  	v5 =	vld [tilespmem:s13+$0xFFFFFFD0];
	_ =	sdelay $0x3  }
0x3f5: {  	v6 =	vmul.f32 v4, v0;
	v4 =	vmul.f32 v4, v2  }
0x3f6: {  	v7 =	vmul.f32 v5, v1;
	v5 =	vmul.f32 v5, v3;
	_ =	sdelay $0x1  }
0x3f7: {  	v6 =	vadd.f32 v7, v6;
	v4 =	vadd.f32 v5, v4;
	_ =	sdelay $0x1  }
0x3f8: {  	[tilespmem:s8+$0xFFFFFFD0] =	vst v6  }
0x3f9: {  	[tilespmem:s9+$0xFFFFFFD0] =	vst v4  }
0x3fa: {  	v4 =	vld [tilespmem:s14+$0xFFFFFFE0]  }
0x3fb: {  	v5 =	vld [tilespmem:s13+$0xFFFFFFE0];
	_ =	sdelay $0x3  }
0x3fc: {  	v6 =	vmul.f32 v4, v0;
	v4 =	vmul.f32 v4, v2  }
0x3fd: {  	v7 =	vmul.f32 v5, v1;
	v5 =	vmul.f32 v5, v3;
	_ =	sdelay $0x1  }
0x3fe: {  	v6 =	vadd.f32 v7, v6;
	v4 =	vadd.f32 v5, v4;
	_ =	sdelay $0x1  }
0x3ff: {  	[tilespmem:s8+$0xFFFFFFE0] =	vst v6  }
0x400: {  	[tilespmem:s9+$0xFFFFFFE0] =	vst v4  }
0x401: {  	v4 =	vld [tilespmem:s14+$0xFFFFFFF0]  }
0x402: {  	v5 =	vld [tilespmem:s13+$0xFFFFFFF0];
	_ =	sdelay $0x3  }
0x403: {  	v6 =	vmul.f32 v4, v0;
	v4 =	vmul.f32 v4, v2  }
0x404: {  	v7 =	vmul.f32 v5, v1;
	v5 =	vmul.f32 v5, v3;
	_ =	sdelay $0x1  }
0x405: {  	v6 =	vadd.f32 v7, v6;
	v4 =	vadd.f32 v5, v4;
	_ =	sdelay $0x1  }
0x406: {  	[tilespmem:s8+$0xFFFFFFF0] =	vst v6  }
.Ltmp29:
0x407: {  	[tilespmem:s9+$0xFFFFFFF0] =	vst v4;
	(pc) =	sbr.rel @p1 .LBB2_60-.Ltmp29, $3  }
0x408: {  	v4 =	vld [tilespmem:s14+$0x0]  }
0x409: {  	v5 =	vld [tilespmem:s13+$0x0];
	_ =	sdelay $0x1  }
0x40a: {  	s14 =	sadd.s32 $0x100, s14;
	s13 =	sadd.s32 $0x100, s13  }
0x40b: {  	_ =	sdelay $0x1  }
0x40c: {  	v6 =	vmul.f32 v4, v0;
	v7 =	vmul.f32 v5, v1  }
0x40d: {  	v4 =	vmul.f32 v4, v2;
	v5 =	vmul.f32 v5, v3  }
0x40e: {  	v6 =	vadd.f32 v7, v6  }
0x40f: {  	v4 =	vadd.f32 v5, v4  }
0x410: {  	s8 =	simm.s32 $0x8280;
	[tilespmem:s11+$0x0] =	vst v6  }
0x411: {  	s9 =	simm.s32 $0x10;
	s11 =	sadd.s32 $0x0, s28;
	[tilespmem:s10+$0x0] =	vst v4;
	s10 =	simm.s32 $0x8380  }
.LBB2_62:
0x412: {  	[hbm4b:s11+s4] =	stream.linear.scatter [tilespmem:s8], [sflag:$0x5], $0x80, $0x38;
	[tilespmem:$0x10200] =	vst v63  }
0x413: {  	s11 =	smov.u32 s9;
	s8 =	smov.u32 s10;
	p1 =	sne.s32 s9, $0x3F0  }
.Ltmp30:
0x414: {  	s9 =	sadd.s32 $0x10, s9;
	(pc) =	sbr.rel @p1 .LBB2_62-.Ltmp30, $2  }
0x415: {  	_ =	sdelay $0x2  }
0x416: {  	s10 =	sadd.s32 $0x100, s10;
	s11 =	sadd.s32 s11, s28  }
0x417: {  	[hbm4b:s11+s4] =	stream.linear.scatter [tilespmem:s8], [sflag:$0x5], $0x80, $0x38;
	[tilespmem:$0x10200] =	vst v63  }
0x418: {  	s8 =	simm.s32 $0xC280  }
0x419: {  	s9 =	simm.s32 $0x10;
	s11 =	sadd.s32 $0x0, s30;
	s10 =	simm.s32 $0xC380  }
.LBB2_64:
0x41a: {  	[hbm4b:s11+s4] =	stream.linear.scatter [tilespmem:s8], [sflag:$0x5], $0x80, $0x38;
	[tilespmem:$0x10200] =	vst v63  }
0x41b: {  	s11 =	smov.u32 s9;
	s8 =	smov.u32 s10;
	p1 =	sne.s32 s9, $0x3F0  }
.Ltmp31:
0x41c: {  	s9 =	sadd.s32 $0x10, s9;
	(pc) =	sbr.rel @p1 .LBB2_64-.Ltmp31, $2  }
0x41d: {  	_ =	sdelay $0x2  }
0x41e: {  	s10 =	sadd.s32 $0x100, s10;
	s11 =	sadd.s32 s11, s30  }
0x41f: {  	[hbm4b:s11+s4] =	stream.linear.scatter [tilespmem:s8], [sflag:$0x5], $0x80, $0x38;
	[tilespmem:$0x10200] =	vst v63  }
0x420: {  	s8 =	simm.s32 $0x280  }
0x421: {  	s9 =	simm.s32 $0x10;
	s11 =	sadd.s32 $0x0, s3;
	s10 =	simm.s32 $0x380  }
.LBB2_66:
0x422: {  	[tilespmem:s8], [sflag:$0x3] =	stream.linear.gather [hbm4b:s11+s4], $0x80, $0x38;
	[tilespmem:$0x10200] =	vst v63  }
0x423: {  	s11 =	smov.u32 s9;
	s8 =	smov.u32 s10;
	p1 =	sne.s32 s9, $0x3F0  }
.Ltmp32:
0x424: {  	s9 =	sadd.s32 $0x10, s9;
	(pc) =	sbr.rel @p1 .LBB2_66-.Ltmp32, $2  }
0x425: {  	_ =	sdelay $0x2  }
0x426: {  	s10 =	sadd.s32 $0x100, s10;
	s11 =	sadd.s32 s11, s3  }
0x427: {  	[tilespmem:s8], [sflag:$0x3] =	stream.linear.gather [hbm4b:s11+s4], $0x80, $0x38;
	[tilespmem:$0x10200] =	vst v63  }
0x428: {  	s8 =	simm.s32 $0x4280  }
0x429: {  	s9 =	simm.s32 $0x10;
	s11 =	sadd.s32 $0x0, s6;
	s10 =	simm.s32 $0x4380  }
.LBB2_68:
0x42a: {  	[tilespmem:s8], [sflag:$0x3] =	stream.linear.gather [hbm4b:s11+s4], $0x80, $0x38;
	[tilespmem:$0x10200] =	vst v63  }
0x42b: {  	s11 =	smov.u32 s9;
	s8 =	smov.u32 s10;
	p1 =	sne.s32 s9, $0x3F0  }
.Ltmp33:
0x42c: {  	s9 =	sadd.s32 $0x10, s9;
	(pc) =	sbr.rel @p1 .LBB2_68-.Ltmp33, $2  }
0x42d: {  	_ =	sdelay $0x2  }
0x42e: {  	s10 =	sadd.s32 $0x100, s10;
	s11 =	sadd.s32 s11, s6  }
0x42f: {  	[tilespmem:s8], [sflag:$0x3] =	stream.linear.gather [hbm4b:s11+s4], $0x80, $0x38;
	[tilespmem:$0x10200] =	vst v63  }
0x430: {  	s13 =	simm.s32 $0x2  }
0x431: {  	_ =	swait.ge [sflag:s13], $0x2000  }
0x432: {  	[sflag:s13] =	ssyncset.done $0x0  }
0x433: {  	[sflag:s13] =	ssyncadd.s32 $0xFFFFE000  }
0x434: {  	_ =	swait.ge [sflag:s13], $0x2000  }
0x435: {  	[sflag:s13] =	ssyncset.done $0x0  }
0x436: {  	s14 =	simm.s32 $0x4;
	[sflag:s13] =	ssyncadd.s32 $0xFFFFE000  }
0x437: {  	_ =	swait.ge [sflag:s14], $0x2000  }
0x438: {  	[sflag:s14] =	ssyncset.done $0x0  }
0x439: {  	[sflag:s14] =	ssyncadd.s32 $0xFFFFE000  }
0x43a: {  	_ =	swait.ge [sflag:s14], $0x2000  }
0x43b: {  	[sflag:s14] =	ssyncset.done $0x0  }
0x43c: {  	s8 =	simm.s32 $0x240;
	[sflag:s14] =	ssyncadd.s32 $0xFFFFE000  }
0x43d: {  	s9 =	simm.s32 $0x4240;
	v4 =	vld [tilespmem:s8+$0xFFFFFFC0]  }
0x43e: {  	v5 =	vld [tilespmem:s9+$0xFFFFFFC0];
	_ =	sdelay $0x4  }
0x43f: {  	v6 =	vmul.f32 v4, v0;
	v7 =	vmul.f32 v5, v1  }
0x440: {  	v4 =	vmul.f32 v4, v2;
	v5 =	vmul.f32 v5, v3  }
0x441: {  	v6 =	vadd.f32 v7, v6  }
0x442: {  	s10 =	simm.s32 $0x8240;
	v4 =	vadd.f32 v5, v4  }
0x443: {  	s11 =	simm.s32 $0xC240;
	[tilespmem:s10+$0xFFFFFFC0] =	vst v6  }
0x444: {  	[tilespmem:s11+$0xFFFFFFC0] =	vst v4  }
0x445: {  	v4 =	vld [tilespmem:s8+$0xFFFFFFD0]  }
0x446: {  	v5 =	vld [tilespmem:s9+$0xFFFFFFD0];
	_ =	sdelay $0x4  }
0x447: {  	v6 =	vmul.f32 v4, v0;
	v7 =	vmul.f32 v5, v1  }
0x448: {  	v4 =	vmul.f32 v4, v2;
	v5 =	vmul.f32 v5, v3  }
0x449: {  	v6 =	vadd.f32 v7, v6  }
0x44a: {  	v4 =	vadd.f32 v5, v4  }
0x44b: {  	[tilespmem:s10+$0xFFFFFFD0] =	vst v6  }
0x44c: {  	[tilespmem:s11+$0xFFFFFFD0] =	vst v4  }
0x44d: {  	v4 =	vld [tilespmem:s8+$0xFFFFFFE0]  }
0x44e: {  	v5 =	vld [tilespmem:s9+$0xFFFFFFE0];
	_ =	sdelay $0x4  }
0x44f: {  	v6 =	vmul.f32 v4, v0;
	v7 =	vmul.f32 v5, v1  }
0x450: {  	v4 =	vmul.f32 v4, v2;
	v5 =	vmul.f32 v5, v3  }
0x451: {  	v6 =	vadd.f32 v7, v6  }
0x452: {  	v4 =	vadd.f32 v5, v4  }
0x453: {  	[tilespmem:s10+$0xFFFFFFE0] =	vst v6  }
0x454: {  	[tilespmem:s11+$0xFFFFFFE0] =	vst v4  }
0x455: {  	v4 =	vld [tilespmem:s8+$0xFFFFFFF0]  }
0x456: {  	v5 =	vld [tilespmem:s9+$0xFFFFFFF0];
	_ =	sdelay $0x4  }
0x457: {  	v6 =	vmul.f32 v4, v0;
	v7 =	vmul.f32 v5, v1  }
0x458: {  	v4 =	vmul.f32 v4, v2;
	v5 =	vmul.f32 v5, v3  }
0x459: {  	v6 =	vadd.f32 v7, v6  }
0x45a: {  	v4 =	vadd.f32 v5, v4  }
0x45b: {  	[tilespmem:s10+$0xFFFFFFF0] =	vst v6  }
0x45c: {  	[tilespmem:s11+$0xFFFFFFF0] =	vst v4  }
0x45d: {  	v4 =	vld [tilespmem:s8+$0x0]  }
0x45e: {  	v5 =	vld [tilespmem:s9+$0x0];
	_ =	sdelay $0x4  }
0x45f: {  	v6 =	vmul.f32 v4, v0;
	v7 =	vmul.f32 v5, v1  }
0x460: {  	v4 =	vmul.f32 v4, v2;
	v5 =	vmul.f32 v5, v3  }
0x461: {  	v6 =	vadd.f32 v7, v6  }
0x462: {  	v4 =	vadd.f32 v5, v4  }
0x463: {  	[tilespmem:s10+$0x0] =	vst v6  }
0x464: {  	[tilespmem:s11+$0x0] =	vst v4  }
0x465: {  	v4 =	vld [tilespmem:s8+$0x10]  }
0x466: {  	v5 =	vld [tilespmem:s9+$0x10];
	_ =	sdelay $0x4  }
0x467: {  	v6 =	vmul.f32 v4, v0;
	v7 =	vmul.f32 v5, v1  }
0x468: {  	v4 =	vmul.f32 v4, v2;
	v5 =	vmul.f32 v5, v3  }
0x469: {  	v6 =	vadd.f32 v7, v6  }
0x46a: {  	v4 =	vadd.f32 v5, v4  }
0x46b: {  	[tilespmem:s10+$0x10] =	vst v6  }
0x46c: {  	[tilespmem:s11+$0x10] =	vst v4  }
0x46d: {  	v4 =	vld [tilespmem:s8+$0x20]  }
0x46e: {  	v5 =	vld [tilespmem:s9+$0x20];
	_ =	sdelay $0x4  }
0x46f: {  	v6 =	vmul.f32 v4, v0;
	v7 =	vmul.f32 v5, v1  }
0x470: {  	v4 =	vmul.f32 v4, v2;
	v5 =	vmul.f32 v5, v3  }
0x471: {  	v6 =	vadd.f32 v7, v6  }
0x472: {  	v4 =	vadd.f32 v5, v4  }
0x473: {  	[tilespmem:s10+$0x20] =	vst v6  }
0x474: {  	[tilespmem:s11+$0x20] =	vst v4  }
0x475: {  	v4 =	vld [tilespmem:s8+$0x30]  }
0x476: {  	v5 =	vld [tilespmem:s9+$0x30];
	_ =	sdelay $0x1  }
0x477: {  	s12 =	simm.s32 $0x0;
	s13 =	simm.s32 $0x8340;
	s14 =	simm.s32 $0xC340  }
.LBB2_70:
0x478: {  	s12 =	sadd.s32 $0x8, s12;
	s8 =	sadd.s32 $0x100, s8;
	s9 =	sadd.s32 $0x100, s9  }
0x479: {  	p1 =	slt.u32 s12, $0x1F8;
	v6 =	vmul.f32 v4, v0;
	v4 =	vmul.f32 v4, v2  }
0x47a: {  	v7 =	vmul.f32 v5, v1;
	v5 =	vmul.f32 v5, v3;
	_ =	sdelay $0x1  }
0x47b: {  	v6 =	vadd.f32 v7, v6;
	v4 =	vadd.f32 v5, v4;
	_ =	sdelay $0x1  }
0x47c: {  	[tilespmem:s10+$0x30] =	vst v6;
	s10 =	smov.u32 s13  }
0x47d: {  	[tilespmem:s11+$0x30] =	vst v4;
	s11 =	smov.u32 s14  }
0x47e: {  	v4 =	vld [tilespmem:s8+$0xFFFFFFC0]  }
0x47f: {  	v5 =	vld [tilespmem:s9+$0xFFFFFFC0];
	_ =	sdelay $0x4  }
0x480: {  	v6 =	vmul.f32 v4, v0;
	v7 =	vmul.f32 v5, v1  }
0x481: {  	v4 =	vmul.f32 v4, v2;
	v5 =	vmul.f32 v5, v3  }
0x482: {  	v6 =	vadd.f32 v7, v6  }
0x483: {  	v4 =	vadd.f32 v5, v4  }
0x484: {  	[tilespmem:s13+$0xFFFFFFC0] =	vst v6  }
0x485: {  	[tilespmem:s14+$0xFFFFFFC0] =	vst v4  }
0x486: {  	v4 =	vld [tilespmem:s8+$0xFFFFFFD0]  }
0x487: {  	v5 =	vld [tilespmem:s9+$0xFFFFFFD0];
	_ =	sdelay $0x3  }
0x488: {  	v6 =	vmul.f32 v4, v0;
	v4 =	vmul.f32 v4, v2  }
0x489: {  	v7 =	vmul.f32 v5, v1;
	v5 =	vmul.f32 v5, v3;
	_ =	sdelay $0x1  }
0x48a: {  	v6 =	vadd.f32 v7, v6;
	v4 =	vadd.f32 v5, v4;
	_ =	sdelay $0x1  }
0x48b: {  	[tilespmem:s13+$0xFFFFFFD0] =	vst v6  }
0x48c: {  	[tilespmem:s14+$0xFFFFFFD0] =	vst v4  }
0x48d: {  	v4 =	vld [tilespmem:s8+$0xFFFFFFE0]  }
0x48e: {  	v5 =	vld [tilespmem:s9+$0xFFFFFFE0];
	_ =	sdelay $0x3  }
0x48f: {  	v6 =	vmul.f32 v4, v0;
	v4 =	vmul.f32 v4, v2  }
0x490: {  	v7 =	vmul.f32 v5, v1;
	v5 =	vmul.f32 v5, v3;
	_ =	sdelay $0x1  }
0x491: {  	v6 =	vadd.f32 v7, v6;
	v4 =	vadd.f32 v5, v4;
	_ =	sdelay $0x1  }
0x492: {  	[tilespmem:s13+$0xFFFFFFE0] =	vst v6  }
0x493: {  	[tilespmem:s14+$0xFFFFFFE0] =	vst v4  }
0x494: {  	v4 =	vld [tilespmem:s8+$0xFFFFFFF0]  }
0x495: {  	v5 =	vld [tilespmem:s9+$0xFFFFFFF0];
	_ =	sdelay $0x3  }
0x496: {  	v6 =	vmul.f32 v4, v0;
	v4 =	vmul.f32 v4, v2  }
0x497: {  	v7 =	vmul.f32 v5, v1;
	v5 =	vmul.f32 v5, v3;
	_ =	sdelay $0x1  }
0x498: {  	v6 =	vadd.f32 v7, v6;
	v4 =	vadd.f32 v5, v4;
	_ =	sdelay $0x1  }
0x499: {  	[tilespmem:s13+$0xFFFFFFF0] =	vst v6  }
0x49a: {  	[tilespmem:s14+$0xFFFFFFF0] =	vst v4  }
0x49b: {  	v4 =	vld [tilespmem:s8+$0x0]  }
0x49c: {  	v5 =	vld [tilespmem:s9+$0x0];
	_ =	sdelay $0x3  }
0x49d: {  	v6 =	vmul.f32 v4, v0;
	v4 =	vmul.f32 v4, v2  }
0x49e: {  	v7 =	vmul.f32 v5, v1;
	v5 =	vmul.f32 v5, v3;
	_ =	sdelay $0x1  }
0x49f: {  	v6 =	vadd.f32 v7, v6;
	v4 =	vadd.f32 v5, v4;
	_ =	sdelay $0x1  }
0x4a0: {  	[tilespmem:s13+$0x0] =	vst v6  }
0x4a1: {  	[tilespmem:s14+$0x0] =	vst v4  }
0x4a2: {  	v4 =	vld [tilespmem:s8+$0x10]  }
0x4a3: {  	v5 =	vld [tilespmem:s9+$0x10];
	_ =	sdelay $0x3  }
0x4a4: {  	v6 =	vmul.f32 v4, v0;
	v4 =	vmul.f32 v4, v2  }
0x4a5: {  	v7 =	vmul.f32 v5, v1;
	v5 =	vmul.f32 v5, v3;
	_ =	sdelay $0x1  }
0x4a6: {  	v6 =	vadd.f32 v7, v6;
	v4 =	vadd.f32 v5, v4;
	_ =	sdelay $0x1  }
0x4a7: {  	[tilespmem:s13+$0x10] =	vst v6  }
0x4a8: {  	[tilespmem:s14+$0x10] =	vst v4  }
0x4a9: {  	v4 =	vld [tilespmem:s8+$0x20]  }
0x4aa: {  	v5 =	vld [tilespmem:s9+$0x20];
	_ =	sdelay $0x3  }
0x4ab: {  	v6 =	vmul.f32 v4, v0;
	v4 =	vmul.f32 v4, v2  }
0x4ac: {  	v7 =	vmul.f32 v5, v1;
	v5 =	vmul.f32 v5, v3;
	_ =	sdelay $0x1  }
0x4ad: {  	v6 =	vadd.f32 v7, v6;
	v4 =	vadd.f32 v5, v4;
	_ =	sdelay $0x1  }
0x4ae: {  	[tilespmem:s13+$0x20] =	vst v6  }
.Ltmp34:
0x4af: {  	[tilespmem:s14+$0x20] =	vst v4;
	(pc) =	sbr.rel @p1 .LBB2_70-.Ltmp34, $3  }
0x4b0: {  	v4 =	vld [tilespmem:s8+$0x30]  }
0x4b1: {  	v5 =	vld [tilespmem:s9+$0x30];
	_ =	sdelay $0x1  }
0x4b2: {  	s13 =	sadd.s32 $0x100, s13;
	s14 =	sadd.s32 $0x100, s14  }
0x4b3: {  	_ =	sdelay $0x1  }
0x4b4: {  	v6 =	vmul.f32 v4, v0;
	v7 =	vmul.f32 v5, v1  }
0x4b5: {  	v4 =	vmul.f32 v4, v2;
	v5 =	vmul.f32 v5, v3  }
0x4b6: {  	v6 =	vadd.f32 v7, v6  }
0x4b7: {  	v4 =	vadd.f32 v5, v4  }
0x4b8: {  	s8 =	simm.s32 $0x8200;
	[tilespmem:s10+$0x30] =	vst v6  }
0x4b9: {  	s9 =	simm.s32 $0x10;
	s10 =	simm.s32 $0x8300;
	[tilespmem:s11+$0x30] =	vst v4;
	s11 =	sadd.s32 $0x0, s2  }
.LBB2_72:
0x4ba: {  	[hbm4b:s11+s4] =	stream.linear.scatter [tilespmem:s8], [sflag:$0x4], $0x80, $0x38;
	[tilespmem:$0x10200] =	vst v63  }
0x4bb: {  	s11 =	smov.u32 s9;
	s8 =	smov.u32 s10;
	p1 =	sne.s32 s9, $0x3F0  }
.Ltmp35:
0x4bc: {  	s9 =	sadd.s32 $0x10, s9;
	(pc) =	sbr.rel @p1 .LBB2_72-.Ltmp35, $2  }
0x4bd: {  	_ =	sdelay $0x2  }
0x4be: {  	s10 =	sadd.s32 $0x100, s10;
	s11 =	sadd.s32 s11, s2  }
0x4bf: {  	[hbm4b:s11+s4] =	stream.linear.scatter [tilespmem:s8], [sflag:$0x4], $0x80, $0x38;
	[tilespmem:$0x10200] =	vst v63  }
0x4c0: {  	s8 =	simm.s32 $0xC200  }
0x4c1: {  	s9 =	simm.s32 $0x10;
	s11 =	sadd.s32 $0x0, s1;
	s10 =	simm.s32 $0xC300  }
.LBB2_74:
0x4c2: {  	[hbm4b:s11+s4] =	stream.linear.scatter [tilespmem:s8], [sflag:$0x4], $0x80, $0x38;
	[tilespmem:$0x10200] =	vst v63  }
0x4c3: {  	s11 =	smov.u32 s9;
	s8 =	smov.u32 s10;
	p1 =	sne.s32 s9, $0x3F0  }
.Ltmp36:
0x4c4: {  	s9 =	sadd.s32 $0x10, s9;
	(pc) =	sbr.rel @p1 .LBB2_74-.Ltmp36, $2  }
0x4c5: {  	_ =	sdelay $0x2  }
0x4c6: {  	s10 =	sadd.s32 $0x100, s10;
	s11 =	sadd.s32 s11, s1  }
0x4c7: {  	[hbm4b:s11+s4] =	stream.linear.scatter [tilespmem:s8], [sflag:$0x4], $0x80, $0x38;
	[tilespmem:$0x10200] =	vst v63  }
0x4c8: {  	s12 =	simm.s32 $0x3  }
0x4c9: {  	_ =	swait.ge [sflag:s12], $0x2000  }
0x4ca: {  	[sflag:s12] =	ssyncset.done $0x0  }
0x4cb: {  	[sflag:s12] =	ssyncadd.s32 $0xFFFFE000  }
0x4cc: {  	_ =	swait.ge [sflag:s12], $0x2000  }
0x4cd: {  	[sflag:s12] =	ssyncset.done $0x0  }
0x4ce: {  	s13 =	simm.s32 $0x5;
	[sflag:s12] =	ssyncadd.s32 $0xFFFFE000  }
0x4cf: {  	_ =	swait.ge [sflag:s13], $0x2000  }
0x4d0: {  	[sflag:s13] =	ssyncset.done $0x0  }
0x4d1: {  	[sflag:s13] =	ssyncadd.s32 $0xFFFFE000  }
0x4d2: {  	_ =	swait.ge [sflag:s13], $0x2000  }
0x4d3: {  	[sflag:s13] =	ssyncset.done $0x0  }
0x4d4: {  	s14 =	simm.s32 $0x2F0;
	[sflag:s13] =	ssyncadd.s32 $0xFFFFE000  }
0x4d5: {  	s10 =	simm.s32 $0x42F0;
	v4 =	vld [tilespmem:s14+$0xFFFFFF90]  }
0x4d6: {  	v5 =	vld [tilespmem:s10+$0xFFFFFF90];
	_ =	sdelay $0x4  }
0x4d7: {  	v6 =	vmul.f32 v4, v0;
	v7 =	vmul.f32 v5, v1  }
0x4d8: {  	v4 =	vmul.f32 v4, v2;
	v5 =	vmul.f32 v5, v3  }
0x4d9: {  	v6 =	vadd.f32 v7, v6  }
0x4da: {  	s8 =	simm.s32 $0x82F0;
	v4 =	vadd.f32 v5, v4  }
0x4db: {  	s9 =	simm.s32 $0xC2F0;
	[tilespmem:s8+$0xFFFFFF90] =	vst v6  }
0x4dc: {  	[tilespmem:s9+$0xFFFFFF90] =	vst v4  }
0x4dd: {  	v4 =	vld [tilespmem:s14+$0xFFFFFFA0]  }
0x4de: {  	v5 =	vld [tilespmem:s10+$0xFFFFFFA0];
	_ =	sdelay $0x4  }
0x4df: {  	v6 =	vmul.f32 v4, v0;
	v7 =	vmul.f32 v5, v1  }
0x4e0: {  	v4 =	vmul.f32 v4, v2;
	v5 =	vmul.f32 v5, v3  }
0x4e1: {  	v6 =	vadd.f32 v7, v6  }
0x4e2: {  	v4 =	vadd.f32 v5, v4  }
0x4e3: {  	[tilespmem:s8+$0xFFFFFFA0] =	vst v6  }
0x4e4: {  	[tilespmem:s9+$0xFFFFFFA0] =	vst v4  }
0x4e5: {  	v4 =	vld [tilespmem:s14+$0xFFFFFFB0]  }
0x4e6: {  	v5 =	vld [tilespmem:s10+$0xFFFFFFB0];
	_ =	sdelay $0x4  }
0x4e7: {  	v6 =	vmul.f32 v4, v0;
	v7 =	vmul.f32 v5, v1  }
0x4e8: {  	v4 =	vmul.f32 v4, v2;
	v5 =	vmul.f32 v5, v3  }
0x4e9: {  	v6 =	vadd.f32 v7, v6  }
0x4ea: {  	v4 =	vadd.f32 v5, v4  }
0x4eb: {  	[tilespmem:s8+$0xFFFFFFB0] =	vst v6  }
0x4ec: {  	[tilespmem:s9+$0xFFFFFFB0] =	vst v4  }
0x4ed: {  	v4 =	vld [tilespmem:s14+$0xFFFFFFC0]  }
0x4ee: {  	v5 =	vld [tilespmem:s10+$0xFFFFFFC0];
	_ =	sdelay $0x4  }
0x4ef: {  	v6 =	vmul.f32 v4, v0;
	v7 =	vmul.f32 v5, v1  }
0x4f0: {  	v4 =	vmul.f32 v4, v2;
	v5 =	vmul.f32 v5, v3  }
0x4f1: {  	v6 =	vadd.f32 v7, v6  }
0x4f2: {  	v4 =	vadd.f32 v5, v4  }
0x4f3: {  	[tilespmem:s8+$0xFFFFFFC0] =	vst v6  }
0x4f4: {  	[tilespmem:s9+$0xFFFFFFC0] =	vst v4  }
0x4f5: {  	v4 =	vld [tilespmem:s14+$0xFFFFFFD0]  }
0x4f6: {  	v5 =	vld [tilespmem:s10+$0xFFFFFFD0];
	_ =	sdelay $0x4  }
0x4f7: {  	v6 =	vmul.f32 v4, v0;
	v7 =	vmul.f32 v5, v1  }
0x4f8: {  	v4 =	vmul.f32 v4, v2;
	v5 =	vmul.f32 v5, v3  }
0x4f9: {  	v6 =	vadd.f32 v7, v6  }
0x4fa: {  	v4 =	vadd.f32 v5, v4  }
0x4fb: {  	[tilespmem:s8+$0xFFFFFFD0] =	vst v6  }
0x4fc: {  	[tilespmem:s9+$0xFFFFFFD0] =	vst v4  }
0x4fd: {  	v4 =	vld [tilespmem:s14+$0xFFFFFFE0]  }
0x4fe: {  	v5 =	vld [tilespmem:s10+$0xFFFFFFE0];
	_ =	sdelay $0x4  }
0x4ff: {  	v6 =	vmul.f32 v4, v0;
	v7 =	vmul.f32 v5, v1  }
0x500: {  	v4 =	vmul.f32 v4, v2;
	v5 =	vmul.f32 v5, v3  }
0x501: {  	v6 =	vadd.f32 v7, v6  }
0x502: {  	v4 =	vadd.f32 v5, v4  }
0x503: {  	[tilespmem:s8+$0xFFFFFFE0] =	vst v6  }
0x504: {  	[tilespmem:s9+$0xFFFFFFE0] =	vst v4  }
0x505: {  	v4 =	vld [tilespmem:s14+$0xFFFFFFF0]  }
0x506: {  	v5 =	vld [tilespmem:s10+$0xFFFFFFF0];
	_ =	sdelay $0x4  }
0x507: {  	v6 =	vmul.f32 v4, v0;
	v7 =	vmul.f32 v5, v1  }
0x508: {  	v4 =	vmul.f32 v4, v2;
	v5 =	vmul.f32 v5, v3  }
0x509: {  	v6 =	vadd.f32 v7, v6  }
0x50a: {  	v4 =	vadd.f32 v5, v4  }
0x50b: {  	[tilespmem:s8+$0xFFFFFFF0] =	vst v6  }
0x50c: {  	[tilespmem:s9+$0xFFFFFFF0] =	vst v4  }
0x50d: {  	v4 =	vld [tilespmem:s14+$0x0]  }
0x50e: {  	v5 =	vld [tilespmem:s10+$0x0]  }
0x50f: {  	s11 =	simm.s32 $0x82F0;
	s12 =	simm.s32 $0x0  }
0x510: {  	s13 =	simm.s32 $0x43F0;
	s14 =	simm.s32 $0x3F0;
	s10 =	simm.s32 $0xC2F0  }
.LBB2_76:
0x511: {  	s12 =	sadd.s32 $0x8, s12;
	s9 =	sadd.s32 $0x100, s9;
	s8 =	sadd.s32 $0x100, s8  }
0x512: {  	p1 =	slt.u32 s12, $0x1F8;
	v6 =	vmul.f32 v4, v0;
	v4 =	vmul.f32 v4, v2  }
0x513: {  	v7 =	vmul.f32 v5, v1;
	v5 =	vmul.f32 v5, v3;
	_ =	sdelay $0x1  }
0x514: {  	v6 =	vadd.f32 v7, v6;
	v4 =	vadd.f32 v5, v4;
	_ =	sdelay $0x1  }
0x515: {  	[tilespmem:s11+$0x0] =	vst v6;
	s11 =	smov.u32 s8  }
0x516: {  	[tilespmem:s10+$0x0] =	vst v4;
	s10 =	smov.u32 s9  }
0x517: {  	v4 =	vld [tilespmem:s14+$0xFFFFFF90]  }
0x518: {  	v5 =	vld [tilespmem:s13+$0xFFFFFF90];
	_ =	sdelay $0x4  }
0x519: {  	v6 =	vmul.f32 v4, v0;
	v7 =	vmul.f32 v5, v1  }
0x51a: {  	v4 =	vmul.f32 v4, v2;
	v5 =	vmul.f32 v5, v3  }
0x51b: {  	v6 =	vadd.f32 v7, v6  }
0x51c: {  	v4 =	vadd.f32 v5, v4  }
0x51d: {  	[tilespmem:s8+$0xFFFFFF90] =	vst v6  }
0x51e: {  	[tilespmem:s9+$0xFFFFFF90] =	vst v4  }
0x51f: {  	v4 =	vld [tilespmem:s14+$0xFFFFFFA0]  }
0x520: {  	v5 =	vld [tilespmem:s13+$0xFFFFFFA0];
	_ =	sdelay $0x3  }
0x521: {  	v6 =	vmul.f32 v4, v0;
	v4 =	vmul.f32 v4, v2  }
0x522: {  	v7 =	vmul.f32 v5, v1;
	v5 =	vmul.f32 v5, v3;
	_ =	sdelay $0x1  }
0x523: {  	v6 =	vadd.f32 v7, v6;
	v4 =	vadd.f32 v5, v4;
	_ =	sdelay $0x1  }
0x524: {  	[tilespmem:s8+$0xFFFFFFA0] =	vst v6  }
0x525: {  	[tilespmem:s9+$0xFFFFFFA0] =	vst v4  }
0x526: {  	v4 =	vld [tilespmem:s14+$0xFFFFFFB0]  }
0x527: {  	v5 =	vld [tilespmem:s13+$0xFFFFFFB0];
	_ =	sdelay $0x3  }
0x528: {  	v6 =	vmul.f32 v4, v0;
	v4 =	vmul.f32 v4, v2  }
0x529: {  	v7 =	vmul.f32 v5, v1;
	v5 =	vmul.f32 v5, v3;
	_ =	sdelay $0x1  }
0x52a: {  	v6 =	vadd.f32 v7, v6;
	v4 =	vadd.f32 v5, v4;
	_ =	sdelay $0x1  }
0x52b: {  	[tilespmem:s8+$0xFFFFFFB0] =	vst v6  }
0x52c: {  	[tilespmem:s9+$0xFFFFFFB0] =	vst v4  }
0x52d: {  	v4 =	vld [tilespmem:s14+$0xFFFFFFC0]  }
0x52e: {  	v5 =	vld [tilespmem:s13+$0xFFFFFFC0];
	_ =	sdelay $0x3  }
0x52f: {  	v6 =	vmul.f32 v4, v0;
	v4 =	vmul.f32 v4, v2  }
0x530: {  	v7 =	vmul.f32 v5, v1;
	v5 =	vmul.f32 v5, v3;
	_ =	sdelay $0x1  }
0x531: {  	v6 =	vadd.f32 v7, v6;
	v4 =	vadd.f32 v5, v4;
	_ =	sdelay $0x1  }
0x532: {  	[tilespmem:s8+$0xFFFFFFC0] =	vst v6  }
0x533: {  	[tilespmem:s9+$0xFFFFFFC0] =	vst v4  }
0x534: {  	v4 =	vld [tilespmem:s14+$0xFFFFFFD0]  }
0x535: {  	v5 =	vld [tilespmem:s13+$0xFFFFFFD0];
	_ =	sdelay $0x3  }
0x536: {  	v6 =	vmul.f32 v4, v0;
	v4 =	vmul.f32 v4, v2  }
0x537: {  	v7 =	vmul.f32 v5, v1;
	v5 =	vmul.f32 v5, v3;
	_ =	sdelay $0x1  }
0x538: {  	v6 =	vadd.f32 v7, v6;
	v4 =	vadd.f32 v5, v4;
	_ =	sdelay $0x1  }
0x539: {  	[tilespmem:s8+$0xFFFFFFD0] =	vst v6  }
0x53a: {  	[tilespmem:s9+$0xFFFFFFD0] =	vst v4  }
0x53b: {  	v4 =	vld [tilespmem:s14+$0xFFFFFFE0]  }
0x53c: {  	v5 =	vld [tilespmem:s13+$0xFFFFFFE0];
	_ =	sdelay $0x3  }
0x53d: {  	v6 =	vmul.f32 v4, v0;
	v4 =	vmul.f32 v4, v2  }
0x53e: {  	v7 =	vmul.f32 v5, v1;
	v5 =	vmul.f32 v5, v3;
	_ =	sdelay $0x1  }
0x53f: {  	v6 =	vadd.f32 v7, v6;
	v4 =	vadd.f32 v5, v4;
	_ =	sdelay $0x1  }
0x540: {  	[tilespmem:s8+$0xFFFFFFE0] =	vst v6  }
0x541: {  	[tilespmem:s9+$0xFFFFFFE0] =	vst v4  }
0x542: {  	v4 =	vld [tilespmem:s14+$0xFFFFFFF0]  }
0x543: {  	v5 =	vld [tilespmem:s13+$0xFFFFFFF0];
	_ =	sdelay $0x3  }
0x544: {  	v6 =	vmul.f32 v4, v0;
	v4 =	vmul.f32 v4, v2  }
0x545: {  	v7 =	vmul.f32 v5, v1;
	v5 =	vmul.f32 v5, v3;
	_ =	sdelay $0x1  }
0x546: {  	v6 =	vadd.f32 v7, v6;
	v4 =	vadd.f32 v5, v4;
	_ =	sdelay $0x1  }
0x547: {  	[tilespmem:s8+$0xFFFFFFF0] =	vst v6  }
.Ltmp37:
0x548: {  	[tilespmem:s9+$0xFFFFFFF0] =	vst v4;
	(pc) =	sbr.rel @p1 .LBB2_76-.Ltmp37, $3  }
0x549: {  	v4 =	vld [tilespmem:s14+$0x0]  }
0x54a: {  	v5 =	vld [tilespmem:s13+$0x0];
	_ =	sdelay $0x1  }
0x54b: {  	s14 =	sadd.s32 $0x100, s14;
	s13 =	sadd.s32 $0x100, s13  }
0x54c: {  	_ =	sdelay $0x1  }
0x54d: {  	v0 =	vmul.f32 v4, v0;
	v1 =	vmul.f32 v5, v1  }
0x54e: {  	v2 =	vmul.f32 v4, v2;
	v3 =	vmul.f32 v5, v3  }
0x54f: {  	v0 =	vadd.f32 v1, v0  }
0x550: {  	v63 =	vadd.f32 v3, v2  }
0x551: {  	s8 =	simm.s32 $0x8280;
	[tilespmem:s11+$0x0] =	vst v0  }
0x552: {  	s9 =	simm.s32 $0x10;
	s11 =	sadd.s32 $0x0, s5;
	[tilespmem:s10+$0x0] =	vst v63;
	s10 =	simm.s32 $0x8380  }
.LBB2_78:
0x553: {  	[hbm4b:s11+s4] =	stream.linear.scatter [tilespmem:s8], [sflag:$0x5], $0x80, $0x38;
	[tilespmem:$0x10200] =	vst v63  }
0x554: {  	s11 =	smov.u32 s9;
	s8 =	smov.u32 s10;
	p1 =	sne.s32 s9, $0x3F0  }
.Ltmp38:
0x555: {  	s9 =	sadd.s32 $0x10, s9;
	(pc) =	sbr.rel @p1 .LBB2_78-.Ltmp38, $2  }
0x556: {  	_ =	sdelay $0x2  }
0x557: {  	s10 =	sadd.s32 $0x100, s10;
	s11 =	sadd.s32 s11, s5  }
0x558: {  	[hbm4b:s11+s4] =	stream.linear.scatter [tilespmem:s8], [sflag:$0x5], $0x80, $0x38;
	[tilespmem:$0x10200] =	vst v63  }
0x559: {  	s12 =	rddreg [dreg:$0x5]  }
0x55a: {  	s8 =	simm.s32 $0xC280;
	s9 =	simm.s32 $0x10;
	s13 =	rddreg [dreg:$0x6]  }
0x55b: {  	s11 =	sadd.s32 $0x0, s7;
	s10 =	simm.s32 $0xC380;
	s14 =	rddreg [dreg:$0x7]  }
.LBB2_80:
0x55c: {  	[hbm4b:s11+s4] =	stream.linear.scatter [tilespmem:s8], [sflag:$0x5], $0x80, $0x38;
	[tilespmem:$0x10200] =	vst v63  }
0x55d: {  	s11 =	smov.u32 s9;
	s8 =	smov.u32 s10;
	p1 =	sne.s32 s9, $0x3F0  }
.Ltmp39:
0x55e: {  	s9 =	sadd.s32 $0x10, s9;
	(pc) =	sbr.rel @p1 .LBB2_80-.Ltmp39, $2  }
0x55f: {  	_ =	sdelay $0x2  }
0x560: {  	s10 =	sadd.s32 $0x100, s10;
	s11 =	sadd.s32 s11, s7  }
0x561: {  	[hbm4b:s11+s4] =	stream.linear.scatter [tilespmem:s8], [sflag:$0x5], $0x80, $0x38;
	[tilespmem:$0x10200] =	vst v63  }
0x562: {  	s10 =	simm.s32 $0x4  }
0x563: {  	_ =	swait.ge [sflag:s10], $0x2000  }
0x564: {  	[sflag:s10] =	ssyncset.done $0x0  }
0x565: {  	[sflag:s10] =	ssyncadd.s32 $0xFFFFE000  }
0x566: {  	_ =	swait.ge [sflag:s10], $0x2000  }
0x567: {  	[sflag:s10] =	ssyncset.done $0x0  }
0x568: {  	s11 =	simm.s32 $0x5;
	[sflag:s10] =	ssyncadd.s32 $0xFFFFE000  }
0x569: {  	_ =	swait.ge [sflag:s11], $0x2000  }
0x56a: {  	[sflag:s11] =	ssyncset.done $0x0  }
0x56b: {  	[sflag:s11] =	ssyncadd.s32 $0xFFFFE000  }
0x56c: {  	_ =	swait.ge [sflag:s11], $0x2000  }
0x56d: {  	[sflag:s11] =	ssyncset.done $0x0  }
0x56e: {  	s8 =	simm.s32 @!p0 $0x1;
	[sflag:s11] =	ssyncadd.s32 $0xFFFFE000  }
0x56f: {  	_ =	swait.ge @!p0 [sflag:s8], $0x80000  }
0x570: {  	s10 =	rddreg [dreg:$0xf]  }
0x571: {  	s9 =	rddreg [dreg:$0xe];
	s10 =	sadd.s32 $0x1, s10  }
0x572: {  	p1 =	sne.s32 s10, s9  }
.Ltmp40:
0x573: {  	_ = 	snop;
	(pc) =	sbr.rel @p1 .LBB2_1-.Ltmp40, $3  }
0x574: {  	_ =	sdelay $0x1  }
0x575: {  	[sflag:s8] =	ssyncset.done @!p0 $0x0  }
0x576: {  	[sflag:s8] =	ssyncadd.s32 @!p0 $0xFFF80000  }
0x577: {  	_ =	sfence.sel $0x180000  }
0x578: {  	[bflag:$0x0] =	sbarrier.arrive $0xFFFF  }
0x579: {  	_ =	strace $0x90000047  }
0x57a: {  	s0 =	stileid.u32;
	[bflag:$0x2] =	sbarrier.arrive $0xFFFF  }
0x57b: {  	p0 =	sne.s32 s0, $0x0;
	s0 =	rddreg [dreg:$0x3]  }
0x57c: {  	s0 =	sadd.s32 @!p0 $0x100000, s0  }
0x57d: {  	[sflag:s0] =	ssyncadd.tile.s32 @!p0 $0x1;
	_ =	shalt  }
.Lfunc_end2:
_tile_overlayer_lowered:
.L_overlay_start_2:
0x57e: {  	(tag) =	ssettag $0x2  }
0x57f: {  	s0 =	rddreg [dreg:$0x0];
	s2 =	stileid.u32  }
0x580: {  	s1 =	rddreg [dreg:$0x1];
	p0 =	sne.s32 s2, $0x0  }
0x581: {  	s3 =	rddreg [dreg:$0x2];
	[bflag:$0x3] =	sbarrier.arrive $0xFFFF;
	s2 =	simm.s32 @!p0 $0x1C06  }
0x582: {  	[timem:s3], [sflag:s2] =	dma.local @!p0 [hbm:s0], s1  }
0x583: {  	s0 =	simm.s32 @!p0 $0x6  }
0x584: {  	_ =	swait.ge @!p0 [sflag:s0], s1  }
0x585: {  	s1 =	ssub.s32 @!p0 $0x0, s1;
	[sflag:s0] =	ssyncset.done @!p0 $0x0  }
0x586: {  	[sflag:s0] =	ssyncadd.s32 @!p0 s1  }
0x587: {  	[bflag:$0x3] =	sbarrier.arrive $0xFFFF  }
0x588: {  	_ =	shalt  }

</sc_bundles>
